<compile_context>
chip_gen: v7x
topology: tpu7x:2x2x1
jax: 0.10.2.dev20260603
libtpu: 0.0.44.dev20260713+nightly
codegen_flags: <defaults>
</compile_context>

<pallas_src>
import functools
import math

import jax
import jax.numpy as jnp
from jax import lax
from jax.experimental import pallas as pl
from jax.experimental.pallas import tpu as pltpu
from jax.experimental.pallas import tpu_sc as plsc

_DIM = 64
_SCALE = math.sqrt(_DIM)

_NC = 2
_NS = 16
_NW = _NC * _NS
_NB = 5
_C = 128


@functools.cache
def _build(n_lookups):
  per_w = n_lookups // _NW
  n_chunks = per_w // _C
  assert n_lookups % _NW == 0 and per_w % _C == 0
  assert n_chunks % _NB == 0 and n_chunks // _NB >= 2

  mesh = plsc.VectorSubcoreMesh(core_axis_name="c", subcore_axis_name="s")

  def body(x_hbm, table_hbm, out_hbm, idx_v, gbufs, obufs, gsems, wsems):
    wid = lax.axis_index("s") * _NC + lax.axis_index("c")
    base = wid * per_w

    pltpu.sync_copy(x_hbm.at[pl.ds(base, per_w)], idx_v)

    def gcopy(g, nb):
      return pltpu.make_async_copy(
          table_hbm.at[idx_v.at[pl.ds(g * _C, _C)]], gbufs[nb], gsems[nb])

    def wcopy(g, nb):
      return pltpu.make_async_copy(
          obufs[nb], out_hbm.at[pl.ds(base + g * _C, _C)], wsems[nb])

    def compute(nb):
      def rows(r, c):
        for rr in range(4):
          i = r * 4 + rr
          for q in range(4):
            sl = pl.ds(q * 16, 16)
            obufs[nb][i, sl] = gbufs[nb][i, sl] * _SCALE
        return c
      lax.fori_loop(0, _C // 4, rows, 0)

    def chunk(g, nb, fire, wait_prev=True):
      gcopy(g, nb).wait()
      if fire:
        gcopy(g + _NB - 1, (nb + _NB - 1) % _NB).start()
      if wait_prev:
        wcopy(g - _NB, nb).wait()
      compute(nb)
      wcopy(g, nb).start()

    for nb in range(_NB - 1):
      gcopy(nb, nb).start()

    for nb in range(_NB):
      chunk(nb, nb, True, wait_prev=False)

    def outer(i, carry):
      g0 = i * _NB
      for nb in range(_NB):
        chunk(g0 + nb, nb, True)
      return carry

    lax.fori_loop(1, n_chunks // _NB - 1, outer, 0)

    g0 = n_chunks - _NB
    chunk(g0, 0, True)
    for nb in range(1, _NB):
      chunk(g0 + nb, nb, False)
    for nb in range(_NB):
      wcopy(g0 + nb, nb).wait()

  return pl.kernel(
      body,
      out_type=jax.ShapeDtypeStruct((n_lookups, _DIM), jnp.float32),
      mesh=mesh,
      compiler_params=pltpu.CompilerParams(use_tc_tiling_on_sc=False),
      scratch_types=[
          pltpu.VMEM((per_w,), jnp.int32),
          [pltpu.VMEM((_C, _DIM), jnp.float32) for _ in range(_NB)],
          [pltpu.VMEM((_C, _DIM), jnp.float32) for _ in range(_NB)],
          [pltpu.SemaphoreType.DMA for _ in range(_NB)],
          [pltpu.SemaphoreType.DMA for _ in range(_NB)],
      ],
  )


def kernel(x, table):
  nb, t = x.shape
  xf = x.astype(jnp.int32).reshape(nb * t)
  p = _build(nb * t)(xf, table.astype(jnp.float32))
  return p.reshape(nb, t, _DIM)

# --- scband reference (transcript-rebuilt; emitter-appended) ---
"""Pipeline reference for scband-token-embedding-87840671138115 (READ-ONLY COPY).

The authoritative reference and input builder live on the scoring server;
editing this copy changes nothing except your own understanding.
"""

import jax, jax.numpy as jnp
import numpy as np
import math

VOCAB = 1000000
DIM = 64

def setup_inputs(seed: int = 0) -> dict:
    key = jax.random.key(seed)
    k1, k2 = jax.random.split(key)
    x = jax.random.randint(k1, (4096, 200), 0, VOCAB, dtype=jnp.int64 if jax.config.jax_enable_x64 else jnp.int32)
    table = jax.random.normal(k2, (VOCAB, DIM), dtype=jnp.float32) * 0.02
    return {"x": x, "table": table}

def reference(x, table):
    scale = math.sqrt(DIM)
    return jnp.take(table, x, axis=0) * scale

if __name__ == "__main__":
    import jax
    _d = setup_inputs()
    print(jax.jit(kernel)(*tuple(_d.values())))

</pallas_src>

<mosaic_0001>
#map = affine_map<(d0, d1) -> (0)>
#map1 = affine_map<(d0, d1) -> (0, 0)>
module attributes {stable_mosaic.version = 14 : i64} {
  func.func @body(%arg0: i32, %arg1: i32, %arg2: memref<819200xi32, #tpu.memory_space<hbm>>, %arg3: memref<1000000x64xf32, #tpu.memory_space<hbm>>, %arg4: memref<819200x64xf32, #tpu.memory_space<hbm>>, %arg5: memref<25600xi32, #tpu.memory_space<vmem>>, %arg6: memref<128x64xf32, #tpu.memory_space<vmem>>, %arg7: memref<128x64xf32, #tpu.memory_space<vmem>>, %arg8: memref<128x64xf32, #tpu.memory_space<vmem>>, %arg9: memref<128x64xf32, #tpu.memory_space<vmem>>, %arg10: memref<128x64xf32, #tpu.memory_space<vmem>>, %arg11: memref<128x64xf32, #tpu.memory_space<vmem>>, %arg12: memref<128x64xf32, #tpu.memory_space<vmem>>, %arg13: memref<128x64xf32, #tpu.memory_space<vmem>>, %arg14: memref<128x64xf32, #tpu.memory_space<vmem>>, %arg15: memref<128x64xf32, #tpu.memory_space<vmem>>, %arg16: memref<!tpu.dma_semaphore, #tpu.memory_space<semaphore_mem>>, %arg17: memref<!tpu.dma_semaphore, #tpu.memory_space<semaphore_mem>>, %arg18: memref<!tpu.dma_semaphore, #tpu.memory_space<semaphore_mem>>, %arg19: memref<!tpu.dma_semaphore, #tpu.memory_space<semaphore_mem>>, %arg20: memref<!tpu.dma_semaphore, #tpu.memory_space<semaphore_mem>>, %arg21: memref<!tpu.dma_semaphore, #tpu.memory_space<semaphore_mem>>, %arg22: memref<!tpu.dma_semaphore, #tpu.memory_space<semaphore_mem>>, %arg23: memref<!tpu.dma_semaphore, #tpu.memory_space<semaphore_mem>>, %arg24: memref<!tpu.dma_semaphore, #tpu.memory_space<semaphore_mem>>, %arg25: memref<!tpu.dma_semaphore, #tpu.memory_space<semaphore_mem>>) attributes {dimension_semantics = [#tpu.dimension_semantics<core_parallel>, #tpu.dimension_semantics<subcore_parallel>], iteration_bounds = array<i64: 2, 16>, scalar_prefetch = 0 : i64, scratch_operands = 21 : i64, tpu.core_type = #tpu.core_type<sc_vector_subcore>, window_params = [{transform_indices = #map}, {transform_indices = #map1}, {transform_indices = #map1}]} {
    %mul3A = arith.constant 2 : i32
    %mul3A_0 = arith.muli %arg1, %mul3A : i32
    %add3A = arith.addi %mul3A_0, %arg0 : i32
    %mul3A_1 = arith.constant 25600 : i32
    %mul3A_2 = arith.muli %add3A, %mul3A_1 : i32
    "tpu.region"() ({
      %run_scoped3A = tpu.sem_alloc : memref<!tpu.dma_semaphore, #tpu.memory_space<semaphore_mem>>
      %dma_start3A_286 = tpu.memref_slice %arg2[%mul3A_2] : memref<819200xi32, #tpu.memory_space<hbm>> -> memref<25600xi32, #tpu.memory_space<hbm>>
      %dma_start3A_287 = tpu.memref_slice %arg2[%mul3A_2] : memref<819200xi32, #tpu.memory_space<hbm>> -> memref<25600xi32, #tpu.memory_space<hbm>>
      tpu.enqueue_dma source(%dma_start3A_287 : memref<25600xi32, #tpu.memory_space<hbm>>) target(%arg5 : memref<25600xi32, #tpu.memory_space<vmem>>) target_semaphore(%run_scoped3A : memref<!tpu.dma_semaphore, #tpu.memory_space<semaphore_mem>>)
      %dma_wait3A_288 = tpu.memref_slice %arg2[%mul3A_2] : memref<819200xi32, #tpu.memory_space<hbm>> -> memref<25600xi32, #tpu.memory_space<hbm>>
      %dma_wait3A_289 = tpu.memref_slice %arg2[%mul3A_2] : memref<819200xi32, #tpu.memory_space<hbm>> -> memref<25600xi32, #tpu.memory_space<hbm>>
      tpu.wait_dma2 semaphore(%run_scoped3A : memref<!tpu.dma_semaphore, #tpu.memory_space<semaphore_mem>>) src(%dma_wait3A_289 : memref<25600xi32, #tpu.memory_space<hbm>>) dst(%arg5 : memref<25600xi32, #tpu.memory_space<vmem>>)
      tpu.yield
    }) : () -> ()
    %dma_start3A = arith.constant 0 : i32
    %dma_start3A_3 = tpu.memref_slice %arg5[%dma_start3A] : memref<25600xi32, #tpu.memory_space<vmem>> -> memref<128xi32, #tpu.memory_space<vmem>>
    %dma_start3A_4 = arith.constant 0 : i32
    %dma_start3A_5 = arith.constant 0 : i32
    %dma_start3A_6 = tpu.memref_slice %arg3[%dma_start3A_4, %dma_start3A_5] : memref<1000000x64xf32, #tpu.memory_space<hbm>> -> memref<1000000x64xf32, #tpu.memory_space<hbm>>
    tpu.enqueue_indirect_dma source(%dma_start3A_6 : memref<1000000x64xf32, #tpu.memory_space<hbm>>) target(%arg6 : memref<128x64xf32, #tpu.memory_space<vmem>>) offsets(%dma_start3A_3 : memref<128xi32, #tpu.memory_space<vmem>>) semaphore(%arg16 : memref<!tpu.dma_semaphore, #tpu.memory_space<semaphore_mem>>)
    %dma_start3A_7 = arith.constant 128 : i32
    %dma_start3A_8 = tpu.memref_slice %arg5[%dma_start3A_7] : memref<25600xi32, #tpu.memory_space<vmem>> -> memref<128xi32, #tpu.memory_space<vmem>>
    %dma_start3A_9 = arith.constant 0 : i32
    %dma_start3A_10 = arith.constant 0 : i32
    %dma_start3A_11 = tpu.memref_slice %arg3[%dma_start3A_9, %dma_start3A_10] : memref<1000000x64xf32, #tpu.memory_space<hbm>> -> memref<1000000x64xf32, #tpu.memory_space<hbm>>
    tpu.enqueue_indirect_dma source(%dma_start3A_11 : memref<1000000x64xf32, #tpu.memory_space<hbm>>) target(%arg7 : memref<128x64xf32, #tpu.memory_space<vmem>>) offsets(%dma_start3A_8 : memref<128xi32, #tpu.memory_space<vmem>>) semaphore(%arg17 : memref<!tpu.dma_semaphore, #tpu.memory_space<semaphore_mem>>)
    %dma_start3A_12 = arith.constant 256 : i32
    %dma_start3A_13 = tpu.memref_slice %arg5[%dma_start3A_12] : memref<25600xi32, #tpu.memory_space<vmem>> -> memref<128xi32, #tpu.memory_space<vmem>>
    %dma_start3A_14 = arith.constant 0 : i32
    %dma_start3A_15 = arith.constant 0 : i32
    %dma_start3A_16 = tpu.memref_slice %arg3[%dma_start3A_14, %dma_start3A_15] : memref<1000000x64xf32, #tpu.memory_space<hbm>> -> memref<1000000x64xf32, #tpu.memory_space<hbm>>
    tpu.enqueue_indirect_dma source(%dma_start3A_16 : memref<1000000x64xf32, #tpu.memory_space<hbm>>) target(%arg8 : memref<128x64xf32, #tpu.memory_space<vmem>>) offsets(%dma_start3A_13 : memref<128xi32, #tpu.memory_space<vmem>>) semaphore(%arg18 : memref<!tpu.dma_semaphore, #tpu.memory_space<semaphore_mem>>)
    %dma_start3A_17 = arith.constant 384 : i32
    %dma_start3A_18 = tpu.memref_slice %arg5[%dma_start3A_17] : memref<25600xi32, #tpu.memory_space<vmem>> -> memref<128xi32, #tpu.memory_space<vmem>>
    %dma_start3A_19 = arith.constant 0 : i32
    %dma_start3A_20 = arith.constant 0 : i32
    %dma_start3A_21 = tpu.memref_slice %arg3[%dma_start3A_19, %dma_start3A_20] : memref<1000000x64xf32, #tpu.memory_space<hbm>> -> memref<1000000x64xf32, #tpu.memory_space<hbm>>
    tpu.enqueue_indirect_dma source(%dma_start3A_21 : memref<1000000x64xf32, #tpu.memory_space<hbm>>) target(%arg9 : memref<128x64xf32, #tpu.memory_space<vmem>>) offsets(%dma_start3A_18 : memref<128xi32, #tpu.memory_space<vmem>>) semaphore(%arg19 : memref<!tpu.dma_semaphore, #tpu.memory_space<semaphore_mem>>)
    %dma_wait3A = arith.constant 0 : i32
    %dma_wait3A_22 = tpu.memref_slice %arg5[%dma_wait3A] : memref<25600xi32, #tpu.memory_space<vmem>> -> memref<128xi32, #tpu.memory_space<vmem>>
    %dma_wait3A_23 = arith.constant 0 : i32
    %dma_wait3A_24 = arith.constant 0 : i32
    %dma_wait3A_25 = tpu.memref_slice %arg3[%dma_wait3A_23, %dma_wait3A_24] : memref<1000000x64xf32, #tpu.memory_space<hbm>> -> memref<1000000x64xf32, #tpu.memory_space<hbm>>
    tpu.wait_indirect_dma semaphore(%arg16 : memref<!tpu.dma_semaphore, #tpu.memory_space<semaphore_mem>>) src(%dma_wait3A_25 : memref<1000000x64xf32, #tpu.memory_space<hbm>>) dst(%arg6 : memref<128x64xf32, #tpu.memory_space<vmem>>)
    %dma_start3A_26 = arith.constant 512 : i32
    %dma_start3A_27 = tpu.memref_slice %arg5[%dma_start3A_26] : memref<25600xi32, #tpu.memory_space<vmem>> -> memref<128xi32, #tpu.memory_space<vmem>>
    %dma_start3A_28 = arith.constant 0 : i32
    %dma_start3A_29 = arith.constant 0 : i32
    %dma_start3A_30 = tpu.memref_slice %arg3[%dma_start3A_28, %dma_start3A_29] : memref<1000000x64xf32, #tpu.memory_space<hbm>> -> memref<1000000x64xf32, #tpu.memory_space<hbm>>
    tpu.enqueue_indirect_dma source(%dma_start3A_30 : memref<1000000x64xf32, #tpu.memory_space<hbm>>) target(%arg10 : memref<128x64xf32, #tpu.memory_space<vmem>>) offsets(%dma_start3A_27 : memref<128xi32, #tpu.memory_space<vmem>>) semaphore(%arg20 : memref<!tpu.dma_semaphore, #tpu.memory_space<semaphore_mem>>)
    %scan3A = arith.constant 0 : i32
    %scan3A_31 = arith.constant 0 : i32
    %scan3A_32 = arith.constant 32 : i32
    %scan3A_33 = arith.addi %scan3A_31, %scan3A_32 : i32
    %scan3A_34 = arith.constant 1 : i32
    scf.for %scan3A_286 = %scan3A_31 to %scan3A_33 step %scan3A_34  : i32 {
      %mul3A_287 = arith.constant 4 : i32
      %mul3A_288 = arith.muli %scan3A_286, %mul3A_287 : i32
      %add3A_289 = arith.constant 0 : i32
      %add3A_290 = arith.addi %mul3A_288, %add3A_289 : i32
      %get3A = arith.index_cast %add3A_290 : i32 to index
      %get3A_291 = arith.constant 0 : index
      %get3A_292 = tpu.vector_load %arg6[%get3A, %get3A_291] {strides = array<i32>} : memref<128x64xf32, #tpu.memory_space<vmem>>, vector<1x16xf32>,
      %get3A_293 = vector.shape_cast %get3A_292 : vector<1x16xf32> to vector<16xf32>
      %mul3A_294 = arith.constant 8.000000e+00 : f32
      %mul3A_295 = vector.broadcast %mul3A_294 : f32 to vector<16xf32>
      %mul3A_296 = arith.mulf %get3A_293, %mul3A_295 : vector<16xf32>
      %swap3A = arith.index_cast %add3A_290 : i32 to index
      %swap3A_297 = arith.constant 0 : index
      %swap3A_298 = tpu.vector_load %arg11[%swap3A, %swap3A_297] {strides = array<i32>} : memref<128x64xf32, #tpu.memory_space<vmem>>, vector<1x16xf32>,
      %swap3A_299 = vector.shape_cast %swap3A_298 : vector<1x16xf32> to vector<16xf32>
      %swap3A_300 = vector.shape_cast %mul3A_296 : vector<16xf32> to vector<1x16xf32>
      tpu.vector_store %arg11[%swap3A, %swap3A_297], %swap3A_300 {strides = array<i32>} : memref<128x64xf32, #tpu.memory_space<vmem>>, vector<1x16xf32>,
      %get3A_301 = arith.index_cast %add3A_290 : i32 to index
      %get3A_302 = arith.constant 16 : index
      %get3A_303 = tpu.vector_load %arg6[%get3A_301, %get3A_302] {strides = array<i32>} : memref<128x64xf32, #tpu.memory_space<vmem>>, vector<1x16xf32>,
      %get3A_304 = vector.shape_cast %get3A_303 : vector<1x16xf32> to vector<16xf32>
      %mul3A_305 = arith.constant 8.000000e+00 : f32
      %mul3A_306 = vector.broadcast %mul3A_305 : f32 to vector<16xf32>
      %mul3A_307 = arith.mulf %get3A_304, %mul3A_306 : vector<16xf32>
      %swap3A_308 = arith.index_cast %add3A_290 : i32 to index
      %swap3A_309 = arith.constant 16 : index
      %swap3A_310 = tpu.vector_load %arg11[%swap3A_308, %swap3A_309] {strides = array<i32>} : memref<128x64xf32, #tpu.memory_space<vmem>>, vector<1x16xf32>,
      %swap3A_311 = vector.shape_cast %swap3A_310 : vector<1x16xf32> to vector<16xf32>
      %swap3A_312 = vector.shape_cast %mul3A_307 : vector<16xf32> to vector<1x16xf32>
      tpu.vector_store %arg11[%swap3A_308, %swap3A_309], %swap3A_312 {strides = array<i32>} : memref<128x64xf32, #tpu.memory_space<vmem>>, vector<1x16xf32>,
      %get3A_313 = arith.index_cast %add3A_290 : i32 to index
      %get3A_314 = arith.constant 32 : index
      %get3A_315 = tpu.vector_load %arg6[%get3A_313, %get3A_314] {strides = array<i32>} : memref<128x64xf32, #tpu.memory_space<vmem>>, vector<1x16xf32>,
      %get3A_316 = vector.shape_cast %get3A_315 : vector<1x16xf32> to vector<16xf32>
      %mul3A_317 = arith.constant 8.000000e+00 : f32
      %mul3A_318 = vector.broadcast %mul3A_317 : f32 to vector<16xf32>
      %mul3A_319 = arith.mulf %get3A_316, %mul3A_318 : vector<16xf32>
      %swap3A_320 = arith.index_cast %add3A_290 : i32 to index
      %swap3A_321 = arith.constant 32 : index
      %swap3A_322 = tpu.vector_load %arg11[%swap3A_320, %swap3A_321] {strides = array<i32>} : memref<128x64xf32, #tpu.memory_space<vmem>>, vector<1x16xf32>,
      %swap3A_323 = vector.shape_cast %swap3A_322 : vector<1x16xf32> to vector<16xf32>
      %swap3A_324 = vector.shape_cast %mul3A_319 : vector<16xf32> to vector<1x16xf32>
      tpu.vector_store %arg11[%swap3A_320, %swap3A_321], %swap3A_324 {strides = array<i32>} : memref<128x64xf32, #tpu.memory_space<vmem>>, vector<1x16xf32>,
      %get3A_325 = arith.index_cast %add3A_290 : i32 to index
      %get3A_326 = arith.constant 48 : index
      %get3A_327 = tpu.vector_load %arg6[%get3A_325, %get3A_326] {strides = array<i32>} : memref<128x64xf32, #tpu.memory_space<vmem>>, vector<1x16xf32>,
      %get3A_328 = vector.shape_cast %get3A_327 : vector<1x16xf32> to vector<16xf32>
      %mul3A_329 = arith.constant 8.000000e+00 : f32
      %mul3A_330 = vector.broadcast %mul3A_329 : f32 to vector<16xf32>
      %mul3A_331 = arith.mulf %get3A_328, %mul3A_330 : vector<16xf32>
      %swap3A_332 = arith.index_cast %add3A_290 : i32 to index
      %swap3A_333 = arith.constant 48 : index
      %swap3A_334 = tpu.vector_load %arg11[%swap3A_332, %swap3A_333] {strides = array<i32>} : memref<128x64xf32, #tpu.memory_space<vmem>>, vector<1x16xf32>,
      %swap3A_335 = vector.shape_cast %swap3A_334 : vector<1x16xf32> to vector<16xf32>
      %swap3A_336 = vector.shape_cast %mul3A_331 : vector<16xf32> to vector<1x16xf32>
      tpu.vector_store %arg11[%swap3A_332, %swap3A_333], %swap3A_336 {strides = array<i32>} : memref<128x64xf32, #tpu.memory_space<vmem>>, vector<1x16xf32>,
      %mul3A_337 = arith.constant 4 : i32
      %mul3A_338 = arith.muli %scan3A_286, %mul3A_337 : i32
      %add3A_339 = arith.constant 1 : i32
      %add3A_340 = arith.addi %mul3A_338, %add3A_339 : i32
      %get3A_341 = arith.index_cast %add3A_340 : i32 to index
      %get3A_342 = arith.constant 0 : index
      %get3A_343 = tpu.vector_load %arg6[%get3A_341, %get3A_342] {strides = array<i32>} : memref<128x64xf32, #tpu.memory_space<vmem>>, vector<1x16xf32>,
      %get3A_344 = vector.shape_cast %get3A_343 : vector<1x16xf32> to vector<16xf32>
      %mul3A_345 = arith.constant 8.000000e+00 : f32
      %mul3A_346 = vector.broadcast %mul3A_345 : f32 to vector<16xf32>
      %mul3A_347 = arith.mulf %get3A_344, %mul3A_346 : vector<16xf32>
      %swap3A_348 = arith.index_cast %add3A_340 : i32 to index
      %swap3A_349 = arith.constant 0 : index
      %swap3A_350 = tpu.vector_load %arg11[%swap3A_348, %swap3A_349] {strides = array<i32>} : memref<128x64xf32, #tpu.memory_space<vmem>>, vector<1x16xf32>,
      %swap3A_351 = vector.shape_cast %swap3A_350 : vector<1x16xf32> to vector<16xf32>
      %swap3A_352 = vector.shape_cast %mul3A_347 : vector<16xf32> to vector<1x16xf32>
      tpu.vector_store %arg11[%swap3A_348, %swap3A_349], %swap3A_352 {strides = array<i32>} : memref<128x64xf32, #tpu.memory_space<vmem>>, vector<1x16xf32>,
      %get3A_353 = arith.index_cast %add3A_340 : i32 to index
      %get3A_354 = arith.constant 16 : index
      %get3A_355 = tpu.vector_load %arg6[%get3A_353, %get3A_354] {strides = array<i32>} : memref<128x64xf32, #tpu.memory_space<vmem>>, vector<1x16xf32>,
      %get3A_356 = vector.shape_cast %get3A_355 : vector<1x16xf32> to vector<16xf32>
      %mul3A_357 = arith.constant 8.000000e+00 : f32
      %mul3A_358 = vector.broadcast %mul3A_357 : f32 to vector<16xf32>
      %mul3A_359 = arith.mulf %get3A_356, %mul3A_358 : vector<16xf32>
      %swap3A_360 = arith.index_cast %add3A_340 : i32 to index
      %swap3A_361 = arith.constant 16 : index
      %swap3A_362 = tpu.vector_load %arg11[%swap3A_360, %swap3A_361] {strides = array<i32>} : memref<128x64xf32, #tpu.memory_space<vmem>>, vector<1x16xf32>,
      %swap3A_363 = vector.shape_cast %swap3A_362 : vector<1x16xf32> to vector<16xf32>
      %swap3A_364 = vector.shape_cast %mul3A_359 : vector<16xf32> to vector<1x16xf32>
      tpu.vector_store %arg11[%swap3A_360, %swap3A_361], %swap3A_364 {strides = array<i32>} : memref<128x64xf32, #tpu.memory_space<vmem>>, vector<1x16xf32>,
      %get3A_365 = arith.index_cast %add3A_340 : i32 to index
      %get3A_366 = arith.constant 32 : index
      %get3A_367 = tpu.vector_load %arg6[%get3A_365, %get3A_366] {strides = array<i32>} : memref<128x64xf32, #tpu.memory_space<vmem>>, vector<1x16xf32>,
      %get3A_368 = vector.shape_cast %get3A_367 : vector<1x16xf32> to vector<16xf32>
      %mul3A_369 = arith.constant 8.000000e+00 : f32
      %mul3A_370 = vector.broadcast %mul3A_369 : f32 to vector<16xf32>
      %mul3A_371 = arith.mulf %get3A_368, %mul3A_370 : vector<16xf32>
      %swap3A_372 = arith.index_cast %add3A_340 : i32 to index
      %swap3A_373 = arith.constant 32 : index
      %swap3A_374 = tpu.vector_load %arg11[%swap3A_372, %swap3A_373] {strides = array<i32>} : memref<128x64xf32, #tpu.memory_space<vmem>>, vector<1x16xf32>,
      %swap3A_375 = vector.shape_cast %swap3A_374 : vector<1x16xf32> to vector<16xf32>
      %swap3A_376 = vector.shape_cast %mul3A_371 : vector<16xf32> to vector<1x16xf32>
      tpu.vector_store %arg11[%swap3A_372, %swap3A_373], %swap3A_376 {strides = array<i32>} : memref<128x64xf32, #tpu.memory_space<vmem>>, vector<1x16xf32>,
      %get3A_377 = arith.index_cast %add3A_340 : i32 to index
      %get3A_378 = arith.constant 48 : index
      %get3A_379 = tpu.vector_load %arg6[%get3A_377, %get3A_378] {strides = array<i32>} : memref<128x64xf32, #tpu.memory_space<vmem>>, vector<1x16xf32>,
      %get3A_380 = vector.shape_cast %get3A_379 : vector<1x16xf32> to vector<16xf32>
      %mul3A_381 = arith.constant 8.000000e+00 : f32
      %mul3A_382 = vector.broadcast %mul3A_381 : f32 to vector<16xf32>
      %mul3A_383 = arith.mulf %get3A_380, %mul3A_382 : vector<16xf32>
      %swap3A_384 = arith.index_cast %add3A_340 : i32 to index
      %swap3A_385 = arith.constant 48 : index
      %swap3A_386 = tpu.vector_load %arg11[%swap3A_384, %swap3A_385] {strides = array<i32>} : memref<128x64xf32, #tpu.memory_space<vmem>>, vector<1x16xf32>,
      %swap3A_387 = vector.shape_cast %swap3A_386 : vector<1x16xf32> to vector<16xf32>
      %swap3A_388 = vector.shape_cast %mul3A_383 : vector<16xf32> to vector<1x16xf32>
      tpu.vector_store %arg11[%swap3A_384, %swap3A_385], %swap3A_388 {strides = array<i32>} : memref<128x64xf32, #tpu.memory_space<vmem>>, vector<1x16xf32>,
      %mul3A_389 = arith.constant 4 : i32
      %mul3A_390 = arith.muli %scan3A_286, %mul3A_389 : i32
      %add3A_391 = arith.constant 2 : i32
      %add3A_392 = arith.addi %mul3A_390, %add3A_391 : i32
      %get3A_393 = arith.index_cast %add3A_392 : i32 to index
      %get3A_394 = arith.constant 0 : index
      %get3A_395 = tpu.vector_load %arg6[%get3A_393, %get3A_394] {strides = array<i32>} : memref<128x64xf32, #tpu.memory_space<vmem>>, vector<1x16xf32>,
      %get3A_396 = vector.shape_cast %get3A_395 : vector<1x16xf32> to vector<16xf32>
      %mul3A_397 = arith.constant 8.000000e+00 : f32
      %mul3A_398 = vector.broadcast %mul3A_397 : f32 to vector<16xf32>
      %mul3A_399 = arith.mulf %get3A_396, %mul3A_398 : vector<16xf32>
      %swap3A_400 = arith.index_cast %add3A_392 : i32 to index
      %swap3A_401 = arith.constant 0 : index
      %swap3A_402 = tpu.vector_load %arg11[%swap3A_400, %swap3A_401] {strides = array<i32>} : memref<128x64xf32, #tpu.memory_space<vmem>>, vector<1x16xf32>,
      %swap3A_403 = vector.shape_cast %swap3A_402 : vector<1x16xf32> to vector<16xf32>
      %swap3A_404 = vector.shape_cast %mul3A_399 : vector<16xf32> to vector<1x16xf32>
      tpu.vector_store %arg11[%swap3A_400, %swap3A_401], %swap3A_404 {strides = array<i32>} : memref<128x64xf32, #tpu.memory_space<vmem>>, vector<1x16xf32>,
      %get3A_405 = arith.index_cast %add3A_392 : i32 to index
      %get3A_406 = arith.constant 16 : index
      %get3A_407 = tpu.vector_load %arg6[%get3A_405, %get3A_406] {strides = array<i32>} : memref<128x64xf32, #tpu.memory_space<vmem>>, vector<1x16xf32>,
      %get3A_408 = vector.shape_cast %get3A_407 : vector<1x16xf32> to vector<16xf32>
      %mul3A_409 = arith.constant 8.000000e+00 : f32
      %mul3A_410 = vector.broadcast %mul3A_409 : f32 to vector<16xf32>
      %mul3A_411 = arith.mulf %get3A_408, %mul3A_410 : vector<16xf32>
      %swap3A_412 = arith.index_cast %add3A_392 : i32 to index
      %swap3A_413 = arith.constant 16 : index
      %swap3A_414 = tpu.vector_load %arg11[%swap3A_412, %swap3A_413] {strides = array<i32>} : memref<128x64xf32, #tpu.memory_space<vmem>>, vector<1x16xf32>,
      %swap3A_415 = vector.shape_cast %swap3A_414 : vector<1x16xf32> to vector<16xf32>
      %swap3A_416 = vector.shape_cast %mul3A_411 : vector<16xf32> to vector<1x16xf32>
      tpu.vector_store %arg11[%swap3A_412, %swap3A_413], %swap3A_416 {strides = array<i32>} : memref<128x64xf32, #tpu.memory_space<vmem>>, vector<1x16xf32>,
      %get3A_417 = arith.index_cast %add3A_392 : i32 to index
      %get3A_418 = arith.constant 32 : index
      %get3A_419 = tpu.vector_load %arg6[%get3A_417, %get3A_418] {strides = array<i32>} : memref<128x64xf32, #tpu.memory_space<vmem>>, vector<1x16xf32>,
      %get3A_420 = vector.shape_cast %get3A_419 : vector<1x16xf32> to vector<16xf32>
      %mul3A_421 = arith.constant 8.000000e+00 : f32
      %mul3A_422 = vector.broadcast %mul3A_421 : f32 to vector<16xf32>
      %mul3A_423 = arith.mulf %get3A_420, %mul3A_422 : vector<16xf32>
      %swap3A_424 = arith.index_cast %add3A_392 : i32 to index
      %swap3A_425 = arith.constant 32 : index
      %swap3A_426 = tpu.vector_load %arg11[%swap3A_424, %swap3A_425] {strides = array<i32>} : memref<128x64xf32, #tpu.memory_space<vmem>>, vector<1x16xf32>,
      %swap3A_427 = vector.shape_cast %swap3A_426 : vector<1x16xf32> to vector<16xf32>
      %swap3A_428 = vector.shape_cast %mul3A_423 : vector<16xf32> to vector<1x16xf32>
      tpu.vector_store %arg11[%swap3A_424, %swap3A_425], %swap3A_428 {strides = array<i32>} : memref<128x64xf32, #tpu.memory_space<vmem>>, vector<1x16xf32>,
      %get3A_429 = arith.index_cast %add3A_392 : i32 to index
      %get3A_430 = arith.constant 48 : index
      %get3A_431 = tpu.vector_load %arg6[%get3A_429, %get3A_430] {strides = array<i32>} : memref<128x64xf32, #tpu.memory_space<vmem>>, vector<1x16xf32>,
      %get3A_432 = vector.shape_cast %get3A_431 : vector<1x16xf32> to vector<16xf32>
      %mul3A_433 = arith.constant 8.000000e+00 : f32
      %mul3A_434 = vector.broadcast %mul3A_433 : f32 to vector<16xf32>
      %mul3A_435 = arith.mulf %get3A_432, %mul3A_434 : vector<16xf32>
      %swap3A_436 = arith.index_cast %add3A_392 : i32 to index
      %swap3A_437 = arith.constant 48 : index
      %swap3A_438 = tpu.vector_load %arg11[%swap3A_436, %swap3A_437] {strides = array<i32>} : memref<128x64xf32, #tpu.memory_space<vmem>>, vector<1x16xf32>,
      %swap3A_439 = vector.shape_cast %swap3A_438 : vector<1x16xf32> to vector<16xf32>
      %swap3A_440 = vector.shape_cast %mul3A_435 : vector<16xf32> to vector<1x16xf32>
      tpu.vector_store %arg11[%swap3A_436, %swap3A_437], %swap3A_440 {strides = array<i32>} : memref<128x64xf32, #tpu.memory_space<vmem>>, vector<1x16xf32>,
      %mul3A_441 = arith.constant 4 : i32
      %mul3A_442 = arith.muli %scan3A_286, %mul3A_441 : i32
      %add3A_443 = arith.constant 3 : i32
      %add3A_444 = arith.addi %mul3A_442, %add3A_443 : i32
      %get3A_445 = arith.index_cast %add3A_444 : i32 to index
      %get3A_446 = arith.constant 0 : index
      %get3A_447 = tpu.vector_load %arg6[%get3A_445, %get3A_446] {strides = array<i32>} : memref<128x64xf32, #tpu.memory_space<vmem>>, vector<1x16xf32>,
      %get3A_448 = vector.shape_cast %get3A_447 : vector<1x16xf32> to vector<16xf32>
      %mul3A_449 = arith.constant 8.000000e+00 : f32
      %mul3A_450 = vector.broadcast %mul3A_449 : f32 to vector<16xf32>
      %mul3A_451 = arith.mulf %get3A_448, %mul3A_450 : vector<16xf32>
      %swap3A_452 = arith.index_cast %add3A_444 : i32 to index
      %swap3A_453 = arith.constant 0 : index
      %swap3A_454 = tpu.vector_load %arg11[%swap3A_452, %swap3A_453] {strides = array<i32>} : memref<128x64xf32, #tpu.memory_space<vmem>>, vector<1x16xf32>,
      %swap3A_455 = vector.shape_cast %swap3A_454 : vector<1x16xf32> to vector<16xf32>
      %swap3A_456 = vector.shape_cast %mul3A_451 : vector<16xf32> to vector<1x16xf32>
      tpu.vector_store %arg11[%swap3A_452, %swap3A_453], %swap3A_456 {strides = array<i32>} : memref<128x64xf32, #tpu.memory_space<vmem>>, vector<1x16xf32>,
      %get3A_457 = arith.index_cast %add3A_444 : i32 to index
      %get3A_458 = arith.constant 16 : index
      %get3A_459 = tpu.vector_load %arg6[%get3A_457, %get3A_458] {strides = array<i32>} : memref<128x64xf32, #tpu.memory_space<vmem>>, vector<1x16xf32>,
      %get3A_460 = vector.shape_cast %get3A_459 : vector<1x16xf32> to vector<16xf32>
      %mul3A_461 = arith.constant 8.000000e+00 : f32
      %mul3A_462 = vector.broadcast %mul3A_461 : f32 to vector<16xf32>
      %mul3A_463 = arith.mulf %get3A_460, %mul3A_462 : vector<16xf32>
      %swap3A_464 = arith.index_cast %add3A_444 : i32 to index
      %swap3A_465 = arith.constant 16 : index
      %swap3A_466 = tpu.vector_load %arg11[%swap3A_464, %swap3A_465] {strides = array<i32>} : memref<128x64xf32, #tpu.memory_space<vmem>>, vector<1x16xf32>,
      %swap3A_467 = vector.shape_cast %swap3A_466 : vector<1x16xf32> to vector<16xf32>
      %swap3A_468 = vector.shape_cast %mul3A_463 : vector<16xf32> to vector<1x16xf32>
      tpu.vector_store %arg11[%swap3A_464, %swap3A_465], %swap3A_468 {strides = array<i32>} : memref<128x64xf32, #tpu.memory_space<vmem>>, vector<1x16xf32>,
      %get3A_469 = arith.index_cast %add3A_444 : i32 to index
      %get3A_470 = arith.constant 32 : index
      %get3A_471 = tpu.vector_load %arg6[%get3A_469, %get3A_470] {strides = array<i32>} : memref<128x64xf32, #tpu.memory_space<vmem>>, vector<1x16xf32>,
      %get3A_472 = vector.shape_cast %get3A_471 : vector<1x16xf32> to vector<16xf32>
      %mul3A_473 = arith.constant 8.000000e+00 : f32
      %mul3A_474 = vector.broadcast %mul3A_473 : f32 to vector<16xf32>
      %mul3A_475 = arith.mulf %get3A_472, %mul3A_474 : vector<16xf32>
      %swap3A_476 = arith.index_cast %add3A_444 : i32 to index
      %swap3A_477 = arith.constant 32 : index
      %swap3A_478 = tpu.vector_load %arg11[%swap3A_476, %swap3A_477] {strides = array<i32>} : memref<128x64xf32, #tpu.memory_space<vmem>>, vector<1x16xf32>,
      %swap3A_479 = vector.shape_cast %swap3A_478 : vector<1x16xf32> to vector<16xf32>
      %swap3A_480 = vector.shape_cast %mul3A_475 : vector<16xf32> to vector<1x16xf32>
      tpu.vector_store %arg11[%swap3A_476, %swap3A_477], %swap3A_480 {strides = array<i32>} : memref<128x64xf32, #tpu.memory_space<vmem>>, vector<1x16xf32>,
      %get3A_481 = arith.index_cast %add3A_444 : i32 to index
      %get3A_482 = arith.constant 48 : index
      %get3A_483 = tpu.vector_load %arg6[%get3A_481, %get3A_482] {strides = array<i32>} : memref<128x64xf32, #tpu.memory_space<vmem>>, vector<1x16xf32>,
      %get3A_484 = vector.shape_cast %get3A_483 : vector<1x16xf32> to vector<16xf32>
      %mul3A_485 = arith.constant 8.000000e+00 : f32
      %mul3A_486 = vector.broadcast %mul3A_485 : f32 to vector<16xf32>
      %mul3A_487 = arith.mulf %get3A_484, %mul3A_486 : vector<16xf32>
      %swap3A_488 = arith.index_cast %add3A_444 : i32 to index
      %swap3A_489 = arith.constant 48 : index
      %swap3A_490 = tpu.vector_load %arg11[%swap3A_488, %swap3A_489] {strides = array<i32>} : memref<128x64xf32, #tpu.memory_space<vmem>>, vector<1x16xf32>,
      %swap3A_491 = vector.shape_cast %swap3A_490 : vector<1x16xf32> to vector<16xf32>
      %swap3A_492 = vector.shape_cast %mul3A_487 : vector<16xf32> to vector<1x16xf32>
      tpu.vector_store %arg11[%swap3A_488, %swap3A_489], %swap3A_492 {strides = array<i32>} : memref<128x64xf32, #tpu.memory_space<vmem>>, vector<1x16xf32>,
    }
    %scan3A_35 = arith.constant 32 : i32
    %add3A_36 = arith.constant 0 : i32
    %add3A_37 = arith.addi %mul3A_2, %add3A_36 : i32
    %dma_start3A_38 = arith.constant 0 : i32
    %dma_start3A_39 = tpu.memref_slice %arg4[%add3A_37, %dma_start3A_38] : memref<819200x64xf32, #tpu.memory_space<hbm>> -> memref<128x64xf32, #tpu.memory_space<hbm>>
    %dma_start3A_40 = arith.constant 0 : i32
    %dma_start3A_41 = tpu.memref_slice %arg4[%add3A_37, %dma_start3A_40] : memref<819200x64xf32, #tpu.memory_space<hbm>> -> memref<128x64xf32, #tpu.memory_space<hbm>>
    tpu.enqueue_dma source(%arg11 : memref<128x64xf32, #tpu.memory_space<vmem>>) target(%dma_start3A_41 : memref<128x64xf32, #tpu.memory_space<hbm>>) target_semaphore(%arg21 : memref<!tpu.dma_semaphore, #tpu.memory_space<semaphore_mem>>)
    %dma_wait3A_42 = arith.constant 128 : i32
    %dma_wait3A_43 = tpu.memref_slice %arg5[%dma_wait3A_42] : memref<25600xi32, #tpu.memory_space<vmem>> -> memref<128xi32, #tpu.memory_space<vmem>>
    %dma_wait3A_44 = arith.constant 0 : i32
    %dma_wait3A_45 = arith.constant 0 : i32
    %dma_wait3A_46 = tpu.memref_slice %arg3[%dma_wait3A_44, %dma_wait3A_45] : memref<1000000x64xf32, #tpu.memory_space<hbm>> -> memref<1000000x64xf32, #tpu.memory_space<hbm>>
    tpu.wait_indirect_dma semaphore(%arg17 : memref<!tpu.dma_semaphore, #tpu.memory_space<semaphore_mem>>) src(%dma_wait3A_46 : memref<1000000x64xf32, #tpu.memory_space<hbm>>) dst(%arg7 : memref<128x64xf32, #tpu.memory_space<vmem>>)
    %dma_start3A_47 = arith.constant 640 : i32
    %dma_start3A_48 = tpu.memref_slice %arg5[%dma_start3A_47] : memref<25600xi32, #tpu.memory_space<vmem>> -> memref<128xi32, #tpu.memory_space<vmem>>
    %dma_start3A_49 = arith.constant 0 : i32
    %dma_start3A_50 = arith.constant 0 : i32
    %dma_start3A_51 = tpu.memref_slice %arg3[%dma_start3A_49, %dma_start3A_50] : memref<1000000x64xf32, #tpu.memory_space<hbm>> -> memref<1000000x64xf32, #tpu.memory_space<hbm>>
    tpu.enqueue_indirect_dma source(%dma_start3A_51 : memref<1000000x64xf32, #tpu.memory_space<hbm>>) target(%arg6 : memref<128x64xf32, #tpu.memory_space<vmem>>) offsets(%dma_start3A_48 : memref<128xi32, #tpu.memory_space<vmem>>) semaphore(%arg16 : memref<!tpu.dma_semaphore, #tpu.memory_space<semaphore_mem>>)
    %scan3A_52 = arith.constant 0 : i32
    %scan3A_53 = arith.constant 0 : i32
    %scan3A_54 = arith.constant 32 : i32
    %scan3A_55 = arith.addi %scan3A_53, %scan3A_54 : i32
    %scan3A_56 = arith.constant 1 : i32
    scf.for %scan3A_286 = %scan3A_53 to %scan3A_55 step %scan3A_56  : i32 {
      %mul3A_287 = arith.constant 4 : i32
      %mul3A_288 = arith.muli %scan3A_286, %mul3A_287 : i32
      %add3A_289 = arith.constant 0 : i32
      %add3A_290 = arith.addi %mul3A_288, %add3A_289 : i32
      %get3A = arith.index_cast %add3A_290 : i32 to index
      %get3A_291 = arith.constant 0 : index
      %get3A_292 = tpu.vector_load %arg7[%get3A, %get3A_291] {strides = array<i32>} : memref<128x64xf32, #tpu.memory_space<vmem>>, vector<1x16xf32>,
      %get3A_293 = vector.shape_cast %get3A_292 : vector<1x16xf32> to vector<16xf32>
      %mul3A_294 = arith.constant 8.000000e+00 : f32
      %mul3A_295 = vector.broadcast %mul3A_294 : f32 to vector<16xf32>
      %mul3A_296 = arith.mulf %get3A_293, %mul3A_295 : vector<16xf32>
      %swap3A = arith.index_cast %add3A_290 : i32 to index
      %swap3A_297 = arith.constant 0 : index
      %swap3A_298 = tpu.vector_load %arg12[%swap3A, %swap3A_297] {strides = array<i32>} : memref<128x64xf32, #tpu.memory_space<vmem>>, vector<1x16xf32>,
      %swap3A_299 = vector.shape_cast %swap3A_298 : vector<1x16xf32> to vector<16xf32>
      %swap3A_300 = vector.shape_cast %mul3A_296 : vector<16xf32> to vector<1x16xf32>
      tpu.vector_store %arg12[%swap3A, %swap3A_297], %swap3A_300 {strides = array<i32>} : memref<128x64xf32, #tpu.memory_space<vmem>>, vector<1x16xf32>,
      %get3A_301 = arith.index_cast %add3A_290 : i32 to index
      %get3A_302 = arith.constant 16 : index
      %get3A_303 = tpu.vector_load %arg7[%get3A_301, %get3A_302] {strides = array<i32>} : memref<128x64xf32, #tpu.memory_space<vmem>>, vector<1x16xf32>,
      %get3A_304 = vector.shape_cast %get3A_303 : vector<1x16xf32> to vector<16xf32>
      %mul3A_305 = arith.constant 8.000000e+00 : f32
      %mul3A_306 = vector.broadcast %mul3A_305 : f32 to vector<16xf32>
      %mul3A_307 = arith.mulf %get3A_304, %mul3A_306 : vector<16xf32>
      %swap3A_308 = arith.index_cast %add3A_290 : i32 to index
      %swap3A_309 = arith.constant 16 : index
      %swap3A_310 = tpu.vector_load %arg12[%swap3A_308, %swap3A_309] {strides = array<i32>} : memref<128x64xf32, #tpu.memory_space<vmem>>, vector<1x16xf32>,
      %swap3A_311 = vector.shape_cast %swap3A_310 : vector<1x16xf32> to vector<16xf32>
      %swap3A_312 = vector.shape_cast %mul3A_307 : vector<16xf32> to vector<1x16xf32>
      tpu.vector_store %arg12[%swap3A_308, %swap3A_309], %swap3A_312 {strides = array<i32>} : memref<128x64xf32, #tpu.memory_space<vmem>>, vector<1x16xf32>,
      %get3A_313 = arith.index_cast %add3A_290 : i32 to index
      %get3A_314 = arith.constant 32 : index
      %get3A_315 = tpu.vector_load %arg7[%get3A_313, %get3A_314] {strides = array<i32>} : memref<128x64xf32, #tpu.memory_space<vmem>>, vector<1x16xf32>,
      %get3A_316 = vector.shape_cast %get3A_315 : vector<1x16xf32> to vector<16xf32>
      %mul3A_317 = arith.constant 8.000000e+00 : f32
      %mul3A_318 = vector.broadcast %mul3A_317 : f32 to vector<16xf32>
      %mul3A_319 = arith.mulf %get3A_316, %mul3A_318 : vector<16xf32>
      %swap3A_320 = arith.index_cast %add3A_290 : i32 to index
      %swap3A_321 = arith.constant 32 : index
      %swap3A_322 = tpu.vector_load %arg12[%swap3A_320, %swap3A_321] {strides = array<i32>} : memref<128x64xf32, #tpu.memory_space<vmem>>, vector<1x16xf32>,
      %swap3A_323 = vector.shape_cast %swap3A_322 : vector<1x16xf32> to vector<16xf32>
      %swap3A_324 = vector.shape_cast %mul3A_319 : vector<16xf32> to vector<1x16xf32>
      tpu.vector_store %arg12[%swap3A_320, %swap3A_321], %swap3A_324 {strides = array<i32>} : memref<128x64xf32, #tpu.memory_space<vmem>>, vector<1x16xf32>,
      %get3A_325 = arith.index_cast %add3A_290 : i32 to index
      %get3A_326 = arith.constant 48 : index
      %get3A_327 = tpu.vector_load %arg7[%get3A_325, %get3A_326] {strides = array<i32>} : memref<128x64xf32, #tpu.memory_space<vmem>>, vector<1x16xf32>,
      %get3A_328 = vector.shape_cast %get3A_327 : vector<1x16xf32> to vector<16xf32>
      %mul3A_329 = arith.constant 8.000000e+00 : f32
      %mul3A_330 = vector.broadcast %mul3A_329 : f32 to vector<16xf32>
      %mul3A_331 = arith.mulf %get3A_328, %mul3A_330 : vector<16xf32>
      %swap3A_332 = arith.index_cast %add3A_290 : i32 to index
      %swap3A_333 = arith.constant 48 : index
      %swap3A_334 = tpu.vector_load %arg12[%swap3A_332, %swap3A_333] {strides = array<i32>} : memref<128x64xf32, #tpu.memory_space<vmem>>, vector<1x16xf32>,
      %swap3A_335 = vector.shape_cast %swap3A_334 : vector<1x16xf32> to vector<16xf32>
      %swap3A_336 = vector.shape_cast %mul3A_331 : vector<16xf32> to vector<1x16xf32>
      tpu.vector_store %arg12[%swap3A_332, %swap3A_333], %swap3A_336 {strides = array<i32>} : memref<128x64xf32, #tpu.memory_space<vmem>>, vector<1x16xf32>,
      %mul3A_337 = arith.constant 4 : i32
      %mul3A_338 = arith.muli %scan3A_286, %mul3A_337 : i32
      %add3A_339 = arith.constant 1 : i32
      %add3A_340 = arith.addi %mul3A_338, %add3A_339 : i32
      %get3A_341 = arith.index_cast %add3A_340 : i32 to index
      %get3A_342 = arith.constant 0 : index
      %get3A_343 = tpu.vector_load %arg7[%get3A_341, %get3A_342] {strides = array<i32>} : memref<128x64xf32, #tpu.memory_space<vmem>>, vector<1x16xf32>,
      %get3A_344 = vector.shape_cast %get3A_343 : vector<1x16xf32> to vector<16xf32>
      %mul3A_345 = arith.constant 8.000000e+00 : f32
      %mul3A_346 = vector.broadcast %mul3A_345 : f32 to vector<16xf32>
      %mul3A_347 = arith.mulf %get3A_344, %mul3A_346 : vector<16xf32>
      %swap3A_348 = arith.index_cast %add3A_340 : i32 to index
      %swap3A_349 = arith.constant 0 : index
      %swap3A_350 = tpu.vector_load %arg12[%swap3A_348, %swap3A_349] {strides = array<i32>} : memref<128x64xf32, #tpu.memory_space<vmem>>, vector<1x16xf32>,
      %swap3A_351 = vector.shape_cast %swap3A_350 : vector<1x16xf32> to vector<16xf32>
      %swap3A_352 = vector.shape_cast %mul3A_347 : vector<16xf32> to vector<1x16xf32>
      tpu.vector_store %arg12[%swap3A_348, %swap3A_349], %swap3A_352 {strides = array<i32>} : memref<128x64xf32, #tpu.memory_space<vmem>>, vector<1x16xf32>,
      %get3A_353 = arith.index_cast %add3A_340 : i32 to index
      %get3A_354 = arith.constant 16 : index
      %get3A_355 = tpu.vector_load %arg7[%get3A_353, %get3A_354] {strides = array<i32>} : memref<128x64xf32, #tpu.memory_space<vmem>>, vector<1x16xf32>,
      %get3A_356 = vector.shape_cast %get3A_355 : vector<1x16xf32> to vector<16xf32>
      %mul3A_357 = arith.constant 8.000000e+00 : f32
      %mul3A_358 = vector.broadcast %mul3A_357 : f32 to vector<16xf32>
      %mul3A_359 = arith.mulf %get3A_356, %mul3A_358 : vector<16xf32>
      %swap3A_360 = arith.index_cast %add3A_340 : i32 to index
      %swap3A_361 = arith.constant 16 : index
      %swap3A_362 = tpu.vector_load %arg12[%swap3A_360, %swap3A_361] {strides = array<i32>} : memref<128x64xf32, #tpu.memory_space<vmem>>, vector<1x16xf32>,
      %swap3A_363 = vector.shape_cast %swap3A_362 : vector<1x16xf32> to vector<16xf32>
      %swap3A_364 = vector.shape_cast %mul3A_359 : vector<16xf32> to vector<1x16xf32>
      tpu.vector_store %arg12[%swap3A_360, %swap3A_361], %swap3A_364 {strides = array<i32>} : memref<128x64xf32, #tpu.memory_space<vmem>>, vector<1x16xf32>,
      %get3A_365 = arith.index_cast %add3A_340 : i32 to index
      %get3A_366 = arith.constant 32 : index
      %get3A_367 = tpu.vector_load %arg7[%get3A_365, %get3A_366] {strides = array<i32>} : memref<128x64xf32, #tpu.memory_space<vmem>>, vector<1x16xf32>,
      %get3A_368 = vector.shape_cast %get3A_367 : vector<1x16xf32> to vector<16xf32>
      %mul3A_369 = arith.constant 8.000000e+00 : f32
      %mul3A_370 = vector.broadcast %mul3A_369 : f32 to vector<16xf32>
      %mul3A_371 = arith.mulf %get3A_368, %mul3A_370 : vector<16xf32>
      %swap3A_372 = arith.index_cast %add3A_340 : i32 to index
      %swap3A_373 = arith.constant 32 : index
      %swap3A_374 = tpu.vector_load %arg12[%swap3A_372, %swap3A_373] {strides = array<i32>} : memref<128x64xf32, #tpu.memory_space<vmem>>, vector<1x16xf32>,
      %swap3A_375 = vector.shape_cast %swap3A_374 : vector<1x16xf32> to vector<16xf32>
      %swap3A_376 = vector.shape_cast %mul3A_371 : vector<16xf32> to vector<1x16xf32>
      tpu.vector_store %arg12[%swap3A_372, %swap3A_373], %swap3A_376 {strides = array<i32>} : memref<128x64xf32, #tpu.memory_space<vmem>>, vector<1x16xf32>,
      %get3A_377 = arith.index_cast %add3A_340 : i32 to index
      %get3A_378 = arith.constant 48 : index
      %get3A_379 = tpu.vector_load %arg7[%get3A_377, %get3A_378] {strides = array<i32>} : memref<128x64xf32, #tpu.memory_space<vmem>>, vector<1x16xf32>,
      %get3A_380 = vector.shape_cast %get3A_379 : vector<1x16xf32> to vector<16xf32>
      %mul3A_381 = arith.constant 8.000000e+00 : f32
      %mul3A_382 = vector.broadcast %mul3A_381 : f32 to vector<16xf32>
      %mul3A_383 = arith.mulf %get3A_380, %mul3A_382 : vector<16xf32>
      %swap3A_384 = arith.index_cast %add3A_340 : i32 to index
      %swap3A_385 = arith.constant 48 : index
      %swap3A_386 = tpu.vector_load %arg12[%swap3A_384, %swap3A_385] {strides = array<i32>} : memref<128x64xf32, #tpu.memory_space<vmem>>, vector<1x16xf32>,
      %swap3A_387 = vector.shape_cast %swap3A_386 : vector<1x16xf32> to vector<16xf32>
      %swap3A_388 = vector.shape_cast %mul3A_383 : vector<16xf32> to vector<1x16xf32>
      tpu.vector_store %arg12[%swap3A_384, %swap3A_385], %swap3A_388 {strides = array<i32>} : memref<128x64xf32, #tpu.memory_space<vmem>>, vector<1x16xf32>,
      %mul3A_389 = arith.constant 4 : i32
      %mul3A_390 = arith.muli %scan3A_286, %mul3A_389 : i32
      %add3A_391 = arith.constant 2 : i32
      %add3A_392 = arith.addi %mul3A_390, %add3A_391 : i32
      %get3A_393 = arith.index_cast %add3A_392 : i32 to index
      %get3A_394 = arith.constant 0 : index
      %get3A_395 = tpu.vector_load %arg7[%get3A_393, %get3A_394] {strides = array<i32>} : memref<128x64xf32, #tpu.memory_space<vmem>>, vector<1x16xf32>,
      %get3A_396 = vector.shape_cast %get3A_395 : vector<1x16xf32> to vector<16xf32>
      %mul3A_397 = arith.constant 8.000000e+00 : f32
      %mul3A_398 = vector.broadcast %mul3A_397 : f32 to vector<16xf32>
      %mul3A_399 = arith.mulf %get3A_396, %mul3A_398 : vector<16xf32>
      %swap3A_400 = arith.index_cast %add3A_392 : i32 to index
      %swap3A_401 = arith.constant 0 : index
      %swap3A_402 = tpu.vector_load %arg12[%swap3A_400, %swap3A_401] {strides = array<i32>} : memref<128x64xf32, #tpu.memory_space<vmem>>, vector<1x16xf32>,
      %swap3A_403 = vector.shape_cast %swap3A_402 : vector<1x16xf32> to vector<16xf32>
      %swap3A_404 = vector.shape_cast %mul3A_399 : vector<16xf32> to vector<1x16xf32>
      tpu.vector_store %arg12[%swap3A_400, %swap3A_401], %swap3A_404 {strides = array<i32>} : memref<128x64xf32, #tpu.memory_space<vmem>>, vector<1x16xf32>,
      %get3A_405 = arith.index_cast %add3A_392 : i32 to index
      %get3A_406 = arith.constant 16 : index
      %get3A_407 = tpu.vector_load %arg7[%get3A_405, %get3A_406] {strides = array<i32>} : memref<128x64xf32, #tpu.memory_space<vmem>>, vector<1x16xf32>,
      %get3A_408 = vector.shape_cast %get3A_407 : vector<1x16xf32> to vector<16xf32>
      %mul3A_409 = arith.constant 8.000000e+00 : f32
      %mul3A_410 = vector.broadcast %mul3A_409 : f32 to vector<16xf32>
      %mul3A_411 = arith.mulf %get3A_408, %mul3A_410 : vector<16xf32>
      %swap3A_412 = arith.index_cast %add3A_392 : i32 to index
      %swap3A_413 = arith.constant 16 : index
      %swap3A_414 = tpu.vector_load %arg12[%swap3A_412, %swap3A_413] {strides = array<i32>} : memref<128x64xf32, #tpu.memory_space<vmem>>, vector<1x16xf32>,
      %swap3A_415 = vector.shape_cast %swap3A_414 : vector<1x16xf32> to vector<16xf32>
      %swap3A_416 = vector.shape_cast %mul3A_411 : vector<16xf32> to vector<1x16xf32>
      tpu.vector_store %arg12[%swap3A_412, %swap3A_413], %swap3A_416 {strides = array<i32>} : memref<128x64xf32, #tpu.memory_space<vmem>>, vector<1x16xf32>,
      %get3A_417 = arith.index_cast %add3A_392 : i32 to index
      %get3A_418 = arith.constant 32 : index
      %get3A_419 = tpu.vector_load %arg7[%get3A_417, %get3A_418] {strides = array<i32>} : memref<128x64xf32, #tpu.memory_space<vmem>>, vector<1x16xf32>,
      %get3A_420 = vector.shape_cast %get3A_419 : vector<1x16xf32> to vector<16xf32>
      %mul3A_421 = arith.constant 8.000000e+00 : f32
      %mul3A_422 = vector.broadcast %mul3A_421 : f32 to vector<16xf32>
      %mul3A_423 = arith.mulf %get3A_420, %mul3A_422 : vector<16xf32>
      %swap3A_424 = arith.index_cast %add3A_392 : i32 to index
      %swap3A_425 = arith.constant 32 : index
      %swap3A_426 = tpu.vector_load %arg12[%swap3A_424, %swap3A_425] {strides = array<i32>} : memref<128x64xf32, #tpu.memory_space<vmem>>, vector<1x16xf32>,
      %swap3A_427 = vector.shape_cast %swap3A_426 : vector<1x16xf32> to vector<16xf32>
      %swap3A_428 = vector.shape_cast %mul3A_423 : vector<16xf32> to vector<1x16xf32>
      tpu.vector_store %arg12[%swap3A_424, %swap3A_425], %swap3A_428 {strides = array<i32>} : memref<128x64xf32, #tpu.memory_space<vmem>>, vector<1x16xf32>,
      %get3A_429 = arith.index_cast %add3A_392 : i32 to index
      %get3A_430 = arith.constant 48 : index
      %get3A_431 = tpu.vector_load %arg7[%get3A_429, %get3A_430] {strides = array<i32>} : memref<128x64xf32, #tpu.memory_space<vmem>>, vector<1x16xf32>,
      %get3A_432 = vector.shape_cast %get3A_431 : vector<1x16xf32> to vector<16xf32>
      %mul3A_433 = arith.constant 8.000000e+00 : f32
      %mul3A_434 = vector.broadcast %mul3A_433 : f32 to vector<16xf32>
      %mul3A_435 = arith.mulf %get3A_432, %mul3A_434 : vector<16xf32>
      %swap3A_436 = arith.index_cast %add3A_392 : i32 to index
      %swap3A_437 = arith.constant 48 : index
      %swap3A_438 = tpu.vector_load %arg12[%swap3A_436, %swap3A_437] {strides = array<i32>} : memref<128x64xf32, #tpu.memory_space<vmem>>, vector<1x16xf32>,
      %swap3A_439 = vector.shape_cast %swap3A_438 : vector<1x16xf32> to vector<16xf32>
      %swap3A_440 = vector.shape_cast %mul3A_435 : vector<16xf32> to vector<1x16xf32>
      tpu.vector_store %arg12[%swap3A_436, %swap3A_437], %swap3A_440 {strides = array<i32>} : memref<128x64xf32, #tpu.memory_space<vmem>>, vector<1x16xf32>,
      %mul3A_441 = arith.constant 4 : i32
      %mul3A_442 = arith.muli %scan3A_286, %mul3A_441 : i32
      %add3A_443 = arith.constant 3 : i32
      %add3A_444 = arith.addi %mul3A_442, %add3A_443 : i32
      %get3A_445 = arith.index_cast %add3A_444 : i32 to index
      %get3A_446 = arith.constant 0 : index
      %get3A_447 = tpu.vector_load %arg7[%get3A_445, %get3A_446] {strides = array<i32>} : memref<128x64xf32, #tpu.memory_space<vmem>>, vector<1x16xf32>,
      %get3A_448 = vector.shape_cast %get3A_447 : vector<1x16xf32> to vector<16xf32>
      %mul3A_449 = arith.constant 8.000000e+00 : f32
      %mul3A_450 = vector.broadcast %mul3A_449 : f32 to vector<16xf32>
      %mul3A_451 = arith.mulf %get3A_448, %mul3A_450 : vector<16xf32>
      %swap3A_452 = arith.index_cast %add3A_444 : i32 to index
      %swap3A_453 = arith.constant 0 : index
      %swap3A_454 = tpu.vector_load %arg12[%swap3A_452, %swap3A_453] {strides = array<i32>} : memref<128x64xf32, #tpu.memory_space<vmem>>, vector<1x16xf32>,
      %swap3A_455 = vector.shape_cast %swap3A_454 : vector<1x16xf32> to vector<16xf32>
      %swap3A_456 = vector.shape_cast %mul3A_451 : vector<16xf32> to vector<1x16xf32>
      tpu.vector_store %arg12[%swap3A_452, %swap3A_453], %swap3A_456 {strides = array<i32>} : memref<128x64xf32, #tpu.memory_space<vmem>>, vector<1x16xf32>,
      %get3A_457 = arith.index_cast %add3A_444 : i32 to index
      %get3A_458 = arith.constant 16 : index
      %get3A_459 = tpu.vector_load %arg7[%get3A_457, %get3A_458] {strides = array<i32>} : memref<128x64xf32, #tpu.memory_space<vmem>>, vector<1x16xf32>,
      %get3A_460 = vector.shape_cast %get3A_459 : vector<1x16xf32> to vector<16xf32>
      %mul3A_461 = arith.constant 8.000000e+00 : f32
      %mul3A_462 = vector.broadcast %mul3A_461 : f32 to vector<16xf32>
      %mul3A_463 = arith.mulf %get3A_460, %mul3A_462 : vector<16xf32>
      %swap3A_464 = arith.index_cast %add3A_444 : i32 to index
      %swap3A_465 = arith.constant 16 : index
      %swap3A_466 = tpu.vector_load %arg12[%swap3A_464, %swap3A_465] {strides = array<i32>} : memref<128x64xf32, #tpu.memory_space<vmem>>, vector<1x16xf32>,
      %swap3A_467 = vector.shape_cast %swap3A_466 : vector<1x16xf32> to vector<16xf32>
      %swap3A_468 = vector.shape_cast %mul3A_463 : vector<16xf32> to vector<1x16xf32>
      tpu.vector_store %arg12[%swap3A_464, %swap3A_465], %swap3A_468 {strides = array<i32>} : memref<128x64xf32, #tpu.memory_space<vmem>>, vector<1x16xf32>,
      %get3A_469 = arith.index_cast %add3A_444 : i32 to index
      %get3A_470 = arith.constant 32 : index
      %get3A_471 = tpu.vector_load %arg7[%get3A_469, %get3A_470] {strides = array<i32>} : memref<128x64xf32, #tpu.memory_space<vmem>>, vector<1x16xf32>,
      %get3A_472 = vector.shape_cast %get3A_471 : vector<1x16xf32> to vector<16xf32>
      %mul3A_473 = arith.constant 8.000000e+00 : f32
      %mul3A_474 = vector.broadcast %mul3A_473 : f32 to vector<16xf32>
      %mul3A_475 = arith.mulf %get3A_472, %mul3A_474 : vector<16xf32>
      %swap3A_476 = arith.index_cast %add3A_444 : i32 to index
      %swap3A_477 = arith.constant 32 : index
      %swap3A_478 = tpu.vector_load %arg12[%swap3A_476, %swap3A_477] {strides = array<i32>} : memref<128x64xf32, #tpu.memory_space<vmem>>, vector<1x16xf32>,
      %swap3A_479 = vector.shape_cast %swap3A_478 : vector<1x16xf32> to vector<16xf32>
      %swap3A_480 = vector.shape_cast %mul3A_475 : vector<16xf32> to vector<1x16xf32>
      tpu.vector_store %arg12[%swap3A_476, %swap3A_477], %swap3A_480 {strides = array<i32>} : memref<128x64xf32, #tpu.memory_space<vmem>>, vector<1x16xf32>,
      %get3A_481 = arith.index_cast %add3A_444 : i32 to index
      %get3A_482 = arith.constant 48 : index
      %get3A_483 = tpu.vector_load %arg7[%get3A_481, %get3A_482] {strides = array<i32>} : memref<128x64xf32, #tpu.memory_space<vmem>>, vector<1x16xf32>,
      %get3A_484 = vector.shape_cast %get3A_483 : vector<1x16xf32> to vector<16xf32>
      %mul3A_485 = arith.constant 8.000000e+00 : f32
      %mul3A_486 = vector.broadcast %mul3A_485 : f32 to vector<16xf32>
      %mul3A_487 = arith.mulf %get3A_484, %mul3A_486 : vector<16xf32>
      %swap3A_488 = arith.index_cast %add3A_444 : i32 to index
      %swap3A_489 = arith.constant 48 : index
      %swap3A_490 = tpu.vector_load %arg12[%swap3A_488, %swap3A_489] {strides = array<i32>} : memref<128x64xf32, #tpu.memory_space<vmem>>, vector<1x16xf32>,
      %swap3A_491 = vector.shape_cast %swap3A_490 : vector<1x16xf32> to vector<16xf32>
      %swap3A_492 = vector.shape_cast %mul3A_487 : vector<16xf32> to vector<1x16xf32>
      tpu.vector_store %arg12[%swap3A_488, %swap3A_489], %swap3A_492 {strides = array<i32>} : memref<128x64xf32, #tpu.memory_space<vmem>>, vector<1x16xf32>,
    }
    %scan3A_57 = arith.constant 32 : i32
    %add3A_58 = arith.constant 128 : i32
    %add3A_59 = arith.addi %mul3A_2, %add3A_58 : i32
    %dma_start3A_60 = arith.constant 0 : i32
    %dma_start3A_61 = tpu.memref_slice %arg4[%add3A_59, %dma_start3A_60] : memref<819200x64xf32, #tpu.memory_space<hbm>> -> memref<128x64xf32, #tpu.memory_space<hbm>>
    %dma_start3A_62 = arith.constant 0 : i32
    %dma_start3A_63 = tpu.memref_slice %arg4[%add3A_59, %dma_start3A_62] : memref<819200x64xf32, #tpu.memory_space<hbm>> -> memref<128x64xf32, #tpu.memory_space<hbm>>
    tpu.enqueue_dma source(%arg12 : memref<128x64xf32, #tpu.memory_space<vmem>>) target(%dma_start3A_63 : memref<128x64xf32, #tpu.memory_space<hbm>>) target_semaphore(%arg22 : memref<!tpu.dma_semaphore, #tpu.memory_space<semaphore_mem>>)
    %dma_wait3A_64 = arith.constant 256 : i32
    %dma_wait3A_65 = tpu.memref_slice %arg5[%dma_wait3A_64] : memref<25600xi32, #tpu.memory_space<vmem>> -> memref<128xi32, #tpu.memory_space<vmem>>
    %dma_wait3A_66 = arith.constant 0 : i32
    %dma_wait3A_67 = arith.constant 0 : i32
    %dma_wait3A_68 = tpu.memref_slice %arg3[%dma_wait3A_66, %dma_wait3A_67] : memref<1000000x64xf32, #tpu.memory_space<hbm>> -> memref<1000000x64xf32, #tpu.memory_space<hbm>>
    tpu.wait_indirect_dma semaphore(%arg18 : memref<!tpu.dma_semaphore, #tpu.memory_space<semaphore_mem>>) src(%dma_wait3A_68 : memref<1000000x64xf32, #tpu.memory_space<hbm>>) dst(%arg8 : memref<128x64xf32, #tpu.memory_space<vmem>>)
    %dma_start3A_69 = arith.constant 768 : i32
    %dma_start3A_70 = tpu.memref_slice %arg5[%dma_start3A_69] : memref<25600xi32, #tpu.memory_space<vmem>> -> memref<128xi32, #tpu.memory_space<vmem>>
    %dma_start3A_71 = arith.constant 0 : i32
    %dma_start3A_72 = arith.constant 0 : i32
    %dma_start3A_73 = tpu.memref_slice %arg3[%dma_start3A_71, %dma_start3A_72] : memref<1000000x64xf32, #tpu.memory_space<hbm>> -> memref<1000000x64xf32, #tpu.memory_space<hbm>>
    tpu.enqueue_indirect_dma source(%dma_start3A_73 : memref<1000000x64xf32, #tpu.memory_space<hbm>>) target(%arg7 : memref<128x64xf32, #tpu.memory_space<vmem>>) offsets(%dma_start3A_70 : memref<128xi32, #tpu.memory_space<vmem>>) semaphore(%arg17 : memref<!tpu.dma_semaphore, #tpu.memory_space<semaphore_mem>>)
    %scan3A_74 = arith.constant 0 : i32
    %scan3A_75 = arith.constant 0 : i32
    %scan3A_76 = arith.constant 32 : i32
    %scan3A_77 = arith.addi %scan3A_75, %scan3A_76 : i32
    %scan3A_78 = arith.constant 1 : i32
    scf.for %scan3A_286 = %scan3A_75 to %scan3A_77 step %scan3A_78  : i32 {
      %mul3A_287 = arith.constant 4 : i32
      %mul3A_288 = arith.muli %scan3A_286, %mul3A_287 : i32
      %add3A_289 = arith.constant 0 : i32
      %add3A_290 = arith.addi %mul3A_288, %add3A_289 : i32
      %get3A = arith.index_cast %add3A_290 : i32 to index
      %get3A_291 = arith.constant 0 : index
      %get3A_292 = tpu.vector_load %arg8[%get3A, %get3A_291] {strides = array<i32>} : memref<128x64xf32, #tpu.memory_space<vmem>>, vector<1x16xf32>,
      %get3A_293 = vector.shape_cast %get3A_292 : vector<1x16xf32> to vector<16xf32>
      %mul3A_294 = arith.constant 8.000000e+00 : f32
      %mul3A_295 = vector.broadcast %mul3A_294 : f32 to vector<16xf32>
      %mul3A_296 = arith.mulf %get3A_293, %mul3A_295 : vector<16xf32>
      %swap3A = arith.index_cast %add3A_290 : i32 to index
      %swap3A_297 = arith.constant 0 : index
      %swap3A_298 = tpu.vector_load %arg13[%swap3A, %swap3A_297] {strides = array<i32>} : memref<128x64xf32, #tpu.memory_space<vmem>>, vector<1x16xf32>,
      %swap3A_299 = vector.shape_cast %swap3A_298 : vector<1x16xf32> to vector<16xf32>
      %swap3A_300 = vector.shape_cast %mul3A_296 : vector<16xf32> to vector<1x16xf32>
      tpu.vector_store %arg13[%swap3A, %swap3A_297], %swap3A_300 {strides = array<i32>} : memref<128x64xf32, #tpu.memory_space<vmem>>, vector<1x16xf32>,
      %get3A_301 = arith.index_cast %add3A_290 : i32 to index
      %get3A_302 = arith.constant 16 : index
      %get3A_303 = tpu.vector_load %arg8[%get3A_301, %get3A_302] {strides = array<i32>} : memref<128x64xf32, #tpu.memory_space<vmem>>, vector<1x16xf32>,
      %get3A_304 = vector.shape_cast %get3A_303 : vector<1x16xf32> to vector<16xf32>
      %mul3A_305 = arith.constant 8.000000e+00 : f32
      %mul3A_306 = vector.broadcast %mul3A_305 : f32 to vector<16xf32>
      %mul3A_307 = arith.mulf %get3A_304, %mul3A_306 : vector<16xf32>
      %swap3A_308 = arith.index_cast %add3A_290 : i32 to index
      %swap3A_309 = arith.constant 16 : index
      %swap3A_310 = tpu.vector_load %arg13[%swap3A_308, %swap3A_309] {strides = array<i32>} : memref<128x64xf32, #tpu.memory_space<vmem>>, vector<1x16xf32>,
      %swap3A_311 = vector.shape_cast %swap3A_310 : vector<1x16xf32> to vector<16xf32>
      %swap3A_312 = vector.shape_cast %mul3A_307 : vector<16xf32> to vector<1x16xf32>
      tpu.vector_store %arg13[%swap3A_308, %swap3A_309], %swap3A_312 {strides = array<i32>} : memref<128x64xf32, #tpu.memory_space<vmem>>, vector<1x16xf32>,
      %get3A_313 = arith.index_cast %add3A_290 : i32 to index
      %get3A_314 = arith.constant 32 : index
      %get3A_315 = tpu.vector_load %arg8[%get3A_313, %get3A_314] {strides = array<i32>} : memref<128x64xf32, #tpu.memory_space<vmem>>, vector<1x16xf32>,
      %get3A_316 = vector.shape_cast %get3A_315 : vector<1x16xf32> to vector<16xf32>
      %mul3A_317 = arith.constant 8.000000e+00 : f32
      %mul3A_318 = vector.broadcast %mul3A_317 : f32 to vector<16xf32>
      %mul3A_319 = arith.mulf %get3A_316, %mul3A_318 : vector<16xf32>
      %swap3A_320 = arith.index_cast %add3A_290 : i32 to index
      %swap3A_321 = arith.constant 32 : index
      %swap3A_322 = tpu.vector_load %arg13[%swap3A_320, %swap3A_321] {strides = array<i32>} : memref<128x64xf32, #tpu.memory_space<vmem>>, vector<1x16xf32>,
      %swap3A_323 = vector.shape_cast %swap3A_322 : vector<1x16xf32> to vector<16xf32>
      %swap3A_324 = vector.shape_cast %mul3A_319 : vector<16xf32> to vector<1x16xf32>
      tpu.vector_store %arg13[%swap3A_320, %swap3A_321], %swap3A_324 {strides = array<i32>} : memref<128x64xf32, #tpu.memory_space<vmem>>, vector<1x16xf32>,
      %get3A_325 = arith.index_cast %add3A_290 : i32 to index
      %get3A_326 = arith.constant 48 : index
      %get3A_327 = tpu.vector_load %arg8[%get3A_325, %get3A_326] {strides = array<i32>} : memref<128x64xf32, #tpu.memory_space<vmem>>, vector<1x16xf32>,
      %get3A_328 = vector.shape_cast %get3A_327 : vector<1x16xf32> to vector<16xf32>
      %mul3A_329 = arith.constant 8.000000e+00 : f32
      %mul3A_330 = vector.broadcast %mul3A_329 : f32 to vector<16xf32>
      %mul3A_331 = arith.mulf %get3A_328, %mul3A_330 : vector<16xf32>
      %swap3A_332 = arith.index_cast %add3A_290 : i32 to index
      %swap3A_333 = arith.constant 48 : index
      %swap3A_334 = tpu.vector_load %arg13[%swap3A_332, %swap3A_333] {strides = array<i32>} : memref<128x64xf32, #tpu.memory_space<vmem>>, vector<1x16xf32>,
      %swap3A_335 = vector.shape_cast %swap3A_334 : vector<1x16xf32> to vector<16xf32>
      %swap3A_336 = vector.shape_cast %mul3A_331 : vector<16xf32> to vector<1x16xf32>
      tpu.vector_store %arg13[%swap3A_332, %swap3A_333], %swap3A_336 {strides = array<i32>} : memref<128x64xf32, #tpu.memory_space<vmem>>, vector<1x16xf32>,
      %mul3A_337 = arith.constant 4 : i32
      %mul3A_338 = arith.muli %scan3A_286, %mul3A_337 : i32
      %add3A_339 = arith.constant 1 : i32
      %add3A_340 = arith.addi %mul3A_338, %add3A_339 : i32
      %get3A_341 = arith.index_cast %add3A_340 : i32 to index
      %get3A_342 = arith.constant 0 : index
      %get3A_343 = tpu.vector_load %arg8[%get3A_341, %get3A_342] {strides = array<i32>} : memref<128x64xf32, #tpu.memory_space<vmem>>, vector<1x16xf32>,
      %get3A_344 = vector.shape_cast %get3A_343 : vector<1x16xf32> to vector<16xf32>
      %mul3A_345 = arith.constant 8.000000e+00 : f32
      %mul3A_346 = vector.broadcast %mul3A_345 : f32 to vector<16xf32>
      %mul3A_347 = arith.mulf %get3A_344, %mul3A_346 : vector<16xf32>
      %swap3A_348 = arith.index_cast %add3A_340 : i32 to index
      %swap3A_349 = arith.constant 0 : index
      %swap3A_350 = tpu.vector_load %arg13[%swap3A_348, %swap3A_349] {strides = array<i32>} : memref<128x64xf32, #tpu.memory_space<vmem>>, vector<1x16xf32>,
      %swap3A_351 = vector.shape_cast %swap3A_350 : vector<1x16xf32> to vector<16xf32>
      %swap3A_352 = vector.shape_cast %mul3A_347 : vector<16xf32> to vector<1x16xf32>
      tpu.vector_store %arg13[%swap3A_348, %swap3A_349], %swap3A_352 {strides = array<i32>} : memref<128x64xf32, #tpu.memory_space<vmem>>, vector<1x16xf32>,
      %get3A_353 = arith.index_cast %add3A_340 : i32 to index
      %get3A_354 = arith.constant 16 : index
      %get3A_355 = tpu.vector_load %arg8[%get3A_353, %get3A_354] {strides = array<i32>} : memref<128x64xf32, #tpu.memory_space<vmem>>, vector<1x16xf32>,
      %get3A_356 = vector.shape_cast %get3A_355 : vector<1x16xf32> to vector<16xf32>
      %mul3A_357 = arith.constant 8.000000e+00 : f32
      %mul3A_358 = vector.broadcast %mul3A_357 : f32 to vector<16xf32>
      %mul3A_359 = arith.mulf %get3A_356, %mul3A_358 : vector<16xf32>
      %swap3A_360 = arith.index_cast %add3A_340 : i32 to index
      %swap3A_361 = arith.constant 16 : index
      %swap3A_362 = tpu.vector_load %arg13[%swap3A_360, %swap3A_361] {strides = array<i32>} : memref<128x64xf32, #tpu.memory_space<vmem>>, vector<1x16xf32>,
      %swap3A_363 = vector.shape_cast %swap3A_362 : vector<1x16xf32> to vector<16xf32>
      %swap3A_364 = vector.shape_cast %mul3A_359 : vector<16xf32> to vector<1x16xf32>
      tpu.vector_store %arg13[%swap3A_360, %swap3A_361], %swap3A_364 {strides = array<i32>} : memref<128x64xf32, #tpu.memory_space<vmem>>, vector<1x16xf32>,
      %get3A_365 = arith.index_cast %add3A_340 : i32 to index
      %get3A_366 = arith.constant 32 : index
      %get3A_367 = tpu.vector_load %arg8[%get3A_365, %get3A_366] {strides = array<i32>} : memref<128x64xf32, #tpu.memory_space<vmem>>, vector<1x16xf32>,
      %get3A_368 = vector.shape_cast %get3A_367 : vector<1x16xf32> to vector<16xf32>
      %mul3A_369 = arith.constant 8.000000e+00 : f32
      %mul3A_370 = vector.broadcast %mul3A_369 : f32 to vector<16xf32>
      %mul3A_371 = arith.mulf %get3A_368, %mul3A_370 : vector<16xf32>
      %swap3A_372 = arith.index_cast %add3A_340 : i32 to index
      %swap3A_373 = arith.constant 32 : index
      %swap3A_374 = tpu.vector_load %arg13[%swap3A_372, %swap3A_373] {strides = array<i32>} : memref<128x64xf32, #tpu.memory_space<vmem>>, vector<1x16xf32>,
      %swap3A_375 = vector.shape_cast %swap3A_374 : vector<1x16xf32> to vector<16xf32>
      %swap3A_376 = vector.shape_cast %mul3A_371 : vector<16xf32> to vector<1x16xf32>
      tpu.vector_store %arg13[%swap3A_372, %swap3A_373], %swap3A_376 {strides = array<i32>} : memref<128x64xf32, #tpu.memory_space<vmem>>, vector<1x16xf32>,
      %get3A_377 = arith.index_cast %add3A_340 : i32 to index
      %get3A_378 = arith.constant 48 : index
      %get3A_379 = tpu.vector_load %arg8[%get3A_377, %get3A_378] {strides = array<i32>} : memref<128x64xf32, #tpu.memory_space<vmem>>, vector<1x16xf32>,
      %get3A_380 = vector.shape_cast %get3A_379 : vector<1x16xf32> to vector<16xf32>
      %mul3A_381 = arith.constant 8.000000e+00 : f32
      %mul3A_382 = vector.broadcast %mul3A_381 : f32 to vector<16xf32>
      %mul3A_383 = arith.mulf %get3A_380, %mul3A_382 : vector<16xf32>
      %swap3A_384 = arith.index_cast %add3A_340 : i32 to index
      %swap3A_385 = arith.constant 48 : index
      %swap3A_386 = tpu.vector_load %arg13[%swap3A_384, %swap3A_385] {strides = array<i32>} : memref<128x64xf32, #tpu.memory_space<vmem>>, vector<1x16xf32>,
      %swap3A_387 = vector.shape_cast %swap3A_386 : vector<1x16xf32> to vector<16xf32>
      %swap3A_388 = vector.shape_cast %mul3A_383 : vector<16xf32> to vector<1x16xf32>
      tpu.vector_store %arg13[%swap3A_384, %swap3A_385], %swap3A_388 {strides = array<i32>} : memref<128x64xf32, #tpu.memory_space<vmem>>, vector<1x16xf32>,
      %mul3A_389 = arith.constant 4 : i32
      %mul3A_390 = arith.muli %scan3A_286, %mul3A_389 : i32
      %add3A_391 = arith.constant 2 : i32
      %add3A_392 = arith.addi %mul3A_390, %add3A_391 : i32
      %get3A_393 = arith.index_cast %add3A_392 : i32 to index
      %get3A_394 = arith.constant 0 : index
      %get3A_395 = tpu.vector_load %arg8[%get3A_393, %get3A_394] {strides = array<i32>} : memref<128x64xf32, #tpu.memory_space<vmem>>, vector<1x16xf32>,
      %get3A_396 = vector.shape_cast %get3A_395 : vector<1x16xf32> to vector<16xf32>
      %mul3A_397 = arith.constant 8.000000e+00 : f32
      %mul3A_398 = vector.broadcast %mul3A_397 : f32 to vector<16xf32>
      %mul3A_399 = arith.mulf %get3A_396, %mul3A_398 : vector<16xf32>
      %swap3A_400 = arith.index_cast %add3A_392 : i32 to index
      %swap3A_401 = arith.constant 0 : index
      %swap3A_402 = tpu.vector_load %arg13[%swap3A_400, %swap3A_401] {strides = array<i32>} : memref<128x64xf32, #tpu.memory_space<vmem>>, vector<1x16xf32>,
      %swap3A_403 = vector.shape_cast %swap3A_402 : vector<1x16xf32> to vector<16xf32>
      %swap3A_404 = vector.shape_cast %mul3A_399 : vector<16xf32> to vector<1x16xf32>
      tpu.vector_store %arg13[%swap3A_400, %swap3A_401], %swap3A_404 {strides = array<i32>} : memref<128x64xf32, #tpu.memory_space<vmem>>, vector<1x16xf32>,
      %get3A_405 = arith.index_cast %add3A_392 : i32 to index
      %get3A_406 = arith.constant 16 : index
      %get3A_407 = tpu.vector_load %arg8[%get3A_405, %get3A_406] {strides = array<i32>} : memref<128x64xf32, #tpu.memory_space<vmem>>, vector<1x16xf32>,
      %get3A_408 = vector.shape_cast %get3A_407 : vector<1x16xf32> to vector<16xf32>
      %mul3A_409 = arith.constant 8.000000e+00 : f32
      %mul3A_410 = vector.broadcast %mul3A_409 : f32 to vector<16xf32>
      %mul3A_411 = arith.mulf %get3A_408, %mul3A_410 : vector<16xf32>
      %swap3A_412 = arith.index_cast %add3A_392 : i32 to index
      %swap3A_413 = arith.constant 16 : index
      %swap3A_414 = tpu.vector_load %arg13[%swap3A_412, %swap3A_413] {strides = array<i32>} : memref<128x64xf32, #tpu.memory_space<vmem>>, vector<1x16xf32>,
      %swap3A_415 = vector.shape_cast %swap3A_414 : vector<1x16xf32> to vector<16xf32>
      %swap3A_416 = vector.shape_cast %mul3A_411 : vector<16xf32> to vector<1x16xf32>
      tpu.vector_store %arg13[%swap3A_412, %swap3A_413], %swap3A_416 {strides = array<i32>} : memref<128x64xf32, #tpu.memory_space<vmem>>, vector<1x16xf32>,
      %get3A_417 = arith.index_cast %add3A_392 : i32 to index
      %get3A_418 = arith.constant 32 : index
      %get3A_419 = tpu.vector_load %arg8[%get3A_417, %get3A_418] {strides = array<i32>} : memref<128x64xf32, #tpu.memory_space<vmem>>, vector<1x16xf32>,
      %get3A_420 = vector.shape_cast %get3A_419 : vector<1x16xf32> to vector<16xf32>
      %mul3A_421 = arith.constant 8.000000e+00 : f32
      %mul3A_422 = vector.broadcast %mul3A_421 : f32 to vector<16xf32>
      %mul3A_423 = arith.mulf %get3A_420, %mul3A_422 : vector<16xf32>
      %swap3A_424 = arith.index_cast %add3A_392 : i32 to index
      %swap3A_425 = arith.constant 32 : index
      %swap3A_426 = tpu.vector_load %arg13[%swap3A_424, %swap3A_425] {strides = array<i32>} : memref<128x64xf32, #tpu.memory_space<vmem>>, vector<1x16xf32>,
      %swap3A_427 = vector.shape_cast %swap3A_426 : vector<1x16xf32> to vector<16xf32>
      %swap3A_428 = vector.shape_cast %mul3A_423 : vector<16xf32> to vector<1x16xf32>
      tpu.vector_store %arg13[%swap3A_424, %swap3A_425], %swap3A_428 {strides = array<i32>} : memref<128x64xf32, #tpu.memory_space<vmem>>, vector<1x16xf32>,
      %get3A_429 = arith.index_cast %add3A_392 : i32 to index
      %get3A_430 = arith.constant 48 : index
      %get3A_431 = tpu.vector_load %arg8[%get3A_429, %get3A_430] {strides = array<i32>} : memref<128x64xf32, #tpu.memory_space<vmem>>, vector<1x16xf32>,
      %get3A_432 = vector.shape_cast %get3A_431 : vector<1x16xf32> to vector<16xf32>
      %mul3A_433 = arith.constant 8.000000e+00 : f32
      %mul3A_434 = vector.broadcast %mul3A_433 : f32 to vector<16xf32>
      %mul3A_435 = arith.mulf %get3A_432, %mul3A_434 : vector<16xf32>
      %swap3A_436 = arith.index_cast %add3A_392 : i32 to index
      %swap3A_437 = arith.constant 48 : index
      %swap3A_438 = tpu.vector_load %arg13[%swap3A_436, %swap3A_437] {strides = array<i32>} : memref<128x64xf32, #tpu.memory_space<vmem>>, vector<1x16xf32>,
      %swap3A_439 = vector.shape_cast %swap3A_438 : vector<1x16xf32> to vector<16xf32>
      %swap3A_440 = vector.shape_cast %mul3A_435 : vector<16xf32> to vector<1x16xf32>
      tpu.vector_store %arg13[%swap3A_436, %swap3A_437], %swap3A_440 {strides = array<i32>} : memref<128x64xf32, #tpu.memory_space<vmem>>, vector<1x16xf32>,
      %mul3A_441 = arith.constant 4 : i32
      %mul3A_442 = arith.muli %scan3A_286, %mul3A_441 : i32
      %add3A_443 = arith.constant 3 : i32
      %add3A_444 = arith.addi %mul3A_442, %add3A_443 : i32
      %get3A_445 = arith.index_cast %add3A_444 : i32 to index
      %get3A_446 = arith.constant 0 : index
      %get3A_447 = tpu.vector_load %arg8[%get3A_445, %get3A_446] {strides = array<i32>} : memref<128x64xf32, #tpu.memory_space<vmem>>, vector<1x16xf32>,
      %get3A_448 = vector.shape_cast %get3A_447 : vector<1x16xf32> to vector<16xf32>
      %mul3A_449 = arith.constant 8.000000e+00 : f32
      %mul3A_450 = vector.broadcast %mul3A_449 : f32 to vector<16xf32>
      %mul3A_451 = arith.mulf %get3A_448, %mul3A_450 : vector<16xf32>
      %swap3A_452 = arith.index_cast %add3A_444 : i32 to index
      %swap3A_453 = arith.constant 0 : index
      %swap3A_454 = tpu.vector_load %arg13[%swap3A_452, %swap3A_453] {strides = array<i32>} : memref<128x64xf32, #tpu.memory_space<vmem>>, vector<1x16xf32>,
      %swap3A_455 = vector.shape_cast %swap3A_454 : vector<1x16xf32> to vector<16xf32>
      %swap3A_456 = vector.shape_cast %mul3A_451 : vector<16xf32> to vector<1x16xf32>
      tpu.vector_store %arg13[%swap3A_452, %swap3A_453], %swap3A_456 {strides = array<i32>} : memref<128x64xf32, #tpu.memory_space<vmem>>, vector<1x16xf32>,
      %get3A_457 = arith.index_cast %add3A_444 : i32 to index
      %get3A_458 = arith.constant 16 : index
      %get3A_459 = tpu.vector_load %arg8[%get3A_457, %get3A_458] {strides = array<i32>} : memref<128x64xf32, #tpu.memory_space<vmem>>, vector<1x16xf32>,
      %get3A_460 = vector.shape_cast %get3A_459 : vector<1x16xf32> to vector<16xf32>
      %mul3A_461 = arith.constant 8.000000e+00 : f32
      %mul3A_462 = vector.broadcast %mul3A_461 : f32 to vector<16xf32>
      %mul3A_463 = arith.mulf %get3A_460, %mul3A_462 : vector<16xf32>
      %swap3A_464 = arith.index_cast %add3A_444 : i32 to index
      %swap3A_465 = arith.constant 16 : index
      %swap3A_466 = tpu.vector_load %arg13[%swap3A_464, %swap3A_465] {strides = array<i32>} : memref<128x64xf32, #tpu.memory_space<vmem>>, vector<1x16xf32>,
      %swap3A_467 = vector.shape_cast %swap3A_466 : vector<1x16xf32> to vector<16xf32>
      %swap3A_468 = vector.shape_cast %mul3A_463 : vector<16xf32> to vector<1x16xf32>
      tpu.vector_store %arg13[%swap3A_464, %swap3A_465], %swap3A_468 {strides = array<i32>} : memref<128x64xf32, #tpu.memory_space<vmem>>, vector<1x16xf32>,
      %get3A_469 = arith.index_cast %add3A_444 : i32 to index
      %get3A_470 = arith.constant 32 : index
      %get3A_471 = tpu.vector_load %arg8[%get3A_469, %get3A_470] {strides = array<i32>} : memref<128x64xf32, #tpu.memory_space<vmem>>, vector<1x16xf32>,
      %get3A_472 = vector.shape_cast %get3A_471 : vector<1x16xf32> to vector<16xf32>
      %mul3A_473 = arith.constant 8.000000e+00 : f32
      %mul3A_474 = vector.broadcast %mul3A_473 : f32 to vector<16xf32>
      %mul3A_475 = arith.mulf %get3A_472, %mul3A_474 : vector<16xf32>
      %swap3A_476 = arith.index_cast %add3A_444 : i32 to index
      %swap3A_477 = arith.constant 32 : index
      %swap3A_478 = tpu.vector_load %arg13[%swap3A_476, %swap3A_477] {strides = array<i32>} : memref<128x64xf32, #tpu.memory_space<vmem>>, vector<1x16xf32>,
      %swap3A_479 = vector.shape_cast %swap3A_478 : vector<1x16xf32> to vector<16xf32>
      %swap3A_480 = vector.shape_cast %mul3A_475 : vector<16xf32> to vector<1x16xf32>
      tpu.vector_store %arg13[%swap3A_476, %swap3A_477], %swap3A_480 {strides = array<i32>} : memref<128x64xf32, #tpu.memory_space<vmem>>, vector<1x16xf32>,
      %get3A_481 = arith.index_cast %add3A_444 : i32 to index
      %get3A_482 = arith.constant 48 : index
      %get3A_483 = tpu.vector_load %arg8[%get3A_481, %get3A_482] {strides = array<i32>} : memref<128x64xf32, #tpu.memory_space<vmem>>, vector<1x16xf32>,
      %get3A_484 = vector.shape_cast %get3A_483 : vector<1x16xf32> to vector<16xf32>
      %mul3A_485 = arith.constant 8.000000e+00 : f32
      %mul3A_486 = vector.broadcast %mul3A_485 : f32 to vector<16xf32>
      %mul3A_487 = arith.mulf %get3A_484, %mul3A_486 : vector<16xf32>
      %swap3A_488 = arith.index_cast %add3A_444 : i32 to index
      %swap3A_489 = arith.constant 48 : index
      %swap3A_490 = tpu.vector_load %arg13[%swap3A_488, %swap3A_489] {strides = array<i32>} : memref<128x64xf32, #tpu.memory_space<vmem>>, vector<1x16xf32>,
      %swap3A_491 = vector.shape_cast %swap3A_490 : vector<1x16xf32> to vector<16xf32>
      %swap3A_492 = vector.shape_cast %mul3A_487 : vector<16xf32> to vector<1x16xf32>
      tpu.vector_store %arg13[%swap3A_488, %swap3A_489], %swap3A_492 {strides = array<i32>} : memref<128x64xf32, #tpu.memory_space<vmem>>, vector<1x16xf32>,
    }
    %scan3A_79 = arith.constant 32 : i32
    %add3A_80 = arith.constant 256 : i32
    %add3A_81 = arith.addi %mul3A_2, %add3A_80 : i32
    %dma_start3A_82 = arith.constant 0 : i32
    %dma_start3A_83 = tpu.memref_slice %arg4[%add3A_81, %dma_start3A_82] : memref<819200x64xf32, #tpu.memory_space<hbm>> -> memref<128x64xf32, #tpu.memory_space<hbm>>
    %dma_start3A_84 = arith.constant 0 : i32
    %dma_start3A_85 = tpu.memref_slice %arg4[%add3A_81, %dma_start3A_84] : memref<819200x64xf32, #tpu.memory_space<hbm>> -> memref<128x64xf32, #tpu.memory_space<hbm>>
    tpu.enqueue_dma source(%arg13 : memref<128x64xf32, #tpu.memory_space<vmem>>) target(%dma_start3A_85 : memref<128x64xf32, #tpu.memory_space<hbm>>) target_semaphore(%arg23 : memref<!tpu.dma_semaphore, #tpu.memory_space<semaphore_mem>>)
    %dma_wait3A_86 = arith.constant 384 : i32
    %dma_wait3A_87 = tpu.memref_slice %arg5[%dma_wait3A_86] : memref<25600xi32, #tpu.memory_space<vmem>> -> memref<128xi32, #tpu.memory_space<vmem>>
    %dma_wait3A_88 = arith.constant 0 : i32
    %dma_wait3A_89 = arith.constant 0 : i32
    %dma_wait3A_90 = tpu.memref_slice %arg3[%dma_wait3A_88, %dma_wait3A_89] : memref<1000000x64xf32, #tpu.memory_space<hbm>> -> memref<1000000x64xf32, #tpu.memory_space<hbm>>
    tpu.wait_indirect_dma semaphore(%arg19 : memref<!tpu.dma_semaphore, #tpu.memory_space<semaphore_mem>>) src(%dma_wait3A_90 : memref<1000000x64xf32, #tpu.memory_space<hbm>>) dst(%arg9 : memref<128x64xf32, #tpu.memory_space<vmem>>)
    %dma_start3A_91 = arith.constant 896 : i32
    %dma_start3A_92 = tpu.memref_slice %arg5[%dma_start3A_91] : memref<25600xi32, #tpu.memory_space<vmem>> -> memref<128xi32, #tpu.memory_space<vmem>>
    %dma_start3A_93 = arith.constant 0 : i32
    %dma_start3A_94 = arith.constant 0 : i32
    %dma_start3A_95 = tpu.memref_slice %arg3[%dma_start3A_93, %dma_start3A_94] : memref<1000000x64xf32, #tpu.memory_space<hbm>> -> memref<1000000x64xf32, #tpu.memory_space<hbm>>
    tpu.enqueue_indirect_dma source(%dma_start3A_95 : memref<1000000x64xf32, #tpu.memory_space<hbm>>) target(%arg8 : memref<128x64xf32, #tpu.memory_space<vmem>>) offsets(%dma_start3A_92 : memref<128xi32, #tpu.memory_space<vmem>>) semaphore(%arg18 : memref<!tpu.dma_semaphore, #tpu.memory_space<semaphore_mem>>)
    %scan3A_96 = arith.constant 0 : i32
    %scan3A_97 = arith.constant 0 : i32
    %scan3A_98 = arith.constant 32 : i32
    %scan3A_99 = arith.addi %scan3A_97, %scan3A_98 : i32
    %scan3A_100 = arith.constant 1 : i32
    scf.for %scan3A_286 = %scan3A_97 to %scan3A_99 step %scan3A_100  : i32 {
      %mul3A_287 = arith.constant 4 : i32
      %mul3A_288 = arith.muli %scan3A_286, %mul3A_287 : i32
      %add3A_289 = arith.constant 0 : i32
      %add3A_290 = arith.addi %mul3A_288, %add3A_289 : i32
      %get3A = arith.index_cast %add3A_290 : i32 to index
      %get3A_291 = arith.constant 0 : index
      %get3A_292 = tpu.vector_load %arg9[%get3A, %get3A_291] {strides = array<i32>} : memref<128x64xf32, #tpu.memory_space<vmem>>, vector<1x16xf32>,
      %get3A_293 = vector.shape_cast %get3A_292 : vector<1x16xf32> to vector<16xf32>
      %mul3A_294 = arith.constant 8.000000e+00 : f32
      %mul3A_295 = vector.broadcast %mul3A_294 : f32 to vector<16xf32>
      %mul3A_296 = arith.mulf %get3A_293, %mul3A_295 : vector<16xf32>
      %swap3A = arith.index_cast %add3A_290 : i32 to index
      %swap3A_297 = arith.constant 0 : index
      %swap3A_298 = tpu.vector_load %arg14[%swap3A, %swap3A_297] {strides = array<i32>} : memref<128x64xf32, #tpu.memory_space<vmem>>, vector<1x16xf32>,
      %swap3A_299 = vector.shape_cast %swap3A_298 : vector<1x16xf32> to vector<16xf32>
      %swap3A_300 = vector.shape_cast %mul3A_296 : vector<16xf32> to vector<1x16xf32>
      tpu.vector_store %arg14[%swap3A, %swap3A_297], %swap3A_300 {strides = array<i32>} : memref<128x64xf32, #tpu.memory_space<vmem>>, vector<1x16xf32>,
      %get3A_301 = arith.index_cast %add3A_290 : i32 to index
      %get3A_302 = arith.constant 16 : index
      %get3A_303 = tpu.vector_load %arg9[%get3A_301, %get3A_302] {strides = array<i32>} : memref<128x64xf32, #tpu.memory_space<vmem>>, vector<1x16xf32>,
      %get3A_304 = vector.shape_cast %get3A_303 : vector<1x16xf32> to vector<16xf32>
      %mul3A_305 = arith.constant 8.000000e+00 : f32
      %mul3A_306 = vector.broadcast %mul3A_305 : f32 to vector<16xf32>
      %mul3A_307 = arith.mulf %get3A_304, %mul3A_306 : vector<16xf32>
      %swap3A_308 = arith.index_cast %add3A_290 : i32 to index
      %swap3A_309 = arith.constant 16 : index
      %swap3A_310 = tpu.vector_load %arg14[%swap3A_308, %swap3A_309] {strides = array<i32>} : memref<128x64xf32, #tpu.memory_space<vmem>>, vector<1x16xf32>,
      %swap3A_311 = vector.shape_cast %swap3A_310 : vector<1x16xf32> to vector<16xf32>
      %swap3A_312 = vector.shape_cast %mul3A_307 : vector<16xf32> to vector<1x16xf32>
      tpu.vector_store %arg14[%swap3A_308, %swap3A_309], %swap3A_312 {strides = array<i32>} : memref<128x64xf32, #tpu.memory_space<vmem>>, vector<1x16xf32>,
      %get3A_313 = arith.index_cast %add3A_290 : i32 to index
      %get3A_314 = arith.constant 32 : index
      %get3A_315 = tpu.vector_load %arg9[%get3A_313, %get3A_314] {strides = array<i32>} : memref<128x64xf32, #tpu.memory_space<vmem>>, vector<1x16xf32>,
      %get3A_316 = vector.shape_cast %get3A_315 : vector<1x16xf32> to vector<16xf32>
      %mul3A_317 = arith.constant 8.000000e+00 : f32
      %mul3A_318 = vector.broadcast %mul3A_317 : f32 to vector<16xf32>
      %mul3A_319 = arith.mulf %get3A_316, %mul3A_318 : vector<16xf32>
      %swap3A_320 = arith.index_cast %add3A_290 : i32 to index
      %swap3A_321 = arith.constant 32 : index
      %swap3A_322 = tpu.vector_load %arg14[%swap3A_320, %swap3A_321] {strides = array<i32>} : memref<128x64xf32, #tpu.memory_space<vmem>>, vector<1x16xf32>,
      %swap3A_323 = vector.shape_cast %swap3A_322 : vector<1x16xf32> to vector<16xf32>
      %swap3A_324 = vector.shape_cast %mul3A_319 : vector<16xf32> to vector<1x16xf32>
      tpu.vector_store %arg14[%swap3A_320, %swap3A_321], %swap3A_324 {strides = array<i32>} : memref<128x64xf32, #tpu.memory_space<vmem>>, vector<1x16xf32>,
      %get3A_325 = arith.index_cast %add3A_290 : i32 to index
      %get3A_326 = arith.constant 48 : index
      %get3A_327 = tpu.vector_load %arg9[%get3A_325, %get3A_326] {strides = array<i32>} : memref<128x64xf32, #tpu.memory_space<vmem>>, vector<1x16xf32>,
      %get3A_328 = vector.shape_cast %get3A_327 : vector<1x16xf32> to vector<16xf32>
      %mul3A_329 = arith.constant 8.000000e+00 : f32
      %mul3A_330 = vector.broadcast %mul3A_329 : f32 to vector<16xf32>
      %mul3A_331 = arith.mulf %get3A_328, %mul3A_330 : vector<16xf32>
      %swap3A_332 = arith.index_cast %add3A_290 : i32 to index
      %swap3A_333 = arith.constant 48 : index
      %swap3A_334 = tpu.vector_load %arg14[%swap3A_332, %swap3A_333] {strides = array<i32>} : memref<128x64xf32, #tpu.memory_space<vmem>>, vector<1x16xf32>,
      %swap3A_335 = vector.shape_cast %swap3A_334 : vector<1x16xf32> to vector<16xf32>
      %swap3A_336 = vector.shape_cast %mul3A_331 : vector<16xf32> to vector<1x16xf32>
      tpu.vector_store %arg14[%swap3A_332, %swap3A_333], %swap3A_336 {strides = array<i32>} : memref<128x64xf32, #tpu.memory_space<vmem>>, vector<1x16xf32>,
      %mul3A_337 = arith.constant 4 : i32
      %mul3A_338 = arith.muli %scan3A_286, %mul3A_337 : i32
      %add3A_339 = arith.constant 1 : i32
      %add3A_340 = arith.addi %mul3A_338, %add3A_339 : i32
      %get3A_341 = arith.index_cast %add3A_340 : i32 to index
      %get3A_342 = arith.constant 0 : index
      %get3A_343 = tpu.vector_load %arg9[%get3A_341, %get3A_342] {strides = array<i32>} : memref<128x64xf32, #tpu.memory_space<vmem>>, vector<1x16xf32>,
      %get3A_344 = vector.shape_cast %get3A_343 : vector<1x16xf32> to vector<16xf32>
      %mul3A_345 = arith.constant 8.000000e+00 : f32
      %mul3A_346 = vector.broadcast %mul3A_345 : f32 to vector<16xf32>
      %mul3A_347 = arith.mulf %get3A_344, %mul3A_346 : vector<16xf32>
      %swap3A_348 = arith.index_cast %add3A_340 : i32 to index
      %swap3A_349 = arith.constant 0 : index
      %swap3A_350 = tpu.vector_load %arg14[%swap3A_348, %swap3A_349] {strides = array<i32>} : memref<128x64xf32, #tpu.memory_space<vmem>>, vector<1x16xf32>,
      %swap3A_351 = vector.shape_cast %swap3A_350 : vector<1x16xf32> to vector<16xf32>
      %swap3A_352 = vector.shape_cast %mul3A_347 : vector<16xf32> to vector<1x16xf32>
      tpu.vector_store %arg14[%swap3A_348, %swap3A_349], %swap3A_352 {strides = array<i32>} : memref<128x64xf32, #tpu.memory_space<vmem>>, vector<1x16xf32>,
      %get3A_353 = arith.index_cast %add3A_340 : i32 to index
      %get3A_354 = arith.constant 16 : index
      %get3A_355 = tpu.vector_load %arg9[%get3A_353, %get3A_354] {strides = array<i32>} : memref<128x64xf32, #tpu.memory_space<vmem>>, vector<1x16xf32>,
      %get3A_356 = vector.shape_cast %get3A_355 : vector<1x16xf32> to vector<16xf32>
      %mul3A_357 = arith.constant 8.000000e+00 : f32
      %mul3A_358 = vector.broadcast %mul3A_357 : f32 to vector<16xf32>
      %mul3A_359 = arith.mulf %get3A_356, %mul3A_358 : vector<16xf32>
      %swap3A_360 = arith.index_cast %add3A_340 : i32 to index
      %swap3A_361 = arith.constant 16 : index
      %swap3A_362 = tpu.vector_load %arg14[%swap3A_360, %swap3A_361] {strides = array<i32>} : memref<128x64xf32, #tpu.memory_space<vmem>>, vector<1x16xf32>,
      %swap3A_363 = vector.shape_cast %swap3A_362 : vector<1x16xf32> to vector<16xf32>
      %swap3A_364 = vector.shape_cast %mul3A_359 : vector<16xf32> to vector<1x16xf32>
      tpu.vector_store %arg14[%swap3A_360, %swap3A_361], %swap3A_364 {strides = array<i32>} : memref<128x64xf32, #tpu.memory_space<vmem>>, vector<1x16xf32>,
      %get3A_365 = arith.index_cast %add3A_340 : i32 to index
      %get3A_366 = arith.constant 32 : index
      %get3A_367 = tpu.vector_load %arg9[%get3A_365, %get3A_366] {strides = array<i32>} : memref<128x64xf32, #tpu.memory_space<vmem>>, vector<1x16xf32>,
      %get3A_368 = vector.shape_cast %get3A_367 : vector<1x16xf32> to vector<16xf32>
      %mul3A_369 = arith.constant 8.000000e+00 : f32
      %mul3A_370 = vector.broadcast %mul3A_369 : f32 to vector<16xf32>
      %mul3A_371 = arith.mulf %get3A_368, %mul3A_370 : vector<16xf32>
      %swap3A_372 = arith.index_cast %add3A_340 : i32 to index
      %swap3A_373 = arith.constant 32 : index
      %swap3A_374 = tpu.vector_load %arg14[%swap3A_372, %swap3A_373] {strides = array<i32>} : memref<128x64xf32, #tpu.memory_space<vmem>>, vector<1x16xf32>,
      %swap3A_375 = vector.shape_cast %swap3A_374 : vector<1x16xf32> to vector<16xf32>
      %swap3A_376 = vector.shape_cast %mul3A_371 : vector<16xf32> to vector<1x16xf32>
      tpu.vector_store %arg14[%swap3A_372, %swap3A_373], %swap3A_376 {strides = array<i32>} : memref<128x64xf32, #tpu.memory_space<vmem>>, vector<1x16xf32>,
      %get3A_377 = arith.index_cast %add3A_340 : i32 to index
      %get3A_378 = arith.constant 48 : index
      %get3A_379 = tpu.vector_load %arg9[%get3A_377, %get3A_378] {strides = array<i32>} : memref<128x64xf32, #tpu.memory_space<vmem>>, vector<1x16xf32>,
      %get3A_380 = vector.shape_cast %get3A_379 : vector<1x16xf32> to vector<16xf32>
      %mul3A_381 = arith.constant 8.000000e+00 : f32
      %mul3A_382 = vector.broadcast %mul3A_381 : f32 to vector<16xf32>
      %mul3A_383 = arith.mulf %get3A_380, %mul3A_382 : vector<16xf32>
      %swap3A_384 = arith.index_cast %add3A_340 : i32 to index
      %swap3A_385 = arith.constant 48 : index
      %swap3A_386 = tpu.vector_load %arg14[%swap3A_384, %swap3A_385] {strides = array<i32>} : memref<128x64xf32, #tpu.memory_space<vmem>>, vector<1x16xf32>,
      %swap3A_387 = vector.shape_cast %swap3A_386 : vector<1x16xf32> to vector<16xf32>
      %swap3A_388 = vector.shape_cast %mul3A_383 : vector<16xf32> to vector<1x16xf32>
      tpu.vector_store %arg14[%swap3A_384, %swap3A_385], %swap3A_388 {strides = array<i32>} : memref<128x64xf32, #tpu.memory_space<vmem>>, vector<1x16xf32>,
      %mul3A_389 = arith.constant 4 : i32
      %mul3A_390 = arith.muli %scan3A_286, %mul3A_389 : i32
      %add3A_391 = arith.constant 2 : i32
      %add3A_392 = arith.addi %mul3A_390, %add3A_391 : i32
      %get3A_393 = arith.index_cast %add3A_392 : i32 to index
      %get3A_394 = arith.constant 0 : index
      %get3A_395 = tpu.vector_load %arg9[%get3A_393, %get3A_394] {strides = array<i32>} : memref<128x64xf32, #tpu.memory_space<vmem>>, vector<1x16xf32>,
      %get3A_396 = vector.shape_cast %get3A_395 : vector<1x16xf32> to vector<16xf32>
      %mul3A_397 = arith.constant 8.000000e+00 : f32
      %mul3A_398 = vector.broadcast %mul3A_397 : f32 to vector<16xf32>
      %mul3A_399 = arith.mulf %get3A_396, %mul3A_398 : vector<16xf32>
      %swap3A_400 = arith.index_cast %add3A_392 : i32 to index
      %swap3A_401 = arith.constant 0 : index
      %swap3A_402 = tpu.vector_load %arg14[%swap3A_400, %swap3A_401] {strides = array<i32>} : memref<128x64xf32, #tpu.memory_space<vmem>>, vector<1x16xf32>,
      %swap3A_403 = vector.shape_cast %swap3A_402 : vector<1x16xf32> to vector<16xf32>
      %swap3A_404 = vector.shape_cast %mul3A_399 : vector<16xf32> to vector<1x16xf32>
      tpu.vector_store %arg14[%swap3A_400, %swap3A_401], %swap3A_404 {strides = array<i32>} : memref<128x64xf32, #tpu.memory_space<vmem>>, vector<1x16xf32>,
      %get3A_405 = arith.index_cast %add3A_392 : i32 to index
      %get3A_406 = arith.constant 16 : index
      %get3A_407 = tpu.vector_load %arg9[%get3A_405, %get3A_406] {strides = array<i32>} : memref<128x64xf32, #tpu.memory_space<vmem>>, vector<1x16xf32>,
      %get3A_408 = vector.shape_cast %get3A_407 : vector<1x16xf32> to vector<16xf32>
      %mul3A_409 = arith.constant 8.000000e+00 : f32
      %mul3A_410 = vector.broadcast %mul3A_409 : f32 to vector<16xf32>
      %mul3A_411 = arith.mulf %get3A_408, %mul3A_410 : vector<16xf32>
      %swap3A_412 = arith.index_cast %add3A_392 : i32 to index
      %swap3A_413 = arith.constant 16 : index
      %swap3A_414 = tpu.vector_load %arg14[%swap3A_412, %swap3A_413] {strides = array<i32>} : memref<128x64xf32, #tpu.memory_space<vmem>>, vector<1x16xf32>,
      %swap3A_415 = vector.shape_cast %swap3A_414 : vector<1x16xf32> to vector<16xf32>
      %swap3A_416 = vector.shape_cast %mul3A_411 : vector<16xf32> to vector<1x16xf32>
      tpu.vector_store %arg14[%swap3A_412, %swap3A_413], %swap3A_416 {strides = array<i32>} : memref<128x64xf32, #tpu.memory_space<vmem>>, vector<1x16xf32>,
      %get3A_417 = arith.index_cast %add3A_392 : i32 to index
      %get3A_418 = arith.constant 32 : index
      %get3A_419 = tpu.vector_load %arg9[%get3A_417, %get3A_418] {strides = array<i32>} : memref<128x64xf32, #tpu.memory_space<vmem>>, vector<1x16xf32>,
      %get3A_420 = vector.shape_cast %get3A_419 : vector<1x16xf32> to vector<16xf32>
      %mul3A_421 = arith.constant 8.000000e+00 : f32
      %mul3A_422 = vector.broadcast %mul3A_421 : f32 to vector<16xf32>
      %mul3A_423 = arith.mulf %get3A_420, %mul3A_422 : vector<16xf32>
      %swap3A_424 = arith.index_cast %add3A_392 : i32 to index
      %swap3A_425 = arith.constant 32 : index
      %swap3A_426 = tpu.vector_load %arg14[%swap3A_424, %swap3A_425] {strides = array<i32>} : memref<128x64xf32, #tpu.memory_space<vmem>>, vector<1x16xf32>,
      %swap3A_427 = vector.shape_cast %swap3A_426 : vector<1x16xf32> to vector<16xf32>
      %swap3A_428 = vector.shape_cast %mul3A_423 : vector<16xf32> to vector<1x16xf32>
      tpu.vector_store %arg14[%swap3A_424, %swap3A_425], %swap3A_428 {strides = array<i32>} : memref<128x64xf32, #tpu.memory_space<vmem>>, vector<1x16xf32>,
      %get3A_429 = arith.index_cast %add3A_392 : i32 to index
      %get3A_430 = arith.constant 48 : index
      %get3A_431 = tpu.vector_load %arg9[%get3A_429, %get3A_430] {strides = array<i32>} : memref<128x64xf32, #tpu.memory_space<vmem>>, vector<1x16xf32>,
      %get3A_432 = vector.shape_cast %get3A_431 : vector<1x16xf32> to vector<16xf32>
      %mul3A_433 = arith.constant 8.000000e+00 : f32
      %mul3A_434 = vector.broadcast %mul3A_433 : f32 to vector<16xf32>
      %mul3A_435 = arith.mulf %get3A_432, %mul3A_434 : vector<16xf32>
      %swap3A_436 = arith.index_cast %add3A_392 : i32 to index
      %swap3A_437 = arith.constant 48 : index
      %swap3A_438 = tpu.vector_load %arg14[%swap3A_436, %swap3A_437] {strides = array<i32>} : memref<128x64xf32, #tpu.memory_space<vmem>>, vector<1x16xf32>,
      %swap3A_439 = vector.shape_cast %swap3A_438 : vector<1x16xf32> to vector<16xf32>
      %swap3A_440 = vector.shape_cast %mul3A_435 : vector<16xf32> to vector<1x16xf32>
      tpu.vector_store %arg14[%swap3A_436, %swap3A_437], %swap3A_440 {strides = array<i32>} : memref<128x64xf32, #tpu.memory_space<vmem>>, vector<1x16xf32>,
      %mul3A_441 = arith.constant 4 : i32
      %mul3A_442 = arith.muli %scan3A_286, %mul3A_441 : i32
      %add3A_443 = arith.constant 3 : i32
      %add3A_444 = arith.addi %mul3A_442, %add3A_443 : i32
      %get3A_445 = arith.index_cast %add3A_444 : i32 to index
      %get3A_446 = arith.constant 0 : index
      %get3A_447 = tpu.vector_load %arg9[%get3A_445, %get3A_446] {strides = array<i32>} : memref<128x64xf32, #tpu.memory_space<vmem>>, vector<1x16xf32>,
      %get3A_448 = vector.shape_cast %get3A_447 : vector<1x16xf32> to vector<16xf32>
      %mul3A_449 = arith.constant 8.000000e+00 : f32
      %mul3A_450 = vector.broadcast %mul3A_449 : f32 to vector<16xf32>
      %mul3A_451 = arith.mulf %get3A_448, %mul3A_450 : vector<16xf32>
      %swap3A_452 = arith.index_cast %add3A_444 : i32 to index
      %swap3A_453 = arith.constant 0 : index
      %swap3A_454 = tpu.vector_load %arg14[%swap3A_452, %swap3A_453] {strides = array<i32>} : memref<128x64xf32, #tpu.memory_space<vmem>>, vector<1x16xf32>,
      %swap3A_455 = vector.shape_cast %swap3A_454 : vector<1x16xf32> to vector<16xf32>
      %swap3A_456 = vector.shape_cast %mul3A_451 : vector<16xf32> to vector<1x16xf32>
      tpu.vector_store %arg14[%swap3A_452, %swap3A_453], %swap3A_456 {strides = array<i32>} : memref<128x64xf32, #tpu.memory_space<vmem>>, vector<1x16xf32>,
      %get3A_457 = arith.index_cast %add3A_444 : i32 to index
      %get3A_458 = arith.constant 16 : index
      %get3A_459 = tpu.vector_load %arg9[%get3A_457, %get3A_458] {strides = array<i32>} : memref<128x64xf32, #tpu.memory_space<vmem>>, vector<1x16xf32>,
      %get3A_460 = vector.shape_cast %get3A_459 : vector<1x16xf32> to vector<16xf32>
      %mul3A_461 = arith.constant 8.000000e+00 : f32
      %mul3A_462 = vector.broadcast %mul3A_461 : f32 to vector<16xf32>
      %mul3A_463 = arith.mulf %get3A_460, %mul3A_462 : vector<16xf32>
      %swap3A_464 = arith.index_cast %add3A_444 : i32 to index
      %swap3A_465 = arith.constant 16 : index
      %swap3A_466 = tpu.vector_load %arg14[%swap3A_464, %swap3A_465] {strides = array<i32>} : memref<128x64xf32, #tpu.memory_space<vmem>>, vector<1x16xf32>,
      %swap3A_467 = vector.shape_cast %swap3A_466 : vector<1x16xf32> to vector<16xf32>
      %swap3A_468 = vector.shape_cast %mul3A_463 : vector<16xf32> to vector<1x16xf32>
      tpu.vector_store %arg14[%swap3A_464, %swap3A_465], %swap3A_468 {strides = array<i32>} : memref<128x64xf32, #tpu.memory_space<vmem>>, vector<1x16xf32>,
      %get3A_469 = arith.index_cast %add3A_444 : i32 to index
      %get3A_470 = arith.constant 32 : index
      %get3A_471 = tpu.vector_load %arg9[%get3A_469, %get3A_470] {strides = array<i32>} : memref<128x64xf32, #tpu.memory_space<vmem>>, vector<1x16xf32>,
      %get3A_472 = vector.shape_cast %get3A_471 : vector<1x16xf32> to vector<16xf32>
      %mul3A_473 = arith.constant 8.000000e+00 : f32
      %mul3A_474 = vector.broadcast %mul3A_473 : f32 to vector<16xf32>
      %mul3A_475 = arith.mulf %get3A_472, %mul3A_474 : vector<16xf32>
      %swap3A_476 = arith.index_cast %add3A_444 : i32 to index
      %swap3A_477 = arith.constant 32 : index
      %swap3A_478 = tpu.vector_load %arg14[%swap3A_476, %swap3A_477] {strides = array<i32>} : memref<128x64xf32, #tpu.memory_space<vmem>>, vector<1x16xf32>,
      %swap3A_479 = vector.shape_cast %swap3A_478 : vector<1x16xf32> to vector<16xf32>
      %swap3A_480 = vector.shape_cast %mul3A_475 : vector<16xf32> to vector<1x16xf32>
      tpu.vector_store %arg14[%swap3A_476, %swap3A_477], %swap3A_480 {strides = array<i32>} : memref<128x64xf32, #tpu.memory_space<vmem>>, vector<1x16xf32>,
      %get3A_481 = arith.index_cast %add3A_444 : i32 to index
      %get3A_482 = arith.constant 48 : index
      %get3A_483 = tpu.vector_load %arg9[%get3A_481, %get3A_482] {strides = array<i32>} : memref<128x64xf32, #tpu.memory_space<vmem>>, vector<1x16xf32>,
      %get3A_484 = vector.shape_cast %get3A_483 : vector<1x16xf32> to vector<16xf32>
      %mul3A_485 = arith.constant 8.000000e+00 : f32
      %mul3A_486 = vector.broadcast %mul3A_485 : f32 to vector<16xf32>
      %mul3A_487 = arith.mulf %get3A_484, %mul3A_486 : vector<16xf32>
      %swap3A_488 = arith.index_cast %add3A_444 : i32 to index
      %swap3A_489 = arith.constant 48 : index
      %swap3A_490 = tpu.vector_load %arg14[%swap3A_488, %swap3A_489] {strides = array<i32>} : memref<128x64xf32, #tpu.memory_space<vmem>>, vector<1x16xf32>,
      %swap3A_491 = vector.shape_cast %swap3A_490 : vector<1x16xf32> to vector<16xf32>
      %swap3A_492 = vector.shape_cast %mul3A_487 : vector<16xf32> to vector<1x16xf32>
      tpu.vector_store %arg14[%swap3A_488, %swap3A_489], %swap3A_492 {strides = array<i32>} : memref<128x64xf32, #tpu.memory_space<vmem>>, vector<1x16xf32>,
    }
    %scan3A_101 = arith.constant 32 : i32
    %add3A_102 = arith.constant 384 : i32
    %add3A_103 = arith.addi %mul3A_2, %add3A_102 : i32
    %dma_start3A_104 = arith.constant 0 : i32
    %dma_start3A_105 = tpu.memref_slice %arg4[%add3A_103, %dma_start3A_104] : memref<819200x64xf32, #tpu.memory_space<hbm>> -> memref<128x64xf32, #tpu.memory_space<hbm>>
    %dma_start3A_106 = arith.constant 0 : i32
    %dma_start3A_107 = tpu.memref_slice %arg4[%add3A_103, %dma_start3A_106] : memref<819200x64xf32, #tpu.memory_space<hbm>> -> memref<128x64xf32, #tpu.memory_space<hbm>>
    tpu.enqueue_dma source(%arg14 : memref<128x64xf32, #tpu.memory_space<vmem>>) target(%dma_start3A_107 : memref<128x64xf32, #tpu.memory_space<hbm>>) target_semaphore(%arg24 : memref<!tpu.dma_semaphore, #tpu.memory_space<semaphore_mem>>)
    %dma_wait3A_108 = arith.constant 512 : i32
    %dma_wait3A_109 = tpu.memref_slice %arg5[%dma_wait3A_108] : memref<25600xi32, #tpu.memory_space<vmem>> -> memref<128xi32, #tpu.memory_space<vmem>>
    %dma_wait3A_110 = arith.constant 0 : i32
    %dma_wait3A_111 = arith.constant 0 : i32
    %dma_wait3A_112 = tpu.memref_slice %arg3[%dma_wait3A_110, %dma_wait3A_111] : memref<1000000x64xf32, #tpu.memory_space<hbm>> -> memref<1000000x64xf32, #tpu.memory_space<hbm>>
    tpu.wait_indirect_dma semaphore(%arg20 : memref<!tpu.dma_semaphore, #tpu.memory_space<semaphore_mem>>) src(%dma_wait3A_112 : memref<1000000x64xf32, #tpu.memory_space<hbm>>) dst(%arg10 : memref<128x64xf32, #tpu.memory_space<vmem>>)
    %dma_start3A_113 = arith.constant 1024 : i32
    %dma_start3A_114 = tpu.memref_slice %arg5[%dma_start3A_113] : memref<25600xi32, #tpu.memory_space<vmem>> -> memref<128xi32, #tpu.memory_space<vmem>>
    %dma_start3A_115 = arith.constant 0 : i32
    %dma_start3A_116 = arith.constant 0 : i32
    %dma_start3A_117 = tpu.memref_slice %arg3[%dma_start3A_115, %dma_start3A_116] : memref<1000000x64xf32, #tpu.memory_space<hbm>> -> memref<1000000x64xf32, #tpu.memory_space<hbm>>
    tpu.enqueue_indirect_dma source(%dma_start3A_117 : memref<1000000x64xf32, #tpu.memory_space<hbm>>) target(%arg9 : memref<128x64xf32, #tpu.memory_space<vmem>>) offsets(%dma_start3A_114 : memref<128xi32, #tpu.memory_space<vmem>>) semaphore(%arg19 : memref<!tpu.dma_semaphore, #tpu.memory_space<semaphore_mem>>)
    %scan3A_118 = arith.constant 0 : i32
    %scan3A_119 = arith.constant 0 : i32
    %scan3A_120 = arith.constant 32 : i32
    %scan3A_121 = arith.addi %scan3A_119, %scan3A_120 : i32
    %scan3A_122 = arith.constant 1 : i32
    scf.for %scan3A_286 = %scan3A_119 to %scan3A_121 step %scan3A_122  : i32 {
      %mul3A_287 = arith.constant 4 : i32
      %mul3A_288 = arith.muli %scan3A_286, %mul3A_287 : i32
      %add3A_289 = arith.constant 0 : i32
      %add3A_290 = arith.addi %mul3A_288, %add3A_289 : i32
      %get3A = arith.index_cast %add3A_290 : i32 to index
      %get3A_291 = arith.constant 0 : index
      %get3A_292 = tpu.vector_load %arg10[%get3A, %get3A_291] {strides = array<i32>} : memref<128x64xf32, #tpu.memory_space<vmem>>, vector<1x16xf32>,
      %get3A_293 = vector.shape_cast %get3A_292 : vector<1x16xf32> to vector<16xf32>
      %mul3A_294 = arith.constant 8.000000e+00 : f32
      %mul3A_295 = vector.broadcast %mul3A_294 : f32 to vector<16xf32>
      %mul3A_296 = arith.mulf %get3A_293, %mul3A_295 : vector<16xf32>
      %swap3A = arith.index_cast %add3A_290 : i32 to index
      %swap3A_297 = arith.constant 0 : index
      %swap3A_298 = tpu.vector_load %arg15[%swap3A, %swap3A_297] {strides = array<i32>} : memref<128x64xf32, #tpu.memory_space<vmem>>, vector<1x16xf32>,
      %swap3A_299 = vector.shape_cast %swap3A_298 : vector<1x16xf32> to vector<16xf32>
      %swap3A_300 = vector.shape_cast %mul3A_296 : vector<16xf32> to vector<1x16xf32>
      tpu.vector_store %arg15[%swap3A, %swap3A_297], %swap3A_300 {strides = array<i32>} : memref<128x64xf32, #tpu.memory_space<vmem>>, vector<1x16xf32>,
      %get3A_301 = arith.index_cast %add3A_290 : i32 to index
      %get3A_302 = arith.constant 16 : index
      %get3A_303 = tpu.vector_load %arg10[%get3A_301, %get3A_302] {strides = array<i32>} : memref<128x64xf32, #tpu.memory_space<vmem>>, vector<1x16xf32>,
      %get3A_304 = vector.shape_cast %get3A_303 : vector<1x16xf32> to vector<16xf32>
      %mul3A_305 = arith.constant 8.000000e+00 : f32
      %mul3A_306 = vector.broadcast %mul3A_305 : f32 to vector<16xf32>
      %mul3A_307 = arith.mulf %get3A_304, %mul3A_306 : vector<16xf32>
      %swap3A_308 = arith.index_cast %add3A_290 : i32 to index
      %swap3A_309 = arith.constant 16 : index
      %swap3A_310 = tpu.vector_load %arg15[%swap3A_308, %swap3A_309] {strides = array<i32>} : memref<128x64xf32, #tpu.memory_space<vmem>>, vector<1x16xf32>,
      %swap3A_311 = vector.shape_cast %swap3A_310 : vector<1x16xf32> to vector<16xf32>
      %swap3A_312 = vector.shape_cast %mul3A_307 : vector<16xf32> to vector<1x16xf32>
      tpu.vector_store %arg15[%swap3A_308, %swap3A_309], %swap3A_312 {strides = array<i32>} : memref<128x64xf32, #tpu.memory_space<vmem>>, vector<1x16xf32>,
      %get3A_313 = arith.index_cast %add3A_290 : i32 to index
      %get3A_314 = arith.constant 32 : index
      %get3A_315 = tpu.vector_load %arg10[%get3A_313, %get3A_314] {strides = array<i32>} : memref<128x64xf32, #tpu.memory_space<vmem>>, vector<1x16xf32>,
      %get3A_316 = vector.shape_cast %get3A_315 : vector<1x16xf32> to vector<16xf32>
      %mul3A_317 = arith.constant 8.000000e+00 : f32
      %mul3A_318 = vector.broadcast %mul3A_317 : f32 to vector<16xf32>
      %mul3A_319 = arith.mulf %get3A_316, %mul3A_318 : vector<16xf32>
      %swap3A_320 = arith.index_cast %add3A_290 : i32 to index
      %swap3A_321 = arith.constant 32 : index
      %swap3A_322 = tpu.vector_load %arg15[%swap3A_320, %swap3A_321] {strides = array<i32>} : memref<128x64xf32, #tpu.memory_space<vmem>>, vector<1x16xf32>,
      %swap3A_323 = vector.shape_cast %swap3A_322 : vector<1x16xf32> to vector<16xf32>
      %swap3A_324 = vector.shape_cast %mul3A_319 : vector<16xf32> to vector<1x16xf32>
      tpu.vector_store %arg15[%swap3A_320, %swap3A_321], %swap3A_324 {strides = array<i32>} : memref<128x64xf32, #tpu.memory_space<vmem>>, vector<1x16xf32>,
      %get3A_325 = arith.index_cast %add3A_290 : i32 to index
      %get3A_326 = arith.constant 48 : index
      %get3A_327 = tpu.vector_load %arg10[%get3A_325, %get3A_326] {strides = array<i32>} : memref<128x64xf32, #tpu.memory_space<vmem>>, vector<1x16xf32>,
      %get3A_328 = vector.shape_cast %get3A_327 : vector<1x16xf32> to vector<16xf32>
      %mul3A_329 = arith.constant 8.000000e+00 : f32
      %mul3A_330 = vector.broadcast %mul3A_329 : f32 to vector<16xf32>
      %mul3A_331 = arith.mulf %get3A_328, %mul3A_330 : vector<16xf32>
      %swap3A_332 = arith.index_cast %add3A_290 : i32 to index
      %swap3A_333 = arith.constant 48 : index
      %swap3A_334 = tpu.vector_load %arg15[%swap3A_332, %swap3A_333] {strides = array<i32>} : memref<128x64xf32, #tpu.memory_space<vmem>>, vector<1x16xf32>,
      %swap3A_335 = vector.shape_cast %swap3A_334 : vector<1x16xf32> to vector<16xf32>
      %swap3A_336 = vector.shape_cast %mul3A_331 : vector<16xf32> to vector<1x16xf32>
      tpu.vector_store %arg15[%swap3A_332, %swap3A_333], %swap3A_336 {strides = array<i32>} : memref<128x64xf32, #tpu.memory_space<vmem>>, vector<1x16xf32>,
      %mul3A_337 = arith.constant 4 : i32
      %mul3A_338 = arith.muli %scan3A_286, %mul3A_337 : i32
      %add3A_339 = arith.constant 1 : i32
      %add3A_340 = arith.addi %mul3A_338, %add3A_339 : i32
      %get3A_341 = arith.index_cast %add3A_340 : i32 to index
      %get3A_342 = arith.constant 0 : index
      %get3A_343 = tpu.vector_load %arg10[%get3A_341, %get3A_342] {strides = array<i32>} : memref<128x64xf32, #tpu.memory_space<vmem>>, vector<1x16xf32>,
      %get3A_344 = vector.shape_cast %get3A_343 : vector<1x16xf32> to vector<16xf32>
      %mul3A_345 = arith.constant 8.000000e+00 : f32
      %mul3A_346 = vector.broadcast %mul3A_345 : f32 to vector<16xf32>
      %mul3A_347 = arith.mulf %get3A_344, %mul3A_346 : vector<16xf32>
      %swap3A_348 = arith.index_cast %add3A_340 : i32 to index
      %swap3A_349 = arith.constant 0 : index
      %swap3A_350 = tpu.vector_load %arg15[%swap3A_348, %swap3A_349] {strides = array<i32>} : memref<128x64xf32, #tpu.memory_space<vmem>>, vector<1x16xf32>,
      %swap3A_351 = vector.shape_cast %swap3A_350 : vector<1x16xf32> to vector<16xf32>
      %swap3A_352 = vector.shape_cast %mul3A_347 : vector<16xf32> to vector<1x16xf32>
      tpu.vector_store %arg15[%swap3A_348, %swap3A_349], %swap3A_352 {strides = array<i32>} : memref<128x64xf32, #tpu.memory_space<vmem>>, vector<1x16xf32>,
      %get3A_353 = arith.index_cast %add3A_340 : i32 to index
      %get3A_354 = arith.constant 16 : index
      %get3A_355 = tpu.vector_load %arg10[%get3A_353, %get3A_354] {strides = array<i32>} : memref<128x64xf32, #tpu.memory_space<vmem>>, vector<1x16xf32>,
      %get3A_356 = vector.shape_cast %get3A_355 : vector<1x16xf32> to vector<16xf32>
      %mul3A_357 = arith.constant 8.000000e+00 : f32
      %mul3A_358 = vector.broadcast %mul3A_357 : f32 to vector<16xf32>
      %mul3A_359 = arith.mulf %get3A_356, %mul3A_358 : vector<16xf32>
      %swap3A_360 = arith.index_cast %add3A_340 : i32 to index
      %swap3A_361 = arith.constant 16 : index
      %swap3A_362 = tpu.vector_load %arg15[%swap3A_360, %swap3A_361] {strides = array<i32>} : memref<128x64xf32, #tpu.memory_space<vmem>>, vector<1x16xf32>,
      %swap3A_363 = vector.shape_cast %swap3A_362 : vector<1x16xf32> to vector<16xf32>
      %swap3A_364 = vector.shape_cast %mul3A_359 : vector<16xf32> to vector<1x16xf32>
      tpu.vector_store %arg15[%swap3A_360, %swap3A_361], %swap3A_364 {strides = array<i32>} : memref<128x64xf32, #tpu.memory_space<vmem>>, vector<1x16xf32>,
      %get3A_365 = arith.index_cast %add3A_340 : i32 to index
      %get3A_366 = arith.constant 32 : index
      %get3A_367 = tpu.vector_load %arg10[%get3A_365, %get3A_366] {strides = array<i32>} : memref<128x64xf32, #tpu.memory_space<vmem>>, vector<1x16xf32>,
      %get3A_368 = vector.shape_cast %get3A_367 : vector<1x16xf32> to vector<16xf32>
      %mul3A_369 = arith.constant 8.000000e+00 : f32
      %mul3A_370 = vector.broadcast %mul3A_369 : f32 to vector<16xf32>
      %mul3A_371 = arith.mulf %get3A_368, %mul3A_370 : vector<16xf32>
      %swap3A_372 = arith.index_cast %add3A_340 : i32 to index
      %swap3A_373 = arith.constant 32 : index
      %swap3A_374 = tpu.vector_load %arg15[%swap3A_372, %swap3A_373] {strides = array<i32>} : memref<128x64xf32, #tpu.memory_space<vmem>>, vector<1x16xf32>,
      %swap3A_375 = vector.shape_cast %swap3A_374 : vector<1x16xf32> to vector<16xf32>
      %swap3A_376 = vector.shape_cast %mul3A_371 : vector<16xf32> to vector<1x16xf32>
      tpu.vector_store %arg15[%swap3A_372, %swap3A_373], %swap3A_376 {strides = array<i32>} : memref<128x64xf32, #tpu.memory_space<vmem>>, vector<1x16xf32>,
      %get3A_377 = arith.index_cast %add3A_340 : i32 to index
      %get3A_378 = arith.constant 48 : index
      %get3A_379 = tpu.vector_load %arg10[%get3A_377, %get3A_378] {strides = array<i32>} : memref<128x64xf32, #tpu.memory_space<vmem>>, vector<1x16xf32>,
      %get3A_380 = vector.shape_cast %get3A_379 : vector<1x16xf32> to vector<16xf32>
      %mul3A_381 = arith.constant 8.000000e+00 : f32
      %mul3A_382 = vector.broadcast %mul3A_381 : f32 to vector<16xf32>
      %mul3A_383 = arith.mulf %get3A_380, %mul3A_382 : vector<16xf32>
      %swap3A_384 = arith.index_cast %add3A_340 : i32 to index
      %swap3A_385 = arith.constant 48 : index
      %swap3A_386 = tpu.vector_load %arg15[%swap3A_384, %swap3A_385] {strides = array<i32>} : memref<128x64xf32, #tpu.memory_space<vmem>>, vector<1x16xf32>,
      %swap3A_387 = vector.shape_cast %swap3A_386 : vector<1x16xf32> to vector<16xf32>
      %swap3A_388 = vector.shape_cast %mul3A_383 : vector<16xf32> to vector<1x16xf32>
      tpu.vector_store %arg15[%swap3A_384, %swap3A_385], %swap3A_388 {strides = array<i32>} : memref<128x64xf32, #tpu.memory_space<vmem>>, vector<1x16xf32>,
      %mul3A_389 = arith.constant 4 : i32
      %mul3A_390 = arith.muli %scan3A_286, %mul3A_389 : i32
      %add3A_391 = arith.constant 2 : i32
      %add3A_392 = arith.addi %mul3A_390, %add3A_391 : i32
      %get3A_393 = arith.index_cast %add3A_392 : i32 to index
      %get3A_394 = arith.constant 0 : index
      %get3A_395 = tpu.vector_load %arg10[%get3A_393, %get3A_394] {strides = array<i32>} : memref<128x64xf32, #tpu.memory_space<vmem>>, vector<1x16xf32>,
      %get3A_396 = vector.shape_cast %get3A_395 : vector<1x16xf32> to vector<16xf32>
      %mul3A_397 = arith.constant 8.000000e+00 : f32
      %mul3A_398 = vector.broadcast %mul3A_397 : f32 to vector<16xf32>
      %mul3A_399 = arith.mulf %get3A_396, %mul3A_398 : vector<16xf32>
      %swap3A_400 = arith.index_cast %add3A_392 : i32 to index
      %swap3A_401 = arith.constant 0 : index
      %swap3A_402 = tpu.vector_load %arg15[%swap3A_400, %swap3A_401] {strides = array<i32>} : memref<128x64xf32, #tpu.memory_space<vmem>>, vector<1x16xf32>,
      %swap3A_403 = vector.shape_cast %swap3A_402 : vector<1x16xf32> to vector<16xf32>
      %swap3A_404 = vector.shape_cast %mul3A_399 : vector<16xf32> to vector<1x16xf32>
      tpu.vector_store %arg15[%swap3A_400, %swap3A_401], %swap3A_404 {strides = array<i32>} : memref<128x64xf32, #tpu.memory_space<vmem>>, vector<1x16xf32>,
      %get3A_405 = arith.index_cast %add3A_392 : i32 to index
      %get3A_406 = arith.constant 16 : index
      %get3A_407 = tpu.vector_load %arg10[%get3A_405, %get3A_406] {strides = array<i32>} : memref<128x64xf32, #tpu.memory_space<vmem>>, vector<1x16xf32>,
      %get3A_408 = vector.shape_cast %get3A_407 : vector<1x16xf32> to vector<16xf32>
      %mul3A_409 = arith.constant 8.000000e+00 : f32
      %mul3A_410 = vector.broadcast %mul3A_409 : f32 to vector<16xf32>
      %mul3A_411 = arith.mulf %get3A_408, %mul3A_410 : vector<16xf32>
      %swap3A_412 = arith.index_cast %add3A_392 : i32 to index
      %swap3A_413 = arith.constant 16 : index
      %swap3A_414 = tpu.vector_load %arg15[%swap3A_412, %swap3A_413] {strides = array<i32>} : memref<128x64xf32, #tpu.memory_space<vmem>>, vector<1x16xf32>,
      %swap3A_415 = vector.shape_cast %swap3A_414 : vector<1x16xf32> to vector<16xf32>
      %swap3A_416 = vector.shape_cast %mul3A_411 : vector<16xf32> to vector<1x16xf32>
      tpu.vector_store %arg15[%swap3A_412, %swap3A_413], %swap3A_416 {strides = array<i32>} : memref<128x64xf32, #tpu.memory_space<vmem>>, vector<1x16xf32>,
      %get3A_417 = arith.index_cast %add3A_392 : i32 to index
      %get3A_418 = arith.constant 32 : index
      %get3A_419 = tpu.vector_load %arg10[%get3A_417, %get3A_418] {strides = array<i32>} : memref<128x64xf32, #tpu.memory_space<vmem>>, vector<1x16xf32>,
      %get3A_420 = vector.shape_cast %get3A_419 : vector<1x16xf32> to vector<16xf32>
      %mul3A_421 = arith.constant 8.000000e+00 : f32
      %mul3A_422 = vector.broadcast %mul3A_421 : f32 to vector<16xf32>
      %mul3A_423 = arith.mulf %get3A_420, %mul3A_422 : vector<16xf32>
      %swap3A_424 = arith.index_cast %add3A_392 : i32 to index
      %swap3A_425 = arith.constant 32 : index
      %swap3A_426 = tpu.vector_load %arg15[%swap3A_424, %swap3A_425] {strides = array<i32>} : memref<128x64xf32, #tpu.memory_space<vmem>>, vector<1x16xf32>,
      %swap3A_427 = vector.shape_cast %swap3A_426 : vector<1x16xf32> to vector<16xf32>
      %swap3A_428 = vector.shape_cast %mul3A_423 : vector<16xf32> to vector<1x16xf32>
      tpu.vector_store %arg15[%swap3A_424, %swap3A_425], %swap3A_428 {strides = array<i32>} : memref<128x64xf32, #tpu.memory_space<vmem>>, vector<1x16xf32>,
      %get3A_429 = arith.index_cast %add3A_392 : i32 to index
      %get3A_430 = arith.constant 48 : index
      %get3A_431 = tpu.vector_load %arg10[%get3A_429, %get3A_430] {strides = array<i32>} : memref<128x64xf32, #tpu.memory_space<vmem>>, vector<1x16xf32>,
      %get3A_432 = vector.shape_cast %get3A_431 : vector<1x16xf32> to vector<16xf32>
      %mul3A_433 = arith.constant 8.000000e+00 : f32
      %mul3A_434 = vector.broadcast %mul3A_433 : f32 to vector<16xf32>
      %mul3A_435 = arith.mulf %get3A_432, %mul3A_434 : vector<16xf32>
      %swap3A_436 = arith.index_cast %add3A_392 : i32 to index
      %swap3A_437 = arith.constant 48 : index
      %swap3A_438 = tpu.vector_load %arg15[%swap3A_436, %swap3A_437] {strides = array<i32>} : memref<128x64xf32, #tpu.memory_space<vmem>>, vector<1x16xf32>,
      %swap3A_439 = vector.shape_cast %swap3A_438 : vector<1x16xf32> to vector<16xf32>
      %swap3A_440 = vector.shape_cast %mul3A_435 : vector<16xf32> to vector<1x16xf32>
      tpu.vector_store %arg15[%swap3A_436, %swap3A_437], %swap3A_440 {strides = array<i32>} : memref<128x64xf32, #tpu.memory_space<vmem>>, vector<1x16xf32>,
      %mul3A_441 = arith.constant 4 : i32
      %mul3A_442 = arith.muli %scan3A_286, %mul3A_441 : i32
      %add3A_443 = arith.constant 3 : i32
      %add3A_444 = arith.addi %mul3A_442, %add3A_443 : i32
      %get3A_445 = arith.index_cast %add3A_444 : i32 to index
      %get3A_446 = arith.constant 0 : index
      %get3A_447 = tpu.vector_load %arg10[%get3A_445, %get3A_446] {strides = array<i32>} : memref<128x64xf32, #tpu.memory_space<vmem>>, vector<1x16xf32>,
      %get3A_448 = vector.shape_cast %get3A_447 : vector<1x16xf32> to vector<16xf32>
      %mul3A_449 = arith.constant 8.000000e+00 : f32
      %mul3A_450 = vector.broadcast %mul3A_449 : f32 to vector<16xf32>
      %mul3A_451 = arith.mulf %get3A_448, %mul3A_450 : vector<16xf32>
      %swap3A_452 = arith.index_cast %add3A_444 : i32 to index
      %swap3A_453 = arith.constant 0 : index
      %swap3A_454 = tpu.vector_load %arg15[%swap3A_452, %swap3A_453] {strides = array<i32>} : memref<128x64xf32, #tpu.memory_space<vmem>>, vector<1x16xf32>,
      %swap3A_455 = vector.shape_cast %swap3A_454 : vector<1x16xf32> to vector<16xf32>
      %swap3A_456 = vector.shape_cast %mul3A_451 : vector<16xf32> to vector<1x16xf32>
      tpu.vector_store %arg15[%swap3A_452, %swap3A_453], %swap3A_456 {strides = array<i32>} : memref<128x64xf32, #tpu.memory_space<vmem>>, vector<1x16xf32>,
      %get3A_457 = arith.index_cast %add3A_444 : i32 to index
      %get3A_458 = arith.constant 16 : index
      %get3A_459 = tpu.vector_load %arg10[%get3A_457, %get3A_458] {strides = array<i32>} : memref<128x64xf32, #tpu.memory_space<vmem>>, vector<1x16xf32>,
      %get3A_460 = vector.shape_cast %get3A_459 : vector<1x16xf32> to vector<16xf32>
      %mul3A_461 = arith.constant 8.000000e+00 : f32
      %mul3A_462 = vector.broadcast %mul3A_461 : f32 to vector<16xf32>
      %mul3A_463 = arith.mulf %get3A_460, %mul3A_462 : vector<16xf32>
      %swap3A_464 = arith.index_cast %add3A_444 : i32 to index
      %swap3A_465 = arith.constant 16 : index
      %swap3A_466 = tpu.vector_load %arg15[%swap3A_464, %swap3A_465] {strides = array<i32>} : memref<128x64xf32, #tpu.memory_space<vmem>>, vector<1x16xf32>,
      %swap3A_467 = vector.shape_cast %swap3A_466 : vector<1x16xf32> to vector<16xf32>
      %swap3A_468 = vector.shape_cast %mul3A_463 : vector<16xf32> to vector<1x16xf32>
      tpu.vector_store %arg15[%swap3A_464, %swap3A_465], %swap3A_468 {strides = array<i32>} : memref<128x64xf32, #tpu.memory_space<vmem>>, vector<1x16xf32>,
      %get3A_469 = arith.index_cast %add3A_444 : i32 to index
      %get3A_470 = arith.constant 32 : index
      %get3A_471 = tpu.vector_load %arg10[%get3A_469, %get3A_470] {strides = array<i32>} : memref<128x64xf32, #tpu.memory_space<vmem>>, vector<1x16xf32>,
      %get3A_472 = vector.shape_cast %get3A_471 : vector<1x16xf32> to vector<16xf32>
      %mul3A_473 = arith.constant 8.000000e+00 : f32
      %mul3A_474 = vector.broadcast %mul3A_473 : f32 to vector<16xf32>
      %mul3A_475 = arith.mulf %get3A_472, %mul3A_474 : vector<16xf32>
      %swap3A_476 = arith.index_cast %add3A_444 : i32 to index
      %swap3A_477 = arith.constant 32 : index
      %swap3A_478 = tpu.vector_load %arg15[%swap3A_476, %swap3A_477] {strides = array<i32>} : memref<128x64xf32, #tpu.memory_space<vmem>>, vector<1x16xf32>,
      %swap3A_479 = vector.shape_cast %swap3A_478 : vector<1x16xf32> to vector<16xf32>
      %swap3A_480 = vector.shape_cast %mul3A_475 : vector<16xf32> to vector<1x16xf32>
      tpu.vector_store %arg15[%swap3A_476, %swap3A_477], %swap3A_480 {strides = array<i32>} : memref<128x64xf32, #tpu.memory_space<vmem>>, vector<1x16xf32>,
      %get3A_481 = arith.index_cast %add3A_444 : i32 to index
      %get3A_482 = arith.constant 48 : index
      %get3A_483 = tpu.vector_load %arg10[%get3A_481, %get3A_482] {strides = array<i32>} : memref<128x64xf32, #tpu.memory_space<vmem>>, vector<1x16xf32>,
      %get3A_484 = vector.shape_cast %get3A_483 : vector<1x16xf32> to vector<16xf32>
      %mul3A_485 = arith.constant 8.000000e+00 : f32
      %mul3A_486 = vector.broadcast %mul3A_485 : f32 to vector<16xf32>
      %mul3A_487 = arith.mulf %get3A_484, %mul3A_486 : vector<16xf32>
      %swap3A_488 = arith.index_cast %add3A_444 : i32 to index
      %swap3A_489 = arith.constant 48 : index
      %swap3A_490 = tpu.vector_load %arg15[%swap3A_488, %swap3A_489] {strides = array<i32>} : memref<128x64xf32, #tpu.memory_space<vmem>>, vector<1x16xf32>,
      %swap3A_491 = vector.shape_cast %swap3A_490 : vector<1x16xf32> to vector<16xf32>
      %swap3A_492 = vector.shape_cast %mul3A_487 : vector<16xf32> to vector<1x16xf32>
      tpu.vector_store %arg15[%swap3A_488, %swap3A_489], %swap3A_492 {strides = array<i32>} : memref<128x64xf32, #tpu.memory_space<vmem>>, vector<1x16xf32>,
    }
    %scan3A_123 = arith.constant 32 : i32
    %add3A_124 = arith.constant 512 : i32
    %add3A_125 = arith.addi %mul3A_2, %add3A_124 : i32
    %dma_start3A_126 = arith.constant 0 : i32
    %dma_start3A_127 = tpu.memref_slice %arg4[%add3A_125, %dma_start3A_126] : memref<819200x64xf32, #tpu.memory_space<hbm>> -> memref<128x64xf32, #tpu.memory_space<hbm>>
    %dma_start3A_128 = arith.constant 0 : i32
    %dma_start3A_129 = tpu.memref_slice %arg4[%add3A_125, %dma_start3A_128] : memref<819200x64xf32, #tpu.memory_space<hbm>> -> memref<128x64xf32, #tpu.memory_space<hbm>>
    tpu.enqueue_dma source(%arg15 : memref<128x64xf32, #tpu.memory_space<vmem>>) target(%dma_start3A_129 : memref<128x64xf32, #tpu.memory_space<hbm>>) target_semaphore(%arg25 : memref<!tpu.dma_semaphore, #tpu.memory_space<semaphore_mem>>)
    %scan3A_130 = arith.constant 0 : i32
    %scan3A_131 = arith.constant 1 : i32
    %scan3A_132 = arith.constant 38 : i32
    %scan3A_133 = arith.addi %scan3A_131, %scan3A_132 : i32
    %scan3A_134 = arith.constant 1 : i32
    scf.for %scan3A_286 = %scan3A_131 to %scan3A_133 step %scan3A_134  : i32 {
      %mul3A_287 = arith.constant 5 : i32
      %mul3A_288 = arith.muli %scan3A_286, %mul3A_287 : i32
      %add3A_289 = arith.constant 0 : i32
      %add3A_290 = arith.addi %mul3A_288, %add3A_289 : i32
      %mul3A_291 = arith.constant 128 : i32
      %mul3A_292 = arith.muli %add3A_290, %mul3A_291 : i32
      %dma_wait3A_293 = tpu.memref_slice %arg5[%mul3A_292] : memref<25600xi32, #tpu.memory_space<vmem>> -> memref<128xi32, #tpu.memory_space<vmem>>
      %dma_wait3A_294 = arith.constant 0 : i32
      %dma_wait3A_295 = arith.constant 0 : i32
      %dma_wait3A_296 = tpu.memref_slice %arg3[%dma_wait3A_294, %dma_wait3A_295] : memref<1000000x64xf32, #tpu.memory_space<hbm>> -> memref<1000000x64xf32, #tpu.memory_space<hbm>>
      tpu.wait_indirect_dma semaphore(%arg16 : memref<!tpu.dma_semaphore, #tpu.memory_space<semaphore_mem>>) src(%dma_wait3A_296 : memref<1000000x64xf32, #tpu.memory_space<hbm>>) dst(%arg6 : memref<128x64xf32, #tpu.memory_space<vmem>>)
      %add3A_297 = arith.constant 5 : i32
      %add3A_298 = arith.addi %add3A_290, %add3A_297 : i32
      %sub3A = arith.constant 1 : i32
      %sub3A_299 = arith.subi %add3A_298, %sub3A : i32
      %mul3A_300 = arith.constant 128 : i32
      %mul3A_301 = arith.muli %sub3A_299, %mul3A_300 : i32
      %dma_start3A_302 = tpu.memref_slice %arg5[%mul3A_301] : memref<25600xi32, #tpu.memory_space<vmem>> -> memref<128xi32, #tpu.memory_space<vmem>>
      %dma_start3A_303 = arith.constant 0 : i32
      %dma_start3A_304 = arith.constant 0 : i32
      %dma_start3A_305 = tpu.memref_slice %arg3[%dma_start3A_303, %dma_start3A_304] : memref<1000000x64xf32, #tpu.memory_space<hbm>> -> memref<1000000x64xf32, #tpu.memory_space<hbm>>
      tpu.enqueue_indirect_dma source(%dma_start3A_305 : memref<1000000x64xf32, #tpu.memory_space<hbm>>) target(%arg10 : memref<128x64xf32, #tpu.memory_space<vmem>>) offsets(%dma_start3A_302 : memref<128xi32, #tpu.memory_space<vmem>>) semaphore(%arg20 : memref<!tpu.dma_semaphore, #tpu.memory_space<semaphore_mem>>)
      %sub3A_306 = arith.constant 5 : i32
      %sub3A_307 = arith.subi %add3A_290, %sub3A_306 : i32
      %mul3A_308 = arith.constant 128 : i32
      %mul3A_309 = arith.muli %sub3A_307, %mul3A_308 : i32
      %add3A_310 = arith.addi %mul3A_2, %mul3A_309 : i32
      %dma_wait3A_311 = arith.constant 0 : i32
      %dma_wait3A_312 = tpu.memref_slice %arg4[%add3A_310, %dma_wait3A_311] : memref<819200x64xf32, #tpu.memory_space<hbm>> -> memref<128x64xf32, #tpu.memory_space<hbm>>
      %dma_wait3A_313 = arith.constant 0 : i32
      %dma_wait3A_314 = tpu.memref_slice %arg4[%add3A_310, %dma_wait3A_313] : memref<819200x64xf32, #tpu.memory_space<hbm>> -> memref<128x64xf32, #tpu.memory_space<hbm>>
      tpu.wait_dma2 semaphore(%arg21 : memref<!tpu.dma_semaphore, #tpu.memory_space<semaphore_mem>>) src(%arg11 : memref<128x64xf32, #tpu.memory_space<vmem>>) dst(%dma_wait3A_314 : memref<128x64xf32, #tpu.memory_space<hbm>>)
      %scan3A_315 = arith.constant 0 : i32
      %scan3A_316 = arith.constant 0 : i32
      %scan3A_317 = arith.constant 32 : i32
      %scan3A_318 = arith.addi %scan3A_316, %scan3A_317 : i32
      %scan3A_319 = arith.constant 1 : i32
      scf.for %scan3A_488 = %scan3A_316 to %scan3A_318 step %scan3A_319  : i32 {
        %mul3A_489 = arith.constant 4 : i32
        %mul3A_490 = arith.muli %scan3A_488, %mul3A_489 : i32
        %add3A_491 = arith.constant 0 : i32
        %add3A_492 = arith.addi %mul3A_490, %add3A_491 : i32
        %get3A = arith.index_cast %add3A_492 : i32 to index
        %get3A_493 = arith.constant 0 : index
        %get3A_494 = tpu.vector_load %arg6[%get3A, %get3A_493] {strides = array<i32>} : memref<128x64xf32, #tpu.memory_space<vmem>>, vector<1x16xf32>,
        %get3A_495 = vector.shape_cast %get3A_494 : vector<1x16xf32> to vector<16xf32>
        %mul3A_496 = arith.constant 8.000000e+00 : f32
        %mul3A_497 = vector.broadcast %mul3A_496 : f32 to vector<16xf32>
        %mul3A_498 = arith.mulf %get3A_495, %mul3A_497 : vector<16xf32>
        %swap3A = arith.index_cast %add3A_492 : i32 to index
        %swap3A_499 = arith.constant 0 : index
        %swap3A_500 = tpu.vector_load %arg11[%swap3A, %swap3A_499] {strides = array<i32>} : memref<128x64xf32, #tpu.memory_space<vmem>>, vector<1x16xf32>,
        %swap3A_501 = vector.shape_cast %swap3A_500 : vector<1x16xf32> to vector<16xf32>
        %swap3A_502 = vector.shape_cast %mul3A_498 : vector<16xf32> to vector<1x16xf32>
        tpu.vector_store %arg11[%swap3A, %swap3A_499], %swap3A_502 {strides = array<i32>} : memref<128x64xf32, #tpu.memory_space<vmem>>, vector<1x16xf32>,
        %get3A_503 = arith.index_cast %add3A_492 : i32 to index
        %get3A_504 = arith.constant 16 : index
        %get3A_505 = tpu.vector_load %arg6[%get3A_503, %get3A_504] {strides = array<i32>} : memref<128x64xf32, #tpu.memory_space<vmem>>, vector<1x16xf32>,
        %get3A_506 = vector.shape_cast %get3A_505 : vector<1x16xf32> to vector<16xf32>
        %mul3A_507 = arith.constant 8.000000e+00 : f32
        %mul3A_508 = vector.broadcast %mul3A_507 : f32 to vector<16xf32>
        %mul3A_509 = arith.mulf %get3A_506, %mul3A_508 : vector<16xf32>
        %swap3A_510 = arith.index_cast %add3A_492 : i32 to index
        %swap3A_511 = arith.constant 16 : index
        %swap3A_512 = tpu.vector_load %arg11[%swap3A_510, %swap3A_511] {strides = array<i32>} : memref<128x64xf32, #tpu.memory_space<vmem>>, vector<1x16xf32>,
        %swap3A_513 = vector.shape_cast %swap3A_512 : vector<1x16xf32> to vector<16xf32>
        %swap3A_514 = vector.shape_cast %mul3A_509 : vector<16xf32> to vector<1x16xf32>
        tpu.vector_store %arg11[%swap3A_510, %swap3A_511], %swap3A_514 {strides = array<i32>} : memref<128x64xf32, #tpu.memory_space<vmem>>, vector<1x16xf32>,
        %get3A_515 = arith.index_cast %add3A_492 : i32 to index
        %get3A_516 = arith.constant 32 : index
        %get3A_517 = tpu.vector_load %arg6[%get3A_515, %get3A_516] {strides = array<i32>} : memref<128x64xf32, #tpu.memory_space<vmem>>, vector<1x16xf32>,
        %get3A_518 = vector.shape_cast %get3A_517 : vector<1x16xf32> to vector<16xf32>
        %mul3A_519 = arith.constant 8.000000e+00 : f32
        %mul3A_520 = vector.broadcast %mul3A_519 : f32 to vector<16xf32>
        %mul3A_521 = arith.mulf %get3A_518, %mul3A_520 : vector<16xf32>
        %swap3A_522 = arith.index_cast %add3A_492 : i32 to index
        %swap3A_523 = arith.constant 32 : index
        %swap3A_524 = tpu.vector_load %arg11[%swap3A_522, %swap3A_523] {strides = array<i32>} : memref<128x64xf32, #tpu.memory_space<vmem>>, vector<1x16xf32>,
        %swap3A_525 = vector.shape_cast %swap3A_524 : vector<1x16xf32> to vector<16xf32>
        %swap3A_526 = vector.shape_cast %mul3A_521 : vector<16xf32> to vector<1x16xf32>
        tpu.vector_store %arg11[%swap3A_522, %swap3A_523], %swap3A_526 {strides = array<i32>} : memref<128x64xf32, #tpu.memory_space<vmem>>, vector<1x16xf32>,
        %get3A_527 = arith.index_cast %add3A_492 : i32 to index
        %get3A_528 = arith.constant 48 : index
        %get3A_529 = tpu.vector_load %arg6[%get3A_527, %get3A_528] {strides = array<i32>} : memref<128x64xf32, #tpu.memory_space<vmem>>, vector<1x16xf32>,
        %get3A_530 = vector.shape_cast %get3A_529 : vector<1x16xf32> to vector<16xf32>
        %mul3A_531 = arith.constant 8.000000e+00 : f32
        %mul3A_532 = vector.broadcast %mul3A_531 : f32 to vector<16xf32>
        %mul3A_533 = arith.mulf %get3A_530, %mul3A_532 : vector<16xf32>
        %swap3A_534 = arith.index_cast %add3A_492 : i32 to index
        %swap3A_535 = arith.constant 48 : index
        %swap3A_536 = tpu.vector_load %arg11[%swap3A_534, %swap3A_535] {strides = array<i32>} : memref<128x64xf32, #tpu.memory_space<vmem>>, vector<1x16xf32>,
        %swap3A_537 = vector.shape_cast %swap3A_536 : vector<1x16xf32> to vector<16xf32>
        %swap3A_538 = vector.shape_cast %mul3A_533 : vector<16xf32> to vector<1x16xf32>
        tpu.vector_store %arg11[%swap3A_534, %swap3A_535], %swap3A_538 {strides = array<i32>} : memref<128x64xf32, #tpu.memory_space<vmem>>, vector<1x16xf32>,
        %mul3A_539 = arith.constant 4 : i32
        %mul3A_540 = arith.muli %scan3A_488, %mul3A_539 : i32
        %add3A_541 = arith.constant 1 : i32
        %add3A_542 = arith.addi %mul3A_540, %add3A_541 : i32
        %get3A_543 = arith.index_cast %add3A_542 : i32 to index
        %get3A_544 = arith.constant 0 : index
        %get3A_545 = tpu.vector_load %arg6[%get3A_543, %get3A_544] {strides = array<i32>} : memref<128x64xf32, #tpu.memory_space<vmem>>, vector<1x16xf32>,
        %get3A_546 = vector.shape_cast %get3A_545 : vector<1x16xf32> to vector<16xf32>
        %mul3A_547 = arith.constant 8.000000e+00 : f32
        %mul3A_548 = vector.broadcast %mul3A_547 : f32 to vector<16xf32>
        %mul3A_549 = arith.mulf %get3A_546, %mul3A_548 : vector<16xf32>
        %swap3A_550 = arith.index_cast %add3A_542 : i32 to index
        %swap3A_551 = arith.constant 0 : index
        %swap3A_552 = tpu.vector_load %arg11[%swap3A_550, %swap3A_551] {strides = array<i32>} : memref<128x64xf32, #tpu.memory_space<vmem>>, vector<1x16xf32>,
        %swap3A_553 = vector.shape_cast %swap3A_552 : vector<1x16xf32> to vector<16xf32>
        %swap3A_554 = vector.shape_cast %mul3A_549 : vector<16xf32> to vector<1x16xf32>
        tpu.vector_store %arg11[%swap3A_550, %swap3A_551], %swap3A_554 {strides = array<i32>} : memref<128x64xf32, #tpu.memory_space<vmem>>, vector<1x16xf32>,
        %get3A_555 = arith.index_cast %add3A_542 : i32 to index
        %get3A_556 = arith.constant 16 : index
        %get3A_557 = tpu.vector_load %arg6[%get3A_555, %get3A_556] {strides = array<i32>} : memref<128x64xf32, #tpu.memory_space<vmem>>, vector<1x16xf32>,
        %get3A_558 = vector.shape_cast %get3A_557 : vector<1x16xf32> to vector<16xf32>
        %mul3A_559 = arith.constant 8.000000e+00 : f32
        %mul3A_560 = vector.broadcast %mul3A_559 : f32 to vector<16xf32>
        %mul3A_561 = arith.mulf %get3A_558, %mul3A_560 : vector<16xf32>
        %swap3A_562 = arith.index_cast %add3A_542 : i32 to index
        %swap3A_563 = arith.constant 16 : index
        %swap3A_564 = tpu.vector_load %arg11[%swap3A_562, %swap3A_563] {strides = array<i32>} : memref<128x64xf32, #tpu.memory_space<vmem>>, vector<1x16xf32>,
        %swap3A_565 = vector.shape_cast %swap3A_564 : vector<1x16xf32> to vector<16xf32>
        %swap3A_566 = vector.shape_cast %mul3A_561 : vector<16xf32> to vector<1x16xf32>
        tpu.vector_store %arg11[%swap3A_562, %swap3A_563], %swap3A_566 {strides = array<i32>} : memref<128x64xf32, #tpu.memory_space<vmem>>, vector<1x16xf32>,
        %get3A_567 = arith.index_cast %add3A_542 : i32 to index
        %get3A_568 = arith.constant 32 : index
        %get3A_569 = tpu.vector_load %arg6[%get3A_567, %get3A_568] {strides = array<i32>} : memref<128x64xf32, #tpu.memory_space<vmem>>, vector<1x16xf32>,
        %get3A_570 = vector.shape_cast %get3A_569 : vector<1x16xf32> to vector<16xf32>
        %mul3A_571 = arith.constant 8.000000e+00 : f32
        %mul3A_572 = vector.broadcast %mul3A_571 : f32 to vector<16xf32>
        %mul3A_573 = arith.mulf %get3A_570, %mul3A_572 : vector<16xf32>
        %swap3A_574 = arith.index_cast %add3A_542 : i32 to index
        %swap3A_575 = arith.constant 32 : index
        %swap3A_576 = tpu.vector_load %arg11[%swap3A_574, %swap3A_575] {strides = array<i32>} : memref<128x64xf32, #tpu.memory_space<vmem>>, vector<1x16xf32>,
        %swap3A_577 = vector.shape_cast %swap3A_576 : vector<1x16xf32> to vector<16xf32>
        %swap3A_578 = vector.shape_cast %mul3A_573 : vector<16xf32> to vector<1x16xf32>
        tpu.vector_store %arg11[%swap3A_574, %swap3A_575], %swap3A_578 {strides = array<i32>} : memref<128x64xf32, #tpu.memory_space<vmem>>, vector<1x16xf32>,
        %get3A_579 = arith.index_cast %add3A_542 : i32 to index
        %get3A_580 = arith.constant 48 : index
        %get3A_581 = tpu.vector_load %arg6[%get3A_579, %get3A_580] {strides = array<i32>} : memref<128x64xf32, #tpu.memory_space<vmem>>, vector<1x16xf32>,
        %get3A_582 = vector.shape_cast %get3A_581 : vector<1x16xf32> to vector<16xf32>
        %mul3A_583 = arith.constant 8.000000e+00 : f32
        %mul3A_584 = vector.broadcast %mul3A_583 : f32 to vector<16xf32>
        %mul3A_585 = arith.mulf %get3A_582, %mul3A_584 : vector<16xf32>
        %swap3A_586 = arith.index_cast %add3A_542 : i32 to index
        %swap3A_587 = arith.constant 48 : index
        %swap3A_588 = tpu.vector_load %arg11[%swap3A_586, %swap3A_587] {strides = array<i32>} : memref<128x64xf32, #tpu.memory_space<vmem>>, vector<1x16xf32>,
        %swap3A_589 = vector.shape_cast %swap3A_588 : vector<1x16xf32> to vector<16xf32>
        %swap3A_590 = vector.shape_cast %mul3A_585 : vector<16xf32> to vector<1x16xf32>
        tpu.vector_store %arg11[%swap3A_586, %swap3A_587], %swap3A_590 {strides = array<i32>} : memref<128x64xf32, #tpu.memory_space<vmem>>, vector<1x16xf32>,
        %mul3A_591 = arith.constant 4 : i32
        %mul3A_592 = arith.muli %scan3A_488, %mul3A_591 : i32
        %add3A_593 = arith.constant 2 : i32
        %add3A_594 = arith.addi %mul3A_592, %add3A_593 : i32
        %get3A_595 = arith.index_cast %add3A_594 : i32 to index
        %get3A_596 = arith.constant 0 : index
        %get3A_597 = tpu.vector_load %arg6[%get3A_595, %get3A_596] {strides = array<i32>} : memref<128x64xf32, #tpu.memory_space<vmem>>, vector<1x16xf32>,
        %get3A_598 = vector.shape_cast %get3A_597 : vector<1x16xf32> to vector<16xf32>
        %mul3A_599 = arith.constant 8.000000e+00 : f32
        %mul3A_600 = vector.broadcast %mul3A_599 : f32 to vector<16xf32>
        %mul3A_601 = arith.mulf %get3A_598, %mul3A_600 : vector<16xf32>
        %swap3A_602 = arith.index_cast %add3A_594 : i32 to index
        %swap3A_603 = arith.constant 0 : index
        %swap3A_604 = tpu.vector_load %arg11[%swap3A_602, %swap3A_603] {strides = array<i32>} : memref<128x64xf32, #tpu.memory_space<vmem>>, vector<1x16xf32>,
        %swap3A_605 = vector.shape_cast %swap3A_604 : vector<1x16xf32> to vector<16xf32>
        %swap3A_606 = vector.shape_cast %mul3A_601 : vector<16xf32> to vector<1x16xf32>
        tpu.vector_store %arg11[%swap3A_602, %swap3A_603], %swap3A_606 {strides = array<i32>} : memref<128x64xf32, #tpu.memory_space<vmem>>, vector<1x16xf32>,
        %get3A_607 = arith.index_cast %add3A_594 : i32 to index
        %get3A_608 = arith.constant 16 : index
        %get3A_609 = tpu.vector_load %arg6[%get3A_607, %get3A_608] {strides = array<i32>} : memref<128x64xf32, #tpu.memory_space<vmem>>, vector<1x16xf32>,
        %get3A_610 = vector.shape_cast %get3A_609 : vector<1x16xf32> to vector<16xf32>
        %mul3A_611 = arith.constant 8.000000e+00 : f32
        %mul3A_612 = vector.broadcast %mul3A_611 : f32 to vector<16xf32>
        %mul3A_613 = arith.mulf %get3A_610, %mul3A_612 : vector<16xf32>
        %swap3A_614 = arith.index_cast %add3A_594 : i32 to index
        %swap3A_615 = arith.constant 16 : index
        %swap3A_616 = tpu.vector_load %arg11[%swap3A_614, %swap3A_615] {strides = array<i32>} : memref<128x64xf32, #tpu.memory_space<vmem>>, vector<1x16xf32>,
        %swap3A_617 = vector.shape_cast %swap3A_616 : vector<1x16xf32> to vector<16xf32>
        %swap3A_618 = vector.shape_cast %mul3A_613 : vector<16xf32> to vector<1x16xf32>
        tpu.vector_store %arg11[%swap3A_614, %swap3A_615], %swap3A_618 {strides = array<i32>} : memref<128x64xf32, #tpu.memory_space<vmem>>, vector<1x16xf32>,
        %get3A_619 = arith.index_cast %add3A_594 : i32 to index
        %get3A_620 = arith.constant 32 : index
        %get3A_621 = tpu.vector_load %arg6[%get3A_619, %get3A_620] {strides = array<i32>} : memref<128x64xf32, #tpu.memory_space<vmem>>, vector<1x16xf32>,
        %get3A_622 = vector.shape_cast %get3A_621 : vector<1x16xf32> to vector<16xf32>
        %mul3A_623 = arith.constant 8.000000e+00 : f32
        %mul3A_624 = vector.broadcast %mul3A_623 : f32 to vector<16xf32>
        %mul3A_625 = arith.mulf %get3A_622, %mul3A_624 : vector<16xf32>
        %swap3A_626 = arith.index_cast %add3A_594 : i32 to index
        %swap3A_627 = arith.constant 32 : index
        %swap3A_628 = tpu.vector_load %arg11[%swap3A_626, %swap3A_627] {strides = array<i32>} : memref<128x64xf32, #tpu.memory_space<vmem>>, vector<1x16xf32>,
        %swap3A_629 = vector.shape_cast %swap3A_628 : vector<1x16xf32> to vector<16xf32>
        %swap3A_630 = vector.shape_cast %mul3A_625 : vector<16xf32> to vector<1x16xf32>
        tpu.vector_store %arg11[%swap3A_626, %swap3A_627], %swap3A_630 {strides = array<i32>} : memref<128x64xf32, #tpu.memory_space<vmem>>, vector<1x16xf32>,
        %get3A_631 = arith.index_cast %add3A_594 : i32 to index
        %get3A_632 = arith.constant 48 : index
        %get3A_633 = tpu.vector_load %arg6[%get3A_631, %get3A_632] {strides = array<i32>} : memref<128x64xf32, #tpu.memory_space<vmem>>, vector<1x16xf32>,
        %get3A_634 = vector.shape_cast %get3A_633 : vector<1x16xf32> to vector<16xf32>
        %mul3A_635 = arith.constant 8.000000e+00 : f32
        %mul3A_636 = vector.broadcast %mul3A_635 : f32 to vector<16xf32>
        %mul3A_637 = arith.mulf %get3A_634, %mul3A_636 : vector<16xf32>
        %swap3A_638 = arith.index_cast %add3A_594 : i32 to index
        %swap3A_639 = arith.constant 48 : index
        %swap3A_640 = tpu.vector_load %arg11[%swap3A_638, %swap3A_639] {strides = array<i32>} : memref<128x64xf32, #tpu.memory_space<vmem>>, vector<1x16xf32>,
        %swap3A_641 = vector.shape_cast %swap3A_640 : vector<1x16xf32> to vector<16xf32>
        %swap3A_642 = vector.shape_cast %mul3A_637 : vector<16xf32> to vector<1x16xf32>
        tpu.vector_store %arg11[%swap3A_638, %swap3A_639], %swap3A_642 {strides = array<i32>} : memref<128x64xf32, #tpu.memory_space<vmem>>, vector<1x16xf32>,
        %mul3A_643 = arith.constant 4 : i32
        %mul3A_644 = arith.muli %scan3A_488, %mul3A_643 : i32
        %add3A_645 = arith.constant 3 : i32
        %add3A_646 = arith.addi %mul3A_644, %add3A_645 : i32
        %get3A_647 = arith.index_cast %add3A_646 : i32 to index
        %get3A_648 = arith.constant 0 : index
        %get3A_649 = tpu.vector_load %arg6[%get3A_647, %get3A_648] {strides = array<i32>} : memref<128x64xf32, #tpu.memory_space<vmem>>, vector<1x16xf32>,
        %get3A_650 = vector.shape_cast %get3A_649 : vector<1x16xf32> to vector<16xf32>
        %mul3A_651 = arith.constant 8.000000e+00 : f32
        %mul3A_652 = vector.broadcast %mul3A_651 : f32 to vector<16xf32>
        %mul3A_653 = arith.mulf %get3A_650, %mul3A_652 : vector<16xf32>
        %swap3A_654 = arith.index_cast %add3A_646 : i32 to index
        %swap3A_655 = arith.constant 0 : index
        %swap3A_656 = tpu.vector_load %arg11[%swap3A_654, %swap3A_655] {strides = array<i32>} : memref<128x64xf32, #tpu.memory_space<vmem>>, vector<1x16xf32>,
        %swap3A_657 = vector.shape_cast %swap3A_656 : vector<1x16xf32> to vector<16xf32>
        %swap3A_658 = vector.shape_cast %mul3A_653 : vector<16xf32> to vector<1x16xf32>
        tpu.vector_store %arg11[%swap3A_654, %swap3A_655], %swap3A_658 {strides = array<i32>} : memref<128x64xf32, #tpu.memory_space<vmem>>, vector<1x16xf32>,
        %get3A_659 = arith.index_cast %add3A_646 : i32 to index
        %get3A_660 = arith.constant 16 : index
        %get3A_661 = tpu.vector_load %arg6[%get3A_659, %get3A_660] {strides = array<i32>} : memref<128x64xf32, #tpu.memory_space<vmem>>, vector<1x16xf32>,
        %get3A_662 = vector.shape_cast %get3A_661 : vector<1x16xf32> to vector<16xf32>
        %mul3A_663 = arith.constant 8.000000e+00 : f32
        %mul3A_664 = vector.broadcast %mul3A_663 : f32 to vector<16xf32>
        %mul3A_665 = arith.mulf %get3A_662, %mul3A_664 : vector<16xf32>
        %swap3A_666 = arith.index_cast %add3A_646 : i32 to index
        %swap3A_667 = arith.constant 16 : index
        %swap3A_668 = tpu.vector_load %arg11[%swap3A_666, %swap3A_667] {strides = array<i32>} : memref<128x64xf32, #tpu.memory_space<vmem>>, vector<1x16xf32>,
        %swap3A_669 = vector.shape_cast %swap3A_668 : vector<1x16xf32> to vector<16xf32>
        %swap3A_670 = vector.shape_cast %mul3A_665 : vector<16xf32> to vector<1x16xf32>
        tpu.vector_store %arg11[%swap3A_666, %swap3A_667], %swap3A_670 {strides = array<i32>} : memref<128x64xf32, #tpu.memory_space<vmem>>, vector<1x16xf32>,
        %get3A_671 = arith.index_cast %add3A_646 : i32 to index
        %get3A_672 = arith.constant 32 : index
        %get3A_673 = tpu.vector_load %arg6[%get3A_671, %get3A_672] {strides = array<i32>} : memref<128x64xf32, #tpu.memory_space<vmem>>, vector<1x16xf32>,
        %get3A_674 = vector.shape_cast %get3A_673 : vector<1x16xf32> to vector<16xf32>
        %mul3A_675 = arith.constant 8.000000e+00 : f32
        %mul3A_676 = vector.broadcast %mul3A_675 : f32 to vector<16xf32>
        %mul3A_677 = arith.mulf %get3A_674, %mul3A_676 : vector<16xf32>
        %swap3A_678 = arith.index_cast %add3A_646 : i32 to index
        %swap3A_679 = arith.constant 32 : index
        %swap3A_680 = tpu.vector_load %arg11[%swap3A_678, %swap3A_679] {strides = array<i32>} : memref<128x64xf32, #tpu.memory_space<vmem>>, vector<1x16xf32>,
        %swap3A_681 = vector.shape_cast %swap3A_680 : vector<1x16xf32> to vector<16xf32>
        %swap3A_682 = vector.shape_cast %mul3A_677 : vector<16xf32> to vector<1x16xf32>
        tpu.vector_store %arg11[%swap3A_678, %swap3A_679], %swap3A_682 {strides = array<i32>} : memref<128x64xf32, #tpu.memory_space<vmem>>, vector<1x16xf32>,
        %get3A_683 = arith.index_cast %add3A_646 : i32 to index
        %get3A_684 = arith.constant 48 : index
        %get3A_685 = tpu.vector_load %arg6[%get3A_683, %get3A_684] {strides = array<i32>} : memref<128x64xf32, #tpu.memory_space<vmem>>, vector<1x16xf32>,
        %get3A_686 = vector.shape_cast %get3A_685 : vector<1x16xf32> to vector<16xf32>
        %mul3A_687 = arith.constant 8.000000e+00 : f32
        %mul3A_688 = vector.broadcast %mul3A_687 : f32 to vector<16xf32>
        %mul3A_689 = arith.mulf %get3A_686, %mul3A_688 : vector<16xf32>
        %swap3A_690 = arith.index_cast %add3A_646 : i32 to index
        %swap3A_691 = arith.constant 48 : index
        %swap3A_692 = tpu.vector_load %arg11[%swap3A_690, %swap3A_691] {strides = array<i32>} : memref<128x64xf32, #tpu.memory_space<vmem>>, vector<1x16xf32>,
        %swap3A_693 = vector.shape_cast %swap3A_692 : vector<1x16xf32> to vector<16xf32>
        %swap3A_694 = vector.shape_cast %mul3A_689 : vector<16xf32> to vector<1x16xf32>
        tpu.vector_store %arg11[%swap3A_690, %swap3A_691], %swap3A_694 {strides = array<i32>} : memref<128x64xf32, #tpu.memory_space<vmem>>, vector<1x16xf32>,
      }
      %scan3A_320 = arith.constant 32 : i32
      %mul3A_321 = arith.constant 128 : i32
      %mul3A_322 = arith.muli %add3A_290, %mul3A_321 : i32
      %add3A_323 = arith.addi %mul3A_2, %mul3A_322 : i32
      %dma_start3A_324 = arith.constant 0 : i32
      %dma_start3A_325 = tpu.memref_slice %arg4[%add3A_323, %dma_start3A_324] : memref<819200x64xf32, #tpu.memory_space<hbm>> -> memref<128x64xf32, #tpu.memory_space<hbm>>
      %dma_start3A_326 = arith.constant 0 : i32
      %dma_start3A_327 = tpu.memref_slice %arg4[%add3A_323, %dma_start3A_326] : memref<819200x64xf32, #tpu.memory_space<hbm>> -> memref<128x64xf32, #tpu.memory_space<hbm>>
      tpu.enqueue_dma source(%arg11 : memref<128x64xf32, #tpu.memory_space<vmem>>) target(%dma_start3A_327 : memref<128x64xf32, #tpu.memory_space<hbm>>) target_semaphore(%arg21 : memref<!tpu.dma_semaphore, #tpu.memory_space<semaphore_mem>>)
      %add3A_328 = arith.constant 1 : i32
      %add3A_329 = arith.addi %mul3A_288, %add3A_328 : i32
      %mul3A_330 = arith.constant 128 : i32
      %mul3A_331 = arith.muli %add3A_329, %mul3A_330 : i32
      %dma_wait3A_332 = tpu.memref_slice %arg5[%mul3A_331] : memref<25600xi32, #tpu.memory_space<vmem>> -> memref<128xi32, #tpu.memory_space<vmem>>
      %dma_wait3A_333 = arith.constant 0 : i32
      %dma_wait3A_334 = arith.constant 0 : i32
      %dma_wait3A_335 = tpu.memref_slice %arg3[%dma_wait3A_333, %dma_wait3A_334] : memref<1000000x64xf32, #tpu.memory_space<hbm>> -> memref<1000000x64xf32, #tpu.memory_space<hbm>>
      tpu.wait_indirect_dma semaphore(%arg17 : memref<!tpu.dma_semaphore, #tpu.memory_space<semaphore_mem>>) src(%dma_wait3A_335 : memref<1000000x64xf32, #tpu.memory_space<hbm>>) dst(%arg7 : memref<128x64xf32, #tpu.memory_space<vmem>>)
      %add3A_336 = arith.constant 5 : i32
      %add3A_337 = arith.addi %add3A_329, %add3A_336 : i32
      %sub3A_338 = arith.constant 1 : i32
      %sub3A_339 = arith.subi %add3A_337, %sub3A_338 : i32
      %mul3A_340 = arith.constant 128 : i32
      %mul3A_341 = arith.muli %sub3A_339, %mul3A_340 : i32
      %dma_start3A_342 = tpu.memref_slice %arg5[%mul3A_341] : memref<25600xi32, #tpu.memory_space<vmem>> -> memref<128xi32, #tpu.memory_space<vmem>>
      %dma_start3A_343 = arith.constant 0 : i32
      %dma_start3A_344 = arith.constant 0 : i32
      %dma_start3A_345 = tpu.memref_slice %arg3[%dma_start3A_343, %dma_start3A_344] : memref<1000000x64xf32, #tpu.memory_space<hbm>> -> memref<1000000x64xf32, #tpu.memory_space<hbm>>
      tpu.enqueue_indirect_dma source(%dma_start3A_345 : memref<1000000x64xf32, #tpu.memory_space<hbm>>) target(%arg6 : memref<128x64xf32, #tpu.memory_space<vmem>>) offsets(%dma_start3A_342 : memref<128xi32, #tpu.memory_space<vmem>>) semaphore(%arg16 : memref<!tpu.dma_semaphore, #tpu.memory_space<semaphore_mem>>)
      %sub3A_346 = arith.constant 5 : i32
      %sub3A_347 = arith.subi %add3A_329, %sub3A_346 : i32
      %mul3A_348 = arith.constant 128 : i32
      %mul3A_349 = arith.muli %sub3A_347, %mul3A_348 : i32
      %add3A_350 = arith.addi %mul3A_2, %mul3A_349 : i32
      %dma_wait3A_351 = arith.constant 0 : i32
      %dma_wait3A_352 = tpu.memref_slice %arg4[%add3A_350, %dma_wait3A_351] : memref<819200x64xf32, #tpu.memory_space<hbm>> -> memref<128x64xf32, #tpu.memory_space<hbm>>
      %dma_wait3A_353 = arith.constant 0 : i32
      %dma_wait3A_354 = tpu.memref_slice %arg4[%add3A_350, %dma_wait3A_353] : memref<819200x64xf32, #tpu.memory_space<hbm>> -> memref<128x64xf32, #tpu.memory_space<hbm>>
      tpu.wait_dma2 semaphore(%arg22 : memref<!tpu.dma_semaphore, #tpu.memory_space<semaphore_mem>>) src(%arg12 : memref<128x64xf32, #tpu.memory_space<vmem>>) dst(%dma_wait3A_354 : memref<128x64xf32, #tpu.memory_space<hbm>>)
      %scan3A_355 = arith.constant 0 : i32
      %scan3A_356 = arith.constant 0 : i32
      %scan3A_357 = arith.constant 32 : i32
      %scan3A_358 = arith.addi %scan3A_356, %scan3A_357 : i32
      %scan3A_359 = arith.constant 1 : i32
      scf.for %scan3A_488 = %scan3A_356 to %scan3A_358 step %scan3A_359  : i32 {
        %mul3A_489 = arith.constant 4 : i32
        %mul3A_490 = arith.muli %scan3A_488, %mul3A_489 : i32
        %add3A_491 = arith.constant 0 : i32
        %add3A_492 = arith.addi %mul3A_490, %add3A_491 : i32
        %get3A = arith.index_cast %add3A_492 : i32 to index
        %get3A_493 = arith.constant 0 : index
        %get3A_494 = tpu.vector_load %arg7[%get3A, %get3A_493] {strides = array<i32>} : memref<128x64xf32, #tpu.memory_space<vmem>>, vector<1x16xf32>,
        %get3A_495 = vector.shape_cast %get3A_494 : vector<1x16xf32> to vector<16xf32>
        %mul3A_496 = arith.constant 8.000000e+00 : f32
        %mul3A_497 = vector.broadcast %mul3A_496 : f32 to vector<16xf32>
        %mul3A_498 = arith.mulf %get3A_495, %mul3A_497 : vector<16xf32>
        %swap3A = arith.index_cast %add3A_492 : i32 to index
        %swap3A_499 = arith.constant 0 : index
        %swap3A_500 = tpu.vector_load %arg12[%swap3A, %swap3A_499] {strides = array<i32>} : memref<128x64xf32, #tpu.memory_space<vmem>>, vector<1x16xf32>,
        %swap3A_501 = vector.shape_cast %swap3A_500 : vector<1x16xf32> to vector<16xf32>
        %swap3A_502 = vector.shape_cast %mul3A_498 : vector<16xf32> to vector<1x16xf32>
        tpu.vector_store %arg12[%swap3A, %swap3A_499], %swap3A_502 {strides = array<i32>} : memref<128x64xf32, #tpu.memory_space<vmem>>, vector<1x16xf32>,
        %get3A_503 = arith.index_cast %add3A_492 : i32 to index
        %get3A_504 = arith.constant 16 : index
        %get3A_505 = tpu.vector_load %arg7[%get3A_503, %get3A_504] {strides = array<i32>} : memref<128x64xf32, #tpu.memory_space<vmem>>, vector<1x16xf32>,
        %get3A_506 = vector.shape_cast %get3A_505 : vector<1x16xf32> to vector<16xf32>
        %mul3A_507 = arith.constant 8.000000e+00 : f32
        %mul3A_508 = vector.broadcast %mul3A_507 : f32 to vector<16xf32>
        %mul3A_509 = arith.mulf %get3A_506, %mul3A_508 : vector<16xf32>
        %swap3A_510 = arith.index_cast %add3A_492 : i32 to index
        %swap3A_511 = arith.constant 16 : index
        %swap3A_512 = tpu.vector_load %arg12[%swap3A_510, %swap3A_511] {strides = array<i32>} : memref<128x64xf32, #tpu.memory_space<vmem>>, vector<1x16xf32>,
        %swap3A_513 = vector.shape_cast %swap3A_512 : vector<1x16xf32> to vector<16xf32>
        %swap3A_514 = vector.shape_cast %mul3A_509 : vector<16xf32> to vector<1x16xf32>
        tpu.vector_store %arg12[%swap3A_510, %swap3A_511], %swap3A_514 {strides = array<i32>} : memref<128x64xf32, #tpu.memory_space<vmem>>, vector<1x16xf32>,
        %get3A_515 = arith.index_cast %add3A_492 : i32 to index
        %get3A_516 = arith.constant 32 : index
        %get3A_517 = tpu.vector_load %arg7[%get3A_515, %get3A_516] {strides = array<i32>} : memref<128x64xf32, #tpu.memory_space<vmem>>, vector<1x16xf32>,
        %get3A_518 = vector.shape_cast %get3A_517 : vector<1x16xf32> to vector<16xf32>
        %mul3A_519 = arith.constant 8.000000e+00 : f32
        %mul3A_520 = vector.broadcast %mul3A_519 : f32 to vector<16xf32>
        %mul3A_521 = arith.mulf %get3A_518, %mul3A_520 : vector<16xf32>
        %swap3A_522 = arith.index_cast %add3A_492 : i32 to index
        %swap3A_523 = arith.constant 32 : index
        %swap3A_524 = tpu.vector_load %arg12[%swap3A_522, %swap3A_523] {strides = array<i32>} : memref<128x64xf32, #tpu.memory_space<vmem>>, vector<1x16xf32>,
        %swap3A_525 = vector.shape_cast %swap3A_524 : vector<1x16xf32> to vector<16xf32>
        %swap3A_526 = vector.shape_cast %mul3A_521 : vector<16xf32> to vector<1x16xf32>
        tpu.vector_store %arg12[%swap3A_522, %swap3A_523], %swap3A_526 {strides = array<i32>} : memref<128x64xf32, #tpu.memory_space<vmem>>, vector<1x16xf32>,
        %get3A_527 = arith.index_cast %add3A_492 : i32 to index
        %get3A_528 = arith.constant 48 : index
        %get3A_529 = tpu.vector_load %arg7[%get3A_527, %get3A_528] {strides = array<i32>} : memref<128x64xf32, #tpu.memory_space<vmem>>, vector<1x16xf32>,
        %get3A_530 = vector.shape_cast %get3A_529 : vector<1x16xf32> to vector<16xf32>
        %mul3A_531 = arith.constant 8.000000e+00 : f32
        %mul3A_532 = vector.broadcast %mul3A_531 : f32 to vector<16xf32>
        %mul3A_533 = arith.mulf %get3A_530, %mul3A_532 : vector<16xf32>
        %swap3A_534 = arith.index_cast %add3A_492 : i32 to index
        %swap3A_535 = arith.constant 48 : index
        %swap3A_536 = tpu.vector_load %arg12[%swap3A_534, %swap3A_535] {strides = array<i32>} : memref<128x64xf32, #tpu.memory_space<vmem>>, vector<1x16xf32>,
        %swap3A_537 = vector.shape_cast %swap3A_536 : vector<1x16xf32> to vector<16xf32>
        %swap3A_538 = vector.shape_cast %mul3A_533 : vector<16xf32> to vector<1x16xf32>
        tpu.vector_store %arg12[%swap3A_534, %swap3A_535], %swap3A_538 {strides = array<i32>} : memref<128x64xf32, #tpu.memory_space<vmem>>, vector<1x16xf32>,
        %mul3A_539 = arith.constant 4 : i32
        %mul3A_540 = arith.muli %scan3A_488, %mul3A_539 : i32
        %add3A_541 = arith.constant 1 : i32
        %add3A_542 = arith.addi %mul3A_540, %add3A_541 : i32
        %get3A_543 = arith.index_cast %add3A_542 : i32 to index
        %get3A_544 = arith.constant 0 : index
        %get3A_545 = tpu.vector_load %arg7[%get3A_543, %get3A_544] {strides = array<i32>} : memref<128x64xf32, #tpu.memory_space<vmem>>, vector<1x16xf32>,
        %get3A_546 = vector.shape_cast %get3A_545 : vector<1x16xf32> to vector<16xf32>
        %mul3A_547 = arith.constant 8.000000e+00 : f32
        %mul3A_548 = vector.broadcast %mul3A_547 : f32 to vector<16xf32>
        %mul3A_549 = arith.mulf %get3A_546, %mul3A_548 : vector<16xf32>
        %swap3A_550 = arith.index_cast %add3A_542 : i32 to index
        %swap3A_551 = arith.constant 0 : index
        %swap3A_552 = tpu.vector_load %arg12[%swap3A_550, %swap3A_551] {strides = array<i32>} : memref<128x64xf32, #tpu.memory_space<vmem>>, vector<1x16xf32>,
        %swap3A_553 = vector.shape_cast %swap3A_552 : vector<1x16xf32> to vector<16xf32>
        %swap3A_554 = vector.shape_cast %mul3A_549 : vector<16xf32> to vector<1x16xf32>
        tpu.vector_store %arg12[%swap3A_550, %swap3A_551], %swap3A_554 {strides = array<i32>} : memref<128x64xf32, #tpu.memory_space<vmem>>, vector<1x16xf32>,
        %get3A_555 = arith.index_cast %add3A_542 : i32 to index
        %get3A_556 = arith.constant 16 : index
        %get3A_557 = tpu.vector_load %arg7[%get3A_555, %get3A_556] {strides = array<i32>} : memref<128x64xf32, #tpu.memory_space<vmem>>, vector<1x16xf32>,
        %get3A_558 = vector.shape_cast %get3A_557 : vector<1x16xf32> to vector<16xf32>
        %mul3A_559 = arith.constant 8.000000e+00 : f32
        %mul3A_560 = vector.broadcast %mul3A_559 : f32 to vector<16xf32>
        %mul3A_561 = arith.mulf %get3A_558, %mul3A_560 : vector<16xf32>
        %swap3A_562 = arith.index_cast %add3A_542 : i32 to index
        %swap3A_563 = arith.constant 16 : index
        %swap3A_564 = tpu.vector_load %arg12[%swap3A_562, %swap3A_563] {strides = array<i32>} : memref<128x64xf32, #tpu.memory_space<vmem>>, vector<1x16xf32>,
        %swap3A_565 = vector.shape_cast %swap3A_564 : vector<1x16xf32> to vector<16xf32>
        %swap3A_566 = vector.shape_cast %mul3A_561 : vector<16xf32> to vector<1x16xf32>
        tpu.vector_store %arg12[%swap3A_562, %swap3A_563], %swap3A_566 {strides = array<i32>} : memref<128x64xf32, #tpu.memory_space<vmem>>, vector<1x16xf32>,
        %get3A_567 = arith.index_cast %add3A_542 : i32 to index
        %get3A_568 = arith.constant 32 : index
        %get3A_569 = tpu.vector_load %arg7[%get3A_567, %get3A_568] {strides = array<i32>} : memref<128x64xf32, #tpu.memory_space<vmem>>, vector<1x16xf32>,
        %get3A_570 = vector.shape_cast %get3A_569 : vector<1x16xf32> to vector<16xf32>
        %mul3A_571 = arith.constant 8.000000e+00 : f32
        %mul3A_572 = vector.broadcast %mul3A_571 : f32 to vector<16xf32>
        %mul3A_573 = arith.mulf %get3A_570, %mul3A_572 : vector<16xf32>
        %swap3A_574 = arith.index_cast %add3A_542 : i32 to index
        %swap3A_575 = arith.constant 32 : index
        %swap3A_576 = tpu.vector_load %arg12[%swap3A_574, %swap3A_575] {strides = array<i32>} : memref<128x64xf32, #tpu.memory_space<vmem>>, vector<1x16xf32>,
        %swap3A_577 = vector.shape_cast %swap3A_576 : vector<1x16xf32> to vector<16xf32>
        %swap3A_578 = vector.shape_cast %mul3A_573 : vector<16xf32> to vector<1x16xf32>
        tpu.vector_store %arg12[%swap3A_574, %swap3A_575], %swap3A_578 {strides = array<i32>} : memref<128x64xf32, #tpu.memory_space<vmem>>, vector<1x16xf32>,
        %get3A_579 = arith.index_cast %add3A_542 : i32 to index
        %get3A_580 = arith.constant 48 : index
        %get3A_581 = tpu.vector_load %arg7[%get3A_579, %get3A_580] {strides = array<i32>} : memref<128x64xf32, #tpu.memory_space<vmem>>, vector<1x16xf32>,
        %get3A_582 = vector.shape_cast %get3A_581 : vector<1x16xf32> to vector<16xf32>
        %mul3A_583 = arith.constant 8.000000e+00 : f32
        %mul3A_584 = vector.broadcast %mul3A_583 : f32 to vector<16xf32>
        %mul3A_585 = arith.mulf %get3A_582, %mul3A_584 : vector<16xf32>
        %swap3A_586 = arith.index_cast %add3A_542 : i32 to index
        %swap3A_587 = arith.constant 48 : index
        %swap3A_588 = tpu.vector_load %arg12[%swap3A_586, %swap3A_587] {strides = array<i32>} : memref<128x64xf32, #tpu.memory_space<vmem>>, vector<1x16xf32>,
        %swap3A_589 = vector.shape_cast %swap3A_588 : vector<1x16xf32> to vector<16xf32>
        %swap3A_590 = vector.shape_cast %mul3A_585 : vector<16xf32> to vector<1x16xf32>
        tpu.vector_store %arg12[%swap3A_586, %swap3A_587], %swap3A_590 {strides = array<i32>} : memref<128x64xf32, #tpu.memory_space<vmem>>, vector<1x16xf32>,
        %mul3A_591 = arith.constant 4 : i32
        %mul3A_592 = arith.muli %scan3A_488, %mul3A_591 : i32
        %add3A_593 = arith.constant 2 : i32
        %add3A_594 = arith.addi %mul3A_592, %add3A_593 : i32
        %get3A_595 = arith.index_cast %add3A_594 : i32 to index
        %get3A_596 = arith.constant 0 : index
        %get3A_597 = tpu.vector_load %arg7[%get3A_595, %get3A_596] {strides = array<i32>} : memref<128x64xf32, #tpu.memory_space<vmem>>, vector<1x16xf32>,
        %get3A_598 = vector.shape_cast %get3A_597 : vector<1x16xf32> to vector<16xf32>
        %mul3A_599 = arith.constant 8.000000e+00 : f32
        %mul3A_600 = vector.broadcast %mul3A_599 : f32 to vector<16xf32>
        %mul3A_601 = arith.mulf %get3A_598, %mul3A_600 : vector<16xf32>
        %swap3A_602 = arith.index_cast %add3A_594 : i32 to index
        %swap3A_603 = arith.constant 0 : index
        %swap3A_604 = tpu.vector_load %arg12[%swap3A_602, %swap3A_603] {strides = array<i32>} : memref<128x64xf32, #tpu.memory_space<vmem>>, vector<1x16xf32>,
        %swap3A_605 = vector.shape_cast %swap3A_604 : vector<1x16xf32> to vector<16xf32>
        %swap3A_606 = vector.shape_cast %mul3A_601 : vector<16xf32> to vector<1x16xf32>
        tpu.vector_store %arg12[%swap3A_602, %swap3A_603], %swap3A_606 {strides = array<i32>} : memref<128x64xf32, #tpu.memory_space<vmem>>, vector<1x16xf32>,
        %get3A_607 = arith.index_cast %add3A_594 : i32 to index
        %get3A_608 = arith.constant 16 : index
        %get3A_609 = tpu.vector_load %arg7[%get3A_607, %get3A_608] {strides = array<i32>} : memref<128x64xf32, #tpu.memory_space<vmem>>, vector<1x16xf32>,
        %get3A_610 = vector.shape_cast %get3A_609 : vector<1x16xf32> to vector<16xf32>
        %mul3A_611 = arith.constant 8.000000e+00 : f32
        %mul3A_612 = vector.broadcast %mul3A_611 : f32 to vector<16xf32>
        %mul3A_613 = arith.mulf %get3A_610, %mul3A_612 : vector<16xf32>
        %swap3A_614 = arith.index_cast %add3A_594 : i32 to index
        %swap3A_615 = arith.constant 16 : index
        %swap3A_616 = tpu.vector_load %arg12[%swap3A_614, %swap3A_615] {strides = array<i32>} : memref<128x64xf32, #tpu.memory_space<vmem>>, vector<1x16xf32>,
        %swap3A_617 = vector.shape_cast %swap3A_616 : vector<1x16xf32> to vector<16xf32>
        %swap3A_618 = vector.shape_cast %mul3A_613 : vector<16xf32> to vector<1x16xf32>
        tpu.vector_store %arg12[%swap3A_614, %swap3A_615], %swap3A_618 {strides = array<i32>} : memref<128x64xf32, #tpu.memory_space<vmem>>, vector<1x16xf32>,
        %get3A_619 = arith.index_cast %add3A_594 : i32 to index
        %get3A_620 = arith.constant 32 : index
        %get3A_621 = tpu.vector_load %arg7[%get3A_619, %get3A_620] {strides = array<i32>} : memref<128x64xf32, #tpu.memory_space<vmem>>, vector<1x16xf32>,
        %get3A_622 = vector.shape_cast %get3A_621 : vector<1x16xf32> to vector<16xf32>
        %mul3A_623 = arith.constant 8.000000e+00 : f32
        %mul3A_624 = vector.broadcast %mul3A_623 : f32 to vector<16xf32>
        %mul3A_625 = arith.mulf %get3A_622, %mul3A_624 : vector<16xf32>
        %swap3A_626 = arith.index_cast %add3A_594 : i32 to index
        %swap3A_627 = arith.constant 32 : index
        %swap3A_628 = tpu.vector_load %arg12[%swap3A_626, %swap3A_627] {strides = array<i32>} : memref<128x64xf32, #tpu.memory_space<vmem>>, vector<1x16xf32>,
        %swap3A_629 = vector.shape_cast %swap3A_628 : vector<1x16xf32> to vector<16xf32>
        %swap3A_630 = vector.shape_cast %mul3A_625 : vector<16xf32> to vector<1x16xf32>
        tpu.vector_store %arg12[%swap3A_626, %swap3A_627], %swap3A_630 {strides = array<i32>} : memref<128x64xf32, #tpu.memory_space<vmem>>, vector<1x16xf32>,
        %get3A_631 = arith.index_cast %add3A_594 : i32 to index
        %get3A_632 = arith.constant 48 : index
        %get3A_633 = tpu.vector_load %arg7[%get3A_631, %get3A_632] {strides = array<i32>} : memref<128x64xf32, #tpu.memory_space<vmem>>, vector<1x16xf32>,
        %get3A_634 = vector.shape_cast %get3A_633 : vector<1x16xf32> to vector<16xf32>
        %mul3A_635 = arith.constant 8.000000e+00 : f32
        %mul3A_636 = vector.broadcast %mul3A_635 : f32 to vector<16xf32>
        %mul3A_637 = arith.mulf %get3A_634, %mul3A_636 : vector<16xf32>
        %swap3A_638 = arith.index_cast %add3A_594 : i32 to index
        %swap3A_639 = arith.constant 48 : index
        %swap3A_640 = tpu.vector_load %arg12[%swap3A_638, %swap3A_639] {strides = array<i32>} : memref<128x64xf32, #tpu.memory_space<vmem>>, vector<1x16xf32>,
        %swap3A_641 = vector.shape_cast %swap3A_640 : vector<1x16xf32> to vector<16xf32>
        %swap3A_642 = vector.shape_cast %mul3A_637 : vector<16xf32> to vector<1x16xf32>
        tpu.vector_store %arg12[%swap3A_638, %swap3A_639], %swap3A_642 {strides = array<i32>} : memref<128x64xf32, #tpu.memory_space<vmem>>, vector<1x16xf32>,
        %mul3A_643 = arith.constant 4 : i32
        %mul3A_644 = arith.muli %scan3A_488, %mul3A_643 : i32
        %add3A_645 = arith.constant 3 : i32
        %add3A_646 = arith.addi %mul3A_644, %add3A_645 : i32
        %get3A_647 = arith.index_cast %add3A_646 : i32 to index
        %get3A_648 = arith.constant 0 : index
        %get3A_649 = tpu.vector_load %arg7[%get3A_647, %get3A_648] {strides = array<i32>} : memref<128x64xf32, #tpu.memory_space<vmem>>, vector<1x16xf32>,
        %get3A_650 = vector.shape_cast %get3A_649 : vector<1x16xf32> to vector<16xf32>
        %mul3A_651 = arith.constant 8.000000e+00 : f32
        %mul3A_652 = vector.broadcast %mul3A_651 : f32 to vector<16xf32>
        %mul3A_653 = arith.mulf %get3A_650, %mul3A_652 : vector<16xf32>
        %swap3A_654 = arith.index_cast %add3A_646 : i32 to index
        %swap3A_655 = arith.constant 0 : index
        %swap3A_656 = tpu.vector_load %arg12[%swap3A_654, %swap3A_655] {strides = array<i32>} : memref<128x64xf32, #tpu.memory_space<vmem>>, vector<1x16xf32>,
        %swap3A_657 = vector.shape_cast %swap3A_656 : vector<1x16xf32> to vector<16xf32>
        %swap3A_658 = vector.shape_cast %mul3A_653 : vector<16xf32> to vector<1x16xf32>
        tpu.vector_store %arg12[%swap3A_654, %swap3A_655], %swap3A_658 {strides = array<i32>} : memref<128x64xf32, #tpu.memory_space<vmem>>, vector<1x16xf32>,
        %get3A_659 = arith.index_cast %add3A_646 : i32 to index
        %get3A_660 = arith.constant 16 : index
        %get3A_661 = tpu.vector_load %arg7[%get3A_659, %get3A_660] {strides = array<i32>} : memref<128x64xf32, #tpu.memory_space<vmem>>, vector<1x16xf32>,
        %get3A_662 = vector.shape_cast %get3A_661 : vector<1x16xf32> to vector<16xf32>
        %mul3A_663 = arith.constant 8.000000e+00 : f32
        %mul3A_664 = vector.broadcast %mul3A_663 : f32 to vector<16xf32>
        %mul3A_665 = arith.mulf %get3A_662, %mul3A_664 : vector<16xf32>
        %swap3A_666 = arith.index_cast %add3A_646 : i32 to index
        %swap3A_667 = arith.constant 16 : index
        %swap3A_668 = tpu.vector_load %arg12[%swap3A_666, %swap3A_667] {strides = array<i32>} : memref<128x64xf32, #tpu.memory_space<vmem>>, vector<1x16xf32>,
        %swap3A_669 = vector.shape_cast %swap3A_668 : vector<1x16xf32> to vector<16xf32>
        %swap3A_670 = vector.shape_cast %mul3A_665 : vector<16xf32> to vector<1x16xf32>
        tpu.vector_store %arg12[%swap3A_666, %swap3A_667], %swap3A_670 {strides = array<i32>} : memref<128x64xf32, #tpu.memory_space<vmem>>, vector<1x16xf32>,
        %get3A_671 = arith.index_cast %add3A_646 : i32 to index
        %get3A_672 = arith.constant 32 : index
        %get3A_673 = tpu.vector_load %arg7[%get3A_671, %get3A_672] {strides = array<i32>} : memref<128x64xf32, #tpu.memory_space<vmem>>, vector<1x16xf32>,
        %get3A_674 = vector.shape_cast %get3A_673 : vector<1x16xf32> to vector<16xf32>
        %mul3A_675 = arith.constant 8.000000e+00 : f32
        %mul3A_676 = vector.broadcast %mul3A_675 : f32 to vector<16xf32>
        %mul3A_677 = arith.mulf %get3A_674, %mul3A_676 : vector<16xf32>
        %swap3A_678 = arith.index_cast %add3A_646 : i32 to index
        %swap3A_679 = arith.constant 32 : index
        %swap3A_680 = tpu.vector_load %arg12[%swap3A_678, %swap3A_679] {strides = array<i32>} : memref<128x64xf32, #tpu.memory_space<vmem>>, vector<1x16xf32>,
        %swap3A_681 = vector.shape_cast %swap3A_680 : vector<1x16xf32> to vector<16xf32>
        %swap3A_682 = vector.shape_cast %mul3A_677 : vector<16xf32> to vector<1x16xf32>
        tpu.vector_store %arg12[%swap3A_678, %swap3A_679], %swap3A_682 {strides = array<i32>} : memref<128x64xf32, #tpu.memory_space<vmem>>, vector<1x16xf32>,
        %get3A_683 = arith.index_cast %add3A_646 : i32 to index
        %get3A_684 = arith.constant 48 : index
        %get3A_685 = tpu.vector_load %arg7[%get3A_683, %get3A_684] {strides = array<i32>} : memref<128x64xf32, #tpu.memory_space<vmem>>, vector<1x16xf32>,
        %get3A_686 = vector.shape_cast %get3A_685 : vector<1x16xf32> to vector<16xf32>
        %mul3A_687 = arith.constant 8.000000e+00 : f32
        %mul3A_688 = vector.broadcast %mul3A_687 : f32 to vector<16xf32>
        %mul3A_689 = arith.mulf %get3A_686, %mul3A_688 : vector<16xf32>
        %swap3A_690 = arith.index_cast %add3A_646 : i32 to index
        %swap3A_691 = arith.constant 48 : index
        %swap3A_692 = tpu.vector_load %arg12[%swap3A_690, %swap3A_691] {strides = array<i32>} : memref<128x64xf32, #tpu.memory_space<vmem>>, vector<1x16xf32>,
        %swap3A_693 = vector.shape_cast %swap3A_692 : vector<1x16xf32> to vector<16xf32>
        %swap3A_694 = vector.shape_cast %mul3A_689 : vector<16xf32> to vector<1x16xf32>
        tpu.vector_store %arg12[%swap3A_690, %swap3A_691], %swap3A_694 {strides = array<i32>} : memref<128x64xf32, #tpu.memory_space<vmem>>, vector<1x16xf32>,
      }
      %scan3A_360 = arith.constant 32 : i32
      %mul3A_361 = arith.constant 128 : i32
      %mul3A_362 = arith.muli %add3A_329, %mul3A_361 : i32
      %add3A_363 = arith.addi %mul3A_2, %mul3A_362 : i32
      %dma_start3A_364 = arith.constant 0 : i32
      %dma_start3A_365 = tpu.memref_slice %arg4[%add3A_363, %dma_start3A_364] : memref<819200x64xf32, #tpu.memory_space<hbm>> -> memref<128x64xf32, #tpu.memory_space<hbm>>
      %dma_start3A_366 = arith.constant 0 : i32
      %dma_start3A_367 = tpu.memref_slice %arg4[%add3A_363, %dma_start3A_366] : memref<819200x64xf32, #tpu.memory_space<hbm>> -> memref<128x64xf32, #tpu.memory_space<hbm>>
      tpu.enqueue_dma source(%arg12 : memref<128x64xf32, #tpu.memory_space<vmem>>) target(%dma_start3A_367 : memref<128x64xf32, #tpu.memory_space<hbm>>) target_semaphore(%arg22 : memref<!tpu.dma_semaphore, #tpu.memory_space<semaphore_mem>>)
      %add3A_368 = arith.constant 2 : i32
      %add3A_369 = arith.addi %mul3A_288, %add3A_368 : i32
      %mul3A_370 = arith.constant 128 : i32
      %mul3A_371 = arith.muli %add3A_369, %mul3A_370 : i32
      %dma_wait3A_372 = tpu.memref_slice %arg5[%mul3A_371] : memref<25600xi32, #tpu.memory_space<vmem>> -> memref<128xi32, #tpu.memory_space<vmem>>
      %dma_wait3A_373 = arith.constant 0 : i32
      %dma_wait3A_374 = arith.constant 0 : i32
      %dma_wait3A_375 = tpu.memref_slice %arg3[%dma_wait3A_373, %dma_wait3A_374] : memref<1000000x64xf32, #tpu.memory_space<hbm>> -> memref<1000000x64xf32, #tpu.memory_space<hbm>>
      tpu.wait_indirect_dma semaphore(%arg18 : memref<!tpu.dma_semaphore, #tpu.memory_space<semaphore_mem>>) src(%dma_wait3A_375 : memref<1000000x64xf32, #tpu.memory_space<hbm>>) dst(%arg8 : memref<128x64xf32, #tpu.memory_space<vmem>>)
      %add3A_376 = arith.constant 5 : i32
      %add3A_377 = arith.addi %add3A_369, %add3A_376 : i32
      %sub3A_378 = arith.constant 1 : i32
      %sub3A_379 = arith.subi %add3A_377, %sub3A_378 : i32
      %mul3A_380 = arith.constant 128 : i32
      %mul3A_381 = arith.muli %sub3A_379, %mul3A_380 : i32
      %dma_start3A_382 = tpu.memref_slice %arg5[%mul3A_381] : memref<25600xi32, #tpu.memory_space<vmem>> -> memref<128xi32, #tpu.memory_space<vmem>>
      %dma_start3A_383 = arith.constant 0 : i32
      %dma_start3A_384 = arith.constant 0 : i32
      %dma_start3A_385 = tpu.memref_slice %arg3[%dma_start3A_383, %dma_start3A_384] : memref<1000000x64xf32, #tpu.memory_space<hbm>> -> memref<1000000x64xf32, #tpu.memory_space<hbm>>
      tpu.enqueue_indirect_dma source(%dma_start3A_385 : memref<1000000x64xf32, #tpu.memory_space<hbm>>) target(%arg7 : memref<128x64xf32, #tpu.memory_space<vmem>>) offsets(%dma_start3A_382 : memref<128xi32, #tpu.memory_space<vmem>>) semaphore(%arg17 : memref<!tpu.dma_semaphore, #tpu.memory_space<semaphore_mem>>)
      %sub3A_386 = arith.constant 5 : i32
      %sub3A_387 = arith.subi %add3A_369, %sub3A_386 : i32
      %mul3A_388 = arith.constant 128 : i32
      %mul3A_389 = arith.muli %sub3A_387, %mul3A_388 : i32
      %add3A_390 = arith.addi %mul3A_2, %mul3A_389 : i32
      %dma_wait3A_391 = arith.constant 0 : i32
      %dma_wait3A_392 = tpu.memref_slice %arg4[%add3A_390, %dma_wait3A_391] : memref<819200x64xf32, #tpu.memory_space<hbm>> -> memref<128x64xf32, #tpu.memory_space<hbm>>
      %dma_wait3A_393 = arith.constant 0 : i32
      %dma_wait3A_394 = tpu.memref_slice %arg4[%add3A_390, %dma_wait3A_393] : memref<819200x64xf32, #tpu.memory_space<hbm>> -> memref<128x64xf32, #tpu.memory_space<hbm>>
      tpu.wait_dma2 semaphore(%arg23 : memref<!tpu.dma_semaphore, #tpu.memory_space<semaphore_mem>>) src(%arg13 : memref<128x64xf32, #tpu.memory_space<vmem>>) dst(%dma_wait3A_394 : memref<128x64xf32, #tpu.memory_space<hbm>>)
      %scan3A_395 = arith.constant 0 : i32
      %scan3A_396 = arith.constant 0 : i32
      %scan3A_397 = arith.constant 32 : i32
      %scan3A_398 = arith.addi %scan3A_396, %scan3A_397 : i32
      %scan3A_399 = arith.constant 1 : i32
      scf.for %scan3A_488 = %scan3A_396 to %scan3A_398 step %scan3A_399  : i32 {
        %mul3A_489 = arith.constant 4 : i32
        %mul3A_490 = arith.muli %scan3A_488, %mul3A_489 : i32
        %add3A_491 = arith.constant 0 : i32
        %add3A_492 = arith.addi %mul3A_490, %add3A_491 : i32
        %get3A = arith.index_cast %add3A_492 : i32 to index
        %get3A_493 = arith.constant 0 : index
        %get3A_494 = tpu.vector_load %arg8[%get3A, %get3A_493] {strides = array<i32>} : memref<128x64xf32, #tpu.memory_space<vmem>>, vector<1x16xf32>,
        %get3A_495 = vector.shape_cast %get3A_494 : vector<1x16xf32> to vector<16xf32>
        %mul3A_496 = arith.constant 8.000000e+00 : f32
        %mul3A_497 = vector.broadcast %mul3A_496 : f32 to vector<16xf32>
        %mul3A_498 = arith.mulf %get3A_495, %mul3A_497 : vector<16xf32>
        %swap3A = arith.index_cast %add3A_492 : i32 to index
        %swap3A_499 = arith.constant 0 : index
        %swap3A_500 = tpu.vector_load %arg13[%swap3A, %swap3A_499] {strides = array<i32>} : memref<128x64xf32, #tpu.memory_space<vmem>>, vector<1x16xf32>,
        %swap3A_501 = vector.shape_cast %swap3A_500 : vector<1x16xf32> to vector<16xf32>
        %swap3A_502 = vector.shape_cast %mul3A_498 : vector<16xf32> to vector<1x16xf32>
        tpu.vector_store %arg13[%swap3A, %swap3A_499], %swap3A_502 {strides = array<i32>} : memref<128x64xf32, #tpu.memory_space<vmem>>, vector<1x16xf32>,
        %get3A_503 = arith.index_cast %add3A_492 : i32 to index
        %get3A_504 = arith.constant 16 : index
        %get3A_505 = tpu.vector_load %arg8[%get3A_503, %get3A_504] {strides = array<i32>} : memref<128x64xf32, #tpu.memory_space<vmem>>, vector<1x16xf32>,
        %get3A_506 = vector.shape_cast %get3A_505 : vector<1x16xf32> to vector<16xf32>
        %mul3A_507 = arith.constant 8.000000e+00 : f32
        %mul3A_508 = vector.broadcast %mul3A_507 : f32 to vector<16xf32>
        %mul3A_509 = arith.mulf %get3A_506, %mul3A_508 : vector<16xf32>
        %swap3A_510 = arith.index_cast %add3A_492 : i32 to index
        %swap3A_511 = arith.constant 16 : index
        %swap3A_512 = tpu.vector_load %arg13[%swap3A_510, %swap3A_511] {strides = array<i32>} : memref<128x64xf32, #tpu.memory_space<vmem>>, vector<1x16xf32>,
        %swap3A_513 = vector.shape_cast %swap3A_512 : vector<1x16xf32> to vector<16xf32>
        %swap3A_514 = vector.shape_cast %mul3A_509 : vector<16xf32> to vector<1x16xf32>
        tpu.vector_store %arg13[%swap3A_510, %swap3A_511], %swap3A_514 {strides = array<i32>} : memref<128x64xf32, #tpu.memory_space<vmem>>, vector<1x16xf32>,
        %get3A_515 = arith.index_cast %add3A_492 : i32 to index
        %get3A_516 = arith.constant 32 : index
        %get3A_517 = tpu.vector_load %arg8[%get3A_515, %get3A_516] {strides = array<i32>} : memref<128x64xf32, #tpu.memory_space<vmem>>, vector<1x16xf32>,
        %get3A_518 = vector.shape_cast %get3A_517 : vector<1x16xf32> to vector<16xf32>
        %mul3A_519 = arith.constant 8.000000e+00 : f32
        %mul3A_520 = vector.broadcast %mul3A_519 : f32 to vector<16xf32>
        %mul3A_521 = arith.mulf %get3A_518, %mul3A_520 : vector<16xf32>
        %swap3A_522 = arith.index_cast %add3A_492 : i32 to index
        %swap3A_523 = arith.constant 32 : index
        %swap3A_524 = tpu.vector_load %arg13[%swap3A_522, %swap3A_523] {strides = array<i32>} : memref<128x64xf32, #tpu.memory_space<vmem>>, vector<1x16xf32>,
        %swap3A_525 = vector.shape_cast %swap3A_524 : vector<1x16xf32> to vector<16xf32>
        %swap3A_526 = vector.shape_cast %mul3A_521 : vector<16xf32> to vector<1x16xf32>
        tpu.vector_store %arg13[%swap3A_522, %swap3A_523], %swap3A_526 {strides = array<i32>} : memref<128x64xf32, #tpu.memory_space<vmem>>, vector<1x16xf32>,
        %get3A_527 = arith.index_cast %add3A_492 : i32 to index
        %get3A_528 = arith.constant 48 : index
        %get3A_529 = tpu.vector_load %arg8[%get3A_527, %get3A_528] {strides = array<i32>} : memref<128x64xf32, #tpu.memory_space<vmem>>, vector<1x16xf32>,
        %get3A_530 = vector.shape_cast %get3A_529 : vector<1x16xf32> to vector<16xf32>
        %mul3A_531 = arith.constant 8.000000e+00 : f32
        %mul3A_532 = vector.broadcast %mul3A_531 : f32 to vector<16xf32>
        %mul3A_533 = arith.mulf %get3A_530, %mul3A_532 : vector<16xf32>
        %swap3A_534 = arith.index_cast %add3A_492 : i32 to index
        %swap3A_535 = arith.constant 48 : index
        %swap3A_536 = tpu.vector_load %arg13[%swap3A_534, %swap3A_535] {strides = array<i32>} : memref<128x64xf32, #tpu.memory_space<vmem>>, vector<1x16xf32>,
        %swap3A_537 = vector.shape_cast %swap3A_536 : vector<1x16xf32> to vector<16xf32>
        %swap3A_538 = vector.shape_cast %mul3A_533 : vector<16xf32> to vector<1x16xf32>
        tpu.vector_store %arg13[%swap3A_534, %swap3A_535], %swap3A_538 {strides = array<i32>} : memref<128x64xf32, #tpu.memory_space<vmem>>, vector<1x16xf32>,
        %mul3A_539 = arith.constant 4 : i32
        %mul3A_540 = arith.muli %scan3A_488, %mul3A_539 : i32
        %add3A_541 = arith.constant 1 : i32
        %add3A_542 = arith.addi %mul3A_540, %add3A_541 : i32
        %get3A_543 = arith.index_cast %add3A_542 : i32 to index
        %get3A_544 = arith.constant 0 : index
        %get3A_545 = tpu.vector_load %arg8[%get3A_543, %get3A_544] {strides = array<i32>} : memref<128x64xf32, #tpu.memory_space<vmem>>, vector<1x16xf32>,
        %get3A_546 = vector.shape_cast %get3A_545 : vector<1x16xf32> to vector<16xf32>
        %mul3A_547 = arith.constant 8.000000e+00 : f32
        %mul3A_548 = vector.broadcast %mul3A_547 : f32 to vector<16xf32>
        %mul3A_549 = arith.mulf %get3A_546, %mul3A_548 : vector<16xf32>
        %swap3A_550 = arith.index_cast %add3A_542 : i32 to index
        %swap3A_551 = arith.constant 0 : index
        %swap3A_552 = tpu.vector_load %arg13[%swap3A_550, %swap3A_551] {strides = array<i32>} : memref<128x64xf32, #tpu.memory_space<vmem>>, vector<1x16xf32>,
        %swap3A_553 = vector.shape_cast %swap3A_552 : vector<1x16xf32> to vector<16xf32>
        %swap3A_554 = vector.shape_cast %mul3A_549 : vector<16xf32> to vector<1x16xf32>
        tpu.vector_store %arg13[%swap3A_550, %swap3A_551], %swap3A_554 {strides = array<i32>} : memref<128x64xf32, #tpu.memory_space<vmem>>, vector<1x16xf32>,
        %get3A_555 = arith.index_cast %add3A_542 : i32 to index
        %get3A_556 = arith.constant 16 : index
        %get3A_557 = tpu.vector_load %arg8[%get3A_555, %get3A_556] {strides = array<i32>} : memref<128x64xf32, #tpu.memory_space<vmem>>, vector<1x16xf32>,
        %get3A_558 = vector.shape_cast %get3A_557 : vector<1x16xf32> to vector<16xf32>
        %mul3A_559 = arith.constant 8.000000e+00 : f32
        %mul3A_560 = vector.broadcast %mul3A_559 : f32 to vector<16xf32>
        %mul3A_561 = arith.mulf %get3A_558, %mul3A_560 : vector<16xf32>
        %swap3A_562 = arith.index_cast %add3A_542 : i32 to index
        %swap3A_563 = arith.constant 16 : index
        %swap3A_564 = tpu.vector_load %arg13[%swap3A_562, %swap3A_563] {strides = array<i32>} : memref<128x64xf32, #tpu.memory_space<vmem>>, vector<1x16xf32>,
        %swap3A_565 = vector.shape_cast %swap3A_564 : vector<1x16xf32> to vector<16xf32>
        %swap3A_566 = vector.shape_cast %mul3A_561 : vector<16xf32> to vector<1x16xf32>
        tpu.vector_store %arg13[%swap3A_562, %swap3A_563], %swap3A_566 {strides = array<i32>} : memref<128x64xf32, #tpu.memory_space<vmem>>, vector<1x16xf32>,
        %get3A_567 = arith.index_cast %add3A_542 : i32 to index
        %get3A_568 = arith.constant 32 : index
        %get3A_569 = tpu.vector_load %arg8[%get3A_567, %get3A_568] {strides = array<i32>} : memref<128x64xf32, #tpu.memory_space<vmem>>, vector<1x16xf32>,
        %get3A_570 = vector.shape_cast %get3A_569 : vector<1x16xf32> to vector<16xf32>
        %mul3A_571 = arith.constant 8.000000e+00 : f32
        %mul3A_572 = vector.broadcast %mul3A_571 : f32 to vector<16xf32>
        %mul3A_573 = arith.mulf %get3A_570, %mul3A_572 : vector<16xf32>
        %swap3A_574 = arith.index_cast %add3A_542 : i32 to index
        %swap3A_575 = arith.constant 32 : index
        %swap3A_576 = tpu.vector_load %arg13[%swap3A_574, %swap3A_575] {strides = array<i32>} : memref<128x64xf32, #tpu.memory_space<vmem>>, vector<1x16xf32>,
        %swap3A_577 = vector.shape_cast %swap3A_576 : vector<1x16xf32> to vector<16xf32>
        %swap3A_578 = vector.shape_cast %mul3A_573 : vector<16xf32> to vector<1x16xf32>
        tpu.vector_store %arg13[%swap3A_574, %swap3A_575], %swap3A_578 {strides = array<i32>} : memref<128x64xf32, #tpu.memory_space<vmem>>, vector<1x16xf32>,
        %get3A_579 = arith.index_cast %add3A_542 : i32 to index
        %get3A_580 = arith.constant 48 : index
        %get3A_581 = tpu.vector_load %arg8[%get3A_579, %get3A_580] {strides = array<i32>} : memref<128x64xf32, #tpu.memory_space<vmem>>, vector<1x16xf32>,
        %get3A_582 = vector.shape_cast %get3A_581 : vector<1x16xf32> to vector<16xf32>
        %mul3A_583 = arith.constant 8.000000e+00 : f32
        %mul3A_584 = vector.broadcast %mul3A_583 : f32 to vector<16xf32>
        %mul3A_585 = arith.mulf %get3A_582, %mul3A_584 : vector<16xf32>
        %swap3A_586 = arith.index_cast %add3A_542 : i32 to index
        %swap3A_587 = arith.constant 48 : index
        %swap3A_588 = tpu.vector_load %arg13[%swap3A_586, %swap3A_587] {strides = array<i32>} : memref<128x64xf32, #tpu.memory_space<vmem>>, vector<1x16xf32>,
        %swap3A_589 = vector.shape_cast %swap3A_588 : vector<1x16xf32> to vector<16xf32>
        %swap3A_590 = vector.shape_cast %mul3A_585 : vector<16xf32> to vector<1x16xf32>
        tpu.vector_store %arg13[%swap3A_586, %swap3A_587], %swap3A_590 {strides = array<i32>} : memref<128x64xf32, #tpu.memory_space<vmem>>, vector<1x16xf32>,
        %mul3A_591 = arith.constant 4 : i32
        %mul3A_592 = arith.muli %scan3A_488, %mul3A_591 : i32
        %add3A_593 = arith.constant 2 : i32
        %add3A_594 = arith.addi %mul3A_592, %add3A_593 : i32
        %get3A_595 = arith.index_cast %add3A_594 : i32 to index
        %get3A_596 = arith.constant 0 : index
        %get3A_597 = tpu.vector_load %arg8[%get3A_595, %get3A_596] {strides = array<i32>} : memref<128x64xf32, #tpu.memory_space<vmem>>, vector<1x16xf32>,
        %get3A_598 = vector.shape_cast %get3A_597 : vector<1x16xf32> to vector<16xf32>
        %mul3A_599 = arith.constant 8.000000e+00 : f32
        %mul3A_600 = vector.broadcast %mul3A_599 : f32 to vector<16xf32>
        %mul3A_601 = arith.mulf %get3A_598, %mul3A_600 : vector<16xf32>
        %swap3A_602 = arith.index_cast %add3A_594 : i32 to index
        %swap3A_603 = arith.constant 0 : index
        %swap3A_604 = tpu.vector_load %arg13[%swap3A_602, %swap3A_603] {strides = array<i32>} : memref<128x64xf32, #tpu.memory_space<vmem>>, vector<1x16xf32>,
        %swap3A_605 = vector.shape_cast %swap3A_604 : vector<1x16xf32> to vector<16xf32>
        %swap3A_606 = vector.shape_cast %mul3A_601 : vector<16xf32> to vector<1x16xf32>
        tpu.vector_store %arg13[%swap3A_602, %swap3A_603], %swap3A_606 {strides = array<i32>} : memref<128x64xf32, #tpu.memory_space<vmem>>, vector<1x16xf32>,
        %get3A_607 = arith.index_cast %add3A_594 : i32 to index
        %get3A_608 = arith.constant 16 : index
        %get3A_609 = tpu.vector_load %arg8[%get3A_607, %get3A_608] {strides = array<i32>} : memref<128x64xf32, #tpu.memory_space<vmem>>, vector<1x16xf32>,
        %get3A_610 = vector.shape_cast %get3A_609 : vector<1x16xf32> to vector<16xf32>
        %mul3A_611 = arith.constant 8.000000e+00 : f32
        %mul3A_612 = vector.broadcast %mul3A_611 : f32 to vector<16xf32>
        %mul3A_613 = arith.mulf %get3A_610, %mul3A_612 : vector<16xf32>
        %swap3A_614 = arith.index_cast %add3A_594 : i32 to index
        %swap3A_615 = arith.constant 16 : index
        %swap3A_616 = tpu.vector_load %arg13[%swap3A_614, %swap3A_615] {strides = array<i32>} : memref<128x64xf32, #tpu.memory_space<vmem>>, vector<1x16xf32>,
        %swap3A_617 = vector.shape_cast %swap3A_616 : vector<1x16xf32> to vector<16xf32>
        %swap3A_618 = vector.shape_cast %mul3A_613 : vector<16xf32> to vector<1x16xf32>
        tpu.vector_store %arg13[%swap3A_614, %swap3A_615], %swap3A_618 {strides = array<i32>} : memref<128x64xf32, #tpu.memory_space<vmem>>, vector<1x16xf32>,
        %get3A_619 = arith.index_cast %add3A_594 : i32 to index
        %get3A_620 = arith.constant 32 : index
        %get3A_621 = tpu.vector_load %arg8[%get3A_619, %get3A_620] {strides = array<i32>} : memref<128x64xf32, #tpu.memory_space<vmem>>, vector<1x16xf32>,
        %get3A_622 = vector.shape_cast %get3A_621 : vector<1x16xf32> to vector<16xf32>
        %mul3A_623 = arith.constant 8.000000e+00 : f32
        %mul3A_624 = vector.broadcast %mul3A_623 : f32 to vector<16xf32>
        %mul3A_625 = arith.mulf %get3A_622, %mul3A_624 : vector<16xf32>
        %swap3A_626 = arith.index_cast %add3A_594 : i32 to index
        %swap3A_627 = arith.constant 32 : index
        %swap3A_628 = tpu.vector_load %arg13[%swap3A_626, %swap3A_627] {strides = array<i32>} : memref<128x64xf32, #tpu.memory_space<vmem>>, vector<1x16xf32>,
        %swap3A_629 = vector.shape_cast %swap3A_628 : vector<1x16xf32> to vector<16xf32>
        %swap3A_630 = vector.shape_cast %mul3A_625 : vector<16xf32> to vector<1x16xf32>
        tpu.vector_store %arg13[%swap3A_626, %swap3A_627], %swap3A_630 {strides = array<i32>} : memref<128x64xf32, #tpu.memory_space<vmem>>, vector<1x16xf32>,
        %get3A_631 = arith.index_cast %add3A_594 : i32 to index
        %get3A_632 = arith.constant 48 : index
        %get3A_633 = tpu.vector_load %arg8[%get3A_631, %get3A_632] {strides = array<i32>} : memref<128x64xf32, #tpu.memory_space<vmem>>, vector<1x16xf32>,
        %get3A_634 = vector.shape_cast %get3A_633 : vector<1x16xf32> to vector<16xf32>
        %mul3A_635 = arith.constant 8.000000e+00 : f32
        %mul3A_636 = vector.broadcast %mul3A_635 : f32 to vector<16xf32>
        %mul3A_637 = arith.mulf %get3A_634, %mul3A_636 : vector<16xf32>
        %swap3A_638 = arith.index_cast %add3A_594 : i32 to index
        %swap3A_639 = arith.constant 48 : index
        %swap3A_640 = tpu.vector_load %arg13[%swap3A_638, %swap3A_639] {strides = array<i32>} : memref<128x64xf32, #tpu.memory_space<vmem>>, vector<1x16xf32>,
        %swap3A_641 = vector.shape_cast %swap3A_640 : vector<1x16xf32> to vector<16xf32>
        %swap3A_642 = vector.shape_cast %mul3A_637 : vector<16xf32> to vector<1x16xf32>
        tpu.vector_store %arg13[%swap3A_638, %swap3A_639], %swap3A_642 {strides = array<i32>} : memref<128x64xf32, #tpu.memory_space<vmem>>, vector<1x16xf32>,
        %mul3A_643 = arith.constant 4 : i32
        %mul3A_644 = arith.muli %scan3A_488, %mul3A_643 : i32
        %add3A_645 = arith.constant 3 : i32
        %add3A_646 = arith.addi %mul3A_644, %add3A_645 : i32
        %get3A_647 = arith.index_cast %add3A_646 : i32 to index
        %get3A_648 = arith.constant 0 : index
        %get3A_649 = tpu.vector_load %arg8[%get3A_647, %get3A_648] {strides = array<i32>} : memref<128x64xf32, #tpu.memory_space<vmem>>, vector<1x16xf32>,
        %get3A_650 = vector.shape_cast %get3A_649 : vector<1x16xf32> to vector<16xf32>
        %mul3A_651 = arith.constant 8.000000e+00 : f32
        %mul3A_652 = vector.broadcast %mul3A_651 : f32 to vector<16xf32>
        %mul3A_653 = arith.mulf %get3A_650, %mul3A_652 : vector<16xf32>
        %swap3A_654 = arith.index_cast %add3A_646 : i32 to index
        %swap3A_655 = arith.constant 0 : index
        %swap3A_656 = tpu.vector_load %arg13[%swap3A_654, %swap3A_655] {strides = array<i32>} : memref<128x64xf32, #tpu.memory_space<vmem>>, vector<1x16xf32>,
        %swap3A_657 = vector.shape_cast %swap3A_656 : vector<1x16xf32> to vector<16xf32>
        %swap3A_658 = vector.shape_cast %mul3A_653 : vector<16xf32> to vector<1x16xf32>
        tpu.vector_store %arg13[%swap3A_654, %swap3A_655], %swap3A_658 {strides = array<i32>} : memref<128x64xf32, #tpu.memory_space<vmem>>, vector<1x16xf32>,
        %get3A_659 = arith.index_cast %add3A_646 : i32 to index
        %get3A_660 = arith.constant 16 : index
        %get3A_661 = tpu.vector_load %arg8[%get3A_659, %get3A_660] {strides = array<i32>} : memref<128x64xf32, #tpu.memory_space<vmem>>, vector<1x16xf32>,
        %get3A_662 = vector.shape_cast %get3A_661 : vector<1x16xf32> to vector<16xf32>
        %mul3A_663 = arith.constant 8.000000e+00 : f32
        %mul3A_664 = vector.broadcast %mul3A_663 : f32 to vector<16xf32>
        %mul3A_665 = arith.mulf %get3A_662, %mul3A_664 : vector<16xf32>
        %swap3A_666 = arith.index_cast %add3A_646 : i32 to index
        %swap3A_667 = arith.constant 16 : index
        %swap3A_668 = tpu.vector_load %arg13[%swap3A_666, %swap3A_667] {strides = array<i32>} : memref<128x64xf32, #tpu.memory_space<vmem>>, vector<1x16xf32>,
        %swap3A_669 = vector.shape_cast %swap3A_668 : vector<1x16xf32> to vector<16xf32>
        %swap3A_670 = vector.shape_cast %mul3A_665 : vector<16xf32> to vector<1x16xf32>
        tpu.vector_store %arg13[%swap3A_666, %swap3A_667], %swap3A_670 {strides = array<i32>} : memref<128x64xf32, #tpu.memory_space<vmem>>, vector<1x16xf32>,
        %get3A_671 = arith.index_cast %add3A_646 : i32 to index
        %get3A_672 = arith.constant 32 : index
        %get3A_673 = tpu.vector_load %arg8[%get3A_671, %get3A_672] {strides = array<i32>} : memref<128x64xf32, #tpu.memory_space<vmem>>, vector<1x16xf32>,
        %get3A_674 = vector.shape_cast %get3A_673 : vector<1x16xf32> to vector<16xf32>
        %mul3A_675 = arith.constant 8.000000e+00 : f32
        %mul3A_676 = vector.broadcast %mul3A_675 : f32 to vector<16xf32>
        %mul3A_677 = arith.mulf %get3A_674, %mul3A_676 : vector<16xf32>
        %swap3A_678 = arith.index_cast %add3A_646 : i32 to index
        %swap3A_679 = arith.constant 32 : index
        %swap3A_680 = tpu.vector_load %arg13[%swap3A_678, %swap3A_679] {strides = array<i32>} : memref<128x64xf32, #tpu.memory_space<vmem>>, vector<1x16xf32>,
        %swap3A_681 = vector.shape_cast %swap3A_680 : vector<1x16xf32> to vector<16xf32>
        %swap3A_682 = vector.shape_cast %mul3A_677 : vector<16xf32> to vector<1x16xf32>
        tpu.vector_store %arg13[%swap3A_678, %swap3A_679], %swap3A_682 {strides = array<i32>} : memref<128x64xf32, #tpu.memory_space<vmem>>, vector<1x16xf32>,
        %get3A_683 = arith.index_cast %add3A_646 : i32 to index
        %get3A_684 = arith.constant 48 : index
        %get3A_685 = tpu.vector_load %arg8[%get3A_683, %get3A_684] {strides = array<i32>} : memref<128x64xf32, #tpu.memory_space<vmem>>, vector<1x16xf32>,
        %get3A_686 = vector.shape_cast %get3A_685 : vector<1x16xf32> to vector<16xf32>
        %mul3A_687 = arith.constant 8.000000e+00 : f32
        %mul3A_688 = vector.broadcast %mul3A_687 : f32 to vector<16xf32>
        %mul3A_689 = arith.mulf %get3A_686, %mul3A_688 : vector<16xf32>
        %swap3A_690 = arith.index_cast %add3A_646 : i32 to index
        %swap3A_691 = arith.constant 48 : index
        %swap3A_692 = tpu.vector_load %arg13[%swap3A_690, %swap3A_691] {strides = array<i32>} : memref<128x64xf32, #tpu.memory_space<vmem>>, vector<1x16xf32>,
        %swap3A_693 = vector.shape_cast %swap3A_692 : vector<1x16xf32> to vector<16xf32>
        %swap3A_694 = vector.shape_cast %mul3A_689 : vector<16xf32> to vector<1x16xf32>
        tpu.vector_store %arg13[%swap3A_690, %swap3A_691], %swap3A_694 {strides = array<i32>} : memref<128x64xf32, #tpu.memory_space<vmem>>, vector<1x16xf32>,
      }
      %scan3A_400 = arith.constant 32 : i32
      %mul3A_401 = arith.constant 128 : i32
      %mul3A_402 = arith.muli %add3A_369, %mul3A_401 : i32
      %add3A_403 = arith.addi %mul3A_2, %mul3A_402 : i32
      %dma_start3A_404 = arith.constant 0 : i32
      %dma_start3A_405 = tpu.memref_slice %arg4[%add3A_403, %dma_start3A_404] : memref<819200x64xf32, #tpu.memory_space<hbm>> -> memref<128x64xf32, #tpu.memory_space<hbm>>
      %dma_start3A_406 = arith.constant 0 : i32
      %dma_start3A_407 = tpu.memref_slice %arg4[%add3A_403, %dma_start3A_406] : memref<819200x64xf32, #tpu.memory_space<hbm>> -> memref<128x64xf32, #tpu.memory_space<hbm>>
      tpu.enqueue_dma source(%arg13 : memref<128x64xf32, #tpu.memory_space<vmem>>) target(%dma_start3A_407 : memref<128x64xf32, #tpu.memory_space<hbm>>) target_semaphore(%arg23 : memref<!tpu.dma_semaphore, #tpu.memory_space<semaphore_mem>>)
      %add3A_408 = arith.constant 3 : i32
      %add3A_409 = arith.addi %mul3A_288, %add3A_408 : i32
      %mul3A_410 = arith.constant 128 : i32
      %mul3A_411 = arith.muli %add3A_409, %mul3A_410 : i32
      %dma_wait3A_412 = tpu.memref_slice %arg5[%mul3A_411] : memref<25600xi32, #tpu.memory_space<vmem>> -> memref<128xi32, #tpu.memory_space<vmem>>
      %dma_wait3A_413 = arith.constant 0 : i32
      %dma_wait3A_414 = arith.constant 0 : i32
      %dma_wait3A_415 = tpu.memref_slice %arg3[%dma_wait3A_413, %dma_wait3A_414] : memref<1000000x64xf32, #tpu.memory_space<hbm>> -> memref<1000000x64xf32, #tpu.memory_space<hbm>>
      tpu.wait_indirect_dma semaphore(%arg19 : memref<!tpu.dma_semaphore, #tpu.memory_space<semaphore_mem>>) src(%dma_wait3A_415 : memref<1000000x64xf32, #tpu.memory_space<hbm>>) dst(%arg9 : memref<128x64xf32, #tpu.memory_space<vmem>>)
      %add3A_416 = arith.constant 5 : i32
      %add3A_417 = arith.addi %add3A_409, %add3A_416 : i32
      %sub3A_418 = arith.constant 1 : i32
      %sub3A_419 = arith.subi %add3A_417, %sub3A_418 : i32
      %mul3A_420 = arith.constant 128 : i32
      %mul3A_421 = arith.muli %sub3A_419, %mul3A_420 : i32
      %dma_start3A_422 = tpu.memref_slice %arg5[%mul3A_421] : memref<25600xi32, #tpu.memory_space<vmem>> -> memref<128xi32, #tpu.memory_space<vmem>>
      %dma_start3A_423 = arith.constant 0 : i32
      %dma_start3A_424 = arith.constant 0 : i32
      %dma_start3A_425 = tpu.memref_slice %arg3[%dma_start3A_423, %dma_start3A_424] : memref<1000000x64xf32, #tpu.memory_space<hbm>> -> memref<1000000x64xf32, #tpu.memory_space<hbm>>
      tpu.enqueue_indirect_dma source(%dma_start3A_425 : memref<1000000x64xf32, #tpu.memory_space<hbm>>) target(%arg8 : memref<128x64xf32, #tpu.memory_space<vmem>>) offsets(%dma_start3A_422 : memref<128xi32, #tpu.memory_space<vmem>>) semaphore(%arg18 : memref<!tpu.dma_semaphore, #tpu.memory_space<semaphore_mem>>)
      %sub3A_426 = arith.constant 5 : i32
      %sub3A_427 = arith.subi %add3A_409, %sub3A_426 : i32
      %mul3A_428 = arith.constant 128 : i32
      %mul3A_429 = arith.muli %sub3A_427, %mul3A_428 : i32
      %add3A_430 = arith.addi %mul3A_2, %mul3A_429 : i32
      %dma_wait3A_431 = arith.constant 0 : i32
      %dma_wait3A_432 = tpu.memref_slice %arg4[%add3A_430, %dma_wait3A_431] : memref<819200x64xf32, #tpu.memory_space<hbm>> -> memref<128x64xf32, #tpu.memory_space<hbm>>
      %dma_wait3A_433 = arith.constant 0 : i32
      %dma_wait3A_434 = tpu.memref_slice %arg4[%add3A_430, %dma_wait3A_433] : memref<819200x64xf32, #tpu.memory_space<hbm>> -> memref<128x64xf32, #tpu.memory_space<hbm>>
      tpu.wait_dma2 semaphore(%arg24 : memref<!tpu.dma_semaphore, #tpu.memory_space<semaphore_mem>>) src(%arg14 : memref<128x64xf32, #tpu.memory_space<vmem>>) dst(%dma_wait3A_434 : memref<128x64xf32, #tpu.memory_space<hbm>>)
      %scan3A_435 = arith.constant 0 : i32
      %scan3A_436 = arith.constant 0 : i32
      %scan3A_437 = arith.constant 32 : i32
      %scan3A_438 = arith.addi %scan3A_436, %scan3A_437 : i32
      %scan3A_439 = arith.constant 1 : i32
      scf.for %scan3A_488 = %scan3A_436 to %scan3A_438 step %scan3A_439  : i32 {
        %mul3A_489 = arith.constant 4 : i32
        %mul3A_490 = arith.muli %scan3A_488, %mul3A_489 : i32
        %add3A_491 = arith.constant 0 : i32
        %add3A_492 = arith.addi %mul3A_490, %add3A_491 : i32
        %get3A = arith.index_cast %add3A_492 : i32 to index
        %get3A_493 = arith.constant 0 : index
        %get3A_494 = tpu.vector_load %arg9[%get3A, %get3A_493] {strides = array<i32>} : memref<128x64xf32, #tpu.memory_space<vmem>>, vector<1x16xf32>,
        %get3A_495 = vector.shape_cast %get3A_494 : vector<1x16xf32> to vector<16xf32>
        %mul3A_496 = arith.constant 8.000000e+00 : f32
        %mul3A_497 = vector.broadcast %mul3A_496 : f32 to vector<16xf32>
        %mul3A_498 = arith.mulf %get3A_495, %mul3A_497 : vector<16xf32>
        %swap3A = arith.index_cast %add3A_492 : i32 to index
        %swap3A_499 = arith.constant 0 : index
        %swap3A_500 = tpu.vector_load %arg14[%swap3A, %swap3A_499] {strides = array<i32>} : memref<128x64xf32, #tpu.memory_space<vmem>>, vector<1x16xf32>,
        %swap3A_501 = vector.shape_cast %swap3A_500 : vector<1x16xf32> to vector<16xf32>
        %swap3A_502 = vector.shape_cast %mul3A_498 : vector<16xf32> to vector<1x16xf32>
        tpu.vector_store %arg14[%swap3A, %swap3A_499], %swap3A_502 {strides = array<i32>} : memref<128x64xf32, #tpu.memory_space<vmem>>, vector<1x16xf32>,
        %get3A_503 = arith.index_cast %add3A_492 : i32 to index
        %get3A_504 = arith.constant 16 : index
        %get3A_505 = tpu.vector_load %arg9[%get3A_503, %get3A_504] {strides = array<i32>} : memref<128x64xf32, #tpu.memory_space<vmem>>, vector<1x16xf32>,
        %get3A_506 = vector.shape_cast %get3A_505 : vector<1x16xf32> to vector<16xf32>
        %mul3A_507 = arith.constant 8.000000e+00 : f32
        %mul3A_508 = vector.broadcast %mul3A_507 : f32 to vector<16xf32>
        %mul3A_509 = arith.mulf %get3A_506, %mul3A_508 : vector<16xf32>
        %swap3A_510 = arith.index_cast %add3A_492 : i32 to index
        %swap3A_511 = arith.constant 16 : index
        %swap3A_512 = tpu.vector_load %arg14[%swap3A_510, %swap3A_511] {strides = array<i32>} : memref<128x64xf32, #tpu.memory_space<vmem>>, vector<1x16xf32>,
        %swap3A_513 = vector.shape_cast %swap3A_512 : vector<1x16xf32> to vector<16xf32>
        %swap3A_514 = vector.shape_cast %mul3A_509 : vector<16xf32> to vector<1x16xf32>
        tpu.vector_store %arg14[%swap3A_510, %swap3A_511], %swap3A_514 {strides = array<i32>} : memref<128x64xf32, #tpu.memory_space<vmem>>, vector<1x16xf32>,
        %get3A_515 = arith.index_cast %add3A_492 : i32 to index
        %get3A_516 = arith.constant 32 : index
        %get3A_517 = tpu.vector_load %arg9[%get3A_515, %get3A_516] {strides = array<i32>} : memref<128x64xf32, #tpu.memory_space<vmem>>, vector<1x16xf32>,
        %get3A_518 = vector.shape_cast %get3A_517 : vector<1x16xf32> to vector<16xf32>
        %mul3A_519 = arith.constant 8.000000e+00 : f32
        %mul3A_520 = vector.broadcast %mul3A_519 : f32 to vector<16xf32>
        %mul3A_521 = arith.mulf %get3A_518, %mul3A_520 : vector<16xf32>
        %swap3A_522 = arith.index_cast %add3A_492 : i32 to index
        %swap3A_523 = arith.constant 32 : index
        %swap3A_524 = tpu.vector_load %arg14[%swap3A_522, %swap3A_523] {strides = array<i32>} : memref<128x64xf32, #tpu.memory_space<vmem>>, vector<1x16xf32>,
        %swap3A_525 = vector.shape_cast %swap3A_524 : vector<1x16xf32> to vector<16xf32>
        %swap3A_526 = vector.shape_cast %mul3A_521 : vector<16xf32> to vector<1x16xf32>
        tpu.vector_store %arg14[%swap3A_522, %swap3A_523], %swap3A_526 {strides = array<i32>} : memref<128x64xf32, #tpu.memory_space<vmem>>, vector<1x16xf32>,
        %get3A_527 = arith.index_cast %add3A_492 : i32 to index
        %get3A_528 = arith.constant 48 : index
        %get3A_529 = tpu.vector_load %arg9[%get3A_527, %get3A_528] {strides = array<i32>} : memref<128x64xf32, #tpu.memory_space<vmem>>, vector<1x16xf32>,
        %get3A_530 = vector.shape_cast %get3A_529 : vector<1x16xf32> to vector<16xf32>
        %mul3A_531 = arith.constant 8.000000e+00 : f32
        %mul3A_532 = vector.broadcast %mul3A_531 : f32 to vector<16xf32>
        %mul3A_533 = arith.mulf %get3A_530, %mul3A_532 : vector<16xf32>
        %swap3A_534 = arith.index_cast %add3A_492 : i32 to index
        %swap3A_535 = arith.constant 48 : index
        %swap3A_536 = tpu.vector_load %arg14[%swap3A_534, %swap3A_535] {strides = array<i32>} : memref<128x64xf32, #tpu.memory_space<vmem>>, vector<1x16xf32>,
        %swap3A_537 = vector.shape_cast %swap3A_536 : vector<1x16xf32> to vector<16xf32>
        %swap3A_538 = vector.shape_cast %mul3A_533 : vector<16xf32> to vector<1x16xf32>
        tpu.vector_store %arg14[%swap3A_534, %swap3A_535], %swap3A_538 {strides = array<i32>} : memref<128x64xf32, #tpu.memory_space<vmem>>, vector<1x16xf32>,
        %mul3A_539 = arith.constant 4 : i32
        %mul3A_540 = arith.muli %scan3A_488, %mul3A_539 : i32
        %add3A_541 = arith.constant 1 : i32
        %add3A_542 = arith.addi %mul3A_540, %add3A_541 : i32
        %get3A_543 = arith.index_cast %add3A_542 : i32 to index
        %get3A_544 = arith.constant 0 : index
        %get3A_545 = tpu.vector_load %arg9[%get3A_543, %get3A_544] {strides = array<i32>} : memref<128x64xf32, #tpu.memory_space<vmem>>, vector<1x16xf32>,
        %get3A_546 = vector.shape_cast %get3A_545 : vector<1x16xf32> to vector<16xf32>
        %mul3A_547 = arith.constant 8.000000e+00 : f32
        %mul3A_548 = vector.broadcast %mul3A_547 : f32 to vector<16xf32>
        %mul3A_549 = arith.mulf %get3A_546, %mul3A_548 : vector<16xf32>
        %swap3A_550 = arith.index_cast %add3A_542 : i32 to index
        %swap3A_551 = arith.constant 0 : index
        %swap3A_552 = tpu.vector_load %arg14[%swap3A_550, %swap3A_551] {strides = array<i32>} : memref<128x64xf32, #tpu.memory_space<vmem>>, vector<1x16xf32>,
        %swap3A_553 = vector.shape_cast %swap3A_552 : vector<1x16xf32> to vector<16xf32>
        %swap3A_554 = vector.shape_cast %mul3A_549 : vector<16xf32> to vector<1x16xf32>
        tpu.vector_store %arg14[%swap3A_550, %swap3A_551], %swap3A_554 {strides = array<i32>} : memref<128x64xf32, #tpu.memory_space<vmem>>, vector<1x16xf32>,
        %get3A_555 = arith.index_cast %add3A_542 : i32 to index
        %get3A_556 = arith.constant 16 : index
        %get3A_557 = tpu.vector_load %arg9[%get3A_555, %get3A_556] {strides = array<i32>} : memref<128x64xf32, #tpu.memory_space<vmem>>, vector<1x16xf32>,
        %get3A_558 = vector.shape_cast %get3A_557 : vector<1x16xf32> to vector<16xf32>
        %mul3A_559 = arith.constant 8.000000e+00 : f32
        %mul3A_560 = vector.broadcast %mul3A_559 : f32 to vector<16xf32>
        %mul3A_561 = arith.mulf %get3A_558, %mul3A_560 : vector<16xf32>
        %swap3A_562 = arith.index_cast %add3A_542 : i32 to index
        %swap3A_563 = arith.constant 16 : index
        %swap3A_564 = tpu.vector_load %arg14[%swap3A_562, %swap3A_563] {strides = array<i32>} : memref<128x64xf32, #tpu.memory_space<vmem>>, vector<1x16xf32>,
        %swap3A_565 = vector.shape_cast %swap3A_564 : vector<1x16xf32> to vector<16xf32>
        %swap3A_566 = vector.shape_cast %mul3A_561 : vector<16xf32> to vector<1x16xf32>
        tpu.vector_store %arg14[%swap3A_562, %swap3A_563], %swap3A_566 {strides = array<i32>} : memref<128x64xf32, #tpu.memory_space<vmem>>, vector<1x16xf32>,
        %get3A_567 = arith.index_cast %add3A_542 : i32 to index
        %get3A_568 = arith.constant 32 : index
        %get3A_569 = tpu.vector_load %arg9[%get3A_567, %get3A_568] {strides = array<i32>} : memref<128x64xf32, #tpu.memory_space<vmem>>, vector<1x16xf32>,
        %get3A_570 = vector.shape_cast %get3A_569 : vector<1x16xf32> to vector<16xf32>
        %mul3A_571 = arith.constant 8.000000e+00 : f32
        %mul3A_572 = vector.broadcast %mul3A_571 : f32 to vector<16xf32>
        %mul3A_573 = arith.mulf %get3A_570, %mul3A_572 : vector<16xf32>
        %swap3A_574 = arith.index_cast %add3A_542 : i32 to index
        %swap3A_575 = arith.constant 32 : index
        %swap3A_576 = tpu.vector_load %arg14[%swap3A_574, %swap3A_575] {strides = array<i32>} : memref<128x64xf32, #tpu.memory_space<vmem>>, vector<1x16xf32>,
        %swap3A_577 = vector.shape_cast %swap3A_576 : vector<1x16xf32> to vector<16xf32>
        %swap3A_578 = vector.shape_cast %mul3A_573 : vector<16xf32> to vector<1x16xf32>
        tpu.vector_store %arg14[%swap3A_574, %swap3A_575], %swap3A_578 {strides = array<i32>} : memref<128x64xf32, #tpu.memory_space<vmem>>, vector<1x16xf32>,
        %get3A_579 = arith.index_cast %add3A_542 : i32 to index
        %get3A_580 = arith.constant 48 : index
        %get3A_581 = tpu.vector_load %arg9[%get3A_579, %get3A_580] {strides = array<i32>} : memref<128x64xf32, #tpu.memory_space<vmem>>, vector<1x16xf32>,
        %get3A_582 = vector.shape_cast %get3A_581 : vector<1x16xf32> to vector<16xf32>
        %mul3A_583 = arith.constant 8.000000e+00 : f32
        %mul3A_584 = vector.broadcast %mul3A_583 : f32 to vector<16xf32>
        %mul3A_585 = arith.mulf %get3A_582, %mul3A_584 : vector<16xf32>
        %swap3A_586 = arith.index_cast %add3A_542 : i32 to index
        %swap3A_587 = arith.constant 48 : index
        %swap3A_588 = tpu.vector_load %arg14[%swap3A_586, %swap3A_587] {strides = array<i32>} : memref<128x64xf32, #tpu.memory_space<vmem>>, vector<1x16xf32>,
        %swap3A_589 = vector.shape_cast %swap3A_588 : vector<1x16xf32> to vector<16xf32>
        %swap3A_590 = vector.shape_cast %mul3A_585 : vector<16xf32> to vector<1x16xf32>
        tpu.vector_store %arg14[%swap3A_586, %swap3A_587], %swap3A_590 {strides = array<i32>} : memref<128x64xf32, #tpu.memory_space<vmem>>, vector<1x16xf32>,
        %mul3A_591 = arith.constant 4 : i32
        %mul3A_592 = arith.muli %scan3A_488, %mul3A_591 : i32
        %add3A_593 = arith.constant 2 : i32
        %add3A_594 = arith.addi %mul3A_592, %add3A_593 : i32
        %get3A_595 = arith.index_cast %add3A_594 : i32 to index
        %get3A_596 = arith.constant 0 : index
        %get3A_597 = tpu.vector_load %arg9[%get3A_595, %get3A_596] {strides = array<i32>} : memref<128x64xf32, #tpu.memory_space<vmem>>, vector<1x16xf32>,
        %get3A_598 = vector.shape_cast %get3A_597 : vector<1x16xf32> to vector<16xf32>
        %mul3A_599 = arith.constant 8.000000e+00 : f32
        %mul3A_600 = vector.broadcast %mul3A_599 : f32 to vector<16xf32>
        %mul3A_601 = arith.mulf %get3A_598, %mul3A_600 : vector<16xf32>
        %swap3A_602 = arith.index_cast %add3A_594 : i32 to index
        %swap3A_603 = arith.constant 0 : index
        %swap3A_604 = tpu.vector_load %arg14[%swap3A_602, %swap3A_603] {strides = array<i32>} : memref<128x64xf32, #tpu.memory_space<vmem>>, vector<1x16xf32>,
        %swap3A_605 = vector.shape_cast %swap3A_604 : vector<1x16xf32> to vector<16xf32>
        %swap3A_606 = vector.shape_cast %mul3A_601 : vector<16xf32> to vector<1x16xf32>
        tpu.vector_store %arg14[%swap3A_602, %swap3A_603], %swap3A_606 {strides = array<i32>} : memref<128x64xf32, #tpu.memory_space<vmem>>, vector<1x16xf32>,
        %get3A_607 = arith.index_cast %add3A_594 : i32 to index
        %get3A_608 = arith.constant 16 : index
        %get3A_609 = tpu.vector_load %arg9[%get3A_607, %get3A_608] {strides = array<i32>} : memref<128x64xf32, #tpu.memory_space<vmem>>, vector<1x16xf32>,
        %get3A_610 = vector.shape_cast %get3A_609 : vector<1x16xf32> to vector<16xf32>
        %mul3A_611 = arith.constant 8.000000e+00 : f32
        %mul3A_612 = vector.broadcast %mul3A_611 : f32 to vector<16xf32>
        %mul3A_613 = arith.mulf %get3A_610, %mul3A_612 : vector<16xf32>
        %swap3A_614 = arith.index_cast %add3A_594 : i32 to index
        %swap3A_615 = arith.constant 16 : index
        %swap3A_616 = tpu.vector_load %arg14[%swap3A_614, %swap3A_615] {strides = array<i32>} : memref<128x64xf32, #tpu.memory_space<vmem>>, vector<1x16xf32>,
        %swap3A_617 = vector.shape_cast %swap3A_616 : vector<1x16xf32> to vector<16xf32>
        %swap3A_618 = vector.shape_cast %mul3A_613 : vector<16xf32> to vector<1x16xf32>
        tpu.vector_store %arg14[%swap3A_614, %swap3A_615], %swap3A_618 {strides = array<i32>} : memref<128x64xf32, #tpu.memory_space<vmem>>, vector<1x16xf32>,
        %get3A_619 = arith.index_cast %add3A_594 : i32 to index
        %get3A_620 = arith.constant 32 : index
        %get3A_621 = tpu.vector_load %arg9[%get3A_619, %get3A_620] {strides = array<i32>} : memref<128x64xf32, #tpu.memory_space<vmem>>, vector<1x16xf32>,
        %get3A_622 = vector.shape_cast %get3A_621 : vector<1x16xf32> to vector<16xf32>
        %mul3A_623 = arith.constant 8.000000e+00 : f32
        %mul3A_624 = vector.broadcast %mul3A_623 : f32 to vector<16xf32>
        %mul3A_625 = arith.mulf %get3A_622, %mul3A_624 : vector<16xf32>
        %swap3A_626 = arith.index_cast %add3A_594 : i32 to index
        %swap3A_627 = arith.constant 32 : index
        %swap3A_628 = tpu.vector_load %arg14[%swap3A_626, %swap3A_627] {strides = array<i32>} : memref<128x64xf32, #tpu.memory_space<vmem>>, vector<1x16xf32>,
        %swap3A_629 = vector.shape_cast %swap3A_628 : vector<1x16xf32> to vector<16xf32>
        %swap3A_630 = vector.shape_cast %mul3A_625 : vector<16xf32> to vector<1x16xf32>
        tpu.vector_store %arg14[%swap3A_626, %swap3A_627], %swap3A_630 {strides = array<i32>} : memref<128x64xf32, #tpu.memory_space<vmem>>, vector<1x16xf32>,
        %get3A_631 = arith.index_cast %add3A_594 : i32 to index
        %get3A_632 = arith.constant 48 : index
        %get3A_633 = tpu.vector_load %arg9[%get3A_631, %get3A_632] {strides = array<i32>} : memref<128x64xf32, #tpu.memory_space<vmem>>, vector<1x16xf32>,
        %get3A_634 = vector.shape_cast %get3A_633 : vector<1x16xf32> to vector<16xf32>
        %mul3A_635 = arith.constant 8.000000e+00 : f32
        %mul3A_636 = vector.broadcast %mul3A_635 : f32 to vector<16xf32>
        %mul3A_637 = arith.mulf %get3A_634, %mul3A_636 : vector<16xf32>
        %swap3A_638 = arith.index_cast %add3A_594 : i32 to index
        %swap3A_639 = arith.constant 48 : index
        %swap3A_640 = tpu.vector_load %arg14[%swap3A_638, %swap3A_639] {strides = array<i32>} : memref<128x64xf32, #tpu.memory_space<vmem>>, vector<1x16xf32>,
        %swap3A_641 = vector.shape_cast %swap3A_640 : vector<1x16xf32> to vector<16xf32>
        %swap3A_642 = vector.shape_cast %mul3A_637 : vector<16xf32> to vector<1x16xf32>
        tpu.vector_store %arg14[%swap3A_638, %swap3A_639], %swap3A_642 {strides = array<i32>} : memref<128x64xf32, #tpu.memory_space<vmem>>, vector<1x16xf32>,
        %mul3A_643 = arith.constant 4 : i32
        %mul3A_644 = arith.muli %scan3A_488, %mul3A_643 : i32
        %add3A_645 = arith.constant 3 : i32
        %add3A_646 = arith.addi %mul3A_644, %add3A_645 : i32
        %get3A_647 = arith.index_cast %add3A_646 : i32 to index
        %get3A_648 = arith.constant 0 : index
        %get3A_649 = tpu.vector_load %arg9[%get3A_647, %get3A_648] {strides = array<i32>} : memref<128x64xf32, #tpu.memory_space<vmem>>, vector<1x16xf32>,
        %get3A_650 = vector.shape_cast %get3A_649 : vector<1x16xf32> to vector<16xf32>
        %mul3A_651 = arith.constant 8.000000e+00 : f32
        %mul3A_652 = vector.broadcast %mul3A_651 : f32 to vector<16xf32>
        %mul3A_653 = arith.mulf %get3A_650, %mul3A_652 : vector<16xf32>
        %swap3A_654 = arith.index_cast %add3A_646 : i32 to index
        %swap3A_655 = arith.constant 0 : index
        %swap3A_656 = tpu.vector_load %arg14[%swap3A_654, %swap3A_655] {strides = array<i32>} : memref<128x64xf32, #tpu.memory_space<vmem>>, vector<1x16xf32>,
        %swap3A_657 = vector.shape_cast %swap3A_656 : vector<1x16xf32> to vector<16xf32>
        %swap3A_658 = vector.shape_cast %mul3A_653 : vector<16xf32> to vector<1x16xf32>
        tpu.vector_store %arg14[%swap3A_654, %swap3A_655], %swap3A_658 {strides = array<i32>} : memref<128x64xf32, #tpu.memory_space<vmem>>, vector<1x16xf32>,
        %get3A_659 = arith.index_cast %add3A_646 : i32 to index
        %get3A_660 = arith.constant 16 : index
        %get3A_661 = tpu.vector_load %arg9[%get3A_659, %get3A_660] {strides = array<i32>} : memref<128x64xf32, #tpu.memory_space<vmem>>, vector<1x16xf32>,
        %get3A_662 = vector.shape_cast %get3A_661 : vector<1x16xf32> to vector<16xf32>
        %mul3A_663 = arith.constant 8.000000e+00 : f32
        %mul3A_664 = vector.broadcast %mul3A_663 : f32 to vector<16xf32>
        %mul3A_665 = arith.mulf %get3A_662, %mul3A_664 : vector<16xf32>
        %swap3A_666 = arith.index_cast %add3A_646 : i32 to index
        %swap3A_667 = arith.constant 16 : index
        %swap3A_668 = tpu.vector_load %arg14[%swap3A_666, %swap3A_667] {strides = array<i32>} : memref<128x64xf32, #tpu.memory_space<vmem>>, vector<1x16xf32>,
        %swap3A_669 = vector.shape_cast %swap3A_668 : vector<1x16xf32> to vector<16xf32>
        %swap3A_670 = vector.shape_cast %mul3A_665 : vector<16xf32> to vector<1x16xf32>
        tpu.vector_store %arg14[%swap3A_666, %swap3A_667], %swap3A_670 {strides = array<i32>} : memref<128x64xf32, #tpu.memory_space<vmem>>, vector<1x16xf32>,
        %get3A_671 = arith.index_cast %add3A_646 : i32 to index
        %get3A_672 = arith.constant 32 : index
        %get3A_673 = tpu.vector_load %arg9[%get3A_671, %get3A_672] {strides = array<i32>} : memref<128x64xf32, #tpu.memory_space<vmem>>, vector<1x16xf32>,
        %get3A_674 = vector.shape_cast %get3A_673 : vector<1x16xf32> to vector<16xf32>
        %mul3A_675 = arith.constant 8.000000e+00 : f32
        %mul3A_676 = vector.broadcast %mul3A_675 : f32 to vector<16xf32>
        %mul3A_677 = arith.mulf %get3A_674, %mul3A_676 : vector<16xf32>
        %swap3A_678 = arith.index_cast %add3A_646 : i32 to index
        %swap3A_679 = arith.constant 32 : index
        %swap3A_680 = tpu.vector_load %arg14[%swap3A_678, %swap3A_679] {strides = array<i32>} : memref<128x64xf32, #tpu.memory_space<vmem>>, vector<1x16xf32>,
        %swap3A_681 = vector.shape_cast %swap3A_680 : vector<1x16xf32> to vector<16xf32>
        %swap3A_682 = vector.shape_cast %mul3A_677 : vector<16xf32> to vector<1x16xf32>
        tpu.vector_store %arg14[%swap3A_678, %swap3A_679], %swap3A_682 {strides = array<i32>} : memref<128x64xf32, #tpu.memory_space<vmem>>, vector<1x16xf32>,
        %get3A_683 = arith.index_cast %add3A_646 : i32 to index
        %get3A_684 = arith.constant 48 : index
        %get3A_685 = tpu.vector_load %arg9[%get3A_683, %get3A_684] {strides = array<i32>} : memref<128x64xf32, #tpu.memory_space<vmem>>, vector<1x16xf32>,
        %get3A_686 = vector.shape_cast %get3A_685 : vector<1x16xf32> to vector<16xf32>
        %mul3A_687 = arith.constant 8.000000e+00 : f32
        %mul3A_688 = vector.broadcast %mul3A_687 : f32 to vector<16xf32>
        %mul3A_689 = arith.mulf %get3A_686, %mul3A_688 : vector<16xf32>
        %swap3A_690 = arith.index_cast %add3A_646 : i32 to index
        %swap3A_691 = arith.constant 48 : index
        %swap3A_692 = tpu.vector_load %arg14[%swap3A_690, %swap3A_691] {strides = array<i32>} : memref<128x64xf32, #tpu.memory_space<vmem>>, vector<1x16xf32>,
        %swap3A_693 = vector.shape_cast %swap3A_692 : vector<1x16xf32> to vector<16xf32>
        %swap3A_694 = vector.shape_cast %mul3A_689 : vector<16xf32> to vector<1x16xf32>
        tpu.vector_store %arg14[%swap3A_690, %swap3A_691], %swap3A_694 {strides = array<i32>} : memref<128x64xf32, #tpu.memory_space<vmem>>, vector<1x16xf32>,
      }
      %scan3A_440 = arith.constant 32 : i32
      %mul3A_441 = arith.constant 128 : i32
      %mul3A_442 = arith.muli %add3A_409, %mul3A_441 : i32
      %add3A_443 = arith.addi %mul3A_2, %mul3A_442 : i32
      %dma_start3A_444 = arith.constant 0 : i32
      %dma_start3A_445 = tpu.memref_slice %arg4[%add3A_443, %dma_start3A_444] : memref<819200x64xf32, #tpu.memory_space<hbm>> -> memref<128x64xf32, #tpu.memory_space<hbm>>
      %dma_start3A_446 = arith.constant 0 : i32
      %dma_start3A_447 = tpu.memref_slice %arg4[%add3A_443, %dma_start3A_446] : memref<819200x64xf32, #tpu.memory_space<hbm>> -> memref<128x64xf32, #tpu.memory_space<hbm>>
      tpu.enqueue_dma source(%arg14 : memref<128x64xf32, #tpu.memory_space<vmem>>) target(%dma_start3A_447 : memref<128x64xf32, #tpu.memory_space<hbm>>) target_semaphore(%arg24 : memref<!tpu.dma_semaphore, #tpu.memory_space<semaphore_mem>>)
      %add3A_448 = arith.constant 4 : i32
      %add3A_449 = arith.addi %mul3A_288, %add3A_448 : i32
      %mul3A_450 = arith.constant 128 : i32
      %mul3A_451 = arith.muli %add3A_449, %mul3A_450 : i32
      %dma_wait3A_452 = tpu.memref_slice %arg5[%mul3A_451] : memref<25600xi32, #tpu.memory_space<vmem>> -> memref<128xi32, #tpu.memory_space<vmem>>
      %dma_wait3A_453 = arith.constant 0 : i32
      %dma_wait3A_454 = arith.constant 0 : i32
      %dma_wait3A_455 = tpu.memref_slice %arg3[%dma_wait3A_453, %dma_wait3A_454] : memref<1000000x64xf32, #tpu.memory_space<hbm>> -> memref<1000000x64xf32, #tpu.memory_space<hbm>>
      tpu.wait_indirect_dma semaphore(%arg20 : memref<!tpu.dma_semaphore, #tpu.memory_space<semaphore_mem>>) src(%dma_wait3A_455 : memref<1000000x64xf32, #tpu.memory_space<hbm>>) dst(%arg10 : memref<128x64xf32, #tpu.memory_space<vmem>>)
      %add3A_456 = arith.constant 5 : i32
      %add3A_457 = arith.addi %add3A_449, %add3A_456 : i32
      %sub3A_458 = arith.constant 1 : i32
      %sub3A_459 = arith.subi %add3A_457, %sub3A_458 : i32
      %mul3A_460 = arith.constant 128 : i32
      %mul3A_461 = arith.muli %sub3A_459, %mul3A_460 : i32
      %dma_start3A_462 = tpu.memref_slice %arg5[%mul3A_461] : memref<25600xi32, #tpu.memory_space<vmem>> -> memref<128xi32, #tpu.memory_space<vmem>>
      %dma_start3A_463 = arith.constant 0 : i32
      %dma_start3A_464 = arith.constant 0 : i32
      %dma_start3A_465 = tpu.memref_slice %arg3[%dma_start3A_463, %dma_start3A_464] : memref<1000000x64xf32, #tpu.memory_space<hbm>> -> memref<1000000x64xf32, #tpu.memory_space<hbm>>
      tpu.enqueue_indirect_dma source(%dma_start3A_465 : memref<1000000x64xf32, #tpu.memory_space<hbm>>) target(%arg9 : memref<128x64xf32, #tpu.memory_space<vmem>>) offsets(%dma_start3A_462 : memref<128xi32, #tpu.memory_space<vmem>>) semaphore(%arg19 : memref<!tpu.dma_semaphore, #tpu.memory_space<semaphore_mem>>)
      %sub3A_466 = arith.constant 5 : i32
      %sub3A_467 = arith.subi %add3A_449, %sub3A_466 : i32
      %mul3A_468 = arith.constant 128 : i32
      %mul3A_469 = arith.muli %sub3A_467, %mul3A_468 : i32
      %add3A_470 = arith.addi %mul3A_2, %mul3A_469 : i32
      %dma_wait3A_471 = arith.constant 0 : i32
      %dma_wait3A_472 = tpu.memref_slice %arg4[%add3A_470, %dma_wait3A_471] : memref<819200x64xf32, #tpu.memory_space<hbm>> -> memref<128x64xf32, #tpu.memory_space<hbm>>
      %dma_wait3A_473 = arith.constant 0 : i32
      %dma_wait3A_474 = tpu.memref_slice %arg4[%add3A_470, %dma_wait3A_473] : memref<819200x64xf32, #tpu.memory_space<hbm>> -> memref<128x64xf32, #tpu.memory_space<hbm>>
      tpu.wait_dma2 semaphore(%arg25 : memref<!tpu.dma_semaphore, #tpu.memory_space<semaphore_mem>>) src(%arg15 : memref<128x64xf32, #tpu.memory_space<vmem>>) dst(%dma_wait3A_474 : memref<128x64xf32, #tpu.memory_space<hbm>>)
      %scan3A_475 = arith.constant 0 : i32
      %scan3A_476 = arith.constant 0 : i32
      %scan3A_477 = arith.constant 32 : i32
      %scan3A_478 = arith.addi %scan3A_476, %scan3A_477 : i32
      %scan3A_479 = arith.constant 1 : i32
      scf.for %scan3A_488 = %scan3A_476 to %scan3A_478 step %scan3A_479  : i32 {
        %mul3A_489 = arith.constant 4 : i32
        %mul3A_490 = arith.muli %scan3A_488, %mul3A_489 : i32
        %add3A_491 = arith.constant 0 : i32
        %add3A_492 = arith.addi %mul3A_490, %add3A_491 : i32
        %get3A = arith.index_cast %add3A_492 : i32 to index
        %get3A_493 = arith.constant 0 : index
        %get3A_494 = tpu.vector_load %arg10[%get3A, %get3A_493] {strides = array<i32>} : memref<128x64xf32, #tpu.memory_space<vmem>>, vector<1x16xf32>,
        %get3A_495 = vector.shape_cast %get3A_494 : vector<1x16xf32> to vector<16xf32>
        %mul3A_496 = arith.constant 8.000000e+00 : f32
        %mul3A_497 = vector.broadcast %mul3A_496 : f32 to vector<16xf32>
        %mul3A_498 = arith.mulf %get3A_495, %mul3A_497 : vector<16xf32>
        %swap3A = arith.index_cast %add3A_492 : i32 to index
        %swap3A_499 = arith.constant 0 : index
        %swap3A_500 = tpu.vector_load %arg15[%swap3A, %swap3A_499] {strides = array<i32>} : memref<128x64xf32, #tpu.memory_space<vmem>>, vector<1x16xf32>,
        %swap3A_501 = vector.shape_cast %swap3A_500 : vector<1x16xf32> to vector<16xf32>
        %swap3A_502 = vector.shape_cast %mul3A_498 : vector<16xf32> to vector<1x16xf32>
        tpu.vector_store %arg15[%swap3A, %swap3A_499], %swap3A_502 {strides = array<i32>} : memref<128x64xf32, #tpu.memory_space<vmem>>, vector<1x16xf32>,
        %get3A_503 = arith.index_cast %add3A_492 : i32 to index
        %get3A_504 = arith.constant 16 : index
        %get3A_505 = tpu.vector_load %arg10[%get3A_503, %get3A_504] {strides = array<i32>} : memref<128x64xf32, #tpu.memory_space<vmem>>, vector<1x16xf32>,
        %get3A_506 = vector.shape_cast %get3A_505 : vector<1x16xf32> to vector<16xf32>
        %mul3A_507 = arith.constant 8.000000e+00 : f32
        %mul3A_508 = vector.broadcast %mul3A_507 : f32 to vector<16xf32>
        %mul3A_509 = arith.mulf %get3A_506, %mul3A_508 : vector<16xf32>
        %swap3A_510 = arith.index_cast %add3A_492 : i32 to index
        %swap3A_511 = arith.constant 16 : index
        %swap3A_512 = tpu.vector_load %arg15[%swap3A_510, %swap3A_511] {strides = array<i32>} : memref<128x64xf32, #tpu.memory_space<vmem>>, vector<1x16xf32>,
        %swap3A_513 = vector.shape_cast %swap3A_512 : vector<1x16xf32> to vector<16xf32>
        %swap3A_514 = vector.shape_cast %mul3A_509 : vector<16xf32> to vector<1x16xf32>
        tpu.vector_store %arg15[%swap3A_510, %swap3A_511], %swap3A_514 {strides = array<i32>} : memref<128x64xf32, #tpu.memory_space<vmem>>, vector<1x16xf32>,
        %get3A_515 = arith.index_cast %add3A_492 : i32 to index
        %get3A_516 = arith.constant 32 : index
        %get3A_517 = tpu.vector_load %arg10[%get3A_515, %get3A_516] {strides = array<i32>} : memref<128x64xf32, #tpu.memory_space<vmem>>, vector<1x16xf32>,
        %get3A_518 = vector.shape_cast %get3A_517 : vector<1x16xf32> to vector<16xf32>
        %mul3A_519 = arith.constant 8.000000e+00 : f32
        %mul3A_520 = vector.broadcast %mul3A_519 : f32 to vector<16xf32>
        %mul3A_521 = arith.mulf %get3A_518, %mul3A_520 : vector<16xf32>
        %swap3A_522 = arith.index_cast %add3A_492 : i32 to index
        %swap3A_523 = arith.constant 32 : index
        %swap3A_524 = tpu.vector_load %arg15[%swap3A_522, %swap3A_523] {strides = array<i32>} : memref<128x64xf32, #tpu.memory_space<vmem>>, vector<1x16xf32>,
        %swap3A_525 = vector.shape_cast %swap3A_524 : vector<1x16xf32> to vector<16xf32>
        %swap3A_526 = vector.shape_cast %mul3A_521 : vector<16xf32> to vector<1x16xf32>
        tpu.vector_store %arg15[%swap3A_522, %swap3A_523], %swap3A_526 {strides = array<i32>} : memref<128x64xf32, #tpu.memory_space<vmem>>, vector<1x16xf32>,
        %get3A_527 = arith.index_cast %add3A_492 : i32 to index
        %get3A_528 = arith.constant 48 : index
        %get3A_529 = tpu.vector_load %arg10[%get3A_527, %get3A_528] {strides = array<i32>} : memref<128x64xf32, #tpu.memory_space<vmem>>, vector<1x16xf32>,
        %get3A_530 = vector.shape_cast %get3A_529 : vector<1x16xf32> to vector<16xf32>
        %mul3A_531 = arith.constant 8.000000e+00 : f32
        %mul3A_532 = vector.broadcast %mul3A_531 : f32 to vector<16xf32>
        %mul3A_533 = arith.mulf %get3A_530, %mul3A_532 : vector<16xf32>
        %swap3A_534 = arith.index_cast %add3A_492 : i32 to index
        %swap3A_535 = arith.constant 48 : index
        %swap3A_536 = tpu.vector_load %arg15[%swap3A_534, %swap3A_535] {strides = array<i32>} : memref<128x64xf32, #tpu.memory_space<vmem>>, vector<1x16xf32>,
        %swap3A_537 = vector.shape_cast %swap3A_536 : vector<1x16xf32> to vector<16xf32>
        %swap3A_538 = vector.shape_cast %mul3A_533 : vector<16xf32> to vector<1x16xf32>
        tpu.vector_store %arg15[%swap3A_534, %swap3A_535], %swap3A_538 {strides = array<i32>} : memref<128x64xf32, #tpu.memory_space<vmem>>, vector<1x16xf32>,
        %mul3A_539 = arith.constant 4 : i32
        %mul3A_540 = arith.muli %scan3A_488, %mul3A_539 : i32
        %add3A_541 = arith.constant 1 : i32
        %add3A_542 = arith.addi %mul3A_540, %add3A_541 : i32
        %get3A_543 = arith.index_cast %add3A_542 : i32 to index
        %get3A_544 = arith.constant 0 : index
        %get3A_545 = tpu.vector_load %arg10[%get3A_543, %get3A_544] {strides = array<i32>} : memref<128x64xf32, #tpu.memory_space<vmem>>, vector<1x16xf32>,
        %get3A_546 = vector.shape_cast %get3A_545 : vector<1x16xf32> to vector<16xf32>
        %mul3A_547 = arith.constant 8.000000e+00 : f32
        %mul3A_548 = vector.broadcast %mul3A_547 : f32 to vector<16xf32>
        %mul3A_549 = arith.mulf %get3A_546, %mul3A_548 : vector<16xf32>
        %swap3A_550 = arith.index_cast %add3A_542 : i32 to index
        %swap3A_551 = arith.constant 0 : index
        %swap3A_552 = tpu.vector_load %arg15[%swap3A_550, %swap3A_551] {strides = array<i32>} : memref<128x64xf32, #tpu.memory_space<vmem>>, vector<1x16xf32>,
        %swap3A_553 = vector.shape_cast %swap3A_552 : vector<1x16xf32> to vector<16xf32>
        %swap3A_554 = vector.shape_cast %mul3A_549 : vector<16xf32> to vector<1x16xf32>
        tpu.vector_store %arg15[%swap3A_550, %swap3A_551], %swap3A_554 {strides = array<i32>} : memref<128x64xf32, #tpu.memory_space<vmem>>, vector<1x16xf32>,
        %get3A_555 = arith.index_cast %add3A_542 : i32 to index
        %get3A_556 = arith.constant 16 : index
        %get3A_557 = tpu.vector_load %arg10[%get3A_555, %get3A_556] {strides = array<i32>} : memref<128x64xf32, #tpu.memory_space<vmem>>, vector<1x16xf32>,
        %get3A_558 = vector.shape_cast %get3A_557 : vector<1x16xf32> to vector<16xf32>
        %mul3A_559 = arith.constant 8.000000e+00 : f32
        %mul3A_560 = vector.broadcast %mul3A_559 : f32 to vector<16xf32>
        %mul3A_561 = arith.mulf %get3A_558, %mul3A_560 : vector<16xf32>
        %swap3A_562 = arith.index_cast %add3A_542 : i32 to index
        %swap3A_563 = arith.constant 16 : index
        %swap3A_564 = tpu.vector_load %arg15[%swap3A_562, %swap3A_563] {strides = array<i32>} : memref<128x64xf32, #tpu.memory_space<vmem>>, vector<1x16xf32>,
        %swap3A_565 = vector.shape_cast %swap3A_564 : vector<1x16xf32> to vector<16xf32>
        %swap3A_566 = vector.shape_cast %mul3A_561 : vector<16xf32> to vector<1x16xf32>
        tpu.vector_store %arg15[%swap3A_562, %swap3A_563], %swap3A_566 {strides = array<i32>} : memref<128x64xf32, #tpu.memory_space<vmem>>, vector<1x16xf32>,
        %get3A_567 = arith.index_cast %add3A_542 : i32 to index
        %get3A_568 = arith.constant 32 : index
        %get3A_569 = tpu.vector_load %arg10[%get3A_567, %get3A_568] {strides = array<i32>} : memref<128x64xf32, #tpu.memory_space<vmem>>, vector<1x16xf32>,
        %get3A_570 = vector.shape_cast %get3A_569 : vector<1x16xf32> to vector<16xf32>
        %mul3A_571 = arith.constant 8.000000e+00 : f32
        %mul3A_572 = vector.broadcast %mul3A_571 : f32 to vector<16xf32>
        %mul3A_573 = arith.mulf %get3A_570, %mul3A_572 : vector<16xf32>
        %swap3A_574 = arith.index_cast %add3A_542 : i32 to index
        %swap3A_575 = arith.constant 32 : index
        %swap3A_576 = tpu.vector_load %arg15[%swap3A_574, %swap3A_575] {strides = array<i32>} : memref<128x64xf32, #tpu.memory_space<vmem>>, vector<1x16xf32>,
        %swap3A_577 = vector.shape_cast %swap3A_576 : vector<1x16xf32> to vector<16xf32>
        %swap3A_578 = vector.shape_cast %mul3A_573 : vector<16xf32> to vector<1x16xf32>
        tpu.vector_store %arg15[%swap3A_574, %swap3A_575], %swap3A_578 {strides = array<i32>} : memref<128x64xf32, #tpu.memory_space<vmem>>, vector<1x16xf32>,
        %get3A_579 = arith.index_cast %add3A_542 : i32 to index
        %get3A_580 = arith.constant 48 : index
        %get3A_581 = tpu.vector_load %arg10[%get3A_579, %get3A_580] {strides = array<i32>} : memref<128x64xf32, #tpu.memory_space<vmem>>, vector<1x16xf32>,
        %get3A_582 = vector.shape_cast %get3A_581 : vector<1x16xf32> to vector<16xf32>
        %mul3A_583 = arith.constant 8.000000e+00 : f32
        %mul3A_584 = vector.broadcast %mul3A_583 : f32 to vector<16xf32>
        %mul3A_585 = arith.mulf %get3A_582, %mul3A_584 : vector<16xf32>
        %swap3A_586 = arith.index_cast %add3A_542 : i32 to index
        %swap3A_587 = arith.constant 48 : index
        %swap3A_588 = tpu.vector_load %arg15[%swap3A_586, %swap3A_587] {strides = array<i32>} : memref<128x64xf32, #tpu.memory_space<vmem>>, vector<1x16xf32>,
        %swap3A_589 = vector.shape_cast %swap3A_588 : vector<1x16xf32> to vector<16xf32>
        %swap3A_590 = vector.shape_cast %mul3A_585 : vector<16xf32> to vector<1x16xf32>
        tpu.vector_store %arg15[%swap3A_586, %swap3A_587], %swap3A_590 {strides = array<i32>} : memref<128x64xf32, #tpu.memory_space<vmem>>, vector<1x16xf32>,
        %mul3A_591 = arith.constant 4 : i32
        %mul3A_592 = arith.muli %scan3A_488, %mul3A_591 : i32
        %add3A_593 = arith.constant 2 : i32
        %add3A_594 = arith.addi %mul3A_592, %add3A_593 : i32
        %get3A_595 = arith.index_cast %add3A_594 : i32 to index
        %get3A_596 = arith.constant 0 : index
        %get3A_597 = tpu.vector_load %arg10[%get3A_595, %get3A_596] {strides = array<i32>} : memref<128x64xf32, #tpu.memory_space<vmem>>, vector<1x16xf32>,
        %get3A_598 = vector.shape_cast %get3A_597 : vector<1x16xf32> to vector<16xf32>
        %mul3A_599 = arith.constant 8.000000e+00 : f32
        %mul3A_600 = vector.broadcast %mul3A_599 : f32 to vector<16xf32>
        %mul3A_601 = arith.mulf %get3A_598, %mul3A_600 : vector<16xf32>
        %swap3A_602 = arith.index_cast %add3A_594 : i32 to index
        %swap3A_603 = arith.constant 0 : index
        %swap3A_604 = tpu.vector_load %arg15[%swap3A_602, %swap3A_603] {strides = array<i32>} : memref<128x64xf32, #tpu.memory_space<vmem>>, vector<1x16xf32>,
        %swap3A_605 = vector.shape_cast %swap3A_604 : vector<1x16xf32> to vector<16xf32>
        %swap3A_606 = vector.shape_cast %mul3A_601 : vector<16xf32> to vector<1x16xf32>
        tpu.vector_store %arg15[%swap3A_602, %swap3A_603], %swap3A_606 {strides = array<i32>} : memref<128x64xf32, #tpu.memory_space<vmem>>, vector<1x16xf32>,
        %get3A_607 = arith.index_cast %add3A_594 : i32 to index
        %get3A_608 = arith.constant 16 : index
        %get3A_609 = tpu.vector_load %arg10[%get3A_607, %get3A_608] {strides = array<i32>} : memref<128x64xf32, #tpu.memory_space<vmem>>, vector<1x16xf32>,
        %get3A_610 = vector.shape_cast %get3A_609 : vector<1x16xf32> to vector<16xf32>
        %mul3A_611 = arith.constant 8.000000e+00 : f32
        %mul3A_612 = vector.broadcast %mul3A_611 : f32 to vector<16xf32>
        %mul3A_613 = arith.mulf %get3A_610, %mul3A_612 : vector<16xf32>
        %swap3A_614 = arith.index_cast %add3A_594 : i32 to index
        %swap3A_615 = arith.constant 16 : index
        %swap3A_616 = tpu.vector_load %arg15[%swap3A_614, %swap3A_615] {strides = array<i32>} : memref<128x64xf32, #tpu.memory_space<vmem>>, vector<1x16xf32>,
        %swap3A_617 = vector.shape_cast %swap3A_616 : vector<1x16xf32> to vector<16xf32>
        %swap3A_618 = vector.shape_cast %mul3A_613 : vector<16xf32> to vector<1x16xf32>
        tpu.vector_store %arg15[%swap3A_614, %swap3A_615], %swap3A_618 {strides = array<i32>} : memref<128x64xf32, #tpu.memory_space<vmem>>, vector<1x16xf32>,
        %get3A_619 = arith.index_cast %add3A_594 : i32 to index
        %get3A_620 = arith.constant 32 : index
        %get3A_621 = tpu.vector_load %arg10[%get3A_619, %get3A_620] {strides = array<i32>} : memref<128x64xf32, #tpu.memory_space<vmem>>, vector<1x16xf32>,
        %get3A_622 = vector.shape_cast %get3A_621 : vector<1x16xf32> to vector<16xf32>
        %mul3A_623 = arith.constant 8.000000e+00 : f32
        %mul3A_624 = vector.broadcast %mul3A_623 : f32 to vector<16xf32>
        %mul3A_625 = arith.mulf %get3A_622, %mul3A_624 : vector<16xf32>
        %swap3A_626 = arith.index_cast %add3A_594 : i32 to index
        %swap3A_627 = arith.constant 32 : index
        %swap3A_628 = tpu.vector_load %arg15[%swap3A_626, %swap3A_627] {strides = array<i32>} : memref<128x64xf32, #tpu.memory_space<vmem>>, vector<1x16xf32>,
        %swap3A_629 = vector.shape_cast %swap3A_628 : vector<1x16xf32> to vector<16xf32>
        %swap3A_630 = vector.shape_cast %mul3A_625 : vector<16xf32> to vector<1x16xf32>
        tpu.vector_store %arg15[%swap3A_626, %swap3A_627], %swap3A_630 {strides = array<i32>} : memref<128x64xf32, #tpu.memory_space<vmem>>, vector<1x16xf32>,
        %get3A_631 = arith.index_cast %add3A_594 : i32 to index
        %get3A_632 = arith.constant 48 : index
        %get3A_633 = tpu.vector_load %arg10[%get3A_631, %get3A_632] {strides = array<i32>} : memref<128x64xf32, #tpu.memory_space<vmem>>, vector<1x16xf32>,
        %get3A_634 = vector.shape_cast %get3A_633 : vector<1x16xf32> to vector<16xf32>
        %mul3A_635 = arith.constant 8.000000e+00 : f32
        %mul3A_636 = vector.broadcast %mul3A_635 : f32 to vector<16xf32>
        %mul3A_637 = arith.mulf %get3A_634, %mul3A_636 : vector<16xf32>
        %swap3A_638 = arith.index_cast %add3A_594 : i32 to index
        %swap3A_639 = arith.constant 48 : index
        %swap3A_640 = tpu.vector_load %arg15[%swap3A_638, %swap3A_639] {strides = array<i32>} : memref<128x64xf32, #tpu.memory_space<vmem>>, vector<1x16xf32>,
        %swap3A_641 = vector.shape_cast %swap3A_640 : vector<1x16xf32> to vector<16xf32>
        %swap3A_642 = vector.shape_cast %mul3A_637 : vector<16xf32> to vector<1x16xf32>
        tpu.vector_store %arg15[%swap3A_638, %swap3A_639], %swap3A_642 {strides = array<i32>} : memref<128x64xf32, #tpu.memory_space<vmem>>, vector<1x16xf32>,
        %mul3A_643 = arith.constant 4 : i32
        %mul3A_644 = arith.muli %scan3A_488, %mul3A_643 : i32
        %add3A_645 = arith.constant 3 : i32
        %add3A_646 = arith.addi %mul3A_644, %add3A_645 : i32
        %get3A_647 = arith.index_cast %add3A_646 : i32 to index
        %get3A_648 = arith.constant 0 : index
        %get3A_649 = tpu.vector_load %arg10[%get3A_647, %get3A_648] {strides = array<i32>} : memref<128x64xf32, #tpu.memory_space<vmem>>, vector<1x16xf32>,
        %get3A_650 = vector.shape_cast %get3A_649 : vector<1x16xf32> to vector<16xf32>
        %mul3A_651 = arith.constant 8.000000e+00 : f32
        %mul3A_652 = vector.broadcast %mul3A_651 : f32 to vector<16xf32>
        %mul3A_653 = arith.mulf %get3A_650, %mul3A_652 : vector<16xf32>
        %swap3A_654 = arith.index_cast %add3A_646 : i32 to index
        %swap3A_655 = arith.constant 0 : index
        %swap3A_656 = tpu.vector_load %arg15[%swap3A_654, %swap3A_655] {strides = array<i32>} : memref<128x64xf32, #tpu.memory_space<vmem>>, vector<1x16xf32>,
        %swap3A_657 = vector.shape_cast %swap3A_656 : vector<1x16xf32> to vector<16xf32>
        %swap3A_658 = vector.shape_cast %mul3A_653 : vector<16xf32> to vector<1x16xf32>
        tpu.vector_store %arg15[%swap3A_654, %swap3A_655], %swap3A_658 {strides = array<i32>} : memref<128x64xf32, #tpu.memory_space<vmem>>, vector<1x16xf32>,
        %get3A_659 = arith.index_cast %add3A_646 : i32 to index
        %get3A_660 = arith.constant 16 : index
        %get3A_661 = tpu.vector_load %arg10[%get3A_659, %get3A_660] {strides = array<i32>} : memref<128x64xf32, #tpu.memory_space<vmem>>, vector<1x16xf32>,
        %get3A_662 = vector.shape_cast %get3A_661 : vector<1x16xf32> to vector<16xf32>
        %mul3A_663 = arith.constant 8.000000e+00 : f32
        %mul3A_664 = vector.broadcast %mul3A_663 : f32 to vector<16xf32>
        %mul3A_665 = arith.mulf %get3A_662, %mul3A_664 : vector<16xf32>
        %swap3A_666 = arith.index_cast %add3A_646 : i32 to index
        %swap3A_667 = arith.constant 16 : index
        %swap3A_668 = tpu.vector_load %arg15[%swap3A_666, %swap3A_667] {strides = array<i32>} : memref<128x64xf32, #tpu.memory_space<vmem>>, vector<1x16xf32>,
        %swap3A_669 = vector.shape_cast %swap3A_668 : vector<1x16xf32> to vector<16xf32>
        %swap3A_670 = vector.shape_cast %mul3A_665 : vector<16xf32> to vector<1x16xf32>
        tpu.vector_store %arg15[%swap3A_666, %swap3A_667], %swap3A_670 {strides = array<i32>} : memref<128x64xf32, #tpu.memory_space<vmem>>, vector<1x16xf32>,
        %get3A_671 = arith.index_cast %add3A_646 : i32 to index
        %get3A_672 = arith.constant 32 : index
        %get3A_673 = tpu.vector_load %arg10[%get3A_671, %get3A_672] {strides = array<i32>} : memref<128x64xf32, #tpu.memory_space<vmem>>, vector<1x16xf32>,
        %get3A_674 = vector.shape_cast %get3A_673 : vector<1x16xf32> to vector<16xf32>
        %mul3A_675 = arith.constant 8.000000e+00 : f32
        %mul3A_676 = vector.broadcast %mul3A_675 : f32 to vector<16xf32>
        %mul3A_677 = arith.mulf %get3A_674, %mul3A_676 : vector<16xf32>
        %swap3A_678 = arith.index_cast %add3A_646 : i32 to index
        %swap3A_679 = arith.constant 32 : index
        %swap3A_680 = tpu.vector_load %arg15[%swap3A_678, %swap3A_679] {strides = array<i32>} : memref<128x64xf32, #tpu.memory_space<vmem>>, vector<1x16xf32>,
        %swap3A_681 = vector.shape_cast %swap3A_680 : vector<1x16xf32> to vector<16xf32>
        %swap3A_682 = vector.shape_cast %mul3A_677 : vector<16xf32> to vector<1x16xf32>
        tpu.vector_store %arg15[%swap3A_678, %swap3A_679], %swap3A_682 {strides = array<i32>} : memref<128x64xf32, #tpu.memory_space<vmem>>, vector<1x16xf32>,
        %get3A_683 = arith.index_cast %add3A_646 : i32 to index
        %get3A_684 = arith.constant 48 : index
        %get3A_685 = tpu.vector_load %arg10[%get3A_683, %get3A_684] {strides = array<i32>} : memref<128x64xf32, #tpu.memory_space<vmem>>, vector<1x16xf32>,
        %get3A_686 = vector.shape_cast %get3A_685 : vector<1x16xf32> to vector<16xf32>
        %mul3A_687 = arith.constant 8.000000e+00 : f32
        %mul3A_688 = vector.broadcast %mul3A_687 : f32 to vector<16xf32>
        %mul3A_689 = arith.mulf %get3A_686, %mul3A_688 : vector<16xf32>
        %swap3A_690 = arith.index_cast %add3A_646 : i32 to index
        %swap3A_691 = arith.constant 48 : index
        %swap3A_692 = tpu.vector_load %arg15[%swap3A_690, %swap3A_691] {strides = array<i32>} : memref<128x64xf32, #tpu.memory_space<vmem>>, vector<1x16xf32>,
        %swap3A_693 = vector.shape_cast %swap3A_692 : vector<1x16xf32> to vector<16xf32>
        %swap3A_694 = vector.shape_cast %mul3A_689 : vector<16xf32> to vector<1x16xf32>
        tpu.vector_store %arg15[%swap3A_690, %swap3A_691], %swap3A_694 {strides = array<i32>} : memref<128x64xf32, #tpu.memory_space<vmem>>, vector<1x16xf32>,
      }
      %scan3A_480 = arith.constant 32 : i32
      %mul3A_481 = arith.constant 128 : i32
      %mul3A_482 = arith.muli %add3A_449, %mul3A_481 : i32
      %add3A_483 = arith.addi %mul3A_2, %mul3A_482 : i32
      %dma_start3A_484 = arith.constant 0 : i32
      %dma_start3A_485 = tpu.memref_slice %arg4[%add3A_483, %dma_start3A_484] : memref<819200x64xf32, #tpu.memory_space<hbm>> -> memref<128x64xf32, #tpu.memory_space<hbm>>
      %dma_start3A_486 = arith.constant 0 : i32
      %dma_start3A_487 = tpu.memref_slice %arg4[%add3A_483, %dma_start3A_486] : memref<819200x64xf32, #tpu.memory_space<hbm>> -> memref<128x64xf32, #tpu.memory_space<hbm>>
      tpu.enqueue_dma source(%arg15 : memref<128x64xf32, #tpu.memory_space<vmem>>) target(%dma_start3A_487 : memref<128x64xf32, #tpu.memory_space<hbm>>) target_semaphore(%arg25 : memref<!tpu.dma_semaphore, #tpu.memory_space<semaphore_mem>>)
    }
    %scan3A_135 = arith.constant 38 : i32
    %dma_wait3A_136 = arith.constant 24960 : i32
    %dma_wait3A_137 = tpu.memref_slice %arg5[%dma_wait3A_136] : memref<25600xi32, #tpu.memory_space<vmem>> -> memref<128xi32, #tpu.memory_space<vmem>>
    %dma_wait3A_138 = arith.constant 0 : i32
    %dma_wait3A_139 = arith.constant 0 : i32
    %dma_wait3A_140 = tpu.memref_slice %arg3[%dma_wait3A_138, %dma_wait3A_139] : memref<1000000x64xf32, #tpu.memory_space<hbm>> -> memref<1000000x64xf32, #tpu.memory_space<hbm>>
    tpu.wait_indirect_dma semaphore(%arg16 : memref<!tpu.dma_semaphore, #tpu.memory_space<semaphore_mem>>) src(%dma_wait3A_140 : memref<1000000x64xf32, #tpu.memory_space<hbm>>) dst(%arg6 : memref<128x64xf32, #tpu.memory_space<vmem>>)
    %dma_start3A_141 = arith.constant 25472 : i32
    %dma_start3A_142 = tpu.memref_slice %arg5[%dma_start3A_141] : memref<25600xi32, #tpu.memory_space<vmem>> -> memref<128xi32, #tpu.memory_space<vmem>>
    %dma_start3A_143 = arith.constant 0 : i32
    %dma_start3A_144 = arith.constant 0 : i32
    %dma_start3A_145 = tpu.memref_slice %arg3[%dma_start3A_143, %dma_start3A_144] : memref<1000000x64xf32, #tpu.memory_space<hbm>> -> memref<1000000x64xf32, #tpu.memory_space<hbm>>
    tpu.enqueue_indirect_dma source(%dma_start3A_145 : memref<1000000x64xf32, #tpu.memory_space<hbm>>) target(%arg10 : memref<128x64xf32, #tpu.memory_space<vmem>>) offsets(%dma_start3A_142 : memref<128xi32, #tpu.memory_space<vmem>>) semaphore(%arg20 : memref<!tpu.dma_semaphore, #tpu.memory_space<semaphore_mem>>)
    %add3A_146 = arith.constant 24320 : i32
    %add3A_147 = arith.addi %mul3A_2, %add3A_146 : i32
    %dma_wait3A_148 = arith.constant 0 : i32
    %dma_wait3A_149 = tpu.memref_slice %arg4[%add3A_147, %dma_wait3A_148] : memref<819200x64xf32, #tpu.memory_space<hbm>> -> memref<128x64xf32, #tpu.memory_space<hbm>>
    %dma_wait3A_150 = arith.constant 0 : i32
    %dma_wait3A_151 = tpu.memref_slice %arg4[%add3A_147, %dma_wait3A_150] : memref<819200x64xf32, #tpu.memory_space<hbm>> -> memref<128x64xf32, #tpu.memory_space<hbm>>
    tpu.wait_dma2 semaphore(%arg21 : memref<!tpu.dma_semaphore, #tpu.memory_space<semaphore_mem>>) src(%arg11 : memref<128x64xf32, #tpu.memory_space<vmem>>) dst(%dma_wait3A_151 : memref<128x64xf32, #tpu.memory_space<hbm>>)
    %scan3A_152 = arith.constant 0 : i32
    %scan3A_153 = arith.constant 0 : i32
    %scan3A_154 = arith.constant 32 : i32
    %scan3A_155 = arith.addi %scan3A_153, %scan3A_154 : i32
    %scan3A_156 = arith.constant 1 : i32
    scf.for %scan3A_286 = %scan3A_153 to %scan3A_155 step %scan3A_156  : i32 {
      %mul3A_287 = arith.constant 4 : i32
      %mul3A_288 = arith.muli %scan3A_286, %mul3A_287 : i32
      %add3A_289 = arith.constant 0 : i32
      %add3A_290 = arith.addi %mul3A_288, %add3A_289 : i32
      %get3A = arith.index_cast %add3A_290 : i32 to index
      %get3A_291 = arith.constant 0 : index
      %get3A_292 = tpu.vector_load %arg6[%get3A, %get3A_291] {strides = array<i32>} : memref<128x64xf32, #tpu.memory_space<vmem>>, vector<1x16xf32>,
      %get3A_293 = vector.shape_cast %get3A_292 : vector<1x16xf32> to vector<16xf32>
      %mul3A_294 = arith.constant 8.000000e+00 : f32
      %mul3A_295 = vector.broadcast %mul3A_294 : f32 to vector<16xf32>
      %mul3A_296 = arith.mulf %get3A_293, %mul3A_295 : vector<16xf32>
      %swap3A = arith.index_cast %add3A_290 : i32 to index
      %swap3A_297 = arith.constant 0 : index
      %swap3A_298 = tpu.vector_load %arg11[%swap3A, %swap3A_297] {strides = array<i32>} : memref<128x64xf32, #tpu.memory_space<vmem>>, vector<1x16xf32>,
      %swap3A_299 = vector.shape_cast %swap3A_298 : vector<1x16xf32> to vector<16xf32>
      %swap3A_300 = vector.shape_cast %mul3A_296 : vector<16xf32> to vector<1x16xf32>
      tpu.vector_store %arg11[%swap3A, %swap3A_297], %swap3A_300 {strides = array<i32>} : memref<128x64xf32, #tpu.memory_space<vmem>>, vector<1x16xf32>,
      %get3A_301 = arith.index_cast %add3A_290 : i32 to index
      %get3A_302 = arith.constant 16 : index
      %get3A_303 = tpu.vector_load %arg6[%get3A_301, %get3A_302] {strides = array<i32>} : memref<128x64xf32, #tpu.memory_space<vmem>>, vector<1x16xf32>,
      %get3A_304 = vector.shape_cast %get3A_303 : vector<1x16xf32> to vector<16xf32>
      %mul3A_305 = arith.constant 8.000000e+00 : f32
      %mul3A_306 = vector.broadcast %mul3A_305 : f32 to vector<16xf32>
      %mul3A_307 = arith.mulf %get3A_304, %mul3A_306 : vector<16xf32>
      %swap3A_308 = arith.index_cast %add3A_290 : i32 to index
      %swap3A_309 = arith.constant 16 : index
      %swap3A_310 = tpu.vector_load %arg11[%swap3A_308, %swap3A_309] {strides = array<i32>} : memref<128x64xf32, #tpu.memory_space<vmem>>, vector<1x16xf32>,
      %swap3A_311 = vector.shape_cast %swap3A_310 : vector<1x16xf32> to vector<16xf32>
      %swap3A_312 = vector.shape_cast %mul3A_307 : vector<16xf32> to vector<1x16xf32>
      tpu.vector_store %arg11[%swap3A_308, %swap3A_309], %swap3A_312 {strides = array<i32>} : memref<128x64xf32, #tpu.memory_space<vmem>>, vector<1x16xf32>,
      %get3A_313 = arith.index_cast %add3A_290 : i32 to index
      %get3A_314 = arith.constant 32 : index
      %get3A_315 = tpu.vector_load %arg6[%get3A_313, %get3A_314] {strides = array<i32>} : memref<128x64xf32, #tpu.memory_space<vmem>>, vector<1x16xf32>,
      %get3A_316 = vector.shape_cast %get3A_315 : vector<1x16xf32> to vector<16xf32>
      %mul3A_317 = arith.constant 8.000000e+00 : f32
      %mul3A_318 = vector.broadcast %mul3A_317 : f32 to vector<16xf32>
      %mul3A_319 = arith.mulf %get3A_316, %mul3A_318 : vector<16xf32>
      %swap3A_320 = arith.index_cast %add3A_290 : i32 to index
      %swap3A_321 = arith.constant 32 : index
      %swap3A_322 = tpu.vector_load %arg11[%swap3A_320, %swap3A_321] {strides = array<i32>} : memref<128x64xf32, #tpu.memory_space<vmem>>, vector<1x16xf32>,
      %swap3A_323 = vector.shape_cast %swap3A_322 : vector<1x16xf32> to vector<16xf32>
      %swap3A_324 = vector.shape_cast %mul3A_319 : vector<16xf32> to vector<1x16xf32>
      tpu.vector_store %arg11[%swap3A_320, %swap3A_321], %swap3A_324 {strides = array<i32>} : memref<128x64xf32, #tpu.memory_space<vmem>>, vector<1x16xf32>,
      %get3A_325 = arith.index_cast %add3A_290 : i32 to index
      %get3A_326 = arith.constant 48 : index
      %get3A_327 = tpu.vector_load %arg6[%get3A_325, %get3A_326] {strides = array<i32>} : memref<128x64xf32, #tpu.memory_space<vmem>>, vector<1x16xf32>,
      %get3A_328 = vector.shape_cast %get3A_327 : vector<1x16xf32> to vector<16xf32>
      %mul3A_329 = arith.constant 8.000000e+00 : f32
      %mul3A_330 = vector.broadcast %mul3A_329 : f32 to vector<16xf32>
      %mul3A_331 = arith.mulf %get3A_328, %mul3A_330 : vector<16xf32>
      %swap3A_332 = arith.index_cast %add3A_290 : i32 to index
      %swap3A_333 = arith.constant 48 : index
      %swap3A_334 = tpu.vector_load %arg11[%swap3A_332, %swap3A_333] {strides = array<i32>} : memref<128x64xf32, #tpu.memory_space<vmem>>, vector<1x16xf32>,
      %swap3A_335 = vector.shape_cast %swap3A_334 : vector<1x16xf32> to vector<16xf32>
      %swap3A_336 = vector.shape_cast %mul3A_331 : vector<16xf32> to vector<1x16xf32>
      tpu.vector_store %arg11[%swap3A_332, %swap3A_333], %swap3A_336 {strides = array<i32>} : memref<128x64xf32, #tpu.memory_space<vmem>>, vector<1x16xf32>,
      %mul3A_337 = arith.constant 4 : i32
      %mul3A_338 = arith.muli %scan3A_286, %mul3A_337 : i32
      %add3A_339 = arith.constant 1 : i32
      %add3A_340 = arith.addi %mul3A_338, %add3A_339 : i32
      %get3A_341 = arith.index_cast %add3A_340 : i32 to index
      %get3A_342 = arith.constant 0 : index
      %get3A_343 = tpu.vector_load %arg6[%get3A_341, %get3A_342] {strides = array<i32>} : memref<128x64xf32, #tpu.memory_space<vmem>>, vector<1x16xf32>,
      %get3A_344 = vector.shape_cast %get3A_343 : vector<1x16xf32> to vector<16xf32>
      %mul3A_345 = arith.constant 8.000000e+00 : f32
      %mul3A_346 = vector.broadcast %mul3A_345 : f32 to vector<16xf32>
      %mul3A_347 = arith.mulf %get3A_344, %mul3A_346 : vector<16xf32>
      %swap3A_348 = arith.index_cast %add3A_340 : i32 to index
      %swap3A_349 = arith.constant 0 : index
      %swap3A_350 = tpu.vector_load %arg11[%swap3A_348, %swap3A_349] {strides = array<i32>} : memref<128x64xf32, #tpu.memory_space<vmem>>, vector<1x16xf32>,
      %swap3A_351 = vector.shape_cast %swap3A_350 : vector<1x16xf32> to vector<16xf32>
      %swap3A_352 = vector.shape_cast %mul3A_347 : vector<16xf32> to vector<1x16xf32>
      tpu.vector_store %arg11[%swap3A_348, %swap3A_349], %swap3A_352 {strides = array<i32>} : memref<128x64xf32, #tpu.memory_space<vmem>>, vector<1x16xf32>,
      %get3A_353 = arith.index_cast %add3A_340 : i32 to index
      %get3A_354 = arith.constant 16 : index
      %get3A_355 = tpu.vector_load %arg6[%get3A_353, %get3A_354] {strides = array<i32>} : memref<128x64xf32, #tpu.memory_space<vmem>>, vector<1x16xf32>,
      %get3A_356 = vector.shape_cast %get3A_355 : vector<1x16xf32> to vector<16xf32>
      %mul3A_357 = arith.constant 8.000000e+00 : f32
      %mul3A_358 = vector.broadcast %mul3A_357 : f32 to vector<16xf32>
      %mul3A_359 = arith.mulf %get3A_356, %mul3A_358 : vector<16xf32>
      %swap3A_360 = arith.index_cast %add3A_340 : i32 to index
      %swap3A_361 = arith.constant 16 : index
      %swap3A_362 = tpu.vector_load %arg11[%swap3A_360, %swap3A_361] {strides = array<i32>} : memref<128x64xf32, #tpu.memory_space<vmem>>, vector<1x16xf32>,
      %swap3A_363 = vector.shape_cast %swap3A_362 : vector<1x16xf32> to vector<16xf32>
      %swap3A_364 = vector.shape_cast %mul3A_359 : vector<16xf32> to vector<1x16xf32>
      tpu.vector_store %arg11[%swap3A_360, %swap3A_361], %swap3A_364 {strides = array<i32>} : memref<128x64xf32, #tpu.memory_space<vmem>>, vector<1x16xf32>,
      %get3A_365 = arith.index_cast %add3A_340 : i32 to index
      %get3A_366 = arith.constant 32 : index
      %get3A_367 = tpu.vector_load %arg6[%get3A_365, %get3A_366] {strides = array<i32>} : memref<128x64xf32, #tpu.memory_space<vmem>>, vector<1x16xf32>,
      %get3A_368 = vector.shape_cast %get3A_367 : vector<1x16xf32> to vector<16xf32>
      %mul3A_369 = arith.constant 8.000000e+00 : f32
      %mul3A_370 = vector.broadcast %mul3A_369 : f32 to vector<16xf32>
      %mul3A_371 = arith.mulf %get3A_368, %mul3A_370 : vector<16xf32>
      %swap3A_372 = arith.index_cast %add3A_340 : i32 to index
      %swap3A_373 = arith.constant 32 : index
      %swap3A_374 = tpu.vector_load %arg11[%swap3A_372, %swap3A_373] {strides = array<i32>} : memref<128x64xf32, #tpu.memory_space<vmem>>, vector<1x16xf32>,
      %swap3A_375 = vector.shape_cast %swap3A_374 : vector<1x16xf32> to vector<16xf32>
      %swap3A_376 = vector.shape_cast %mul3A_371 : vector<16xf32> to vector<1x16xf32>
      tpu.vector_store %arg11[%swap3A_372, %swap3A_373], %swap3A_376 {strides = array<i32>} : memref<128x64xf32, #tpu.memory_space<vmem>>, vector<1x16xf32>,
      %get3A_377 = arith.index_cast %add3A_340 : i32 to index
      %get3A_378 = arith.constant 48 : index
      %get3A_379 = tpu.vector_load %arg6[%get3A_377, %get3A_378] {strides = array<i32>} : memref<128x64xf32, #tpu.memory_space<vmem>>, vector<1x16xf32>,
      %get3A_380 = vector.shape_cast %get3A_379 : vector<1x16xf32> to vector<16xf32>
      %mul3A_381 = arith.constant 8.000000e+00 : f32
      %mul3A_382 = vector.broadcast %mul3A_381 : f32 to vector<16xf32>
      %mul3A_383 = arith.mulf %get3A_380, %mul3A_382 : vector<16xf32>
      %swap3A_384 = arith.index_cast %add3A_340 : i32 to index
      %swap3A_385 = arith.constant 48 : index
      %swap3A_386 = tpu.vector_load %arg11[%swap3A_384, %swap3A_385] {strides = array<i32>} : memref<128x64xf32, #tpu.memory_space<vmem>>, vector<1x16xf32>,
      %swap3A_387 = vector.shape_cast %swap3A_386 : vector<1x16xf32> to vector<16xf32>
      %swap3A_388 = vector.shape_cast %mul3A_383 : vector<16xf32> to vector<1x16xf32>
      tpu.vector_store %arg11[%swap3A_384, %swap3A_385], %swap3A_388 {strides = array<i32>} : memref<128x64xf32, #tpu.memory_space<vmem>>, vector<1x16xf32>,
      %mul3A_389 = arith.constant 4 : i32
      %mul3A_390 = arith.muli %scan3A_286, %mul3A_389 : i32
      %add3A_391 = arith.constant 2 : i32
      %add3A_392 = arith.addi %mul3A_390, %add3A_391 : i32
      %get3A_393 = arith.index_cast %add3A_392 : i32 to index
      %get3A_394 = arith.constant 0 : index
      %get3A_395 = tpu.vector_load %arg6[%get3A_393, %get3A_394] {strides = array<i32>} : memref<128x64xf32, #tpu.memory_space<vmem>>, vector<1x16xf32>,
      %get3A_396 = vector.shape_cast %get3A_395 : vector<1x16xf32> to vector<16xf32>
      %mul3A_397 = arith.constant 8.000000e+00 : f32
      %mul3A_398 = vector.broadcast %mul3A_397 : f32 to vector<16xf32>
      %mul3A_399 = arith.mulf %get3A_396, %mul3A_398 : vector<16xf32>
      %swap3A_400 = arith.index_cast %add3A_392 : i32 to index
      %swap3A_401 = arith.constant 0 : index
      %swap3A_402 = tpu.vector_load %arg11[%swap3A_400, %swap3A_401] {strides = array<i32>} : memref<128x64xf32, #tpu.memory_space<vmem>>, vector<1x16xf32>,
      %swap3A_403 = vector.shape_cast %swap3A_402 : vector<1x16xf32> to vector<16xf32>
      %swap3A_404 = vector.shape_cast %mul3A_399 : vector<16xf32> to vector<1x16xf32>
      tpu.vector_store %arg11[%swap3A_400, %swap3A_401], %swap3A_404 {strides = array<i32>} : memref<128x64xf32, #tpu.memory_space<vmem>>, vector<1x16xf32>,
      %get3A_405 = arith.index_cast %add3A_392 : i32 to index
      %get3A_406 = arith.constant 16 : index
      %get3A_407 = tpu.vector_load %arg6[%get3A_405, %get3A_406] {strides = array<i32>} : memref<128x64xf32, #tpu.memory_space<vmem>>, vector<1x16xf32>,
      %get3A_408 = vector.shape_cast %get3A_407 : vector<1x16xf32> to vector<16xf32>
      %mul3A_409 = arith.constant 8.000000e+00 : f32
      %mul3A_410 = vector.broadcast %mul3A_409 : f32 to vector<16xf32>
      %mul3A_411 = arith.mulf %get3A_408, %mul3A_410 : vector<16xf32>
      %swap3A_412 = arith.index_cast %add3A_392 : i32 to index
      %swap3A_413 = arith.constant 16 : index
      %swap3A_414 = tpu.vector_load %arg11[%swap3A_412, %swap3A_413] {strides = array<i32>} : memref<128x64xf32, #tpu.memory_space<vmem>>, vector<1x16xf32>,
      %swap3A_415 = vector.shape_cast %swap3A_414 : vector<1x16xf32> to vector<16xf32>
      %swap3A_416 = vector.shape_cast %mul3A_411 : vector<16xf32> to vector<1x16xf32>
      tpu.vector_store %arg11[%swap3A_412, %swap3A_413], %swap3A_416 {strides = array<i32>} : memref<128x64xf32, #tpu.memory_space<vmem>>, vector<1x16xf32>,
      %get3A_417 = arith.index_cast %add3A_392 : i32 to index
      %get3A_418 = arith.constant 32 : index
      %get3A_419 = tpu.vector_load %arg6[%get3A_417, %get3A_418] {strides = array<i32>} : memref<128x64xf32, #tpu.memory_space<vmem>>, vector<1x16xf32>,
      %get3A_420 = vector.shape_cast %get3A_419 : vector<1x16xf32> to vector<16xf32>
      %mul3A_421 = arith.constant 8.000000e+00 : f32
      %mul3A_422 = vector.broadcast %mul3A_421 : f32 to vector<16xf32>
      %mul3A_423 = arith.mulf %get3A_420, %mul3A_422 : vector<16xf32>
      %swap3A_424 = arith.index_cast %add3A_392 : i32 to index
      %swap3A_425 = arith.constant 32 : index
      %swap3A_426 = tpu.vector_load %arg11[%swap3A_424, %swap3A_425] {strides = array<i32>} : memref<128x64xf32, #tpu.memory_space<vmem>>, vector<1x16xf32>,
      %swap3A_427 = vector.shape_cast %swap3A_426 : vector<1x16xf32> to vector<16xf32>
      %swap3A_428 = vector.shape_cast %mul3A_423 : vector<16xf32> to vector<1x16xf32>
      tpu.vector_store %arg11[%swap3A_424, %swap3A_425], %swap3A_428 {strides = array<i32>} : memref<128x64xf32, #tpu.memory_space<vmem>>, vector<1x16xf32>,
      %get3A_429 = arith.index_cast %add3A_392 : i32 to index
      %get3A_430 = arith.constant 48 : index
      %get3A_431 = tpu.vector_load %arg6[%get3A_429, %get3A_430] {strides = array<i32>} : memref<128x64xf32, #tpu.memory_space<vmem>>, vector<1x16xf32>,
      %get3A_432 = vector.shape_cast %get3A_431 : vector<1x16xf32> to vector<16xf32>
      %mul3A_433 = arith.constant 8.000000e+00 : f32
      %mul3A_434 = vector.broadcast %mul3A_433 : f32 to vector<16xf32>
      %mul3A_435 = arith.mulf %get3A_432, %mul3A_434 : vector<16xf32>
      %swap3A_436 = arith.index_cast %add3A_392 : i32 to index
      %swap3A_437 = arith.constant 48 : index
      %swap3A_438 = tpu.vector_load %arg11[%swap3A_436, %swap3A_437] {strides = array<i32>} : memref<128x64xf32, #tpu.memory_space<vmem>>, vector<1x16xf32>,
      %swap3A_439 = vector.shape_cast %swap3A_438 : vector<1x16xf32> to vector<16xf32>
      %swap3A_440 = vector.shape_cast %mul3A_435 : vector<16xf32> to vector<1x16xf32>
      tpu.vector_store %arg11[%swap3A_436, %swap3A_437], %swap3A_440 {strides = array<i32>} : memref<128x64xf32, #tpu.memory_space<vmem>>, vector<1x16xf32>,
      %mul3A_441 = arith.constant 4 : i32
      %mul3A_442 = arith.muli %scan3A_286, %mul3A_441 : i32
      %add3A_443 = arith.constant 3 : i32
      %add3A_444 = arith.addi %mul3A_442, %add3A_443 : i32
      %get3A_445 = arith.index_cast %add3A_444 : i32 to index
      %get3A_446 = arith.constant 0 : index
      %get3A_447 = tpu.vector_load %arg6[%get3A_445, %get3A_446] {strides = array<i32>} : memref<128x64xf32, #tpu.memory_space<vmem>>, vector<1x16xf32>,
      %get3A_448 = vector.shape_cast %get3A_447 : vector<1x16xf32> to vector<16xf32>
      %mul3A_449 = arith.constant 8.000000e+00 : f32
      %mul3A_450 = vector.broadcast %mul3A_449 : f32 to vector<16xf32>
      %mul3A_451 = arith.mulf %get3A_448, %mul3A_450 : vector<16xf32>
      %swap3A_452 = arith.index_cast %add3A_444 : i32 to index
      %swap3A_453 = arith.constant 0 : index
      %swap3A_454 = tpu.vector_load %arg11[%swap3A_452, %swap3A_453] {strides = array<i32>} : memref<128x64xf32, #tpu.memory_space<vmem>>, vector<1x16xf32>,
      %swap3A_455 = vector.shape_cast %swap3A_454 : vector<1x16xf32> to vector<16xf32>
      %swap3A_456 = vector.shape_cast %mul3A_451 : vector<16xf32> to vector<1x16xf32>
      tpu.vector_store %arg11[%swap3A_452, %swap3A_453], %swap3A_456 {strides = array<i32>} : memref<128x64xf32, #tpu.memory_space<vmem>>, vector<1x16xf32>,
      %get3A_457 = arith.index_cast %add3A_444 : i32 to index
      %get3A_458 = arith.constant 16 : index
      %get3A_459 = tpu.vector_load %arg6[%get3A_457, %get3A_458] {strides = array<i32>} : memref<128x64xf32, #tpu.memory_space<vmem>>, vector<1x16xf32>,
      %get3A_460 = vector.shape_cast %get3A_459 : vector<1x16xf32> to vector<16xf32>
      %mul3A_461 = arith.constant 8.000000e+00 : f32
      %mul3A_462 = vector.broadcast %mul3A_461 : f32 to vector<16xf32>
      %mul3A_463 = arith.mulf %get3A_460, %mul3A_462 : vector<16xf32>
      %swap3A_464 = arith.index_cast %add3A_444 : i32 to index
      %swap3A_465 = arith.constant 16 : index
      %swap3A_466 = tpu.vector_load %arg11[%swap3A_464, %swap3A_465] {strides = array<i32>} : memref<128x64xf32, #tpu.memory_space<vmem>>, vector<1x16xf32>,
      %swap3A_467 = vector.shape_cast %swap3A_466 : vector<1x16xf32> to vector<16xf32>
      %swap3A_468 = vector.shape_cast %mul3A_463 : vector<16xf32> to vector<1x16xf32>
      tpu.vector_store %arg11[%swap3A_464, %swap3A_465], %swap3A_468 {strides = array<i32>} : memref<128x64xf32, #tpu.memory_space<vmem>>, vector<1x16xf32>,
      %get3A_469 = arith.index_cast %add3A_444 : i32 to index
      %get3A_470 = arith.constant 32 : index
      %get3A_471 = tpu.vector_load %arg6[%get3A_469, %get3A_470] {strides = array<i32>} : memref<128x64xf32, #tpu.memory_space<vmem>>, vector<1x16xf32>,
      %get3A_472 = vector.shape_cast %get3A_471 : vector<1x16xf32> to vector<16xf32>
      %mul3A_473 = arith.constant 8.000000e+00 : f32
      %mul3A_474 = vector.broadcast %mul3A_473 : f32 to vector<16xf32>
      %mul3A_475 = arith.mulf %get3A_472, %mul3A_474 : vector<16xf32>
      %swap3A_476 = arith.index_cast %add3A_444 : i32 to index
      %swap3A_477 = arith.constant 32 : index
      %swap3A_478 = tpu.vector_load %arg11[%swap3A_476, %swap3A_477] {strides = array<i32>} : memref<128x64xf32, #tpu.memory_space<vmem>>, vector<1x16xf32>,
      %swap3A_479 = vector.shape_cast %swap3A_478 : vector<1x16xf32> to vector<16xf32>
      %swap3A_480 = vector.shape_cast %mul3A_475 : vector<16xf32> to vector<1x16xf32>
      tpu.vector_store %arg11[%swap3A_476, %swap3A_477], %swap3A_480 {strides = array<i32>} : memref<128x64xf32, #tpu.memory_space<vmem>>, vector<1x16xf32>,
      %get3A_481 = arith.index_cast %add3A_444 : i32 to index
      %get3A_482 = arith.constant 48 : index
      %get3A_483 = tpu.vector_load %arg6[%get3A_481, %get3A_482] {strides = array<i32>} : memref<128x64xf32, #tpu.memory_space<vmem>>, vector<1x16xf32>,
      %get3A_484 = vector.shape_cast %get3A_483 : vector<1x16xf32> to vector<16xf32>
      %mul3A_485 = arith.constant 8.000000e+00 : f32
      %mul3A_486 = vector.broadcast %mul3A_485 : f32 to vector<16xf32>
      %mul3A_487 = arith.mulf %get3A_484, %mul3A_486 : vector<16xf32>
      %swap3A_488 = arith.index_cast %add3A_444 : i32 to index
      %swap3A_489 = arith.constant 48 : index
      %swap3A_490 = tpu.vector_load %arg11[%swap3A_488, %swap3A_489] {strides = array<i32>} : memref<128x64xf32, #tpu.memory_space<vmem>>, vector<1x16xf32>,
      %swap3A_491 = vector.shape_cast %swap3A_490 : vector<1x16xf32> to vector<16xf32>
      %swap3A_492 = vector.shape_cast %mul3A_487 : vector<16xf32> to vector<1x16xf32>
      tpu.vector_store %arg11[%swap3A_488, %swap3A_489], %swap3A_492 {strides = array<i32>} : memref<128x64xf32, #tpu.memory_space<vmem>>, vector<1x16xf32>,
    }
    %scan3A_157 = arith.constant 32 : i32
    %add3A_158 = arith.constant 24960 : i32
    %add3A_159 = arith.addi %mul3A_2, %add3A_158 : i32
    %dma_start3A_160 = arith.constant 0 : i32
    %dma_start3A_161 = tpu.memref_slice %arg4[%add3A_159, %dma_start3A_160] : memref<819200x64xf32, #tpu.memory_space<hbm>> -> memref<128x64xf32, #tpu.memory_space<hbm>>
    %dma_start3A_162 = arith.constant 0 : i32
    %dma_start3A_163 = tpu.memref_slice %arg4[%add3A_159, %dma_start3A_162] : memref<819200x64xf32, #tpu.memory_space<hbm>> -> memref<128x64xf32, #tpu.memory_space<hbm>>
    tpu.enqueue_dma source(%arg11 : memref<128x64xf32, #tpu.memory_space<vmem>>) target(%dma_start3A_163 : memref<128x64xf32, #tpu.memory_space<hbm>>) target_semaphore(%arg21 : memref<!tpu.dma_semaphore, #tpu.memory_space<semaphore_mem>>)
    %dma_wait3A_164 = arith.constant 25088 : i32
    %dma_wait3A_165 = tpu.memref_slice %arg5[%dma_wait3A_164] : memref<25600xi32, #tpu.memory_space<vmem>> -> memref<128xi32, #tpu.memory_space<vmem>>
    %dma_wait3A_166 = arith.constant 0 : i32
    %dma_wait3A_167 = arith.constant 0 : i32
    %dma_wait3A_168 = tpu.memref_slice %arg3[%dma_wait3A_166, %dma_wait3A_167] : memref<1000000x64xf32, #tpu.memory_space<hbm>> -> memref<1000000x64xf32, #tpu.memory_space<hbm>>
    tpu.wait_indirect_dma semaphore(%arg17 : memref<!tpu.dma_semaphore, #tpu.memory_space<semaphore_mem>>) src(%dma_wait3A_168 : memref<1000000x64xf32, #tpu.memory_space<hbm>>) dst(%arg7 : memref<128x64xf32, #tpu.memory_space<vmem>>)
    %add3A_169 = arith.constant 24448 : i32
    %add3A_170 = arith.addi %mul3A_2, %add3A_169 : i32
    %dma_wait3A_171 = arith.constant 0 : i32
    %dma_wait3A_172 = tpu.memref_slice %arg4[%add3A_170, %dma_wait3A_171] : memref<819200x64xf32, #tpu.memory_space<hbm>> -> memref<128x64xf32, #tpu.memory_space<hbm>>
    %dma_wait3A_173 = arith.constant 0 : i32
    %dma_wait3A_174 = tpu.memref_slice %arg4[%add3A_170, %dma_wait3A_173] : memref<819200x64xf32, #tpu.memory_space<hbm>> -> memref<128x64xf32, #tpu.memory_space<hbm>>
    tpu.wait_dma2 semaphore(%arg22 : memref<!tpu.dma_semaphore, #tpu.memory_space<semaphore_mem>>) src(%arg12 : memref<128x64xf32, #tpu.memory_space<vmem>>) dst(%dma_wait3A_174 : memref<128x64xf32, #tpu.memory_space<hbm>>)
    %scan3A_175 = arith.constant 0 : i32
    %scan3A_176 = arith.constant 0 : i32
    %scan3A_177 = arith.constant 32 : i32
    %scan3A_178 = arith.addi %scan3A_176, %scan3A_177 : i32
    %scan3A_179 = arith.constant 1 : i32
    scf.for %scan3A_286 = %scan3A_176 to %scan3A_178 step %scan3A_179  : i32 {
      %mul3A_287 = arith.constant 4 : i32
      %mul3A_288 = arith.muli %scan3A_286, %mul3A_287 : i32
      %add3A_289 = arith.constant 0 : i32
      %add3A_290 = arith.addi %mul3A_288, %add3A_289 : i32
      %get3A = arith.index_cast %add3A_290 : i32 to index
      %get3A_291 = arith.constant 0 : index
      %get3A_292 = tpu.vector_load %arg7[%get3A, %get3A_291] {strides = array<i32>} : memref<128x64xf32, #tpu.memory_space<vmem>>, vector<1x16xf32>,
      %get3A_293 = vector.shape_cast %get3A_292 : vector<1x16xf32> to vector<16xf32>
      %mul3A_294 = arith.constant 8.000000e+00 : f32
      %mul3A_295 = vector.broadcast %mul3A_294 : f32 to vector<16xf32>
      %mul3A_296 = arith.mulf %get3A_293, %mul3A_295 : vector<16xf32>
      %swap3A = arith.index_cast %add3A_290 : i32 to index
      %swap3A_297 = arith.constant 0 : index
      %swap3A_298 = tpu.vector_load %arg12[%swap3A, %swap3A_297] {strides = array<i32>} : memref<128x64xf32, #tpu.memory_space<vmem>>, vector<1x16xf32>,
      %swap3A_299 = vector.shape_cast %swap3A_298 : vector<1x16xf32> to vector<16xf32>
      %swap3A_300 = vector.shape_cast %mul3A_296 : vector<16xf32> to vector<1x16xf32>
      tpu.vector_store %arg12[%swap3A, %swap3A_297], %swap3A_300 {strides = array<i32>} : memref<128x64xf32, #tpu.memory_space<vmem>>, vector<1x16xf32>,
      %get3A_301 = arith.index_cast %add3A_290 : i32 to index
      %get3A_302 = arith.constant 16 : index
      %get3A_303 = tpu.vector_load %arg7[%get3A_301, %get3A_302] {strides = array<i32>} : memref<128x64xf32, #tpu.memory_space<vmem>>, vector<1x16xf32>,
      %get3A_304 = vector.shape_cast %get3A_303 : vector<1x16xf32> to vector<16xf32>
      %mul3A_305 = arith.constant 8.000000e+00 : f32
      %mul3A_306 = vector.broadcast %mul3A_305 : f32 to vector<16xf32>
      %mul3A_307 = arith.mulf %get3A_304, %mul3A_306 : vector<16xf32>
      %swap3A_308 = arith.index_cast %add3A_290 : i32 to index
      %swap3A_309 = arith.constant 16 : index
      %swap3A_310 = tpu.vector_load %arg12[%swap3A_308, %swap3A_309] {strides = array<i32>} : memref<128x64xf32, #tpu.memory_space<vmem>>, vector<1x16xf32>,
      %swap3A_311 = vector.shape_cast %swap3A_310 : vector<1x16xf32> to vector<16xf32>
      %swap3A_312 = vector.shape_cast %mul3A_307 : vector<16xf32> to vector<1x16xf32>
      tpu.vector_store %arg12[%swap3A_308, %swap3A_309], %swap3A_312 {strides = array<i32>} : memref<128x64xf32, #tpu.memory_space<vmem>>, vector<1x16xf32>,
      %get3A_313 = arith.index_cast %add3A_290 : i32 to index
      %get3A_314 = arith.constant 32 : index
      %get3A_315 = tpu.vector_load %arg7[%get3A_313, %get3A_314] {strides = array<i32>} : memref<128x64xf32, #tpu.memory_space<vmem>>, vector<1x16xf32>,
      %get3A_316 = vector.shape_cast %get3A_315 : vector<1x16xf32> to vector<16xf32>
      %mul3A_317 = arith.constant 8.000000e+00 : f32
      %mul3A_318 = vector.broadcast %mul3A_317 : f32 to vector<16xf32>
      %mul3A_319 = arith.mulf %get3A_316, %mul3A_318 : vector<16xf32>
      %swap3A_320 = arith.index_cast %add3A_290 : i32 to index
      %swap3A_321 = arith.constant 32 : index
      %swap3A_322 = tpu.vector_load %arg12[%swap3A_320, %swap3A_321] {strides = array<i32>} : memref<128x64xf32, #tpu.memory_space<vmem>>, vector<1x16xf32>,
      %swap3A_323 = vector.shape_cast %swap3A_322 : vector<1x16xf32> to vector<16xf32>
      %swap3A_324 = vector.shape_cast %mul3A_319 : vector<16xf32> to vector<1x16xf32>
      tpu.vector_store %arg12[%swap3A_320, %swap3A_321], %swap3A_324 {strides = array<i32>} : memref<128x64xf32, #tpu.memory_space<vmem>>, vector<1x16xf32>,
      %get3A_325 = arith.index_cast %add3A_290 : i32 to index
      %get3A_326 = arith.constant 48 : index
      %get3A_327 = tpu.vector_load %arg7[%get3A_325, %get3A_326] {strides = array<i32>} : memref<128x64xf32, #tpu.memory_space<vmem>>, vector<1x16xf32>,
      %get3A_328 = vector.shape_cast %get3A_327 : vector<1x16xf32> to vector<16xf32>
      %mul3A_329 = arith.constant 8.000000e+00 : f32
      %mul3A_330 = vector.broadcast %mul3A_329 : f32 to vector<16xf32>
      %mul3A_331 = arith.mulf %get3A_328, %mul3A_330 : vector<16xf32>
      %swap3A_332 = arith.index_cast %add3A_290 : i32 to index
      %swap3A_333 = arith.constant 48 : index
      %swap3A_334 = tpu.vector_load %arg12[%swap3A_332, %swap3A_333] {strides = array<i32>} : memref<128x64xf32, #tpu.memory_space<vmem>>, vector<1x16xf32>,
      %swap3A_335 = vector.shape_cast %swap3A_334 : vector<1x16xf32> to vector<16xf32>
      %swap3A_336 = vector.shape_cast %mul3A_331 : vector<16xf32> to vector<1x16xf32>
      tpu.vector_store %arg12[%swap3A_332, %swap3A_333], %swap3A_336 {strides = array<i32>} : memref<128x64xf32, #tpu.memory_space<vmem>>, vector<1x16xf32>,
      %mul3A_337 = arith.constant 4 : i32
      %mul3A_338 = arith.muli %scan3A_286, %mul3A_337 : i32
      %add3A_339 = arith.constant 1 : i32
      %add3A_340 = arith.addi %mul3A_338, %add3A_339 : i32
      %get3A_341 = arith.index_cast %add3A_340 : i32 to index
      %get3A_342 = arith.constant 0 : index
      %get3A_343 = tpu.vector_load %arg7[%get3A_341, %get3A_342] {strides = array<i32>} : memref<128x64xf32, #tpu.memory_space<vmem>>, vector<1x16xf32>,
      %get3A_344 = vector.shape_cast %get3A_343 : vector<1x16xf32> to vector<16xf32>
      %mul3A_345 = arith.constant 8.000000e+00 : f32
      %mul3A_346 = vector.broadcast %mul3A_345 : f32 to vector<16xf32>
      %mul3A_347 = arith.mulf %get3A_344, %mul3A_346 : vector<16xf32>
      %swap3A_348 = arith.index_cast %add3A_340 : i32 to index
      %swap3A_349 = arith.constant 0 : index
      %swap3A_350 = tpu.vector_load %arg12[%swap3A_348, %swap3A_349] {strides = array<i32>} : memref<128x64xf32, #tpu.memory_space<vmem>>, vector<1x16xf32>,
      %swap3A_351 = vector.shape_cast %swap3A_350 : vector<1x16xf32> to vector<16xf32>
      %swap3A_352 = vector.shape_cast %mul3A_347 : vector<16xf32> to vector<1x16xf32>
      tpu.vector_store %arg12[%swap3A_348, %swap3A_349], %swap3A_352 {strides = array<i32>} : memref<128x64xf32, #tpu.memory_space<vmem>>, vector<1x16xf32>,
      %get3A_353 = arith.index_cast %add3A_340 : i32 to index
      %get3A_354 = arith.constant 16 : index
      %get3A_355 = tpu.vector_load %arg7[%get3A_353, %get3A_354] {strides = array<i32>} : memref<128x64xf32, #tpu.memory_space<vmem>>, vector<1x16xf32>,
      %get3A_356 = vector.shape_cast %get3A_355 : vector<1x16xf32> to vector<16xf32>
      %mul3A_357 = arith.constant 8.000000e+00 : f32
      %mul3A_358 = vector.broadcast %mul3A_357 : f32 to vector<16xf32>
      %mul3A_359 = arith.mulf %get3A_356, %mul3A_358 : vector<16xf32>
      %swap3A_360 = arith.index_cast %add3A_340 : i32 to index
      %swap3A_361 = arith.constant 16 : index
      %swap3A_362 = tpu.vector_load %arg12[%swap3A_360, %swap3A_361] {strides = array<i32>} : memref<128x64xf32, #tpu.memory_space<vmem>>, vector<1x16xf32>,
      %swap3A_363 = vector.shape_cast %swap3A_362 : vector<1x16xf32> to vector<16xf32>
      %swap3A_364 = vector.shape_cast %mul3A_359 : vector<16xf32> to vector<1x16xf32>
      tpu.vector_store %arg12[%swap3A_360, %swap3A_361], %swap3A_364 {strides = array<i32>} : memref<128x64xf32, #tpu.memory_space<vmem>>, vector<1x16xf32>,
      %get3A_365 = arith.index_cast %add3A_340 : i32 to index
      %get3A_366 = arith.constant 32 : index
      %get3A_367 = tpu.vector_load %arg7[%get3A_365, %get3A_366] {strides = array<i32>} : memref<128x64xf32, #tpu.memory_space<vmem>>, vector<1x16xf32>,
      %get3A_368 = vector.shape_cast %get3A_367 : vector<1x16xf32> to vector<16xf32>
      %mul3A_369 = arith.constant 8.000000e+00 : f32
      %mul3A_370 = vector.broadcast %mul3A_369 : f32 to vector<16xf32>
      %mul3A_371 = arith.mulf %get3A_368, %mul3A_370 : vector<16xf32>
      %swap3A_372 = arith.index_cast %add3A_340 : i32 to index
      %swap3A_373 = arith.constant 32 : index
      %swap3A_374 = tpu.vector_load %arg12[%swap3A_372, %swap3A_373] {strides = array<i32>} : memref<128x64xf32, #tpu.memory_space<vmem>>, vector<1x16xf32>,
      %swap3A_375 = vector.shape_cast %swap3A_374 : vector<1x16xf32> to vector<16xf32>
      %swap3A_376 = vector.shape_cast %mul3A_371 : vector<16xf32> to vector<1x16xf32>
      tpu.vector_store %arg12[%swap3A_372, %swap3A_373], %swap3A_376 {strides = array<i32>} : memref<128x64xf32, #tpu.memory_space<vmem>>, vector<1x16xf32>,
      %get3A_377 = arith.index_cast %add3A_340 : i32 to index
      %get3A_378 = arith.constant 48 : index
      %get3A_379 = tpu.vector_load %arg7[%get3A_377, %get3A_378] {strides = array<i32>} : memref<128x64xf32, #tpu.memory_space<vmem>>, vector<1x16xf32>,
      %get3A_380 = vector.shape_cast %get3A_379 : vector<1x16xf32> to vector<16xf32>
      %mul3A_381 = arith.constant 8.000000e+00 : f32
      %mul3A_382 = vector.broadcast %mul3A_381 : f32 to vector<16xf32>
      %mul3A_383 = arith.mulf %get3A_380, %mul3A_382 : vector<16xf32>
      %swap3A_384 = arith.index_cast %add3A_340 : i32 to index
      %swap3A_385 = arith.constant 48 : index
      %swap3A_386 = tpu.vector_load %arg12[%swap3A_384, %swap3A_385] {strides = array<i32>} : memref<128x64xf32, #tpu.memory_space<vmem>>, vector<1x16xf32>,
      %swap3A_387 = vector.shape_cast %swap3A_386 : vector<1x16xf32> to vector<16xf32>
      %swap3A_388 = vector.shape_cast %mul3A_383 : vector<16xf32> to vector<1x16xf32>
      tpu.vector_store %arg12[%swap3A_384, %swap3A_385], %swap3A_388 {strides = array<i32>} : memref<128x64xf32, #tpu.memory_space<vmem>>, vector<1x16xf32>,
      %mul3A_389 = arith.constant 4 : i32
      %mul3A_390 = arith.muli %scan3A_286, %mul3A_389 : i32
      %add3A_391 = arith.constant 2 : i32
      %add3A_392 = arith.addi %mul3A_390, %add3A_391 : i32
      %get3A_393 = arith.index_cast %add3A_392 : i32 to index
      %get3A_394 = arith.constant 0 : index
      %get3A_395 = tpu.vector_load %arg7[%get3A_393, %get3A_394] {strides = array<i32>} : memref<128x64xf32, #tpu.memory_space<vmem>>, vector<1x16xf32>,
      %get3A_396 = vector.shape_cast %get3A_395 : vector<1x16xf32> to vector<16xf32>
      %mul3A_397 = arith.constant 8.000000e+00 : f32
      %mul3A_398 = vector.broadcast %mul3A_397 : f32 to vector<16xf32>
      %mul3A_399 = arith.mulf %get3A_396, %mul3A_398 : vector<16xf32>
      %swap3A_400 = arith.index_cast %add3A_392 : i32 to index
      %swap3A_401 = arith.constant 0 : index
      %swap3A_402 = tpu.vector_load %arg12[%swap3A_400, %swap3A_401] {strides = array<i32>} : memref<128x64xf32, #tpu.memory_space<vmem>>, vector<1x16xf32>,
      %swap3A_403 = vector.shape_cast %swap3A_402 : vector<1x16xf32> to vector<16xf32>
      %swap3A_404 = vector.shape_cast %mul3A_399 : vector<16xf32> to vector<1x16xf32>
      tpu.vector_store %arg12[%swap3A_400, %swap3A_401], %swap3A_404 {strides = array<i32>} : memref<128x64xf32, #tpu.memory_space<vmem>>, vector<1x16xf32>,
      %get3A_405 = arith.index_cast %add3A_392 : i32 to index
      %get3A_406 = arith.constant 16 : index
      %get3A_407 = tpu.vector_load %arg7[%get3A_405, %get3A_406] {strides = array<i32>} : memref<128x64xf32, #tpu.memory_space<vmem>>, vector<1x16xf32>,
      %get3A_408 = vector.shape_cast %get3A_407 : vector<1x16xf32> to vector<16xf32>
      %mul3A_409 = arith.constant 8.000000e+00 : f32
      %mul3A_410 = vector.broadcast %mul3A_409 : f32 to vector<16xf32>
      %mul3A_411 = arith.mulf %get3A_408, %mul3A_410 : vector<16xf32>
      %swap3A_412 = arith.index_cast %add3A_392 : i32 to index
      %swap3A_413 = arith.constant 16 : index
      %swap3A_414 = tpu.vector_load %arg12[%swap3A_412, %swap3A_413] {strides = array<i32>} : memref<128x64xf32, #tpu.memory_space<vmem>>, vector<1x16xf32>,
      %swap3A_415 = vector.shape_cast %swap3A_414 : vector<1x16xf32> to vector<16xf32>
      %swap3A_416 = vector.shape_cast %mul3A_411 : vector<16xf32> to vector<1x16xf32>
      tpu.vector_store %arg12[%swap3A_412, %swap3A_413], %swap3A_416 {strides = array<i32>} : memref<128x64xf32, #tpu.memory_space<vmem>>, vector<1x16xf32>,
      %get3A_417 = arith.index_cast %add3A_392 : i32 to index
      %get3A_418 = arith.constant 32 : index
      %get3A_419 = tpu.vector_load %arg7[%get3A_417, %get3A_418] {strides = array<i32>} : memref<128x64xf32, #tpu.memory_space<vmem>>, vector<1x16xf32>,
      %get3A_420 = vector.shape_cast %get3A_419 : vector<1x16xf32> to vector<16xf32>
      %mul3A_421 = arith.constant 8.000000e+00 : f32
      %mul3A_422 = vector.broadcast %mul3A_421 : f32 to vector<16xf32>
      %mul3A_423 = arith.mulf %get3A_420, %mul3A_422 : vector<16xf32>
      %swap3A_424 = arith.index_cast %add3A_392 : i32 to index
      %swap3A_425 = arith.constant 32 : index
      %swap3A_426 = tpu.vector_load %arg12[%swap3A_424, %swap3A_425] {strides = array<i32>} : memref<128x64xf32, #tpu.memory_space<vmem>>, vector<1x16xf32>,
      %swap3A_427 = vector.shape_cast %swap3A_426 : vector<1x16xf32> to vector<16xf32>
      %swap3A_428 = vector.shape_cast %mul3A_423 : vector<16xf32> to vector<1x16xf32>
      tpu.vector_store %arg12[%swap3A_424, %swap3A_425], %swap3A_428 {strides = array<i32>} : memref<128x64xf32, #tpu.memory_space<vmem>>, vector<1x16xf32>,
      %get3A_429 = arith.index_cast %add3A_392 : i32 to index
      %get3A_430 = arith.constant 48 : index
      %get3A_431 = tpu.vector_load %arg7[%get3A_429, %get3A_430] {strides = array<i32>} : memref<128x64xf32, #tpu.memory_space<vmem>>, vector<1x16xf32>,
      %get3A_432 = vector.shape_cast %get3A_431 : vector<1x16xf32> to vector<16xf32>
      %mul3A_433 = arith.constant 8.000000e+00 : f32
      %mul3A_434 = vector.broadcast %mul3A_433 : f32 to vector<16xf32>
      %mul3A_435 = arith.mulf %get3A_432, %mul3A_434 : vector<16xf32>
      %swap3A_436 = arith.index_cast %add3A_392 : i32 to index
      %swap3A_437 = arith.constant 48 : index
      %swap3A_438 = tpu.vector_load %arg12[%swap3A_436, %swap3A_437] {strides = array<i32>} : memref<128x64xf32, #tpu.memory_space<vmem>>, vector<1x16xf32>,
      %swap3A_439 = vector.shape_cast %swap3A_438 : vector<1x16xf32> to vector<16xf32>
      %swap3A_440 = vector.shape_cast %mul3A_435 : vector<16xf32> to vector<1x16xf32>
      tpu.vector_store %arg12[%swap3A_436, %swap3A_437], %swap3A_440 {strides = array<i32>} : memref<128x64xf32, #tpu.memory_space<vmem>>, vector<1x16xf32>,
      %mul3A_441 = arith.constant 4 : i32
      %mul3A_442 = arith.muli %scan3A_286, %mul3A_441 : i32
      %add3A_443 = arith.constant 3 : i32
      %add3A_444 = arith.addi %mul3A_442, %add3A_443 : i32
      %get3A_445 = arith.index_cast %add3A_444 : i32 to index
      %get3A_446 = arith.constant 0 : index
      %get3A_447 = tpu.vector_load %arg7[%get3A_445, %get3A_446] {strides = array<i32>} : memref<128x64xf32, #tpu.memory_space<vmem>>, vector<1x16xf32>,
      %get3A_448 = vector.shape_cast %get3A_447 : vector<1x16xf32> to vector<16xf32>
      %mul3A_449 = arith.constant 8.000000e+00 : f32
      %mul3A_450 = vector.broadcast %mul3A_449 : f32 to vector<16xf32>
      %mul3A_451 = arith.mulf %get3A_448, %mul3A_450 : vector<16xf32>
      %swap3A_452 = arith.index_cast %add3A_444 : i32 to index
      %swap3A_453 = arith.constant 0 : index
      %swap3A_454 = tpu.vector_load %arg12[%swap3A_452, %swap3A_453] {strides = array<i32>} : memref<128x64xf32, #tpu.memory_space<vmem>>, vector<1x16xf32>,
      %swap3A_455 = vector.shape_cast %swap3A_454 : vector<1x16xf32> to vector<16xf32>
      %swap3A_456 = vector.shape_cast %mul3A_451 : vector<16xf32> to vector<1x16xf32>
      tpu.vector_store %arg12[%swap3A_452, %swap3A_453], %swap3A_456 {strides = array<i32>} : memref<128x64xf32, #tpu.memory_space<vmem>>, vector<1x16xf32>,
      %get3A_457 = arith.index_cast %add3A_444 : i32 to index
      %get3A_458 = arith.constant 16 : index
      %get3A_459 = tpu.vector_load %arg7[%get3A_457, %get3A_458] {strides = array<i32>} : memref<128x64xf32, #tpu.memory_space<vmem>>, vector<1x16xf32>,
      %get3A_460 = vector.shape_cast %get3A_459 : vector<1x16xf32> to vector<16xf32>
      %mul3A_461 = arith.constant 8.000000e+00 : f32
      %mul3A_462 = vector.broadcast %mul3A_461 : f32 to vector<16xf32>
      %mul3A_463 = arith.mulf %get3A_460, %mul3A_462 : vector<16xf32>
      %swap3A_464 = arith.index_cast %add3A_444 : i32 to index
      %swap3A_465 = arith.constant 16 : index
      %swap3A_466 = tpu.vector_load %arg12[%swap3A_464, %swap3A_465] {strides = array<i32>} : memref<128x64xf32, #tpu.memory_space<vmem>>, vector<1x16xf32>,
      %swap3A_467 = vector.shape_cast %swap3A_466 : vector<1x16xf32> to vector<16xf32>
      %swap3A_468 = vector.shape_cast %mul3A_463 : vector<16xf32> to vector<1x16xf32>
      tpu.vector_store %arg12[%swap3A_464, %swap3A_465], %swap3A_468 {strides = array<i32>} : memref<128x64xf32, #tpu.memory_space<vmem>>, vector<1x16xf32>,
      %get3A_469 = arith.index_cast %add3A_444 : i32 to index
      %get3A_470 = arith.constant 32 : index
      %get3A_471 = tpu.vector_load %arg7[%get3A_469, %get3A_470] {strides = array<i32>} : memref<128x64xf32, #tpu.memory_space<vmem>>, vector<1x16xf32>,
      %get3A_472 = vector.shape_cast %get3A_471 : vector<1x16xf32> to vector<16xf32>
      %mul3A_473 = arith.constant 8.000000e+00 : f32
      %mul3A_474 = vector.broadcast %mul3A_473 : f32 to vector<16xf32>
      %mul3A_475 = arith.mulf %get3A_472, %mul3A_474 : vector<16xf32>
      %swap3A_476 = arith.index_cast %add3A_444 : i32 to index
      %swap3A_477 = arith.constant 32 : index
      %swap3A_478 = tpu.vector_load %arg12[%swap3A_476, %swap3A_477] {strides = array<i32>} : memref<128x64xf32, #tpu.memory_space<vmem>>, vector<1x16xf32>,
      %swap3A_479 = vector.shape_cast %swap3A_478 : vector<1x16xf32> to vector<16xf32>
      %swap3A_480 = vector.shape_cast %mul3A_475 : vector<16xf32> to vector<1x16xf32>
      tpu.vector_store %arg12[%swap3A_476, %swap3A_477], %swap3A_480 {strides = array<i32>} : memref<128x64xf32, #tpu.memory_space<vmem>>, vector<1x16xf32>,
      %get3A_481 = arith.index_cast %add3A_444 : i32 to index
      %get3A_482 = arith.constant 48 : index
      %get3A_483 = tpu.vector_load %arg7[%get3A_481, %get3A_482] {strides = array<i32>} : memref<128x64xf32, #tpu.memory_space<vmem>>, vector<1x16xf32>,
      %get3A_484 = vector.shape_cast %get3A_483 : vector<1x16xf32> to vector<16xf32>
      %mul3A_485 = arith.constant 8.000000e+00 : f32
      %mul3A_486 = vector.broadcast %mul3A_485 : f32 to vector<16xf32>
      %mul3A_487 = arith.mulf %get3A_484, %mul3A_486 : vector<16xf32>
      %swap3A_488 = arith.index_cast %add3A_444 : i32 to index
      %swap3A_489 = arith.constant 48 : index
      %swap3A_490 = tpu.vector_load %arg12[%swap3A_488, %swap3A_489] {strides = array<i32>} : memref<128x64xf32, #tpu.memory_space<vmem>>, vector<1x16xf32>,
      %swap3A_491 = vector.shape_cast %swap3A_490 : vector<1x16xf32> to vector<16xf32>
      %swap3A_492 = vector.shape_cast %mul3A_487 : vector<16xf32> to vector<1x16xf32>
      tpu.vector_store %arg12[%swap3A_488, %swap3A_489], %swap3A_492 {strides = array<i32>} : memref<128x64xf32, #tpu.memory_space<vmem>>, vector<1x16xf32>,
    }
    %scan3A_180 = arith.constant 32 : i32
    %add3A_181 = arith.constant 25088 : i32
    %add3A_182 = arith.addi %mul3A_2, %add3A_181 : i32
    %dma_start3A_183 = arith.constant 0 : i32
    %dma_start3A_184 = tpu.memref_slice %arg4[%add3A_182, %dma_start3A_183] : memref<819200x64xf32, #tpu.memory_space<hbm>> -> memref<128x64xf32, #tpu.memory_space<hbm>>
    %dma_start3A_185 = arith.constant 0 : i32
    %dma_start3A_186 = tpu.memref_slice %arg4[%add3A_182, %dma_start3A_185] : memref<819200x64xf32, #tpu.memory_space<hbm>> -> memref<128x64xf32, #tpu.memory_space<hbm>>
    tpu.enqueue_dma source(%arg12 : memref<128x64xf32, #tpu.memory_space<vmem>>) target(%dma_start3A_186 : memref<128x64xf32, #tpu.memory_space<hbm>>) target_semaphore(%arg22 : memref<!tpu.dma_semaphore, #tpu.memory_space<semaphore_mem>>)
    %dma_wait3A_187 = arith.constant 25216 : i32
    %dma_wait3A_188 = tpu.memref_slice %arg5[%dma_wait3A_187] : memref<25600xi32, #tpu.memory_space<vmem>> -> memref<128xi32, #tpu.memory_space<vmem>>
    %dma_wait3A_189 = arith.constant 0 : i32
    %dma_wait3A_190 = arith.constant 0 : i32
    %dma_wait3A_191 = tpu.memref_slice %arg3[%dma_wait3A_189, %dma_wait3A_190] : memref<1000000x64xf32, #tpu.memory_space<hbm>> -> memref<1000000x64xf32, #tpu.memory_space<hbm>>
    tpu.wait_indirect_dma semaphore(%arg18 : memref<!tpu.dma_semaphore, #tpu.memory_space<semaphore_mem>>) src(%dma_wait3A_191 : memref<1000000x64xf32, #tpu.memory_space<hbm>>) dst(%arg8 : memref<128x64xf32, #tpu.memory_space<vmem>>)
    %add3A_192 = arith.constant 24576 : i32
    %add3A_193 = arith.addi %mul3A_2, %add3A_192 : i32
    %dma_wait3A_194 = arith.constant 0 : i32
    %dma_wait3A_195 = tpu.memref_slice %arg4[%add3A_193, %dma_wait3A_194] : memref<819200x64xf32, #tpu.memory_space<hbm>> -> memref<128x64xf32, #tpu.memory_space<hbm>>
    %dma_wait3A_196 = arith.constant 0 : i32
    %dma_wait3A_197 = tpu.memref_slice %arg4[%add3A_193, %dma_wait3A_196] : memref<819200x64xf32, #tpu.memory_space<hbm>> -> memref<128x64xf32, #tpu.memory_space<hbm>>
    tpu.wait_dma2 semaphore(%arg23 : memref<!tpu.dma_semaphore, #tpu.memory_space<semaphore_mem>>) src(%arg13 : memref<128x64xf32, #tpu.memory_space<vmem>>) dst(%dma_wait3A_197 : memref<128x64xf32, #tpu.memory_space<hbm>>)
    %scan3A_198 = arith.constant 0 : i32
    %scan3A_199 = arith.constant 0 : i32
    %scan3A_200 = arith.constant 32 : i32
    %scan3A_201 = arith.addi %scan3A_199, %scan3A_200 : i32
    %scan3A_202 = arith.constant 1 : i32
    scf.for %scan3A_286 = %scan3A_199 to %scan3A_201 step %scan3A_202  : i32 {
      %mul3A_287 = arith.constant 4 : i32
      %mul3A_288 = arith.muli %scan3A_286, %mul3A_287 : i32
      %add3A_289 = arith.constant 0 : i32
      %add3A_290 = arith.addi %mul3A_288, %add3A_289 : i32
      %get3A = arith.index_cast %add3A_290 : i32 to index
      %get3A_291 = arith.constant 0 : index
      %get3A_292 = tpu.vector_load %arg8[%get3A, %get3A_291] {strides = array<i32>} : memref<128x64xf32, #tpu.memory_space<vmem>>, vector<1x16xf32>,
      %get3A_293 = vector.shape_cast %get3A_292 : vector<1x16xf32> to vector<16xf32>
      %mul3A_294 = arith.constant 8.000000e+00 : f32
      %mul3A_295 = vector.broadcast %mul3A_294 : f32 to vector<16xf32>
      %mul3A_296 = arith.mulf %get3A_293, %mul3A_295 : vector<16xf32>
      %swap3A = arith.index_cast %add3A_290 : i32 to index
      %swap3A_297 = arith.constant 0 : index
      %swap3A_298 = tpu.vector_load %arg13[%swap3A, %swap3A_297] {strides = array<i32>} : memref<128x64xf32, #tpu.memory_space<vmem>>, vector<1x16xf32>,
      %swap3A_299 = vector.shape_cast %swap3A_298 : vector<1x16xf32> to vector<16xf32>
      %swap3A_300 = vector.shape_cast %mul3A_296 : vector<16xf32> to vector<1x16xf32>
      tpu.vector_store %arg13[%swap3A, %swap3A_297], %swap3A_300 {strides = array<i32>} : memref<128x64xf32, #tpu.memory_space<vmem>>, vector<1x16xf32>,
      %get3A_301 = arith.index_cast %add3A_290 : i32 to index
      %get3A_302 = arith.constant 16 : index
      %get3A_303 = tpu.vector_load %arg8[%get3A_301, %get3A_302] {strides = array<i32>} : memref<128x64xf32, #tpu.memory_space<vmem>>, vector<1x16xf32>,
      %get3A_304 = vector.shape_cast %get3A_303 : vector<1x16xf32> to vector<16xf32>
      %mul3A_305 = arith.constant 8.000000e+00 : f32
      %mul3A_306 = vector.broadcast %mul3A_305 : f32 to vector<16xf32>
      %mul3A_307 = arith.mulf %get3A_304, %mul3A_306 : vector<16xf32>
      %swap3A_308 = arith.index_cast %add3A_290 : i32 to index
      %swap3A_309 = arith.constant 16 : index
      %swap3A_310 = tpu.vector_load %arg13[%swap3A_308, %swap3A_309] {strides = array<i32>} : memref<128x64xf32, #tpu.memory_space<vmem>>, vector<1x16xf32>,
      %swap3A_311 = vector.shape_cast %swap3A_310 : vector<1x16xf32> to vector<16xf32>
      %swap3A_312 = vector.shape_cast %mul3A_307 : vector<16xf32> to vector<1x16xf32>
      tpu.vector_store %arg13[%swap3A_308, %swap3A_309], %swap3A_312 {strides = array<i32>} : memref<128x64xf32, #tpu.memory_space<vmem>>, vector<1x16xf32>,
      %get3A_313 = arith.index_cast %add3A_290 : i32 to index
      %get3A_314 = arith.constant 32 : index
      %get3A_315 = tpu.vector_load %arg8[%get3A_313, %get3A_314] {strides = array<i32>} : memref<128x64xf32, #tpu.memory_space<vmem>>, vector<1x16xf32>,
      %get3A_316 = vector.shape_cast %get3A_315 : vector<1x16xf32> to vector<16xf32>
      %mul3A_317 = arith.constant 8.000000e+00 : f32
      %mul3A_318 = vector.broadcast %mul3A_317 : f32 to vector<16xf32>
      %mul3A_319 = arith.mulf %get3A_316, %mul3A_318 : vector<16xf32>
      %swap3A_320 = arith.index_cast %add3A_290 : i32 to index
      %swap3A_321 = arith.constant 32 : index
      %swap3A_322 = tpu.vector_load %arg13[%swap3A_320, %swap3A_321] {strides = array<i32>} : memref<128x64xf32, #tpu.memory_space<vmem>>, vector<1x16xf32>,
      %swap3A_323 = vector.shape_cast %swap3A_322 : vector<1x16xf32> to vector<16xf32>
      %swap3A_324 = vector.shape_cast %mul3A_319 : vector<16xf32> to vector<1x16xf32>
      tpu.vector_store %arg13[%swap3A_320, %swap3A_321], %swap3A_324 {strides = array<i32>} : memref<128x64xf32, #tpu.memory_space<vmem>>, vector<1x16xf32>,
      %get3A_325 = arith.index_cast %add3A_290 : i32 to index
      %get3A_326 = arith.constant 48 : index
      %get3A_327 = tpu.vector_load %arg8[%get3A_325, %get3A_326] {strides = array<i32>} : memref<128x64xf32, #tpu.memory_space<vmem>>, vector<1x16xf32>,
      %get3A_328 = vector.shape_cast %get3A_327 : vector<1x16xf32> to vector<16xf32>
      %mul3A_329 = arith.constant 8.000000e+00 : f32
      %mul3A_330 = vector.broadcast %mul3A_329 : f32 to vector<16xf32>
      %mul3A_331 = arith.mulf %get3A_328, %mul3A_330 : vector<16xf32>
      %swap3A_332 = arith.index_cast %add3A_290 : i32 to index
      %swap3A_333 = arith.constant 48 : index
      %swap3A_334 = tpu.vector_load %arg13[%swap3A_332, %swap3A_333] {strides = array<i32>} : memref<128x64xf32, #tpu.memory_space<vmem>>, vector<1x16xf32>,
      %swap3A_335 = vector.shape_cast %swap3A_334 : vector<1x16xf32> to vector<16xf32>
      %swap3A_336 = vector.shape_cast %mul3A_331 : vector<16xf32> to vector<1x16xf32>
      tpu.vector_store %arg13[%swap3A_332, %swap3A_333], %swap3A_336 {strides = array<i32>} : memref<128x64xf32, #tpu.memory_space<vmem>>, vector<1x16xf32>,
      %mul3A_337 = arith.constant 4 : i32
      %mul3A_338 = arith.muli %scan3A_286, %mul3A_337 : i32
      %add3A_339 = arith.constant 1 : i32
      %add3A_340 = arith.addi %mul3A_338, %add3A_339 : i32
      %get3A_341 = arith.index_cast %add3A_340 : i32 to index
      %get3A_342 = arith.constant 0 : index
      %get3A_343 = tpu.vector_load %arg8[%get3A_341, %get3A_342] {strides = array<i32>} : memref<128x64xf32, #tpu.memory_space<vmem>>, vector<1x16xf32>,
      %get3A_344 = vector.shape_cast %get3A_343 : vector<1x16xf32> to vector<16xf32>
      %mul3A_345 = arith.constant 8.000000e+00 : f32
      %mul3A_346 = vector.broadcast %mul3A_345 : f32 to vector<16xf32>
      %mul3A_347 = arith.mulf %get3A_344, %mul3A_346 : vector<16xf32>
      %swap3A_348 = arith.index_cast %add3A_340 : i32 to index
      %swap3A_349 = arith.constant 0 : index
      %swap3A_350 = tpu.vector_load %arg13[%swap3A_348, %swap3A_349] {strides = array<i32>} : memref<128x64xf32, #tpu.memory_space<vmem>>, vector<1x16xf32>,
      %swap3A_351 = vector.shape_cast %swap3A_350 : vector<1x16xf32> to vector<16xf32>
      %swap3A_352 = vector.shape_cast %mul3A_347 : vector<16xf32> to vector<1x16xf32>
      tpu.vector_store %arg13[%swap3A_348, %swap3A_349], %swap3A_352 {strides = array<i32>} : memref<128x64xf32, #tpu.memory_space<vmem>>, vector<1x16xf32>,
      %get3A_353 = arith.index_cast %add3A_340 : i32 to index
      %get3A_354 = arith.constant 16 : index
      %get3A_355 = tpu.vector_load %arg8[%get3A_353, %get3A_354] {strides = array<i32>} : memref<128x64xf32, #tpu.memory_space<vmem>>, vector<1x16xf32>,
      %get3A_356 = vector.shape_cast %get3A_355 : vector<1x16xf32> to vector<16xf32>
      %mul3A_357 = arith.constant 8.000000e+00 : f32
      %mul3A_358 = vector.broadcast %mul3A_357 : f32 to vector<16xf32>
      %mul3A_359 = arith.mulf %get3A_356, %mul3A_358 : vector<16xf32>
      %swap3A_360 = arith.index_cast %add3A_340 : i32 to index
      %swap3A_361 = arith.constant 16 : index
      %swap3A_362 = tpu.vector_load %arg13[%swap3A_360, %swap3A_361] {strides = array<i32>} : memref<128x64xf32, #tpu.memory_space<vmem>>, vector<1x16xf32>,
      %swap3A_363 = vector.shape_cast %swap3A_362 : vector<1x16xf32> to vector<16xf32>
      %swap3A_364 = vector.shape_cast %mul3A_359 : vector<16xf32> to vector<1x16xf32>
      tpu.vector_store %arg13[%swap3A_360, %swap3A_361], %swap3A_364 {strides = array<i32>} : memref<128x64xf32, #tpu.memory_space<vmem>>, vector<1x16xf32>,
      %get3A_365 = arith.index_cast %add3A_340 : i32 to index
      %get3A_366 = arith.constant 32 : index
      %get3A_367 = tpu.vector_load %arg8[%get3A_365, %get3A_366] {strides = array<i32>} : memref<128x64xf32, #tpu.memory_space<vmem>>, vector<1x16xf32>,
      %get3A_368 = vector.shape_cast %get3A_367 : vector<1x16xf32> to vector<16xf32>
      %mul3A_369 = arith.constant 8.000000e+00 : f32
      %mul3A_370 = vector.broadcast %mul3A_369 : f32 to vector<16xf32>
      %mul3A_371 = arith.mulf %get3A_368, %mul3A_370 : vector<16xf32>
      %swap3A_372 = arith.index_cast %add3A_340 : i32 to index
      %swap3A_373 = arith.constant 32 : index
      %swap3A_374 = tpu.vector_load %arg13[%swap3A_372, %swap3A_373] {strides = array<i32>} : memref<128x64xf32, #tpu.memory_space<vmem>>, vector<1x16xf32>,
      %swap3A_375 = vector.shape_cast %swap3A_374 : vector<1x16xf32> to vector<16xf32>
      %swap3A_376 = vector.shape_cast %mul3A_371 : vector<16xf32> to vector<1x16xf32>
      tpu.vector_store %arg13[%swap3A_372, %swap3A_373], %swap3A_376 {strides = array<i32>} : memref<128x64xf32, #tpu.memory_space<vmem>>, vector<1x16xf32>,
      %get3A_377 = arith.index_cast %add3A_340 : i32 to index
      %get3A_378 = arith.constant 48 : index
      %get3A_379 = tpu.vector_load %arg8[%get3A_377, %get3A_378] {strides = array<i32>} : memref<128x64xf32, #tpu.memory_space<vmem>>, vector<1x16xf32>,
      %get3A_380 = vector.shape_cast %get3A_379 : vector<1x16xf32> to vector<16xf32>
      %mul3A_381 = arith.constant 8.000000e+00 : f32
      %mul3A_382 = vector.broadcast %mul3A_381 : f32 to vector<16xf32>
      %mul3A_383 = arith.mulf %get3A_380, %mul3A_382 : vector<16xf32>
      %swap3A_384 = arith.index_cast %add3A_340 : i32 to index
      %swap3A_385 = arith.constant 48 : index
      %swap3A_386 = tpu.vector_load %arg13[%swap3A_384, %swap3A_385] {strides = array<i32>} : memref<128x64xf32, #tpu.memory_space<vmem>>, vector<1x16xf32>,
      %swap3A_387 = vector.shape_cast %swap3A_386 : vector<1x16xf32> to vector<16xf32>
      %swap3A_388 = vector.shape_cast %mul3A_383 : vector<16xf32> to vector<1x16xf32>
      tpu.vector_store %arg13[%swap3A_384, %swap3A_385], %swap3A_388 {strides = array<i32>} : memref<128x64xf32, #tpu.memory_space<vmem>>, vector<1x16xf32>,
      %mul3A_389 = arith.constant 4 : i32
      %mul3A_390 = arith.muli %scan3A_286, %mul3A_389 : i32
      %add3A_391 = arith.constant 2 : i32
      %add3A_392 = arith.addi %mul3A_390, %add3A_391 : i32
      %get3A_393 = arith.index_cast %add3A_392 : i32 to index
      %get3A_394 = arith.constant 0 : index
      %get3A_395 = tpu.vector_load %arg8[%get3A_393, %get3A_394] {strides = array<i32>} : memref<128x64xf32, #tpu.memory_space<vmem>>, vector<1x16xf32>,
      %get3A_396 = vector.shape_cast %get3A_395 : vector<1x16xf32> to vector<16xf32>
      %mul3A_397 = arith.constant 8.000000e+00 : f32
      %mul3A_398 = vector.broadcast %mul3A_397 : f32 to vector<16xf32>
      %mul3A_399 = arith.mulf %get3A_396, %mul3A_398 : vector<16xf32>
      %swap3A_400 = arith.index_cast %add3A_392 : i32 to index
      %swap3A_401 = arith.constant 0 : index
      %swap3A_402 = tpu.vector_load %arg13[%swap3A_400, %swap3A_401] {strides = array<i32>} : memref<128x64xf32, #tpu.memory_space<vmem>>, vector<1x16xf32>,
      %swap3A_403 = vector.shape_cast %swap3A_402 : vector<1x16xf32> to vector<16xf32>
      %swap3A_404 = vector.shape_cast %mul3A_399 : vector<16xf32> to vector<1x16xf32>
      tpu.vector_store %arg13[%swap3A_400, %swap3A_401], %swap3A_404 {strides = array<i32>} : memref<128x64xf32, #tpu.memory_space<vmem>>, vector<1x16xf32>,
      %get3A_405 = arith.index_cast %add3A_392 : i32 to index
      %get3A_406 = arith.constant 16 : index
      %get3A_407 = tpu.vector_load %arg8[%get3A_405, %get3A_406] {strides = array<i32>} : memref<128x64xf32, #tpu.memory_space<vmem>>, vector<1x16xf32>,
      %get3A_408 = vector.shape_cast %get3A_407 : vector<1x16xf32> to vector<16xf32>
      %mul3A_409 = arith.constant 8.000000e+00 : f32
      %mul3A_410 = vector.broadcast %mul3A_409 : f32 to vector<16xf32>
      %mul3A_411 = arith.mulf %get3A_408, %mul3A_410 : vector<16xf32>
      %swap3A_412 = arith.index_cast %add3A_392 : i32 to index
      %swap3A_413 = arith.constant 16 : index
      %swap3A_414 = tpu.vector_load %arg13[%swap3A_412, %swap3A_413] {strides = array<i32>} : memref<128x64xf32, #tpu.memory_space<vmem>>, vector<1x16xf32>,
      %swap3A_415 = vector.shape_cast %swap3A_414 : vector<1x16xf32> to vector<16xf32>
      %swap3A_416 = vector.shape_cast %mul3A_411 : vector<16xf32> to vector<1x16xf32>
      tpu.vector_store %arg13[%swap3A_412, %swap3A_413], %swap3A_416 {strides = array<i32>} : memref<128x64xf32, #tpu.memory_space<vmem>>, vector<1x16xf32>,
      %get3A_417 = arith.index_cast %add3A_392 : i32 to index
      %get3A_418 = arith.constant 32 : index
      %get3A_419 = tpu.vector_load %arg8[%get3A_417, %get3A_418] {strides = array<i32>} : memref<128x64xf32, #tpu.memory_space<vmem>>, vector<1x16xf32>,
      %get3A_420 = vector.shape_cast %get3A_419 : vector<1x16xf32> to vector<16xf32>
      %mul3A_421 = arith.constant 8.000000e+00 : f32
      %mul3A_422 = vector.broadcast %mul3A_421 : f32 to vector<16xf32>
      %mul3A_423 = arith.mulf %get3A_420, %mul3A_422 : vector<16xf32>
      %swap3A_424 = arith.index_cast %add3A_392 : i32 to index
      %swap3A_425 = arith.constant 32 : index
      %swap3A_426 = tpu.vector_load %arg13[%swap3A_424, %swap3A_425] {strides = array<i32>} : memref<128x64xf32, #tpu.memory_space<vmem>>, vector<1x16xf32>,
      %swap3A_427 = vector.shape_cast %swap3A_426 : vector<1x16xf32> to vector<16xf32>
      %swap3A_428 = vector.shape_cast %mul3A_423 : vector<16xf32> to vector<1x16xf32>
      tpu.vector_store %arg13[%swap3A_424, %swap3A_425], %swap3A_428 {strides = array<i32>} : memref<128x64xf32, #tpu.memory_space<vmem>>, vector<1x16xf32>,
      %get3A_429 = arith.index_cast %add3A_392 : i32 to index
      %get3A_430 = arith.constant 48 : index
      %get3A_431 = tpu.vector_load %arg8[%get3A_429, %get3A_430] {strides = array<i32>} : memref<128x64xf32, #tpu.memory_space<vmem>>, vector<1x16xf32>,
      %get3A_432 = vector.shape_cast %get3A_431 : vector<1x16xf32> to vector<16xf32>
      %mul3A_433 = arith.constant 8.000000e+00 : f32
      %mul3A_434 = vector.broadcast %mul3A_433 : f32 to vector<16xf32>
      %mul3A_435 = arith.mulf %get3A_432, %mul3A_434 : vector<16xf32>
      %swap3A_436 = arith.index_cast %add3A_392 : i32 to index
      %swap3A_437 = arith.constant 48 : index
      %swap3A_438 = tpu.vector_load %arg13[%swap3A_436, %swap3A_437] {strides = array<i32>} : memref<128x64xf32, #tpu.memory_space<vmem>>, vector<1x16xf32>,
      %swap3A_439 = vector.shape_cast %swap3A_438 : vector<1x16xf32> to vector<16xf32>
      %swap3A_440 = vector.shape_cast %mul3A_435 : vector<16xf32> to vector<1x16xf32>
      tpu.vector_store %arg13[%swap3A_436, %swap3A_437], %swap3A_440 {strides = array<i32>} : memref<128x64xf32, #tpu.memory_space<vmem>>, vector<1x16xf32>,
      %mul3A_441 = arith.constant 4 : i32
      %mul3A_442 = arith.muli %scan3A_286, %mul3A_441 : i32
      %add3A_443 = arith.constant 3 : i32
      %add3A_444 = arith.addi %mul3A_442, %add3A_443 : i32
      %get3A_445 = arith.index_cast %add3A_444 : i32 to index
      %get3A_446 = arith.constant 0 : index
      %get3A_447 = tpu.vector_load %arg8[%get3A_445, %get3A_446] {strides = array<i32>} : memref<128x64xf32, #tpu.memory_space<vmem>>, vector<1x16xf32>,
      %get3A_448 = vector.shape_cast %get3A_447 : vector<1x16xf32> to vector<16xf32>
      %mul3A_449 = arith.constant 8.000000e+00 : f32
      %mul3A_450 = vector.broadcast %mul3A_449 : f32 to vector<16xf32>
      %mul3A_451 = arith.mulf %get3A_448, %mul3A_450 : vector<16xf32>
      %swap3A_452 = arith.index_cast %add3A_444 : i32 to index
      %swap3A_453 = arith.constant 0 : index
      %swap3A_454 = tpu.vector_load %arg13[%swap3A_452, %swap3A_453] {strides = array<i32>} : memref<128x64xf32, #tpu.memory_space<vmem>>, vector<1x16xf32>,
      %swap3A_455 = vector.shape_cast %swap3A_454 : vector<1x16xf32> to vector<16xf32>
      %swap3A_456 = vector.shape_cast %mul3A_451 : vector<16xf32> to vector<1x16xf32>
      tpu.vector_store %arg13[%swap3A_452, %swap3A_453], %swap3A_456 {strides = array<i32>} : memref<128x64xf32, #tpu.memory_space<vmem>>, vector<1x16xf32>,
      %get3A_457 = arith.index_cast %add3A_444 : i32 to index
      %get3A_458 = arith.constant 16 : index
      %get3A_459 = tpu.vector_load %arg8[%get3A_457, %get3A_458] {strides = array<i32>} : memref<128x64xf32, #tpu.memory_space<vmem>>, vector<1x16xf32>,
      %get3A_460 = vector.shape_cast %get3A_459 : vector<1x16xf32> to vector<16xf32>
      %mul3A_461 = arith.constant 8.000000e+00 : f32
      %mul3A_462 = vector.broadcast %mul3A_461 : f32 to vector<16xf32>
      %mul3A_463 = arith.mulf %get3A_460, %mul3A_462 : vector<16xf32>
      %swap3A_464 = arith.index_cast %add3A_444 : i32 to index
      %swap3A_465 = arith.constant 16 : index
      %swap3A_466 = tpu.vector_load %arg13[%swap3A_464, %swap3A_465] {strides = array<i32>} : memref<128x64xf32, #tpu.memory_space<vmem>>, vector<1x16xf32>,
      %swap3A_467 = vector.shape_cast %swap3A_466 : vector<1x16xf32> to vector<16xf32>
      %swap3A_468 = vector.shape_cast %mul3A_463 : vector<16xf32> to vector<1x16xf32>
      tpu.vector_store %arg13[%swap3A_464, %swap3A_465], %swap3A_468 {strides = array<i32>} : memref<128x64xf32, #tpu.memory_space<vmem>>, vector<1x16xf32>,
      %get3A_469 = arith.index_cast %add3A_444 : i32 to index
      %get3A_470 = arith.constant 32 : index
      %get3A_471 = tpu.vector_load %arg8[%get3A_469, %get3A_470] {strides = array<i32>} : memref<128x64xf32, #tpu.memory_space<vmem>>, vector<1x16xf32>,
      %get3A_472 = vector.shape_cast %get3A_471 : vector<1x16xf32> to vector<16xf32>
      %mul3A_473 = arith.constant 8.000000e+00 : f32
      %mul3A_474 = vector.broadcast %mul3A_473 : f32 to vector<16xf32>
      %mul3A_475 = arith.mulf %get3A_472, %mul3A_474 : vector<16xf32>
      %swap3A_476 = arith.index_cast %add3A_444 : i32 to index
      %swap3A_477 = arith.constant 32 : index
      %swap3A_478 = tpu.vector_load %arg13[%swap3A_476, %swap3A_477] {strides = array<i32>} : memref<128x64xf32, #tpu.memory_space<vmem>>, vector<1x16xf32>,
      %swap3A_479 = vector.shape_cast %swap3A_478 : vector<1x16xf32> to vector<16xf32>
      %swap3A_480 = vector.shape_cast %mul3A_475 : vector<16xf32> to vector<1x16xf32>
      tpu.vector_store %arg13[%swap3A_476, %swap3A_477], %swap3A_480 {strides = array<i32>} : memref<128x64xf32, #tpu.memory_space<vmem>>, vector<1x16xf32>,
      %get3A_481 = arith.index_cast %add3A_444 : i32 to index
      %get3A_482 = arith.constant 48 : index
      %get3A_483 = tpu.vector_load %arg8[%get3A_481, %get3A_482] {strides = array<i32>} : memref<128x64xf32, #tpu.memory_space<vmem>>, vector<1x16xf32>,
      %get3A_484 = vector.shape_cast %get3A_483 : vector<1x16xf32> to vector<16xf32>
      %mul3A_485 = arith.constant 8.000000e+00 : f32
      %mul3A_486 = vector.broadcast %mul3A_485 : f32 to vector<16xf32>
      %mul3A_487 = arith.mulf %get3A_484, %mul3A_486 : vector<16xf32>
      %swap3A_488 = arith.index_cast %add3A_444 : i32 to index
      %swap3A_489 = arith.constant 48 : index
      %swap3A_490 = tpu.vector_load %arg13[%swap3A_488, %swap3A_489] {strides = array<i32>} : memref<128x64xf32, #tpu.memory_space<vmem>>, vector<1x16xf32>,
      %swap3A_491 = vector.shape_cast %swap3A_490 : vector<1x16xf32> to vector<16xf32>
      %swap3A_492 = vector.shape_cast %mul3A_487 : vector<16xf32> to vector<1x16xf32>
      tpu.vector_store %arg13[%swap3A_488, %swap3A_489], %swap3A_492 {strides = array<i32>} : memref<128x64xf32, #tpu.memory_space<vmem>>, vector<1x16xf32>,
    }
    %scan3A_203 = arith.constant 32 : i32
    %add3A_204 = arith.constant 25216 : i32
    %add3A_205 = arith.addi %mul3A_2, %add3A_204 : i32
    %dma_start3A_206 = arith.constant 0 : i32
    %dma_start3A_207 = tpu.memref_slice %arg4[%add3A_205, %dma_start3A_206] : memref<819200x64xf32, #tpu.memory_space<hbm>> -> memref<128x64xf32, #tpu.memory_space<hbm>>
    %dma_start3A_208 = arith.constant 0 : i32
    %dma_start3A_209 = tpu.memref_slice %arg4[%add3A_205, %dma_start3A_208] : memref<819200x64xf32, #tpu.memory_space<hbm>> -> memref<128x64xf32, #tpu.memory_space<hbm>>
    tpu.enqueue_dma source(%arg13 : memref<128x64xf32, #tpu.memory_space<vmem>>) target(%dma_start3A_209 : memref<128x64xf32, #tpu.memory_space<hbm>>) target_semaphore(%arg23 : memref<!tpu.dma_semaphore, #tpu.memory_space<semaphore_mem>>)
    %dma_wait3A_210 = arith.constant 25344 : i32
    %dma_wait3A_211 = tpu.memref_slice %arg5[%dma_wait3A_210] : memref<25600xi32, #tpu.memory_space<vmem>> -> memref<128xi32, #tpu.memory_space<vmem>>
    %dma_wait3A_212 = arith.constant 0 : i32
    %dma_wait3A_213 = arith.constant 0 : i32
    %dma_wait3A_214 = tpu.memref_slice %arg3[%dma_wait3A_212, %dma_wait3A_213] : memref<1000000x64xf32, #tpu.memory_space<hbm>> -> memref<1000000x64xf32, #tpu.memory_space<hbm>>
    tpu.wait_indirect_dma semaphore(%arg19 : memref<!tpu.dma_semaphore, #tpu.memory_space<semaphore_mem>>) src(%dma_wait3A_214 : memref<1000000x64xf32, #tpu.memory_space<hbm>>) dst(%arg9 : memref<128x64xf32, #tpu.memory_space<vmem>>)
    %add3A_215 = arith.constant 24704 : i32
    %add3A_216 = arith.addi %mul3A_2, %add3A_215 : i32
    %dma_wait3A_217 = arith.constant 0 : i32
    %dma_wait3A_218 = tpu.memref_slice %arg4[%add3A_216, %dma_wait3A_217] : memref<819200x64xf32, #tpu.memory_space<hbm>> -> memref<128x64xf32, #tpu.memory_space<hbm>>
    %dma_wait3A_219 = arith.constant 0 : i32
    %dma_wait3A_220 = tpu.memref_slice %arg4[%add3A_216, %dma_wait3A_219] : memref<819200x64xf32, #tpu.memory_space<hbm>> -> memref<128x64xf32, #tpu.memory_space<hbm>>
    tpu.wait_dma2 semaphore(%arg24 : memref<!tpu.dma_semaphore, #tpu.memory_space<semaphore_mem>>) src(%arg14 : memref<128x64xf32, #tpu.memory_space<vmem>>) dst(%dma_wait3A_220 : memref<128x64xf32, #tpu.memory_space<hbm>>)
    %scan3A_221 = arith.constant 0 : i32
    %scan3A_222 = arith.constant 0 : i32
    %scan3A_223 = arith.constant 32 : i32
    %scan3A_224 = arith.addi %scan3A_222, %scan3A_223 : i32
    %scan3A_225 = arith.constant 1 : i32
    scf.for %scan3A_286 = %scan3A_222 to %scan3A_224 step %scan3A_225  : i32 {
      %mul3A_287 = arith.constant 4 : i32
      %mul3A_288 = arith.muli %scan3A_286, %mul3A_287 : i32
      %add3A_289 = arith.constant 0 : i32
      %add3A_290 = arith.addi %mul3A_288, %add3A_289 : i32
      %get3A = arith.index_cast %add3A_290 : i32 to index
      %get3A_291 = arith.constant 0 : index
      %get3A_292 = tpu.vector_load %arg9[%get3A, %get3A_291] {strides = array<i32>} : memref<128x64xf32, #tpu.memory_space<vmem>>, vector<1x16xf32>,
      %get3A_293 = vector.shape_cast %get3A_292 : vector<1x16xf32> to vector<16xf32>
      %mul3A_294 = arith.constant 8.000000e+00 : f32
      %mul3A_295 = vector.broadcast %mul3A_294 : f32 to vector<16xf32>
      %mul3A_296 = arith.mulf %get3A_293, %mul3A_295 : vector<16xf32>
      %swap3A = arith.index_cast %add3A_290 : i32 to index
      %swap3A_297 = arith.constant 0 : index
      %swap3A_298 = tpu.vector_load %arg14[%swap3A, %swap3A_297] {strides = array<i32>} : memref<128x64xf32, #tpu.memory_space<vmem>>, vector<1x16xf32>,
      %swap3A_299 = vector.shape_cast %swap3A_298 : vector<1x16xf32> to vector<16xf32>
      %swap3A_300 = vector.shape_cast %mul3A_296 : vector<16xf32> to vector<1x16xf32>
      tpu.vector_store %arg14[%swap3A, %swap3A_297], %swap3A_300 {strides = array<i32>} : memref<128x64xf32, #tpu.memory_space<vmem>>, vector<1x16xf32>,
      %get3A_301 = arith.index_cast %add3A_290 : i32 to index
      %get3A_302 = arith.constant 16 : index
      %get3A_303 = tpu.vector_load %arg9[%get3A_301, %get3A_302] {strides = array<i32>} : memref<128x64xf32, #tpu.memory_space<vmem>>, vector<1x16xf32>,
      %get3A_304 = vector.shape_cast %get3A_303 : vector<1x16xf32> to vector<16xf32>
      %mul3A_305 = arith.constant 8.000000e+00 : f32
      %mul3A_306 = vector.broadcast %mul3A_305 : f32 to vector<16xf32>
      %mul3A_307 = arith.mulf %get3A_304, %mul3A_306 : vector<16xf32>
      %swap3A_308 = arith.index_cast %add3A_290 : i32 to index
      %swap3A_309 = arith.constant 16 : index
      %swap3A_310 = tpu.vector_load %arg14[%swap3A_308, %swap3A_309] {strides = array<i32>} : memref<128x64xf32, #tpu.memory_space<vmem>>, vector<1x16xf32>,
      %swap3A_311 = vector.shape_cast %swap3A_310 : vector<1x16xf32> to vector<16xf32>
      %swap3A_312 = vector.shape_cast %mul3A_307 : vector<16xf32> to vector<1x16xf32>
      tpu.vector_store %arg14[%swap3A_308, %swap3A_309], %swap3A_312 {strides = array<i32>} : memref<128x64xf32, #tpu.memory_space<vmem>>, vector<1x16xf32>,
      %get3A_313 = arith.index_cast %add3A_290 : i32 to index
      %get3A_314 = arith.constant 32 : index
      %get3A_315 = tpu.vector_load %arg9[%get3A_313, %get3A_314] {strides = array<i32>} : memref<128x64xf32, #tpu.memory_space<vmem>>, vector<1x16xf32>,
      %get3A_316 = vector.shape_cast %get3A_315 : vector<1x16xf32> to vector<16xf32>
      %mul3A_317 = arith.constant 8.000000e+00 : f32
      %mul3A_318 = vector.broadcast %mul3A_317 : f32 to vector<16xf32>
      %mul3A_319 = arith.mulf %get3A_316, %mul3A_318 : vector<16xf32>
      %swap3A_320 = arith.index_cast %add3A_290 : i32 to index
      %swap3A_321 = arith.constant 32 : index
      %swap3A_322 = tpu.vector_load %arg14[%swap3A_320, %swap3A_321] {strides = array<i32>} : memref<128x64xf32, #tpu.memory_space<vmem>>, vector<1x16xf32>,
      %swap3A_323 = vector.shape_cast %swap3A_322 : vector<1x16xf32> to vector<16xf32>
      %swap3A_324 = vector.shape_cast %mul3A_319 : vector<16xf32> to vector<1x16xf32>
      tpu.vector_store %arg14[%swap3A_320, %swap3A_321], %swap3A_324 {strides = array<i32>} : memref<128x64xf32, #tpu.memory_space<vmem>>, vector<1x16xf32>,
      %get3A_325 = arith.index_cast %add3A_290 : i32 to index
      %get3A_326 = arith.constant 48 : index
      %get3A_327 = tpu.vector_load %arg9[%get3A_325, %get3A_326] {strides = array<i32>} : memref<128x64xf32, #tpu.memory_space<vmem>>, vector<1x16xf32>,
      %get3A_328 = vector.shape_cast %get3A_327 : vector<1x16xf32> to vector<16xf32>
      %mul3A_329 = arith.constant 8.000000e+00 : f32
      %mul3A_330 = vector.broadcast %mul3A_329 : f32 to vector<16xf32>
      %mul3A_331 = arith.mulf %get3A_328, %mul3A_330 : vector<16xf32>
      %swap3A_332 = arith.index_cast %add3A_290 : i32 to index
      %swap3A_333 = arith.constant 48 : index
      %swap3A_334 = tpu.vector_load %arg14[%swap3A_332, %swap3A_333] {strides = array<i32>} : memref<128x64xf32, #tpu.memory_space<vmem>>, vector<1x16xf32>,
      %swap3A_335 = vector.shape_cast %swap3A_334 : vector<1x16xf32> to vector<16xf32>
      %swap3A_336 = vector.shape_cast %mul3A_331 : vector<16xf32> to vector<1x16xf32>
      tpu.vector_store %arg14[%swap3A_332, %swap3A_333], %swap3A_336 {strides = array<i32>} : memref<128x64xf32, #tpu.memory_space<vmem>>, vector<1x16xf32>,
      %mul3A_337 = arith.constant 4 : i32
      %mul3A_338 = arith.muli %scan3A_286, %mul3A_337 : i32
      %add3A_339 = arith.constant 1 : i32
      %add3A_340 = arith.addi %mul3A_338, %add3A_339 : i32
      %get3A_341 = arith.index_cast %add3A_340 : i32 to index
      %get3A_342 = arith.constant 0 : index
      %get3A_343 = tpu.vector_load %arg9[%get3A_341, %get3A_342] {strides = array<i32>} : memref<128x64xf32, #tpu.memory_space<vmem>>, vector<1x16xf32>,
      %get3A_344 = vector.shape_cast %get3A_343 : vector<1x16xf32> to vector<16xf32>
      %mul3A_345 = arith.constant 8.000000e+00 : f32
      %mul3A_346 = vector.broadcast %mul3A_345 : f32 to vector<16xf32>
      %mul3A_347 = arith.mulf %get3A_344, %mul3A_346 : vector<16xf32>
      %swap3A_348 = arith.index_cast %add3A_340 : i32 to index
      %swap3A_349 = arith.constant 0 : index
      %swap3A_350 = tpu.vector_load %arg14[%swap3A_348, %swap3A_349] {strides = array<i32>} : memref<128x64xf32, #tpu.memory_space<vmem>>, vector<1x16xf32>,
      %swap3A_351 = vector.shape_cast %swap3A_350 : vector<1x16xf32> to vector<16xf32>
      %swap3A_352 = vector.shape_cast %mul3A_347 : vector<16xf32> to vector<1x16xf32>
      tpu.vector_store %arg14[%swap3A_348, %swap3A_349], %swap3A_352 {strides = array<i32>} : memref<128x64xf32, #tpu.memory_space<vmem>>, vector<1x16xf32>,
      %get3A_353 = arith.index_cast %add3A_340 : i32 to index
      %get3A_354 = arith.constant 16 : index
      %get3A_355 = tpu.vector_load %arg9[%get3A_353, %get3A_354] {strides = array<i32>} : memref<128x64xf32, #tpu.memory_space<vmem>>, vector<1x16xf32>,
      %get3A_356 = vector.shape_cast %get3A_355 : vector<1x16xf32> to vector<16xf32>
      %mul3A_357 = arith.constant 8.000000e+00 : f32
      %mul3A_358 = vector.broadcast %mul3A_357 : f32 to vector<16xf32>
      %mul3A_359 = arith.mulf %get3A_356, %mul3A_358 : vector<16xf32>
      %swap3A_360 = arith.index_cast %add3A_340 : i32 to index
      %swap3A_361 = arith.constant 16 : index
      %swap3A_362 = tpu.vector_load %arg14[%swap3A_360, %swap3A_361] {strides = array<i32>} : memref<128x64xf32, #tpu.memory_space<vmem>>, vector<1x16xf32>,
      %swap3A_363 = vector.shape_cast %swap3A_362 : vector<1x16xf32> to vector<16xf32>
      %swap3A_364 = vector.shape_cast %mul3A_359 : vector<16xf32> to vector<1x16xf32>
      tpu.vector_store %arg14[%swap3A_360, %swap3A_361], %swap3A_364 {strides = array<i32>} : memref<128x64xf32, #tpu.memory_space<vmem>>, vector<1x16xf32>,
      %get3A_365 = arith.index_cast %add3A_340 : i32 to index
      %get3A_366 = arith.constant 32 : index
      %get3A_367 = tpu.vector_load %arg9[%get3A_365, %get3A_366] {strides = array<i32>} : memref<128x64xf32, #tpu.memory_space<vmem>>, vector<1x16xf32>,
      %get3A_368 = vector.shape_cast %get3A_367 : vector<1x16xf32> to vector<16xf32>
      %mul3A_369 = arith.constant 8.000000e+00 : f32
      %mul3A_370 = vector.broadcast %mul3A_369 : f32 to vector<16xf32>
      %mul3A_371 = arith.mulf %get3A_368, %mul3A_370 : vector<16xf32>
      %swap3A_372 = arith.index_cast %add3A_340 : i32 to index
      %swap3A_373 = arith.constant 32 : index
      %swap3A_374 = tpu.vector_load %arg14[%swap3A_372, %swap3A_373] {strides = array<i32>} : memref<128x64xf32, #tpu.memory_space<vmem>>, vector<1x16xf32>,
      %swap3A_375 = vector.shape_cast %swap3A_374 : vector<1x16xf32> to vector<16xf32>
      %swap3A_376 = vector.shape_cast %mul3A_371 : vector<16xf32> to vector<1x16xf32>
      tpu.vector_store %arg14[%swap3A_372, %swap3A_373], %swap3A_376 {strides = array<i32>} : memref<128x64xf32, #tpu.memory_space<vmem>>, vector<1x16xf32>,
      %get3A_377 = arith.index_cast %add3A_340 : i32 to index
      %get3A_378 = arith.constant 48 : index
      %get3A_379 = tpu.vector_load %arg9[%get3A_377, %get3A_378] {strides = array<i32>} : memref<128x64xf32, #tpu.memory_space<vmem>>, vector<1x16xf32>,
      %get3A_380 = vector.shape_cast %get3A_379 : vector<1x16xf32> to vector<16xf32>
      %mul3A_381 = arith.constant 8.000000e+00 : f32
      %mul3A_382 = vector.broadcast %mul3A_381 : f32 to vector<16xf32>
      %mul3A_383 = arith.mulf %get3A_380, %mul3A_382 : vector<16xf32>
      %swap3A_384 = arith.index_cast %add3A_340 : i32 to index
      %swap3A_385 = arith.constant 48 : index
      %swap3A_386 = tpu.vector_load %arg14[%swap3A_384, %swap3A_385] {strides = array<i32>} : memref<128x64xf32, #tpu.memory_space<vmem>>, vector<1x16xf32>,
      %swap3A_387 = vector.shape_cast %swap3A_386 : vector<1x16xf32> to vector<16xf32>
      %swap3A_388 = vector.shape_cast %mul3A_383 : vector<16xf32> to vector<1x16xf32>
      tpu.vector_store %arg14[%swap3A_384, %swap3A_385], %swap3A_388 {strides = array<i32>} : memref<128x64xf32, #tpu.memory_space<vmem>>, vector<1x16xf32>,
      %mul3A_389 = arith.constant 4 : i32
      %mul3A_390 = arith.muli %scan3A_286, %mul3A_389 : i32
      %add3A_391 = arith.constant 2 : i32
      %add3A_392 = arith.addi %mul3A_390, %add3A_391 : i32
      %get3A_393 = arith.index_cast %add3A_392 : i32 to index
      %get3A_394 = arith.constant 0 : index
      %get3A_395 = tpu.vector_load %arg9[%get3A_393, %get3A_394] {strides = array<i32>} : memref<128x64xf32, #tpu.memory_space<vmem>>, vector<1x16xf32>,
      %get3A_396 = vector.shape_cast %get3A_395 : vector<1x16xf32> to vector<16xf32>
      %mul3A_397 = arith.constant 8.000000e+00 : f32
      %mul3A_398 = vector.broadcast %mul3A_397 : f32 to vector<16xf32>
      %mul3A_399 = arith.mulf %get3A_396, %mul3A_398 : vector<16xf32>
      %swap3A_400 = arith.index_cast %add3A_392 : i32 to index
      %swap3A_401 = arith.constant 0 : index
      %swap3A_402 = tpu.vector_load %arg14[%swap3A_400, %swap3A_401] {strides = array<i32>} : memref<128x64xf32, #tpu.memory_space<vmem>>, vector<1x16xf32>,
      %swap3A_403 = vector.shape_cast %swap3A_402 : vector<1x16xf32> to vector<16xf32>
      %swap3A_404 = vector.shape_cast %mul3A_399 : vector<16xf32> to vector<1x16xf32>
      tpu.vector_store %arg14[%swap3A_400, %swap3A_401], %swap3A_404 {strides = array<i32>} : memref<128x64xf32, #tpu.memory_space<vmem>>, vector<1x16xf32>,
      %get3A_405 = arith.index_cast %add3A_392 : i32 to index
      %get3A_406 = arith.constant 16 : index
      %get3A_407 = tpu.vector_load %arg9[%get3A_405, %get3A_406] {strides = array<i32>} : memref<128x64xf32, #tpu.memory_space<vmem>>, vector<1x16xf32>,
      %get3A_408 = vector.shape_cast %get3A_407 : vector<1x16xf32> to vector<16xf32>
      %mul3A_409 = arith.constant 8.000000e+00 : f32
      %mul3A_410 = vector.broadcast %mul3A_409 : f32 to vector<16xf32>
      %mul3A_411 = arith.mulf %get3A_408, %mul3A_410 : vector<16xf32>
      %swap3A_412 = arith.index_cast %add3A_392 : i32 to index
      %swap3A_413 = arith.constant 16 : index
      %swap3A_414 = tpu.vector_load %arg14[%swap3A_412, %swap3A_413] {strides = array<i32>} : memref<128x64xf32, #tpu.memory_space<vmem>>, vector<1x16xf32>,
      %swap3A_415 = vector.shape_cast %swap3A_414 : vector<1x16xf32> to vector<16xf32>
      %swap3A_416 = vector.shape_cast %mul3A_411 : vector<16xf32> to vector<1x16xf32>
      tpu.vector_store %arg14[%swap3A_412, %swap3A_413], %swap3A_416 {strides = array<i32>} : memref<128x64xf32, #tpu.memory_space<vmem>>, vector<1x16xf32>,
      %get3A_417 = arith.index_cast %add3A_392 : i32 to index
      %get3A_418 = arith.constant 32 : index
      %get3A_419 = tpu.vector_load %arg9[%get3A_417, %get3A_418] {strides = array<i32>} : memref<128x64xf32, #tpu.memory_space<vmem>>, vector<1x16xf32>,
      %get3A_420 = vector.shape_cast %get3A_419 : vector<1x16xf32> to vector<16xf32>
      %mul3A_421 = arith.constant 8.000000e+00 : f32
      %mul3A_422 = vector.broadcast %mul3A_421 : f32 to vector<16xf32>
      %mul3A_423 = arith.mulf %get3A_420, %mul3A_422 : vector<16xf32>
      %swap3A_424 = arith.index_cast %add3A_392 : i32 to index
      %swap3A_425 = arith.constant 32 : index
      %swap3A_426 = tpu.vector_load %arg14[%swap3A_424, %swap3A_425] {strides = array<i32>} : memref<128x64xf32, #tpu.memory_space<vmem>>, vector<1x16xf32>,
      %swap3A_427 = vector.shape_cast %swap3A_426 : vector<1x16xf32> to vector<16xf32>
      %swap3A_428 = vector.shape_cast %mul3A_423 : vector<16xf32> to vector<1x16xf32>
      tpu.vector_store %arg14[%swap3A_424, %swap3A_425], %swap3A_428 {strides = array<i32>} : memref<128x64xf32, #tpu.memory_space<vmem>>, vector<1x16xf32>,
      %get3A_429 = arith.index_cast %add3A_392 : i32 to index
      %get3A_430 = arith.constant 48 : index
      %get3A_431 = tpu.vector_load %arg9[%get3A_429, %get3A_430] {strides = array<i32>} : memref<128x64xf32, #tpu.memory_space<vmem>>, vector<1x16xf32>,
      %get3A_432 = vector.shape_cast %get3A_431 : vector<1x16xf32> to vector<16xf32>
      %mul3A_433 = arith.constant 8.000000e+00 : f32
      %mul3A_434 = vector.broadcast %mul3A_433 : f32 to vector<16xf32>
      %mul3A_435 = arith.mulf %get3A_432, %mul3A_434 : vector<16xf32>
      %swap3A_436 = arith.index_cast %add3A_392 : i32 to index
      %swap3A_437 = arith.constant 48 : index
      %swap3A_438 = tpu.vector_load %arg14[%swap3A_436, %swap3A_437] {strides = array<i32>} : memref<128x64xf32, #tpu.memory_space<vmem>>, vector<1x16xf32>,
      %swap3A_439 = vector.shape_cast %swap3A_438 : vector<1x16xf32> to vector<16xf32>
      %swap3A_440 = vector.shape_cast %mul3A_435 : vector<16xf32> to vector<1x16xf32>
      tpu.vector_store %arg14[%swap3A_436, %swap3A_437], %swap3A_440 {strides = array<i32>} : memref<128x64xf32, #tpu.memory_space<vmem>>, vector<1x16xf32>,
      %mul3A_441 = arith.constant 4 : i32
      %mul3A_442 = arith.muli %scan3A_286, %mul3A_441 : i32
      %add3A_443 = arith.constant 3 : i32
      %add3A_444 = arith.addi %mul3A_442, %add3A_443 : i32
      %get3A_445 = arith.index_cast %add3A_444 : i32 to index
      %get3A_446 = arith.constant 0 : index
      %get3A_447 = tpu.vector_load %arg9[%get3A_445, %get3A_446] {strides = array<i32>} : memref<128x64xf32, #tpu.memory_space<vmem>>, vector<1x16xf32>,
      %get3A_448 = vector.shape_cast %get3A_447 : vector<1x16xf32> to vector<16xf32>
      %mul3A_449 = arith.constant 8.000000e+00 : f32
      %mul3A_450 = vector.broadcast %mul3A_449 : f32 to vector<16xf32>
      %mul3A_451 = arith.mulf %get3A_448, %mul3A_450 : vector<16xf32>
      %swap3A_452 = arith.index_cast %add3A_444 : i32 to index
      %swap3A_453 = arith.constant 0 : index
      %swap3A_454 = tpu.vector_load %arg14[%swap3A_452, %swap3A_453] {strides = array<i32>} : memref<128x64xf32, #tpu.memory_space<vmem>>, vector<1x16xf32>,
      %swap3A_455 = vector.shape_cast %swap3A_454 : vector<1x16xf32> to vector<16xf32>
      %swap3A_456 = vector.shape_cast %mul3A_451 : vector<16xf32> to vector<1x16xf32>
      tpu.vector_store %arg14[%swap3A_452, %swap3A_453], %swap3A_456 {strides = array<i32>} : memref<128x64xf32, #tpu.memory_space<vmem>>, vector<1x16xf32>,
      %get3A_457 = arith.index_cast %add3A_444 : i32 to index
      %get3A_458 = arith.constant 16 : index
      %get3A_459 = tpu.vector_load %arg9[%get3A_457, %get3A_458] {strides = array<i32>} : memref<128x64xf32, #tpu.memory_space<vmem>>, vector<1x16xf32>,
      %get3A_460 = vector.shape_cast %get3A_459 : vector<1x16xf32> to vector<16xf32>
      %mul3A_461 = arith.constant 8.000000e+00 : f32
      %mul3A_462 = vector.broadcast %mul3A_461 : f32 to vector<16xf32>
      %mul3A_463 = arith.mulf %get3A_460, %mul3A_462 : vector<16xf32>
      %swap3A_464 = arith.index_cast %add3A_444 : i32 to index
      %swap3A_465 = arith.constant 16 : index
      %swap3A_466 = tpu.vector_load %arg14[%swap3A_464, %swap3A_465] {strides = array<i32>} : memref<128x64xf32, #tpu.memory_space<vmem>>, vector<1x16xf32>,
      %swap3A_467 = vector.shape_cast %swap3A_466 : vector<1x16xf32> to vector<16xf32>
      %swap3A_468 = vector.shape_cast %mul3A_463 : vector<16xf32> to vector<1x16xf32>
      tpu.vector_store %arg14[%swap3A_464, %swap3A_465], %swap3A_468 {strides = array<i32>} : memref<128x64xf32, #tpu.memory_space<vmem>>, vector<1x16xf32>,
      %get3A_469 = arith.index_cast %add3A_444 : i32 to index
      %get3A_470 = arith.constant 32 : index
      %get3A_471 = tpu.vector_load %arg9[%get3A_469, %get3A_470] {strides = array<i32>} : memref<128x64xf32, #tpu.memory_space<vmem>>, vector<1x16xf32>,
      %get3A_472 = vector.shape_cast %get3A_471 : vector<1x16xf32> to vector<16xf32>
      %mul3A_473 = arith.constant 8.000000e+00 : f32
      %mul3A_474 = vector.broadcast %mul3A_473 : f32 to vector<16xf32>
      %mul3A_475 = arith.mulf %get3A_472, %mul3A_474 : vector<16xf32>
      %swap3A_476 = arith.index_cast %add3A_444 : i32 to index
      %swap3A_477 = arith.constant 32 : index
      %swap3A_478 = tpu.vector_load %arg14[%swap3A_476, %swap3A_477] {strides = array<i32>} : memref<128x64xf32, #tpu.memory_space<vmem>>, vector<1x16xf32>,
      %swap3A_479 = vector.shape_cast %swap3A_478 : vector<1x16xf32> to vector<16xf32>
      %swap3A_480 = vector.shape_cast %mul3A_475 : vector<16xf32> to vector<1x16xf32>
      tpu.vector_store %arg14[%swap3A_476, %swap3A_477], %swap3A_480 {strides = array<i32>} : memref<128x64xf32, #tpu.memory_space<vmem>>, vector<1x16xf32>,
      %get3A_481 = arith.index_cast %add3A_444 : i32 to index
      %get3A_482 = arith.constant 48 : index
      %get3A_483 = tpu.vector_load %arg9[%get3A_481, %get3A_482] {strides = array<i32>} : memref<128x64xf32, #tpu.memory_space<vmem>>, vector<1x16xf32>,
      %get3A_484 = vector.shape_cast %get3A_483 : vector<1x16xf32> to vector<16xf32>
      %mul3A_485 = arith.constant 8.000000e+00 : f32
      %mul3A_486 = vector.broadcast %mul3A_485 : f32 to vector<16xf32>
      %mul3A_487 = arith.mulf %get3A_484, %mul3A_486 : vector<16xf32>
      %swap3A_488 = arith.index_cast %add3A_444 : i32 to index
      %swap3A_489 = arith.constant 48 : index
      %swap3A_490 = tpu.vector_load %arg14[%swap3A_488, %swap3A_489] {strides = array<i32>} : memref<128x64xf32, #tpu.memory_space<vmem>>, vector<1x16xf32>,
      %swap3A_491 = vector.shape_cast %swap3A_490 : vector<1x16xf32> to vector<16xf32>
      %swap3A_492 = vector.shape_cast %mul3A_487 : vector<16xf32> to vector<1x16xf32>
      tpu.vector_store %arg14[%swap3A_488, %swap3A_489], %swap3A_492 {strides = array<i32>} : memref<128x64xf32, #tpu.memory_space<vmem>>, vector<1x16xf32>,
    }
    %scan3A_226 = arith.constant 32 : i32
    %add3A_227 = arith.constant 25344 : i32
    %add3A_228 = arith.addi %mul3A_2, %add3A_227 : i32
    %dma_start3A_229 = arith.constant 0 : i32
    %dma_start3A_230 = tpu.memref_slice %arg4[%add3A_228, %dma_start3A_229] : memref<819200x64xf32, #tpu.memory_space<hbm>> -> memref<128x64xf32, #tpu.memory_space<hbm>>
    %dma_start3A_231 = arith.constant 0 : i32
    %dma_start3A_232 = tpu.memref_slice %arg4[%add3A_228, %dma_start3A_231] : memref<819200x64xf32, #tpu.memory_space<hbm>> -> memref<128x64xf32, #tpu.memory_space<hbm>>
    tpu.enqueue_dma source(%arg14 : memref<128x64xf32, #tpu.memory_space<vmem>>) target(%dma_start3A_232 : memref<128x64xf32, #tpu.memory_space<hbm>>) target_semaphore(%arg24 : memref<!tpu.dma_semaphore, #tpu.memory_space<semaphore_mem>>)
    %dma_wait3A_233 = arith.constant 25472 : i32
    %dma_wait3A_234 = tpu.memref_slice %arg5[%dma_wait3A_233] : memref<25600xi32, #tpu.memory_space<vmem>> -> memref<128xi32, #tpu.memory_space<vmem>>
    %dma_wait3A_235 = arith.constant 0 : i32
    %dma_wait3A_236 = arith.constant 0 : i32
    %dma_wait3A_237 = tpu.memref_slice %arg3[%dma_wait3A_235, %dma_wait3A_236] : memref<1000000x64xf32, #tpu.memory_space<hbm>> -> memref<1000000x64xf32, #tpu.memory_space<hbm>>
    tpu.wait_indirect_dma semaphore(%arg20 : memref<!tpu.dma_semaphore, #tpu.memory_space<semaphore_mem>>) src(%dma_wait3A_237 : memref<1000000x64xf32, #tpu.memory_space<hbm>>) dst(%arg10 : memref<128x64xf32, #tpu.memory_space<vmem>>)
    %add3A_238 = arith.constant 24832 : i32
    %add3A_239 = arith.addi %mul3A_2, %add3A_238 : i32
    %dma_wait3A_240 = arith.constant 0 : i32
    %dma_wait3A_241 = tpu.memref_slice %arg4[%add3A_239, %dma_wait3A_240] : memref<819200x64xf32, #tpu.memory_space<hbm>> -> memref<128x64xf32, #tpu.memory_space<hbm>>
    %dma_wait3A_242 = arith.constant 0 : i32
    %dma_wait3A_243 = tpu.memref_slice %arg4[%add3A_239, %dma_wait3A_242] : memref<819200x64xf32, #tpu.memory_space<hbm>> -> memref<128x64xf32, #tpu.memory_space<hbm>>
    tpu.wait_dma2 semaphore(%arg25 : memref<!tpu.dma_semaphore, #tpu.memory_space<semaphore_mem>>) src(%arg15 : memref<128x64xf32, #tpu.memory_space<vmem>>) dst(%dma_wait3A_243 : memref<128x64xf32, #tpu.memory_space<hbm>>)
    %scan3A_244 = arith.constant 0 : i32
    %scan3A_245 = arith.constant 0 : i32
    %scan3A_246 = arith.constant 32 : i32
    %scan3A_247 = arith.addi %scan3A_245, %scan3A_246 : i32
    %scan3A_248 = arith.constant 1 : i32
    scf.for %scan3A_286 = %scan3A_245 to %scan3A_247 step %scan3A_248  : i32 {
      %mul3A_287 = arith.constant 4 : i32
      %mul3A_288 = arith.muli %scan3A_286, %mul3A_287 : i32
      %add3A_289 = arith.constant 0 : i32
      %add3A_290 = arith.addi %mul3A_288, %add3A_289 : i32
      %get3A = arith.index_cast %add3A_290 : i32 to index
      %get3A_291 = arith.constant 0 : index
      %get3A_292 = tpu.vector_load %arg10[%get3A, %get3A_291] {strides = array<i32>} : memref<128x64xf32, #tpu.memory_space<vmem>>, vector<1x16xf32>,
      %get3A_293 = vector.shape_cast %get3A_292 : vector<1x16xf32> to vector<16xf32>
      %mul3A_294 = arith.constant 8.000000e+00 : f32
      %mul3A_295 = vector.broadcast %mul3A_294 : f32 to vector<16xf32>
      %mul3A_296 = arith.mulf %get3A_293, %mul3A_295 : vector<16xf32>
      %swap3A = arith.index_cast %add3A_290 : i32 to index
      %swap3A_297 = arith.constant 0 : index
      %swap3A_298 = tpu.vector_load %arg15[%swap3A, %swap3A_297] {strides = array<i32>} : memref<128x64xf32, #tpu.memory_space<vmem>>, vector<1x16xf32>,
      %swap3A_299 = vector.shape_cast %swap3A_298 : vector<1x16xf32> to vector<16xf32>
      %swap3A_300 = vector.shape_cast %mul3A_296 : vector<16xf32> to vector<1x16xf32>
      tpu.vector_store %arg15[%swap3A, %swap3A_297], %swap3A_300 {strides = array<i32>} : memref<128x64xf32, #tpu.memory_space<vmem>>, vector<1x16xf32>,
      %get3A_301 = arith.index_cast %add3A_290 : i32 to index
      %get3A_302 = arith.constant 16 : index
      %get3A_303 = tpu.vector_load %arg10[%get3A_301, %get3A_302] {strides = array<i32>} : memref<128x64xf32, #tpu.memory_space<vmem>>, vector<1x16xf32>,
      %get3A_304 = vector.shape_cast %get3A_303 : vector<1x16xf32> to vector<16xf32>
      %mul3A_305 = arith.constant 8.000000e+00 : f32
      %mul3A_306 = vector.broadcast %mul3A_305 : f32 to vector<16xf32>
      %mul3A_307 = arith.mulf %get3A_304, %mul3A_306 : vector<16xf32>
      %swap3A_308 = arith.index_cast %add3A_290 : i32 to index
      %swap3A_309 = arith.constant 16 : index
      %swap3A_310 = tpu.vector_load %arg15[%swap3A_308, %swap3A_309] {strides = array<i32>} : memref<128x64xf32, #tpu.memory_space<vmem>>, vector<1x16xf32>,
      %swap3A_311 = vector.shape_cast %swap3A_310 : vector<1x16xf32> to vector<16xf32>
      %swap3A_312 = vector.shape_cast %mul3A_307 : vector<16xf32> to vector<1x16xf32>
      tpu.vector_store %arg15[%swap3A_308, %swap3A_309], %swap3A_312 {strides = array<i32>} : memref<128x64xf32, #tpu.memory_space<vmem>>, vector<1x16xf32>,
      %get3A_313 = arith.index_cast %add3A_290 : i32 to index
      %get3A_314 = arith.constant 32 : index
      %get3A_315 = tpu.vector_load %arg10[%get3A_313, %get3A_314] {strides = array<i32>} : memref<128x64xf32, #tpu.memory_space<vmem>>, vector<1x16xf32>,
      %get3A_316 = vector.shape_cast %get3A_315 : vector<1x16xf32> to vector<16xf32>
      %mul3A_317 = arith.constant 8.000000e+00 : f32
      %mul3A_318 = vector.broadcast %mul3A_317 : f32 to vector<16xf32>
      %mul3A_319 = arith.mulf %get3A_316, %mul3A_318 : vector<16xf32>
      %swap3A_320 = arith.index_cast %add3A_290 : i32 to index
      %swap3A_321 = arith.constant 32 : index
      %swap3A_322 = tpu.vector_load %arg15[%swap3A_320, %swap3A_321] {strides = array<i32>} : memref<128x64xf32, #tpu.memory_space<vmem>>, vector<1x16xf32>,
      %swap3A_323 = vector.shape_cast %swap3A_322 : vector<1x16xf32> to vector<16xf32>
      %swap3A_324 = vector.shape_cast %mul3A_319 : vector<16xf32> to vector<1x16xf32>
      tpu.vector_store %arg15[%swap3A_320, %swap3A_321], %swap3A_324 {strides = array<i32>} : memref<128x64xf32, #tpu.memory_space<vmem>>, vector<1x16xf32>,
      %get3A_325 = arith.index_cast %add3A_290 : i32 to index
      %get3A_326 = arith.constant 48 : index
      %get3A_327 = tpu.vector_load %arg10[%get3A_325, %get3A_326] {strides = array<i32>} : memref<128x64xf32, #tpu.memory_space<vmem>>, vector<1x16xf32>,
      %get3A_328 = vector.shape_cast %get3A_327 : vector<1x16xf32> to vector<16xf32>
      %mul3A_329 = arith.constant 8.000000e+00 : f32
      %mul3A_330 = vector.broadcast %mul3A_329 : f32 to vector<16xf32>
      %mul3A_331 = arith.mulf %get3A_328, %mul3A_330 : vector<16xf32>
      %swap3A_332 = arith.index_cast %add3A_290 : i32 to index
      %swap3A_333 = arith.constant 48 : index
      %swap3A_334 = tpu.vector_load %arg15[%swap3A_332, %swap3A_333] {strides = array<i32>} : memref<128x64xf32, #tpu.memory_space<vmem>>, vector<1x16xf32>,
      %swap3A_335 = vector.shape_cast %swap3A_334 : vector<1x16xf32> to vector<16xf32>
      %swap3A_336 = vector.shape_cast %mul3A_331 : vector<16xf32> to vector<1x16xf32>
      tpu.vector_store %arg15[%swap3A_332, %swap3A_333], %swap3A_336 {strides = array<i32>} : memref<128x64xf32, #tpu.memory_space<vmem>>, vector<1x16xf32>,
      %mul3A_337 = arith.constant 4 : i32
      %mul3A_338 = arith.muli %scan3A_286, %mul3A_337 : i32
      %add3A_339 = arith.constant 1 : i32
      %add3A_340 = arith.addi %mul3A_338, %add3A_339 : i32
      %get3A_341 = arith.index_cast %add3A_340 : i32 to index
      %get3A_342 = arith.constant 0 : index
      %get3A_343 = tpu.vector_load %arg10[%get3A_341, %get3A_342] {strides = array<i32>} : memref<128x64xf32, #tpu.memory_space<vmem>>, vector<1x16xf32>,
      %get3A_344 = vector.shape_cast %get3A_343 : vector<1x16xf32> to vector<16xf32>
      %mul3A_345 = arith.constant 8.000000e+00 : f32
      %mul3A_346 = vector.broadcast %mul3A_345 : f32 to vector<16xf32>
      %mul3A_347 = arith.mulf %get3A_344, %mul3A_346 : vector<16xf32>
      %swap3A_348 = arith.index_cast %add3A_340 : i32 to index
      %swap3A_349 = arith.constant 0 : index
      %swap3A_350 = tpu.vector_load %arg15[%swap3A_348, %swap3A_349] {strides = array<i32>} : memref<128x64xf32, #tpu.memory_space<vmem>>, vector<1x16xf32>,
      %swap3A_351 = vector.shape_cast %swap3A_350 : vector<1x16xf32> to vector<16xf32>
      %swap3A_352 = vector.shape_cast %mul3A_347 : vector<16xf32> to vector<1x16xf32>
      tpu.vector_store %arg15[%swap3A_348, %swap3A_349], %swap3A_352 {strides = array<i32>} : memref<128x64xf32, #tpu.memory_space<vmem>>, vector<1x16xf32>,
      %get3A_353 = arith.index_cast %add3A_340 : i32 to index
      %get3A_354 = arith.constant 16 : index
      %get3A_355 = tpu.vector_load %arg10[%get3A_353, %get3A_354] {strides = array<i32>} : memref<128x64xf32, #tpu.memory_space<vmem>>, vector<1x16xf32>,
      %get3A_356 = vector.shape_cast %get3A_355 : vector<1x16xf32> to vector<16xf32>
      %mul3A_357 = arith.constant 8.000000e+00 : f32
      %mul3A_358 = vector.broadcast %mul3A_357 : f32 to vector<16xf32>
      %mul3A_359 = arith.mulf %get3A_356, %mul3A_358 : vector<16xf32>
      %swap3A_360 = arith.index_cast %add3A_340 : i32 to index
      %swap3A_361 = arith.constant 16 : index
      %swap3A_362 = tpu.vector_load %arg15[%swap3A_360, %swap3A_361] {strides = array<i32>} : memref<128x64xf32, #tpu.memory_space<vmem>>, vector<1x16xf32>,
      %swap3A_363 = vector.shape_cast %swap3A_362 : vector<1x16xf32> to vector<16xf32>
      %swap3A_364 = vector.shape_cast %mul3A_359 : vector<16xf32> to vector<1x16xf32>
      tpu.vector_store %arg15[%swap3A_360, %swap3A_361], %swap3A_364 {strides = array<i32>} : memref<128x64xf32, #tpu.memory_space<vmem>>, vector<1x16xf32>,
      %get3A_365 = arith.index_cast %add3A_340 : i32 to index
      %get3A_366 = arith.constant 32 : index
      %get3A_367 = tpu.vector_load %arg10[%get3A_365, %get3A_366] {strides = array<i32>} : memref<128x64xf32, #tpu.memory_space<vmem>>, vector<1x16xf32>,
      %get3A_368 = vector.shape_cast %get3A_367 : vector<1x16xf32> to vector<16xf32>
      %mul3A_369 = arith.constant 8.000000e+00 : f32
      %mul3A_370 = vector.broadcast %mul3A_369 : f32 to vector<16xf32>
      %mul3A_371 = arith.mulf %get3A_368, %mul3A_370 : vector<16xf32>
      %swap3A_372 = arith.index_cast %add3A_340 : i32 to index
      %swap3A_373 = arith.constant 32 : index
      %swap3A_374 = tpu.vector_load %arg15[%swap3A_372, %swap3A_373] {strides = array<i32>} : memref<128x64xf32, #tpu.memory_space<vmem>>, vector<1x16xf32>,
      %swap3A_375 = vector.shape_cast %swap3A_374 : vector<1x16xf32> to vector<16xf32>
      %swap3A_376 = vector.shape_cast %mul3A_371 : vector<16xf32> to vector<1x16xf32>
      tpu.vector_store %arg15[%swap3A_372, %swap3A_373], %swap3A_376 {strides = array<i32>} : memref<128x64xf32, #tpu.memory_space<vmem>>, vector<1x16xf32>,
      %get3A_377 = arith.index_cast %add3A_340 : i32 to index
      %get3A_378 = arith.constant 48 : index
      %get3A_379 = tpu.vector_load %arg10[%get3A_377, %get3A_378] {strides = array<i32>} : memref<128x64xf32, #tpu.memory_space<vmem>>, vector<1x16xf32>,
      %get3A_380 = vector.shape_cast %get3A_379 : vector<1x16xf32> to vector<16xf32>
      %mul3A_381 = arith.constant 8.000000e+00 : f32
      %mul3A_382 = vector.broadcast %mul3A_381 : f32 to vector<16xf32>
      %mul3A_383 = arith.mulf %get3A_380, %mul3A_382 : vector<16xf32>
      %swap3A_384 = arith.index_cast %add3A_340 : i32 to index
      %swap3A_385 = arith.constant 48 : index
      %swap3A_386 = tpu.vector_load %arg15[%swap3A_384, %swap3A_385] {strides = array<i32>} : memref<128x64xf32, #tpu.memory_space<vmem>>, vector<1x16xf32>,
      %swap3A_387 = vector.shape_cast %swap3A_386 : vector<1x16xf32> to vector<16xf32>
      %swap3A_388 = vector.shape_cast %mul3A_383 : vector<16xf32> to vector<1x16xf32>
      tpu.vector_store %arg15[%swap3A_384, %swap3A_385], %swap3A_388 {strides = array<i32>} : memref<128x64xf32, #tpu.memory_space<vmem>>, vector<1x16xf32>,
      %mul3A_389 = arith.constant 4 : i32
      %mul3A_390 = arith.muli %scan3A_286, %mul3A_389 : i32
      %add3A_391 = arith.constant 2 : i32
      %add3A_392 = arith.addi %mul3A_390, %add3A_391 : i32
      %get3A_393 = arith.index_cast %add3A_392 : i32 to index
      %get3A_394 = arith.constant 0 : index
      %get3A_395 = tpu.vector_load %arg10[%get3A_393, %get3A_394] {strides = array<i32>} : memref<128x64xf32, #tpu.memory_space<vmem>>, vector<1x16xf32>,
      %get3A_396 = vector.shape_cast %get3A_395 : vector<1x16xf32> to vector<16xf32>
      %mul3A_397 = arith.constant 8.000000e+00 : f32
      %mul3A_398 = vector.broadcast %mul3A_397 : f32 to vector<16xf32>
      %mul3A_399 = arith.mulf %get3A_396, %mul3A_398 : vector<16xf32>
      %swap3A_400 = arith.index_cast %add3A_392 : i32 to index
      %swap3A_401 = arith.constant 0 : index
      %swap3A_402 = tpu.vector_load %arg15[%swap3A_400, %swap3A_401] {strides = array<i32>} : memref<128x64xf32, #tpu.memory_space<vmem>>, vector<1x16xf32>,
      %swap3A_403 = vector.shape_cast %swap3A_402 : vector<1x16xf32> to vector<16xf32>
      %swap3A_404 = vector.shape_cast %mul3A_399 : vector<16xf32> to vector<1x16xf32>
      tpu.vector_store %arg15[%swap3A_400, %swap3A_401], %swap3A_404 {strides = array<i32>} : memref<128x64xf32, #tpu.memory_space<vmem>>, vector<1x16xf32>,
      %get3A_405 = arith.index_cast %add3A_392 : i32 to index
      %get3A_406 = arith.constant 16 : index
      %get3A_407 = tpu.vector_load %arg10[%get3A_405, %get3A_406] {strides = array<i32>} : memref<128x64xf32, #tpu.memory_space<vmem>>, vector<1x16xf32>,
      %get3A_408 = vector.shape_cast %get3A_407 : vector<1x16xf32> to vector<16xf32>
      %mul3A_409 = arith.constant 8.000000e+00 : f32
      %mul3A_410 = vector.broadcast %mul3A_409 : f32 to vector<16xf32>
      %mul3A_411 = arith.mulf %get3A_408, %mul3A_410 : vector<16xf32>
      %swap3A_412 = arith.index_cast %add3A_392 : i32 to index
      %swap3A_413 = arith.constant 16 : index
      %swap3A_414 = tpu.vector_load %arg15[%swap3A_412, %swap3A_413] {strides = array<i32>} : memref<128x64xf32, #tpu.memory_space<vmem>>, vector<1x16xf32>,
      %swap3A_415 = vector.shape_cast %swap3A_414 : vector<1x16xf32> to vector<16xf32>
      %swap3A_416 = vector.shape_cast %mul3A_411 : vector<16xf32> to vector<1x16xf32>
      tpu.vector_store %arg15[%swap3A_412, %swap3A_413], %swap3A_416 {strides = array<i32>} : memref<128x64xf32, #tpu.memory_space<vmem>>, vector<1x16xf32>,
      %get3A_417 = arith.index_cast %add3A_392 : i32 to index
      %get3A_418 = arith.constant 32 : index
      %get3A_419 = tpu.vector_load %arg10[%get3A_417, %get3A_418] {strides = array<i32>} : memref<128x64xf32, #tpu.memory_space<vmem>>, vector<1x16xf32>,
      %get3A_420 = vector.shape_cast %get3A_419 : vector<1x16xf32> to vector<16xf32>
      %mul3A_421 = arith.constant 8.000000e+00 : f32
      %mul3A_422 = vector.broadcast %mul3A_421 : f32 to vector<16xf32>
      %mul3A_423 = arith.mulf %get3A_420, %mul3A_422 : vector<16xf32>
      %swap3A_424 = arith.index_cast %add3A_392 : i32 to index
      %swap3A_425 = arith.constant 32 : index
      %swap3A_426 = tpu.vector_load %arg15[%swap3A_424, %swap3A_425] {strides = array<i32>} : memref<128x64xf32, #tpu.memory_space<vmem>>, vector<1x16xf32>,
      %swap3A_427 = vector.shape_cast %swap3A_426 : vector<1x16xf32> to vector<16xf32>
      %swap3A_428 = vector.shape_cast %mul3A_423 : vector<16xf32> to vector<1x16xf32>
      tpu.vector_store %arg15[%swap3A_424, %swap3A_425], %swap3A_428 {strides = array<i32>} : memref<128x64xf32, #tpu.memory_space<vmem>>, vector<1x16xf32>,
      %get3A_429 = arith.index_cast %add3A_392 : i32 to index
      %get3A_430 = arith.constant 48 : index
      %get3A_431 = tpu.vector_load %arg10[%get3A_429, %get3A_430] {strides = array<i32>} : memref<128x64xf32, #tpu.memory_space<vmem>>, vector<1x16xf32>,
      %get3A_432 = vector.shape_cast %get3A_431 : vector<1x16xf32> to vector<16xf32>
      %mul3A_433 = arith.constant 8.000000e+00 : f32
      %mul3A_434 = vector.broadcast %mul3A_433 : f32 to vector<16xf32>
      %mul3A_435 = arith.mulf %get3A_432, %mul3A_434 : vector<16xf32>
      %swap3A_436 = arith.index_cast %add3A_392 : i32 to index
      %swap3A_437 = arith.constant 48 : index
      %swap3A_438 = tpu.vector_load %arg15[%swap3A_436, %swap3A_437] {strides = array<i32>} : memref<128x64xf32, #tpu.memory_space<vmem>>, vector<1x16xf32>,
      %swap3A_439 = vector.shape_cast %swap3A_438 : vector<1x16xf32> to vector<16xf32>
      %swap3A_440 = vector.shape_cast %mul3A_435 : vector<16xf32> to vector<1x16xf32>
      tpu.vector_store %arg15[%swap3A_436, %swap3A_437], %swap3A_440 {strides = array<i32>} : memref<128x64xf32, #tpu.memory_space<vmem>>, vector<1x16xf32>,
      %mul3A_441 = arith.constant 4 : i32
      %mul3A_442 = arith.muli %scan3A_286, %mul3A_441 : i32
      %add3A_443 = arith.constant 3 : i32
      %add3A_444 = arith.addi %mul3A_442, %add3A_443 : i32
      %get3A_445 = arith.index_cast %add3A_444 : i32 to index
      %get3A_446 = arith.constant 0 : index
      %get3A_447 = tpu.vector_load %arg10[%get3A_445, %get3A_446] {strides = array<i32>} : memref<128x64xf32, #tpu.memory_space<vmem>>, vector<1x16xf32>,
      %get3A_448 = vector.shape_cast %get3A_447 : vector<1x16xf32> to vector<16xf32>
      %mul3A_449 = arith.constant 8.000000e+00 : f32
      %mul3A_450 = vector.broadcast %mul3A_449 : f32 to vector<16xf32>
      %mul3A_451 = arith.mulf %get3A_448, %mul3A_450 : vector<16xf32>
      %swap3A_452 = arith.index_cast %add3A_444 : i32 to index
      %swap3A_453 = arith.constant 0 : index
      %swap3A_454 = tpu.vector_load %arg15[%swap3A_452, %swap3A_453] {strides = array<i32>} : memref<128x64xf32, #tpu.memory_space<vmem>>, vector<1x16xf32>,
      %swap3A_455 = vector.shape_cast %swap3A_454 : vector<1x16xf32> to vector<16xf32>
      %swap3A_456 = vector.shape_cast %mul3A_451 : vector<16xf32> to vector<1x16xf32>
      tpu.vector_store %arg15[%swap3A_452, %swap3A_453], %swap3A_456 {strides = array<i32>} : memref<128x64xf32, #tpu.memory_space<vmem>>, vector<1x16xf32>,
      %get3A_457 = arith.index_cast %add3A_444 : i32 to index
      %get3A_458 = arith.constant 16 : index
      %get3A_459 = tpu.vector_load %arg10[%get3A_457, %get3A_458] {strides = array<i32>} : memref<128x64xf32, #tpu.memory_space<vmem>>, vector<1x16xf32>,
      %get3A_460 = vector.shape_cast %get3A_459 : vector<1x16xf32> to vector<16xf32>
      %mul3A_461 = arith.constant 8.000000e+00 : f32
      %mul3A_462 = vector.broadcast %mul3A_461 : f32 to vector<16xf32>
      %mul3A_463 = arith.mulf %get3A_460, %mul3A_462 : vector<16xf32>
      %swap3A_464 = arith.index_cast %add3A_444 : i32 to index
      %swap3A_465 = arith.constant 16 : index
      %swap3A_466 = tpu.vector_load %arg15[%swap3A_464, %swap3A_465] {strides = array<i32>} : memref<128x64xf32, #tpu.memory_space<vmem>>, vector<1x16xf32>,
      %swap3A_467 = vector.shape_cast %swap3A_466 : vector<1x16xf32> to vector<16xf32>
      %swap3A_468 = vector.shape_cast %mul3A_463 : vector<16xf32> to vector<1x16xf32>
      tpu.vector_store %arg15[%swap3A_464, %swap3A_465], %swap3A_468 {strides = array<i32>} : memref<128x64xf32, #tpu.memory_space<vmem>>, vector<1x16xf32>,
      %get3A_469 = arith.index_cast %add3A_444 : i32 to index
      %get3A_470 = arith.constant 32 : index
      %get3A_471 = tpu.vector_load %arg10[%get3A_469, %get3A_470] {strides = array<i32>} : memref<128x64xf32, #tpu.memory_space<vmem>>, vector<1x16xf32>,
      %get3A_472 = vector.shape_cast %get3A_471 : vector<1x16xf32> to vector<16xf32>
      %mul3A_473 = arith.constant 8.000000e+00 : f32
      %mul3A_474 = vector.broadcast %mul3A_473 : f32 to vector<16xf32>
      %mul3A_475 = arith.mulf %get3A_472, %mul3A_474 : vector<16xf32>
      %swap3A_476 = arith.index_cast %add3A_444 : i32 to index
      %swap3A_477 = arith.constant 32 : index
      %swap3A_478 = tpu.vector_load %arg15[%swap3A_476, %swap3A_477] {strides = array<i32>} : memref<128x64xf32, #tpu.memory_space<vmem>>, vector<1x16xf32>,
      %swap3A_479 = vector.shape_cast %swap3A_478 : vector<1x16xf32> to vector<16xf32>
      %swap3A_480 = vector.shape_cast %mul3A_475 : vector<16xf32> to vector<1x16xf32>
      tpu.vector_store %arg15[%swap3A_476, %swap3A_477], %swap3A_480 {strides = array<i32>} : memref<128x64xf32, #tpu.memory_space<vmem>>, vector<1x16xf32>,
      %get3A_481 = arith.index_cast %add3A_444 : i32 to index
      %get3A_482 = arith.constant 48 : index
      %get3A_483 = tpu.vector_load %arg10[%get3A_481, %get3A_482] {strides = array<i32>} : memref<128x64xf32, #tpu.memory_space<vmem>>, vector<1x16xf32>,
      %get3A_484 = vector.shape_cast %get3A_483 : vector<1x16xf32> to vector<16xf32>
      %mul3A_485 = arith.constant 8.000000e+00 : f32
      %mul3A_486 = vector.broadcast %mul3A_485 : f32 to vector<16xf32>
      %mul3A_487 = arith.mulf %get3A_484, %mul3A_486 : vector<16xf32>
      %swap3A_488 = arith.index_cast %add3A_444 : i32 to index
      %swap3A_489 = arith.constant 48 : index
      %swap3A_490 = tpu.vector_load %arg15[%swap3A_488, %swap3A_489] {strides = array<i32>} : memref<128x64xf32, #tpu.memory_space<vmem>>, vector<1x16xf32>,
      %swap3A_491 = vector.shape_cast %swap3A_490 : vector<1x16xf32> to vector<16xf32>
      %swap3A_492 = vector.shape_cast %mul3A_487 : vector<16xf32> to vector<1x16xf32>
      tpu.vector_store %arg15[%swap3A_488, %swap3A_489], %swap3A_492 {strides = array<i32>} : memref<128x64xf32, #tpu.memory_space<vmem>>, vector<1x16xf32>,
    }
    %scan3A_249 = arith.constant 32 : i32
    %add3A_250 = arith.constant 25472 : i32
    %add3A_251 = arith.addi %mul3A_2, %add3A_250 : i32
    %dma_start3A_252 = arith.constant 0 : i32
    %dma_start3A_253 = tpu.memref_slice %arg4[%add3A_251, %dma_start3A_252] : memref<819200x64xf32, #tpu.memory_space<hbm>> -> memref<128x64xf32, #tpu.memory_space<hbm>>
    %dma_start3A_254 = arith.constant 0 : i32
    %dma_start3A_255 = tpu.memref_slice %arg4[%add3A_251, %dma_start3A_254] : memref<819200x64xf32, #tpu.memory_space<hbm>> -> memref<128x64xf32, #tpu.memory_space<hbm>>
    tpu.enqueue_dma source(%arg15 : memref<128x64xf32, #tpu.memory_space<vmem>>) target(%dma_start3A_255 : memref<128x64xf32, #tpu.memory_space<hbm>>) target_semaphore(%arg25 : memref<!tpu.dma_semaphore, #tpu.memory_space<semaphore_mem>>)
    %add3A_256 = arith.constant 24960 : i32
    %add3A_257 = arith.addi %mul3A_2, %add3A_256 : i32
    %dma_wait3A_258 = arith.constant 0 : i32
    %dma_wait3A_259 = tpu.memref_slice %arg4[%add3A_257, %dma_wait3A_258] : memref<819200x64xf32, #tpu.memory_space<hbm>> -> memref<128x64xf32, #tpu.memory_space<hbm>>
    %dma_wait3A_260 = arith.constant 0 : i32
    %dma_wait3A_261 = tpu.memref_slice %arg4[%add3A_257, %dma_wait3A_260] : memref<819200x64xf32, #tpu.memory_space<hbm>> -> memref<128x64xf32, #tpu.memory_space<hbm>>
    tpu.wait_dma2 semaphore(%arg21 : memref<!tpu.dma_semaphore, #tpu.memory_space<semaphore_mem>>) src(%arg11 : memref<128x64xf32, #tpu.memory_space<vmem>>) dst(%dma_wait3A_261 : memref<128x64xf32, #tpu.memory_space<hbm>>)
    %add3A_262 = arith.constant 25088 : i32
    %add3A_263 = arith.addi %mul3A_2, %add3A_262 : i32
    %dma_wait3A_264 = arith.constant 0 : i32
    %dma_wait3A_265 = tpu.memref_slice %arg4[%add3A_263, %dma_wait3A_264] : memref<819200x64xf32, #tpu.memory_space<hbm>> -> memref<128x64xf32, #tpu.memory_space<hbm>>
    %dma_wait3A_266 = arith.constant 0 : i32
    %dma_wait3A_267 = tpu.memref_slice %arg4[%add3A_263, %dma_wait3A_266] : memref<819200x64xf32, #tpu.memory_space<hbm>> -> memref<128x64xf32, #tpu.memory_space<hbm>>
    tpu.wait_dma2 semaphore(%arg22 : memref<!tpu.dma_semaphore, #tpu.memory_space<semaphore_mem>>) src(%arg12 : memref<128x64xf32, #tpu.memory_space<vmem>>) dst(%dma_wait3A_267 : memref<128x64xf32, #tpu.memory_space<hbm>>)
    %add3A_268 = arith.constant 25216 : i32
    %add3A_269 = arith.addi %mul3A_2, %add3A_268 : i32
    %dma_wait3A_270 = arith.constant 0 : i32
    %dma_wait3A_271 = tpu.memref_slice %arg4[%add3A_269, %dma_wait3A_270] : memref<819200x64xf32, #tpu.memory_space<hbm>> -> memref<128x64xf32, #tpu.memory_space<hbm>>
    %dma_wait3A_272 = arith.constant 0 : i32
    %dma_wait3A_273 = tpu.memref_slice %arg4[%add3A_269, %dma_wait3A_272] : memref<819200x64xf32, #tpu.memory_space<hbm>> -> memref<128x64xf32, #tpu.memory_space<hbm>>
    tpu.wait_dma2 semaphore(%arg23 : memref<!tpu.dma_semaphore, #tpu.memory_space<semaphore_mem>>) src(%arg13 : memref<128x64xf32, #tpu.memory_space<vmem>>) dst(%dma_wait3A_273 : memref<128x64xf32, #tpu.memory_space<hbm>>)
    %add3A_274 = arith.constant 25344 : i32
    %add3A_275 = arith.addi %mul3A_2, %add3A_274 : i32
    %dma_wait3A_276 = arith.constant 0 : i32
    %dma_wait3A_277 = tpu.memref_slice %arg4[%add3A_275, %dma_wait3A_276] : memref<819200x64xf32, #tpu.memory_space<hbm>> -> memref<128x64xf32, #tpu.memory_space<hbm>>
    %dma_wait3A_278 = arith.constant 0 : i32
    %dma_wait3A_279 = tpu.memref_slice %arg4[%add3A_275, %dma_wait3A_278] : memref<819200x64xf32, #tpu.memory_space<hbm>> -> memref<128x64xf32, #tpu.memory_space<hbm>>
    tpu.wait_dma2 semaphore(%arg24 : memref<!tpu.dma_semaphore, #tpu.memory_space<semaphore_mem>>) src(%arg14 : memref<128x64xf32, #tpu.memory_space<vmem>>) dst(%dma_wait3A_279 : memref<128x64xf32, #tpu.memory_space<hbm>>)
    %add3A_280 = arith.constant 25472 : i32
    %add3A_281 = arith.addi %mul3A_2, %add3A_280 : i32
    %dma_wait3A_282 = arith.constant 0 : i32
    %dma_wait3A_283 = tpu.memref_slice %arg4[%add3A_281, %dma_wait3A_282] : memref<819200x64xf32, #tpu.memory_space<hbm>> -> memref<128x64xf32, #tpu.memory_space<hbm>>
    %dma_wait3A_284 = arith.constant 0 : i32
    %dma_wait3A_285 = tpu.memref_slice %arg4[%add3A_281, %dma_wait3A_284] : memref<819200x64xf32, #tpu.memory_space<hbm>> -> memref<128x64xf32, #tpu.memory_space<hbm>>
    tpu.wait_dma2 semaphore(%arg25 : memref<!tpu.dma_semaphore, #tpu.memory_space<semaphore_mem>>) src(%arg15 : memref<128x64xf32, #tpu.memory_space<vmem>>) dst(%dma_wait3A_285 : memref<128x64xf32, #tpu.memory_space<hbm>>)
    return
  }
}

</mosaic_0001>

<sc_bundles>
// kernel: kernel.3.cloned.1.call-start
scs
__scs_entry_jumppad:
0x0: {  	(pc) =	sbr.rel $0x88, $3  }
0x1: {  	(tag) =	ssettag $0x0;
	lr =	simm.s32 $0x1  }
0x2: {  	[smem:$0x3F9F] =	sst lr;
	_ =	strace $0xD0000000  }
0x3: {  	_ = 	snop  }
0x4: {  	_ = 	snop  }
0x5: {  	_ = 	snop  }
0x6: {  	_ = 	snop  }
0x7: {  	_ = 	snop  }
__scs_overlays_trampoline_lowered:
0x8: {  	[smem:$0x3FAE] =	sst s0  }
0x9: {  	[smem:$0x3FAF] =	sst s1  }
0xa: {  	[smem:$0x3FB0] =	sst s2  }
0xb: {  	[smem:$0x3FB1] =	sst s3  }
0xc: {  	[smem:$0x3FB2] =	sst s4  }
0xd: {  	[smem:$0x3FB3] =	sst s5  }
0xe: {  	[smem:$0x3FB4] =	sst s6  }
0xf: {  	[smem:$0x3FB5] =	sst s7  }
0x10: {  	[smem:$0x3FB6] =	sst s8  }
0x11: {  	[smem:$0x3FB7] =	sst s9;
	s0 =	simm.s32 @!p0 $0x0  }
0x12: {  	s1 =	sld [smem:$0x3F9D];
	s0 =	simm.s32 @p0 $0x1  }
0x13: {  	[smem:$0x3FB8] =	sst s0;
	s0 =	simm.s32 @!p1 $0x0  }
0x14: {  	s2 =	sld [smem:$0x3F9C];
	s0 =	simm.s32 @p1 $0x1  }
0x15: {  	[smem:$0x3FB9] =	sst s0;
	s0 =	simm.s32 @!p2 $0x0  }
0x16: {  	s3 =	sld [smem:$0x3FDB];
	s0 =	simm.s32 @p2 $0x1  }
0x17: {  	s4 =	simm.s32 $0x1BF5;
	[smem:$0x3FBB] =	sst s0  }
0x18: {  	s0 =	sld [smem:$0x3F9E];
	_ =	swait.ge [sflag:s4], $0x0  }
0x19: {  	s7 =	sld [smem:$0x3F9F]  }
0x1a: {  	s8 =	sadd.s32 $0xFFFFE003, lr  }
0x1b: {  	s9 =	sadd.s32 $0xFFFFFEF7, lr;
	s5 =	simm.s32 $0xFFFFFFFF;
	p2 =	slt.u32 s8, $0xFFFFF086  }
0x1c: {  	p1 =	slt.u32 s9, $0xF7A;
	s5 =	simm.s32 @!p2 $0x0  }
0x1d: {  	s5 =	simm.s32 @p1 $0x1;
	p0 =	seq.s32 s7, s2  }
0x1e: {  	s7 =	smul.u32 @!p0 $0xF7A, s2;
	p2 =	seq.s32 @!p0 s5, $0x0  }
0x1f: {  	s9 =	smul.u32 $0xF7A, s1;
	s8 =	simm.s32 @!p0 $0x1BF5;
	p2 =	por !p2, p0  }
0x20: {  	[sflag:s8] =	ssyncset.s32 @!p0 $0xFFFFF086;
	s6 =	sadd.s32 @!p0 s3, s7;
	s7 =	simm.s32 @!p0 $0x108  }
0x21: {  	s3 =	sadd.s32 s3, s9;
	s6 =	sadd.s32 @!p0 $0x88, s6;
	s7 =	simm.s32 @p2 $0x1082  }
0x22: {  	[simem:s7], [sflag:s8] =	dma.local @!p0 [hbm:s6], $0xF7A  }
0x23: {  	s9 =	sor.u32 $0xD0000000, s2;
	s6 =	simm.s32 $0x108;
	_ =	swait.ge @!p0 [sflag:s8], $0x0  }
0x24: {  	s3 =	sadd.s32 $0x88, s3;
	s6 =	simm.s32 @!p1 $0x1082;
	[sflag:s4] =	ssyncset.s32 $0xFFFFF086  }
0x25: {  	[simem:s6], [sflag:s4] =	dma.local [hbm:s3], $0xF7A  }
0x26: {  	[smem:$0x3F9F] =	sst s1;
	(tag) =	ssettag s2;
	_ =	strace s9  }
0x27: {  	s1 =	sld [smem:$0x3FAF]  }
0x28: {  	s2 =	sld [smem:$0x3FB0]  }
0x29: {  	s4 =	sld [smem:$0x3FB2]  }
0x2a: {  	p0 =	seq.s32 s5, $0x0;
	s5 =	sld [smem:$0x3FB3]  }
0x2b: {  	s6 =	sld [smem:$0x3FB4]  }
0x2c: {  	s7 =	sld [smem:$0x3FB5]  }
0x2d: {  	s3 =	simm.s32 $0x108;
	s8 =	sld [smem:$0x3FB6]  }
0x2e: {  	s3 =	simm.s32 @!p0 $0x1082;
	s9 =	sld [smem:$0x3FB7]  }
0x2f: {  	lr =	sadd.s32 s0, s3;
	s0 =	sld [smem:$0x3FAE]  }
0x30: {  	s3 =	sld [smem:$0x3FB1]  }
0x31: {  	[smem:$0x3FBA] =	sst s10  }
0x32: {  	s10 =	sld [smem:$0x3FB8];
	_ =	sdelay $0x3  }
0x33: {  	p0 =	seq.s32 s10, $0x1;
	s10 =	sld [smem:$0x3FBA];
	_ =	sdelay $0x3  }
0x34: {  	[smem:$0x3FBA] =	sst s10  }
0x35: {  	s10 =	sld [smem:$0x3FB9];
	_ =	sdelay $0x3  }
0x36: {  	p1 =	seq.s32 s10, $0x1;
	s10 =	sld [smem:$0x3FBA];
	_ =	sdelay $0x3  }
0x37: {  	[smem:$0x3FBA] =	sst s10  }
0x38: {  	s10 =	sld [smem:$0x3FBB]  }
0x39: {  	_ = 	snop;
	(pc) =	sbr.ind lr, $3  }
0x3a: {  	_ = 	snop  }
0x3b: {  	_ = 	snop  }
0x3c: {  	p2 =	seq.s32 s10, $0x1;
	s10 =	sld [smem:$0x3FBA]  }
0x3d: {  	_ =	shalt  }
0x3e: {  	_ =	shalt  }
0x3f: {  	_ =	shalt  }
0x40: {  	_ =	shalt  }
0x41: {  	_ =	shalt  }
0x42: {  	_ =	shalt  }
0x43: {  	_ =	shalt  }
0x44: {  	_ =	shalt  }
0x45: {  	_ =	shalt  }
0x46: {  	_ =	shalt  }
0x47: {  	_ =	shalt  }
0x48: {  	_ =	shalt  }
0x49: {  	_ =	shalt  }
0x4a: {  	_ =	shalt  }
0x4b: {  	_ =	shalt  }
0x4c: {  	_ =	shalt  }
0x4d: {  	_ =	shalt  }
0x4e: {  	_ =	shalt  }
0x4f: {  	_ =	shalt  }
0x50: {  	_ =	shalt  }
0x51: {  	_ =	shalt  }
0x52: {  	_ =	shalt  }
0x53: {  	_ =	shalt  }
0x54: {  	_ =	shalt  }
0x55: {  	_ =	shalt  }
0x56: {  	_ =	shalt  }
0x57: {  	_ =	shalt  }
0x58: {  	_ =	shalt  }
0x59: {  	_ =	shalt  }
0x5a: {  	_ =	shalt  }
0x5b: {  	_ =	shalt  }
0x5c: {  	_ =	shalt  }
0x5d: {  	_ =	shalt  }
0x5e: {  	_ =	shalt  }
0x5f: {  	_ =	shalt  }
0x60: {  	_ =	shalt  }
0x61: {  	_ =	shalt  }
0x62: {  	_ =	shalt  }
0x63: {  	_ =	shalt  }
0x64: {  	_ =	shalt  }
0x65: {  	_ =	shalt  }
0x66: {  	_ =	shalt  }
0x67: {  	_ =	shalt  }
0x68: {  	_ =	shalt  }
0x69: {  	_ =	shalt  }
0x6a: {  	_ =	shalt  }
0x6b: {  	_ =	shalt  }
0x6c: {  	_ =	shalt  }
0x6d: {  	_ =	shalt  }
0x6e: {  	_ =	shalt  }
0x6f: {  	_ =	shalt  }
0x70: {  	_ =	shalt  }
0x71: {  	_ =	shalt  }
0x72: {  	_ =	shalt  }
0x73: {  	_ =	shalt  }
0x74: {  	_ =	shalt  }
0x75: {  	_ =	shalt  }
0x76: {  	_ =	shalt  }
0x77: {  	_ =	shalt  }
0x78: {  	_ =	shalt  }
0x79: {  	_ =	shalt  }
0x7a: {  	_ =	shalt  }
0x7b: {  	_ =	shalt  }
0x7c: {  	_ =	shalt  }
0x7d: {  	_ =	shalt  }
0x7e: {  	_ =	shalt  }
0x7f: {  	_ =	shalt  }
0x80: {  	_ =	shalt  }
0x81: {  	_ =	shalt  }
0x82: {  	_ =	shalt  }
0x83: {  	_ =	shalt  }
0x84: {  	_ =	shalt  }
0x85: {  	_ =	shalt  }
0x86: {  	_ =	shalt  }
0x87: {  	_ =	shalt  }
.Lfunc_end0:
.L_simem_size_0:
called_computation.1_lowered:
.L_overlay_start_0:
0x88: {  	s2 =	sld [smem:$0x3FD9]  }
0x89: {  	s3 =	sld [smem:$0x3FFE];
	_ =	sdelay $0x1  }
0x8a: {  	s1 =	srdreg.scid  }
0x8b: {  	s0 =	sand.u32 $0x1, s1  }
0x8c: {  	s17 =	sshll.u32 s0, $0xA;
	s2 =	sadd.s32 s3, s2  }
0x8d: {  	s2 =	sadd.s32 s2, s17  }
0x8e: {  	[smem:$0x3FC6] =	sst s2  }
0x8f: {  	_ = 	snop  }
0x90: {  	s2 =	sld [smem:$0x3FD0];
	(tm) =	ssettm $0x1  }
0x91: {  	s18 =	sld [smem:$0x3FFB];
	_ =	sdelay $0x3  }
0x92: {  	_ =	strace s18  }
0x93: {  	s3 =	sld [smem:$0x3FFC];
	_ =	sdelay $0x3  }
0x94: {  	_ =	strace s3  }
0x95: {  	s3 =	sld [smem:$0x3FFD];
	_ =	sdelay $0x3  }
0x96: {  	_ =	strace s3  }
0x97: {  	_ =	strace $0x8FFFFFFF  }
0x98: {  	s19 =	sld [smem:$0x3FDB];
	_ =	sdelay $0x1  }
0x99: {  	s4 =	simm.s32 $_scs_section_size  }
0x9a: {  	s5 =	simm.s32 $_size__tile_overlayer_lowered;
	s6 =	simm.s32 $_tile_overlayer_lowered  }
0x9b: {  	s22 =	simm.s32 $0x1BFF;
	s21 =	sshll.u32 s6, $0x1;
	s3 =	sadd.s32 s4, s19  }
0x9c: {  	s7 =	simm.s32 $0x0;
	s20 =	sshll.u32 s5, $0x1;
	s5 =	sadd.s32 s21, s3  }
0x9d: {  	[timem:s7], [sflag:s22] =	dma.local [hbm:s5], s20  }
0x9e: {  	_ =	swait.ge [sflag:s22], s20  }
0x9f: {  	s4 =	ssub.s32 $0x0, s20;
	[sflag:s22] =	ssyncset.done $0x0  }
0xa0: {  	[sflag:s22] =	ssyncadd.s32 s4;
	_ =	sdelay $0x1  }
0xa1: {  	s23 =	simm.s32 $0x1B8B  }
0xa2: {  	_ =	swait.ge [sflag:s23], $0x1  }
0xa3: {  	[sflag:s23] =	ssyncset.done $0x0  }
0xa4: {  	s25 =	simm.s32 $0x1B8E;
	s24 =	sld [smem:$0x3FFE];
	[sflag:s23] =	ssyncadd.s32 $0xFFFFFFFF  }
0xa5: {  	s26 =	simm.s32 $execute0_lowered;
	[smem:$0x3FD2] =	sst s25  }
0xa6: {  	s5 =	sshll.u32 s26, $0x1;
	_ =	strace $0x80000046;
	[dreg:$0x1] =	wrdreg $0xFFFFFFFF  }
0xa7: {  	s28 =	simm.s32 $_size_execute0_lowered;
	s3 =	sadd.s32 s3, s5;
	[dreg:$0x0] =	wrdreg $0x0  }
0xa8: {  	s5 =	sshll.u32 s28, $0x1;
	[dreg:$0x2] =	wrdreg s3  }
0xa9: {  	[dreg:$0x3] =	wrdreg s5  }
0xaa: {  	[dreg:$0x4] =	wrdreg $0xC0  }
0xab: {  	_ =	task [dreg:s7], $0x5FFFF  }
0xac: {  	[dreg:$0x1] =	wrdreg $0xFFFFFFFF  }
0xad: {  	[dreg:$0x0] =	wrdreg $0x60  }
0xae: {  	[dreg:$0x2] =	wrdreg s24  }
0xaf: {  	[dreg:$0x3] =	wrdreg s2  }
0xb0: {  	[dreg:$0x4] =	wrdreg $0x9  }
0xb1: {  	_ =	task.clear_ibuf [dreg:s7], $0x5FFFF;
	_ =	strace $0x90000046  }
0xb2: {  	s29 =	simm.s32 $0x9;
	_ =	strace $0x80000048  }
0xb3: {  	_ =	swait.ge [sflag:s29], $0x1  }
0xb4: {  	[sflag:s29] =	ssyncadd.s32 $0xFFFFFFFF  }
0xb5: {  	_ =	strace $0x90000048  }
0xb6: {  	_ =	sfence  }
0xb7: {  	s30 =	sld [smem:$0x0];
	_ =	sdelay $0x2  }
0xb8: {  	s31 =	sshll.u32 s1, $0xD;
	s1 =	sshrl.u32 s1, $0x2  }
0xb9: {  	s3 =	sand.u32 $0x4000, s31;
	s1 =	sadd.s32 s1, s30  }
0xba: {  	s0 =	sor.u32 s3, s0;
	s1 =	sshll.u32 s1, $0x11  }
0xbb: {  	s0 =	sor.u32 s1, s0  }
0xbc: {  	s0 =	sadd.s32 $0x8F2B, s0  }
0xbd: {  	[sflag:s0] =	ssyncadd.remote.s32 $0x1  }
0xbe: {  	_ =	sfence.sel $0xFFFF  }
0xbf: {  	[dreg:$0x0] =	wrdreg $0xFFFFFFFF;
	(pc) =	sbr.abs _section_cstart, $3  }
0xc0: {  	[dreg:$0x1] =	wrdreg $0xFFFFFFFF  }
0xc1: {  	_ =	task.clear_ibuf [dreg:s7], $0x2FFFF;
	_ =	strace $0x9FFFFFFF  }
0xc2: {  	(tm) =	ssettm $0x7FFFFFFF  }
0xc3: {  	_ =	shalt  }
tec
execute0_lowered:
.L_overlay_start_1:
0x0: {  	(tag) =	ssettag $0x1  }
0x1: {  	s0 =	srdreg.scid  }
0x2: {  	s2 =	stileid.u32;
	s1 =	rddreg [dreg:$0x0]  }
0x3: {  	s30 =	simm.s32 $0x1;
	s31 =	simm.s32 $0x12400;
	s28 =	simm.s32 $0x3  }
0x4: {  	s9 =	simm.s32 $0x16400;
	s10 =	simm.s32 $0x5;
	s11 =	simm.s32 $0x18400  }
0x5: {  	s15 =	simm.s32 $0x6;
	s0 =	sand.u32 $0x1, s0;
	s3 =	sshll.u32 s2, $0x1  }
0x6: {  	s16 =	simm.s32 $0x7;
	s2 =	rddreg [dreg:$0x1];
	s6 =	sor.u32 s0, s3  }
0x7: {  	s3 =	simm.s32 $0x0;
	s0 =	ssub.s32 $0x2, s0;
	s4 =	smul.u32 $0x6400, s6  }
0x8: {  	[smem:$0x7FF] =	sst s3;
	s7 =	smul.u32 $0x32000, s6;
	s17 =	sshrl.u32 s0, $0x1  }
0x9: {  	s6 =	smul.u32 $0x190000, s6;
	_ =	strace $0x80000047;
	s0 =	ssub.s32 s0, s17  }
0xa: {  	s17 =	simm.s32 $0x8;
	s5 =	sshrl.u32 s4, $0x3;
	s7 =	sadd.s32 s2, s7  }
0xb: {  	s22 =	sshrl.u32 s6, $0x3;
	s0 =	smax.u32 s0, $0x1;
	[dreg:$0x3] =	wrdreg s7  }
0xc: {  	s12 =	sor.u32 $0x80, s4;
	s19 =	sadd.s32 $0x400, s7;
	[dreg:$0xe] =	wrdreg s0  }
0xd: {  	s13 =	sor.u32 $0x100, s4;
	s20 =	sadd.s32 $0x800, s7;
	[dreg:$0x5] =	wrdreg s19  }
0xe: {  	s8 =	sadd.s32 s5, s1;
	s21 =	sadd.s32 $0xC00, s7;
	[dreg:$0x6] =	wrdreg s20  }
0xf: {  	s5 =	sadd.s32 $0xF42E00, s1;
	s23 =	sadd.s32 $0x1000, s7;
	[dreg:$0x7] =	wrdreg s21  }
0x10: {  	s1 =	sadd.s32 s2, s22;
	s18 =	sadd.s32 $0xA00, s8;
	[dreg:$0x8] =	wrdreg s23  }
0x11: {  	s14 =	sor.u32 $0x180, s4;
	s24 =	sadd.s32 $0x30C00, s1;
	[dreg:$0x4] =	wrdreg s18  }
0x12: {  	s22 =	simm.s32 $0x80;
	s25 =	sadd.s32 $0x31000, s1;
	[dreg:$0x9] =	wrdreg s24  }
0x13: {  	s0 =	simm.s32 $0x10400;
	s26 =	sadd.s32 $0x31400, s1;
	[dreg:$0xa] =	wrdreg s25  }
0x14: {  	s7 =	simm.s32 $0x14400;
	s29 =	sadd.s32 $0x31800, s1;
	[dreg:$0xb] =	wrdreg s26  }
0x15: {  	s1 =	sadd.s32 $0x31C00, s1;
	s8 =	simm.s32 $0x4;
	[dreg:$0xc] =	wrdreg s29  }
0x16: {  	s19 =	simm.s32 $0xA;
	s20 =	simm.s32 $0x0;
	[dreg:$0xd] =	wrdreg s1  }
0x17: {  	s1 =	simm.s32 $0xE400;
	s25 =	simm.s32 $0x2;
	s18 =	simm.s32 $0x9  }
.LBB2_1:
0x18: {  	[dreg:$0xf] =	wrdreg s20  }
0x19: {  	s6 =	rddreg [dreg:$0x4];
	s26 =	simm.s32 $0xB  }
0x1a: {  	[tilespmem:s3], [sflag:$0xB] =	stream.linear.gather [hbm4b:s6+s3], $0x6400, $0x38;
	[tilespmem:$0x1A400] =	vst v63  }
0x1b: {  	_ =	swait.ge [sflag:s26], $0x6400  }
0x1c: {  	[sflag:s26] =	ssyncset.done $0x0  }
0x1d: {  	s29 =	simm.s32 $0x6400;
	[sflag:s26] =	ssyncadd.s32 $0xFFFF9C00  }
0x1e: {  	[tilespmem:s29], [sflag:$0x1] =	stream.indirect.gather [hbm4b:s5+s22], $0x40, s3, s22, $0xb8;
	[tilespmem:$0x1A400] =	vst v63  }
0x1f: {  	s20 =	simm.s32 $0x8400  }
0x20: {  	[tilespmem:s20], [sflag:$0x2] =	stream.indirect.gather [hbm4b:s5+s22], $0x40, s22, s22, $0xb8;
	[tilespmem:$0x1A400] =	vst v63  }
0x21: {  	s21 =	simm.s32 $0x100;
	s23 =	simm.s32 $0xA400  }
0x22: {  	[tilespmem:s23], [sflag:$0x3] =	stream.indirect.gather [hbm4b:s5+s22], $0x40, s21, s22, $0xb8;
	[tilespmem:$0x1A400] =	vst v63  }
0x23: {  	s24 =	simm.s32 $0x180;
	s26 =	simm.s32 $0xC400  }
0x24: {  	[tilespmem:s26], [sflag:$0x4] =	stream.indirect.gather [hbm4b:s5+s22], $0x40, s24, s22, $0xb8;
	[tilespmem:$0x1A400] =	vst v63  }
0x25: {  	_ =	swait.ge [sflag:s30], $0x2000  }
0x26: {  	[sflag:s30] =	ssyncset.done $0x0  }
0x27: {  	s6 =	simm.s32 $0x0;
	s29 =	simm.s32 $0x200;
	[sflag:s30] =	ssyncadd.s32 $0xFFFFE000  }
0x28: {  	[tilespmem:s1], [sflag:$0x5] =	stream.indirect.gather [hbm4b:s5+s22], $0x40, s29, s22, $0xb8;
	[tilespmem:$0x1A400] =	vst v63  }
0x29: {  	v0 =	vld [tilespmem:s6+$0x64F0]  }
0x2a: {  	v1 =	vld [tilespmem:s6+$0x6400]  }
0x2b: {  	v2 =	vld [tilespmem:s6+$0x6410]  }
0x2c: {  	v3 =	vld [tilespmem:s6+$0x6420]  }
0x2d: {  	v6 =	vld [tilespmem:s6+$0x6450]  }
0x2e: {  	v4 =	vld [tilespmem:s6+$0x6430];
	v0 =	vmul.f32 $8.000000000e+00, v0  }
0x2f: {  	v5 =	vld [tilespmem:s6+$0x6440];
	v1 =	vmul.f32 $8.000000000e+00, v1  }
0x30: {  	v7 =	vld [tilespmem:s6+$0x6460];
	[tilespmem:s6+$0x104F0] =	vst v0;
	v0 =	vmul.f32 $8.000000000e+00, v2  }
0x31: {  	v8 =	vld [tilespmem:s6+$0x6470];
	[tilespmem:s6+$0x10400] =	vst v1;
	v1 =	vmul.f32 $8.000000000e+00, v3  }
0x32: {  	v2 =	vmul.f32 $8.000000000e+00, v6;
	[tilespmem:s6+$0x10410] =	vst v0  }
0x33: {  	v9 =	vld [tilespmem:s6+$0x6480];
	v0 =	vmul.f32 $8.000000000e+00, v4;
	[tilespmem:s6+$0x10420] =	vst v1  }
0x34: {  	v4 =	vld [tilespmem:s6+$0x6490];
	v1 =	vmul.f32 $8.000000000e+00, v5;
	[tilespmem:s6+$0x10450] =	vst v2  }
0x35: {  	v3 =	vmul.f32 $8.000000000e+00, v7;
	[tilespmem:s6+$0x10430] =	vst v0;
	v0 =	vld [tilespmem:s6+$0x64A0]  }
0x36: {  	v5 =	vmul.f32 $8.000000000e+00, v8;
	[tilespmem:s6+$0x10440] =	vst v1;
	v1 =	vld [tilespmem:s6+$0x64B0]  }
0x37: {  	v2 =	vld [tilespmem:s6+$0x64C0];
	[tilespmem:s6+$0x10460] =	vst v3  }
0x38: {  	v3 =	vld [tilespmem:s6+$0x64D0];
	[tilespmem:s6+$0x10470] =	vst v5;
	v5 =	vmul.f32 $8.000000000e+00, v9  }
0x39: {  	s20 =	simm.s32 $0x100;
	s21 =	simm.s32 $0x800;
	v6 =	vmul.f32 $8.000000000e+00, v4;
	v4 =	vld [tilespmem:s6+$0x64E0]  }
.LBB2_2:
0x3a: {  	p0 =	sne.s32 s21, $0x7C00;
	v7 =	vld [tilespmem:s20+$0x64F0];
	[tilespmem:s6+$0x10480] =	vst v5;
	v0 =	vmul.f32 $8.000000000e+00, v0  }
0x3b: {  	v5 =	vld [tilespmem:s20+$0x6400];
	[tilespmem:s6+$0x10490] =	vst v6;
	v1 =	vmul.f32 $8.000000000e+00, v1  }
0x3c: {  	v6 =	vld [tilespmem:s20+$0x6410];
	[tilespmem:s6+$0x104A0] =	vst v0;
	v0 =	vmul.f32 $8.000000000e+00, v2  }
0x3d: {  	v2 =	vld [tilespmem:s20+$0x6420];
	[tilespmem:s6+$0x104B0] =	vst v1;
	v1 =	vmul.f32 $8.000000000e+00, v3  }
0x3e: {  	v3 =	vld [tilespmem:s20+$0x6430];
	[tilespmem:s6+$0x104C0] =	vst v0;
	v0 =	vmul.f32 $8.000000000e+00, v4  }
0x3f: {  	v4 =	vld [tilespmem:s20+$0x6440];
	v7 =	vmul.f32 $8.000000000e+00, v7;
	[tilespmem:s6+$0x104D0] =	vst v1  }
0x40: {  	v1 =	vmul.f32 $8.000000000e+00, v5;
	v5 =	vld [tilespmem:s20+$0x6450];
	[tilespmem:s6+$0x104E0] =	vst v0;
	s6 =	smov.u32 s20  }
0x41: {  	v0 =	vmul.f32 $8.000000000e+00, v6;
	v6 =	vld [tilespmem:s6+$0x6460];
	[tilespmem:s6+$0x104F0] =	vst v7  }
0x42: {  	[tilespmem:s6+$0x10400] =	vst v1;
	v1 =	vmul.f32 $8.000000000e+00, v2;
	v2 =	vld [tilespmem:s6+$0x6470]  }
0x43: {  	[tilespmem:s6+$0x10410] =	vst v0;
	v0 =	vmul.f32 $8.000000000e+00, v3;
	v3 =	vld [tilespmem:s6+$0x6480]  }
0x44: {  	[tilespmem:s6+$0x10420] =	vst v1;
	v1 =	vmul.f32 $8.000000000e+00, v4;
	v4 =	vld [tilespmem:s6+$0x6490]  }
.Ltmp0:
0x45: {  	[tilespmem:s6+$0x10430] =	vst v0;
	v5 =	vmul.f32 $8.000000000e+00, v5;
	v0 =	vld [tilespmem:s6+$0x64A0];
	(pc) =	sbr.rel @p0 .LBB2_2-.Ltmp0, $4  }
0x46: {  	[tilespmem:s6+$0x10440] =	vst v1;
	v6 =	vmul.f32 $8.000000000e+00, v6;
	v1 =	vld [tilespmem:s6+$0x64B0]  }
0x47: {  	[tilespmem:s6+$0x10450] =	vst v5;
	v7 =	vmul.f32 $8.000000000e+00, v2;
	v2 =	vld [tilespmem:s6+$0x64C0]  }
0x48: {  	[tilespmem:s6+$0x10460] =	vst v6;
	v5 =	vmul.f32 $8.000000000e+00, v3;
	v3 =	vld [tilespmem:s6+$0x64D0]  }
0x49: {  	s20 =	sshra.s32 s21, $0x2;
	s21 =	sadd.s32 $0x400, s21;
	[tilespmem:s6+$0x10470] =	vst v7;
	v6 =	vmul.f32 $8.000000000e+00, v4;
	v4 =	vld [tilespmem:s6+$0x64E0]  }
0x4a: {  	v7 =	vld [tilespmem:s20+$0x64F0];
	[tilespmem:s6+$0x10480] =	vst v5;
	v0 =	vmul.f32 $8.000000000e+00, v0  }
0x4b: {  	v5 =	vld [tilespmem:s20+$0x6400];
	[tilespmem:s6+$0x10490] =	vst v6;
	v1 =	vmul.f32 $8.000000000e+00, v1  }
0x4c: {  	v6 =	vld [tilespmem:s20+$0x6410];
	[tilespmem:s6+$0x104A0] =	vst v0;
	v2 =	vmul.f32 $8.000000000e+00, v2  }
0x4d: {  	v0 =	vld [tilespmem:s20+$0x6420];
	[tilespmem:s6+$0x104B0] =	vst v1;
	v3 =	vmul.f32 $8.000000000e+00, v3  }
0x4e: {  	v1 =	vld [tilespmem:s20+$0x6430];
	[tilespmem:s6+$0x104C0] =	vst v2;
	v4 =	vmul.f32 $8.000000000e+00, v4  }
0x4f: {  	v2 =	vld [tilespmem:s20+$0x6440];
	[tilespmem:s6+$0x104D0] =	vst v3;
	v7 =	vmul.f32 $8.000000000e+00, v7  }
0x50: {  	v3 =	vld [tilespmem:s20+$0x6450];
	[tilespmem:s6+$0x104E0] =	vst v4;
	v4 =	vmul.f32 $8.000000000e+00, v5  }
0x51: {  	v5 =	vld [tilespmem:s20+$0x6460];
	[tilespmem:s20+$0x104F0] =	vst v7;
	v6 =	vmul.f32 $8.000000000e+00, v6  }
0x52: {  	[tilespmem:s20+$0x10400] =	vst v4;
	v4 =	vld [tilespmem:s20+$0x6470];
	v0 =	vmul.f32 $8.000000000e+00, v0  }
0x53: {  	[tilespmem:s20+$0x10410] =	vst v6;
	v6 =	vld [tilespmem:s20+$0x6480];
	v1 =	vmul.f32 $8.000000000e+00, v1  }
0x54: {  	[tilespmem:s20+$0x10420] =	vst v0;
	v0 =	vld [tilespmem:s20+$0x6490];
	v2 =	vmul.f32 $8.000000000e+00, v2  }
0x55: {  	[tilespmem:s20+$0x10430] =	vst v1;
	v1 =	vld [tilespmem:s20+$0x64A0];
	v3 =	vmul.f32 $8.000000000e+00, v3  }
0x56: {  	[tilespmem:s20+$0x10440] =	vst v2;
	v2 =	vld [tilespmem:s20+$0x64B0];
	v5 =	vmul.f32 $8.000000000e+00, v5  }
0x57: {  	[tilespmem:s20+$0x10450] =	vst v3;
	v3 =	vld [tilespmem:s20+$0x64C0];
	v4 =	vmul.f32 $8.000000000e+00, v4  }
0x58: {  	[tilespmem:s20+$0x10460] =	vst v5;
	v5 =	vld [tilespmem:s20+$0x64D0];
	v6 =	vmul.f32 $8.000000000e+00, v6  }
0x59: {  	[tilespmem:s20+$0x10470] =	vst v4;
	v0 =	vmul.f32 $8.000000000e+00, v0;
	v4 =	vld [tilespmem:s20+$0x64E0]  }
0x5a: {  	[tilespmem:s20+$0x10480] =	vst v6;
	v1 =	vmul.f32 $8.000000000e+00, v1  }
0x5b: {  	[tilespmem:s20+$0x10490] =	vst v0;
	v0 =	vmul.f32 $8.000000000e+00, v2  }
0x5c: {  	[tilespmem:s20+$0x104A0] =	vst v1;
	v1 =	vmul.f32 $8.000000000e+00, v3  }
0x5d: {  	[tilespmem:s20+$0x104B0] =	vst v0;
	v0 =	vmul.f32 $8.000000000e+00, v5  }
0x5e: {  	[tilespmem:s20+$0x104C0] =	vst v1;
	v1 =	vmul.f32 $8.000000000e+00, v4  }
0x5f: {  	[tilespmem:s20+$0x104D0] =	vst v0  }
0x60: {  	s23 =	simm.s32 $0x0;
	s24 =	rddreg [dreg:$0x3];
	[tilespmem:s20+$0x104E0] =	vst v1  }
0x61: {  	[hbm4b:s24+s23] =	stream.linear.scatter [tilespmem:s0], [sflag:$0x6], $0x2000, $0x38;
	[tilespmem:$0x1A400] =	vst v63  }
0x62: {  	_ =	swait.ge [sflag:s25], $0x2000  }
0x63: {  	s26 =	simm.s32 $0x6400;
	[sflag:s25] =	ssyncset.done $0x0  }
0x64: {  	s29 =	simm.s32 $0x280;
	s6 =	simm.s32 $0x0;
	[sflag:s25] =	ssyncadd.s32 $0xFFFFE000  }
0x65: {  	[tilespmem:s26], [sflag:$0x1] =	stream.indirect.gather [hbm4b:s5+s22], $0x40, s29, s22, $0xb8;
	[tilespmem:$0x1A400] =	vst v63  }
0x66: {  	v0 =	vld [tilespmem:s6+$0x84F0]  }
0x67: {  	v1 =	vld [tilespmem:s6+$0x8400]  }
0x68: {  	v2 =	vld [tilespmem:s6+$0x8410]  }
0x69: {  	v3 =	vld [tilespmem:s6+$0x8420]  }
0x6a: {  	v6 =	vld [tilespmem:s6+$0x8450]  }
0x6b: {  	v4 =	vld [tilespmem:s6+$0x8430];
	v0 =	vmul.f32 $8.000000000e+00, v0  }
0x6c: {  	v5 =	vld [tilespmem:s6+$0x8440];
	v1 =	vmul.f32 $8.000000000e+00, v1  }
0x6d: {  	v7 =	vld [tilespmem:s6+$0x8460];
	[tilespmem:s6+$0x124F0] =	vst v0;
	v0 =	vmul.f32 $8.000000000e+00, v2  }
0x6e: {  	v8 =	vld [tilespmem:s6+$0x8470];
	[tilespmem:s6+$0x12400] =	vst v1;
	v1 =	vmul.f32 $8.000000000e+00, v3  }
0x6f: {  	v2 =	vmul.f32 $8.000000000e+00, v6;
	[tilespmem:s6+$0x12410] =	vst v0  }
0x70: {  	v9 =	vld [tilespmem:s6+$0x8480];
	v0 =	vmul.f32 $8.000000000e+00, v4;
	[tilespmem:s6+$0x12420] =	vst v1  }
0x71: {  	v4 =	vld [tilespmem:s6+$0x8490];
	v1 =	vmul.f32 $8.000000000e+00, v5;
	[tilespmem:s6+$0x12450] =	vst v2  }
0x72: {  	v3 =	vmul.f32 $8.000000000e+00, v7;
	[tilespmem:s6+$0x12430] =	vst v0;
	v0 =	vld [tilespmem:s6+$0x84A0]  }
0x73: {  	v5 =	vmul.f32 $8.000000000e+00, v8;
	[tilespmem:s6+$0x12440] =	vst v1;
	v1 =	vld [tilespmem:s6+$0x84B0]  }
0x74: {  	v2 =	vld [tilespmem:s6+$0x84C0];
	[tilespmem:s6+$0x12460] =	vst v3  }
0x75: {  	v3 =	vld [tilespmem:s6+$0x84D0];
	[tilespmem:s6+$0x12470] =	vst v5;
	v5 =	vmul.f32 $8.000000000e+00, v9  }
0x76: {  	s21 =	simm.s32 $0x800;
	s20 =	simm.s32 $0x100;
	v6 =	vmul.f32 $8.000000000e+00, v4;
	v4 =	vld [tilespmem:s6+$0x84E0]  }
.LBB2_4:
0x77: {  	p0 =	sne.s32 s21, $0x7C00;
	v7 =	vld [tilespmem:s20+$0x84F0];
	[tilespmem:s6+$0x12480] =	vst v5;
	v0 =	vmul.f32 $8.000000000e+00, v0  }
0x78: {  	v5 =	vld [tilespmem:s20+$0x8400];
	[tilespmem:s6+$0x12490] =	vst v6;
	v1 =	vmul.f32 $8.000000000e+00, v1  }
0x79: {  	v6 =	vld [tilespmem:s20+$0x8410];
	[tilespmem:s6+$0x124A0] =	vst v0;
	v0 =	vmul.f32 $8.000000000e+00, v2  }
0x7a: {  	v2 =	vld [tilespmem:s20+$0x8420];
	[tilespmem:s6+$0x124B0] =	vst v1;
	v1 =	vmul.f32 $8.000000000e+00, v3  }
0x7b: {  	v3 =	vld [tilespmem:s20+$0x8430];
	[tilespmem:s6+$0x124C0] =	vst v0;
	v0 =	vmul.f32 $8.000000000e+00, v4  }
0x7c: {  	v4 =	vld [tilespmem:s20+$0x8440];
	v7 =	vmul.f32 $8.000000000e+00, v7;
	[tilespmem:s6+$0x124D0] =	vst v1  }
0x7d: {  	v1 =	vmul.f32 $8.000000000e+00, v5;
	v5 =	vld [tilespmem:s20+$0x8450];
	[tilespmem:s6+$0x124E0] =	vst v0;
	s6 =	smov.u32 s20  }
0x7e: {  	v0 =	vmul.f32 $8.000000000e+00, v6;
	v6 =	vld [tilespmem:s6+$0x8460];
	[tilespmem:s6+$0x124F0] =	vst v7  }
0x7f: {  	[tilespmem:s6+$0x12400] =	vst v1;
	v1 =	vmul.f32 $8.000000000e+00, v2;
	v2 =	vld [tilespmem:s6+$0x8470]  }
0x80: {  	[tilespmem:s6+$0x12410] =	vst v0;
	v0 =	vmul.f32 $8.000000000e+00, v3;
	v3 =	vld [tilespmem:s6+$0x8480]  }
0x81: {  	[tilespmem:s6+$0x12420] =	vst v1;
	v1 =	vmul.f32 $8.000000000e+00, v4;
	v4 =	vld [tilespmem:s6+$0x8490]  }
.Ltmp1:
0x82: {  	[tilespmem:s6+$0x12430] =	vst v0;
	v5 =	vmul.f32 $8.000000000e+00, v5;
	v0 =	vld [tilespmem:s6+$0x84A0];
	(pc) =	sbr.rel @p0 .LBB2_4-.Ltmp1, $4  }
0x83: {  	[tilespmem:s6+$0x12440] =	vst v1;
	v6 =	vmul.f32 $8.000000000e+00, v6;
	v1 =	vld [tilespmem:s6+$0x84B0]  }
0x84: {  	[tilespmem:s6+$0x12450] =	vst v5;
	v7 =	vmul.f32 $8.000000000e+00, v2;
	v2 =	vld [tilespmem:s6+$0x84C0]  }
0x85: {  	[tilespmem:s6+$0x12460] =	vst v6;
	v5 =	vmul.f32 $8.000000000e+00, v3;
	v3 =	vld [tilespmem:s6+$0x84D0]  }
0x86: {  	s20 =	sshra.s32 s21, $0x2;
	s21 =	sadd.s32 $0x400, s21;
	[tilespmem:s6+$0x12470] =	vst v7;
	v6 =	vmul.f32 $8.000000000e+00, v4;
	v4 =	vld [tilespmem:s6+$0x84E0]  }
0x87: {  	v7 =	vld [tilespmem:s20+$0x84F0];
	[tilespmem:s6+$0x12480] =	vst v5;
	v0 =	vmul.f32 $8.000000000e+00, v0  }
0x88: {  	v5 =	vld [tilespmem:s20+$0x8400];
	[tilespmem:s6+$0x12490] =	vst v6;
	v1 =	vmul.f32 $8.000000000e+00, v1  }
0x89: {  	v6 =	vld [tilespmem:s20+$0x8410];
	[tilespmem:s6+$0x124A0] =	vst v0;
	v2 =	vmul.f32 $8.000000000e+00, v2  }
0x8a: {  	v0 =	vld [tilespmem:s20+$0x8420];
	[tilespmem:s6+$0x124B0] =	vst v1;
	v3 =	vmul.f32 $8.000000000e+00, v3  }
0x8b: {  	v1 =	vld [tilespmem:s20+$0x8430];
	[tilespmem:s6+$0x124C0] =	vst v2;
	v4 =	vmul.f32 $8.000000000e+00, v4  }
0x8c: {  	v2 =	vld [tilespmem:s20+$0x8440];
	[tilespmem:s6+$0x124D0] =	vst v3;
	v7 =	vmul.f32 $8.000000000e+00, v7  }
0x8d: {  	v3 =	vld [tilespmem:s20+$0x8450];
	[tilespmem:s6+$0x124E0] =	vst v4;
	v4 =	vmul.f32 $8.000000000e+00, v5  }
0x8e: {  	v5 =	vld [tilespmem:s20+$0x8460];
	[tilespmem:s20+$0x124F0] =	vst v7;
	v6 =	vmul.f32 $8.000000000e+00, v6  }
0x8f: {  	[tilespmem:s20+$0x12400] =	vst v4;
	v4 =	vld [tilespmem:s20+$0x8470];
	v0 =	vmul.f32 $8.000000000e+00, v0  }
0x90: {  	[tilespmem:s20+$0x12410] =	vst v6;
	v6 =	vld [tilespmem:s20+$0x8480];
	v1 =	vmul.f32 $8.000000000e+00, v1  }
0x91: {  	[tilespmem:s20+$0x12420] =	vst v0;
	v0 =	vld [tilespmem:s20+$0x8490];
	v2 =	vmul.f32 $8.000000000e+00, v2  }
0x92: {  	[tilespmem:s20+$0x12430] =	vst v1;
	v1 =	vld [tilespmem:s20+$0x84A0];
	v3 =	vmul.f32 $8.000000000e+00, v3  }
0x93: {  	[tilespmem:s20+$0x12440] =	vst v2;
	v2 =	vld [tilespmem:s20+$0x84B0];
	v5 =	vmul.f32 $8.000000000e+00, v5  }
0x94: {  	[tilespmem:s20+$0x12450] =	vst v3;
	v3 =	vld [tilespmem:s20+$0x84C0];
	v4 =	vmul.f32 $8.000000000e+00, v4  }
0x95: {  	[tilespmem:s20+$0x12460] =	vst v5;
	v5 =	vld [tilespmem:s20+$0x84D0];
	v6 =	vmul.f32 $8.000000000e+00, v6  }
0x96: {  	[tilespmem:s20+$0x12470] =	vst v4;
	v0 =	vmul.f32 $8.000000000e+00, v0;
	v4 =	vld [tilespmem:s20+$0x84E0]  }
0x97: {  	[tilespmem:s20+$0x12480] =	vst v6;
	v1 =	vmul.f32 $8.000000000e+00, v1  }
0x98: {  	[tilespmem:s20+$0x12490] =	vst v0;
	v0 =	vmul.f32 $8.000000000e+00, v2  }
0x99: {  	[tilespmem:s20+$0x124A0] =	vst v1;
	v1 =	vmul.f32 $8.000000000e+00, v3  }
0x9a: {  	[tilespmem:s20+$0x124B0] =	vst v0;
	v0 =	vmul.f32 $8.000000000e+00, v5  }
0x9b: {  	[tilespmem:s20+$0x124C0] =	vst v1;
	v1 =	vmul.f32 $8.000000000e+00, v4  }
0x9c: {  	[tilespmem:s20+$0x124D0] =	vst v0  }
0x9d: {  	s23 =	simm.s32 $0x0;
	s24 =	rddreg [dreg:$0x5];
	[tilespmem:s20+$0x124E0] =	vst v1  }
0x9e: {  	[hbm4b:s24+s23] =	stream.linear.scatter [tilespmem:s31], [sflag:$0x7], $0x2000, $0x38;
	[tilespmem:$0x1A400] =	vst v63  }
0x9f: {  	_ =	swait.ge [sflag:s28], $0x2000  }
0xa0: {  	s26 =	simm.s32 $0x8400;
	[sflag:s28] =	ssyncset.done $0x0  }
0xa1: {  	s29 =	simm.s32 $0x300;
	s6 =	simm.s32 $0x0;
	[sflag:s28] =	ssyncadd.s32 $0xFFFFE000  }
0xa2: {  	[tilespmem:s26], [sflag:$0x2] =	stream.indirect.gather [hbm4b:s5+s22], $0x40, s29, s22, $0xb8;
	[tilespmem:$0x1A400] =	vst v63  }
0xa3: {  	v0 =	vld [tilespmem:s6+$0xA4F0]  }
0xa4: {  	v1 =	vld [tilespmem:s6+$0xA400]  }
0xa5: {  	v2 =	vld [tilespmem:s6+$0xA410]  }
0xa6: {  	v3 =	vld [tilespmem:s6+$0xA420]  }
0xa7: {  	v6 =	vld [tilespmem:s6+$0xA450]  }
0xa8: {  	v4 =	vld [tilespmem:s6+$0xA430];
	v0 =	vmul.f32 $8.000000000e+00, v0  }
0xa9: {  	v5 =	vld [tilespmem:s6+$0xA440];
	v1 =	vmul.f32 $8.000000000e+00, v1  }
0xaa: {  	v7 =	vld [tilespmem:s6+$0xA460];
	[tilespmem:s6+$0x144F0] =	vst v0;
	v0 =	vmul.f32 $8.000000000e+00, v2  }
0xab: {  	v8 =	vld [tilespmem:s6+$0xA470];
	[tilespmem:s6+$0x14400] =	vst v1;
	v1 =	vmul.f32 $8.000000000e+00, v3  }
0xac: {  	v2 =	vmul.f32 $8.000000000e+00, v6;
	[tilespmem:s6+$0x14410] =	vst v0  }
0xad: {  	v9 =	vld [tilespmem:s6+$0xA480];
	v0 =	vmul.f32 $8.000000000e+00, v4;
	[tilespmem:s6+$0x14420] =	vst v1  }
0xae: {  	v4 =	vld [tilespmem:s6+$0xA490];
	v1 =	vmul.f32 $8.000000000e+00, v5;
	[tilespmem:s6+$0x14450] =	vst v2  }
0xaf: {  	v3 =	vmul.f32 $8.000000000e+00, v7;
	[tilespmem:s6+$0x14430] =	vst v0;
	v0 =	vld [tilespmem:s6+$0xA4A0]  }
0xb0: {  	v5 =	vmul.f32 $8.000000000e+00, v8;
	[tilespmem:s6+$0x14440] =	vst v1;
	v1 =	vld [tilespmem:s6+$0xA4B0]  }
0xb1: {  	v2 =	vld [tilespmem:s6+$0xA4C0];
	[tilespmem:s6+$0x14460] =	vst v3  }
0xb2: {  	v3 =	vld [tilespmem:s6+$0xA4D0];
	[tilespmem:s6+$0x14470] =	vst v5;
	v5 =	vmul.f32 $8.000000000e+00, v9  }
0xb3: {  	s21 =	simm.s32 $0x800;
	s20 =	simm.s32 $0x100;
	v6 =	vmul.f32 $8.000000000e+00, v4;
	v4 =	vld [tilespmem:s6+$0xA4E0]  }
.LBB2_6:
0xb4: {  	p0 =	sne.s32 s21, $0x7C00;
	v7 =	vld [tilespmem:s20+$0xA4F0];
	[tilespmem:s6+$0x14480] =	vst v5;
	v0 =	vmul.f32 $8.000000000e+00, v0  }
0xb5: {  	v5 =	vld [tilespmem:s20+$0xA400];
	[tilespmem:s6+$0x14490] =	vst v6;
	v1 =	vmul.f32 $8.000000000e+00, v1  }
0xb6: {  	v6 =	vld [tilespmem:s20+$0xA410];
	[tilespmem:s6+$0x144A0] =	vst v0;
	v0 =	vmul.f32 $8.000000000e+00, v2  }
0xb7: {  	v2 =	vld [tilespmem:s20+$0xA420];
	[tilespmem:s6+$0x144B0] =	vst v1;
	v1 =	vmul.f32 $8.000000000e+00, v3  }
0xb8: {  	v3 =	vld [tilespmem:s20+$0xA430];
	[tilespmem:s6+$0x144C0] =	vst v0;
	v0 =	vmul.f32 $8.000000000e+00, v4  }
0xb9: {  	v4 =	vld [tilespmem:s20+$0xA440];
	v7 =	vmul.f32 $8.000000000e+00, v7;
	[tilespmem:s6+$0x144D0] =	vst v1  }
0xba: {  	v1 =	vmul.f32 $8.000000000e+00, v5;
	v5 =	vld [tilespmem:s20+$0xA450];
	[tilespmem:s6+$0x144E0] =	vst v0;
	s6 =	smov.u32 s20  }
0xbb: {  	v0 =	vmul.f32 $8.000000000e+00, v6;
	v6 =	vld [tilespmem:s6+$0xA460];
	[tilespmem:s6+$0x144F0] =	vst v7  }
0xbc: {  	[tilespmem:s6+$0x14400] =	vst v1;
	v1 =	vmul.f32 $8.000000000e+00, v2;
	v2 =	vld [tilespmem:s6+$0xA470]  }
0xbd: {  	[tilespmem:s6+$0x14410] =	vst v0;
	v0 =	vmul.f32 $8.000000000e+00, v3;
	v3 =	vld [tilespmem:s6+$0xA480]  }
0xbe: {  	[tilespmem:s6+$0x14420] =	vst v1;
	v1 =	vmul.f32 $8.000000000e+00, v4;
	v4 =	vld [tilespmem:s6+$0xA490]  }
.Ltmp2:
0xbf: {  	[tilespmem:s6+$0x14430] =	vst v0;
	v5 =	vmul.f32 $8.000000000e+00, v5;
	v0 =	vld [tilespmem:s6+$0xA4A0];
	(pc) =	sbr.rel @p0 .LBB2_6-.Ltmp2, $4  }
0xc0: {  	[tilespmem:s6+$0x14440] =	vst v1;
	v6 =	vmul.f32 $8.000000000e+00, v6;
	v1 =	vld [tilespmem:s6+$0xA4B0]  }
0xc1: {  	[tilespmem:s6+$0x14450] =	vst v5;
	v7 =	vmul.f32 $8.000000000e+00, v2;
	v2 =	vld [tilespmem:s6+$0xA4C0]  }
0xc2: {  	[tilespmem:s6+$0x14460] =	vst v6;
	v5 =	vmul.f32 $8.000000000e+00, v3;
	v3 =	vld [tilespmem:s6+$0xA4D0]  }
0xc3: {  	s20 =	sshra.s32 s21, $0x2;
	s21 =	sadd.s32 $0x400, s21;
	[tilespmem:s6+$0x14470] =	vst v7;
	v6 =	vmul.f32 $8.000000000e+00, v4;
	v4 =	vld [tilespmem:s6+$0xA4E0]  }
0xc4: {  	v7 =	vld [tilespmem:s20+$0xA4F0];
	[tilespmem:s6+$0x14480] =	vst v5;
	v0 =	vmul.f32 $8.000000000e+00, v0  }
0xc5: {  	v5 =	vld [tilespmem:s20+$0xA400];
	[tilespmem:s6+$0x14490] =	vst v6;
	v1 =	vmul.f32 $8.000000000e+00, v1  }
0xc6: {  	v6 =	vld [tilespmem:s20+$0xA410];
	[tilespmem:s6+$0x144A0] =	vst v0;
	v2 =	vmul.f32 $8.000000000e+00, v2  }
0xc7: {  	v0 =	vld [tilespmem:s20+$0xA420];
	[tilespmem:s6+$0x144B0] =	vst v1;
	v3 =	vmul.f32 $8.000000000e+00, v3  }
0xc8: {  	v1 =	vld [tilespmem:s20+$0xA430];
	[tilespmem:s6+$0x144C0] =	vst v2;
	v4 =	vmul.f32 $8.000000000e+00, v4  }
0xc9: {  	v2 =	vld [tilespmem:s20+$0xA440];
	[tilespmem:s6+$0x144D0] =	vst v3;
	v7 =	vmul.f32 $8.000000000e+00, v7  }
0xca: {  	v3 =	vld [tilespmem:s20+$0xA450];
	[tilespmem:s6+$0x144E0] =	vst v4;
	v4 =	vmul.f32 $8.000000000e+00, v5  }
0xcb: {  	v5 =	vld [tilespmem:s20+$0xA460];
	[tilespmem:s20+$0x144F0] =	vst v7;
	v6 =	vmul.f32 $8.000000000e+00, v6  }
0xcc: {  	[tilespmem:s20+$0x14400] =	vst v4;
	v4 =	vld [tilespmem:s20+$0xA470];
	v0 =	vmul.f32 $8.000000000e+00, v0  }
0xcd: {  	[tilespmem:s20+$0x14410] =	vst v6;
	v6 =	vld [tilespmem:s20+$0xA480];
	v1 =	vmul.f32 $8.000000000e+00, v1  }
0xce: {  	[tilespmem:s20+$0x14420] =	vst v0;
	v0 =	vld [tilespmem:s20+$0xA490];
	v2 =	vmul.f32 $8.000000000e+00, v2  }
0xcf: {  	[tilespmem:s20+$0x14430] =	vst v1;
	v1 =	vld [tilespmem:s20+$0xA4A0];
	v3 =	vmul.f32 $8.000000000e+00, v3  }
0xd0: {  	[tilespmem:s20+$0x14440] =	vst v2;
	v2 =	vld [tilespmem:s20+$0xA4B0];
	v5 =	vmul.f32 $8.000000000e+00, v5  }
0xd1: {  	[tilespmem:s20+$0x14450] =	vst v3;
	v3 =	vld [tilespmem:s20+$0xA4C0];
	v4 =	vmul.f32 $8.000000000e+00, v4  }
0xd2: {  	[tilespmem:s20+$0x14460] =	vst v5;
	v5 =	vld [tilespmem:s20+$0xA4D0];
	v6 =	vmul.f32 $8.000000000e+00, v6  }
0xd3: {  	[tilespmem:s20+$0x14470] =	vst v4;
	v0 =	vmul.f32 $8.000000000e+00, v0;
	v4 =	vld [tilespmem:s20+$0xA4E0]  }
0xd4: {  	[tilespmem:s20+$0x14480] =	vst v6;
	v1 =	vmul.f32 $8.000000000e+00, v1  }
0xd5: {  	[tilespmem:s20+$0x14490] =	vst v0;
	v0 =	vmul.f32 $8.000000000e+00, v2  }
0xd6: {  	[tilespmem:s20+$0x144A0] =	vst v1;
	v1 =	vmul.f32 $8.000000000e+00, v3  }
0xd7: {  	[tilespmem:s20+$0x144B0] =	vst v0;
	v0 =	vmul.f32 $8.000000000e+00, v5  }
0xd8: {  	[tilespmem:s20+$0x144C0] =	vst v1;
	v1 =	vmul.f32 $8.000000000e+00, v4  }
0xd9: {  	[tilespmem:s20+$0x144D0] =	vst v0  }
0xda: {  	s23 =	simm.s32 $0x0;
	s24 =	rddreg [dreg:$0x6];
	[tilespmem:s20+$0x144E0] =	vst v1  }
0xdb: {  	[hbm4b:s24+s23] =	stream.linear.scatter [tilespmem:s7], [sflag:$0x8], $0x2000, $0x38;
	[tilespmem:$0x1A400] =	vst v63  }
0xdc: {  	_ =	swait.ge [sflag:s8], $0x2000  }
0xdd: {  	s26 =	simm.s32 $0xA400;
	[sflag:s8] =	ssyncset.done $0x0  }
0xde: {  	s29 =	simm.s32 $0x380;
	s6 =	simm.s32 $0x0;
	[sflag:s8] =	ssyncadd.s32 $0xFFFFE000  }
0xdf: {  	[tilespmem:s26], [sflag:$0x3] =	stream.indirect.gather [hbm4b:s5+s22], $0x40, s29, s22, $0xb8;
	[tilespmem:$0x1A400] =	vst v63  }
0xe0: {  	v0 =	vld [tilespmem:s6+$0xC4F0]  }
0xe1: {  	v1 =	vld [tilespmem:s6+$0xC400]  }
0xe2: {  	v2 =	vld [tilespmem:s6+$0xC410]  }
0xe3: {  	v3 =	vld [tilespmem:s6+$0xC420]  }
0xe4: {  	v6 =	vld [tilespmem:s6+$0xC450]  }
0xe5: {  	v4 =	vld [tilespmem:s6+$0xC430];
	v0 =	vmul.f32 $8.000000000e+00, v0  }
0xe6: {  	v5 =	vld [tilespmem:s6+$0xC440];
	v1 =	vmul.f32 $8.000000000e+00, v1  }
0xe7: {  	v7 =	vld [tilespmem:s6+$0xC460];
	[tilespmem:s6+$0x164F0] =	vst v0;
	v0 =	vmul.f32 $8.000000000e+00, v2  }
0xe8: {  	v8 =	vld [tilespmem:s6+$0xC470];
	[tilespmem:s6+$0x16400] =	vst v1;
	v1 =	vmul.f32 $8.000000000e+00, v3  }
0xe9: {  	v2 =	vmul.f32 $8.000000000e+00, v6;
	[tilespmem:s6+$0x16410] =	vst v0  }
0xea: {  	v9 =	vld [tilespmem:s6+$0xC480];
	v0 =	vmul.f32 $8.000000000e+00, v4;
	[tilespmem:s6+$0x16420] =	vst v1  }
0xeb: {  	v4 =	vld [tilespmem:s6+$0xC490];
	v1 =	vmul.f32 $8.000000000e+00, v5;
	[tilespmem:s6+$0x16450] =	vst v2  }
0xec: {  	v3 =	vmul.f32 $8.000000000e+00, v7;
	[tilespmem:s6+$0x16430] =	vst v0;
	v0 =	vld [tilespmem:s6+$0xC4A0]  }
0xed: {  	v5 =	vmul.f32 $8.000000000e+00, v8;
	[tilespmem:s6+$0x16440] =	vst v1;
	v1 =	vld [tilespmem:s6+$0xC4B0]  }
0xee: {  	v2 =	vld [tilespmem:s6+$0xC4C0];
	[tilespmem:s6+$0x16460] =	vst v3  }
0xef: {  	v3 =	vld [tilespmem:s6+$0xC4D0];
	[tilespmem:s6+$0x16470] =	vst v5;
	v5 =	vmul.f32 $8.000000000e+00, v9  }
0xf0: {  	s21 =	simm.s32 $0x800;
	s20 =	simm.s32 $0x100;
	v6 =	vmul.f32 $8.000000000e+00, v4;
	v4 =	vld [tilespmem:s6+$0xC4E0]  }
.LBB2_8:
0xf1: {  	p0 =	sne.s32 s21, $0x7C00;
	v7 =	vld [tilespmem:s20+$0xC4F0];
	[tilespmem:s6+$0x16480] =	vst v5;
	v0 =	vmul.f32 $8.000000000e+00, v0  }
0xf2: {  	v5 =	vld [tilespmem:s20+$0xC400];
	[tilespmem:s6+$0x16490] =	vst v6;
	v1 =	vmul.f32 $8.000000000e+00, v1  }
0xf3: {  	v6 =	vld [tilespmem:s20+$0xC410];
	[tilespmem:s6+$0x164A0] =	vst v0;
	v0 =	vmul.f32 $8.000000000e+00, v2  }
0xf4: {  	v2 =	vld [tilespmem:s20+$0xC420];
	[tilespmem:s6+$0x164B0] =	vst v1;
	v1 =	vmul.f32 $8.000000000e+00, v3  }
0xf5: {  	v3 =	vld [tilespmem:s20+$0xC430];
	[tilespmem:s6+$0x164C0] =	vst v0;
	v0 =	vmul.f32 $8.000000000e+00, v4  }
0xf6: {  	v4 =	vld [tilespmem:s20+$0xC440];
	v7 =	vmul.f32 $8.000000000e+00, v7;
	[tilespmem:s6+$0x164D0] =	vst v1  }
0xf7: {  	v1 =	vmul.f32 $8.000000000e+00, v5;
	v5 =	vld [tilespmem:s20+$0xC450];
	[tilespmem:s6+$0x164E0] =	vst v0;
	s6 =	smov.u32 s20  }
0xf8: {  	v0 =	vmul.f32 $8.000000000e+00, v6;
	v6 =	vld [tilespmem:s6+$0xC460];
	[tilespmem:s6+$0x164F0] =	vst v7  }
0xf9: {  	[tilespmem:s6+$0x16400] =	vst v1;
	v1 =	vmul.f32 $8.000000000e+00, v2;
	v2 =	vld [tilespmem:s6+$0xC470]  }
0xfa: {  	[tilespmem:s6+$0x16410] =	vst v0;
	v0 =	vmul.f32 $8.000000000e+00, v3;
	v3 =	vld [tilespmem:s6+$0xC480]  }
0xfb: {  	[tilespmem:s6+$0x16420] =	vst v1;
	v1 =	vmul.f32 $8.000000000e+00, v4;
	v4 =	vld [tilespmem:s6+$0xC490]  }
.Ltmp3:
0xfc: {  	[tilespmem:s6+$0x16430] =	vst v0;
	v5 =	vmul.f32 $8.000000000e+00, v5;
	v0 =	vld [tilespmem:s6+$0xC4A0];
	(pc) =	sbr.rel @p0 .LBB2_8-.Ltmp3, $4  }
0xfd: {  	[tilespmem:s6+$0x16440] =	vst v1;
	v6 =	vmul.f32 $8.000000000e+00, v6;
	v1 =	vld [tilespmem:s6+$0xC4B0]  }
0xfe: {  	[tilespmem:s6+$0x16450] =	vst v5;
	v7 =	vmul.f32 $8.000000000e+00, v2;
	v2 =	vld [tilespmem:s6+$0xC4C0]  }
0xff: {  	[tilespmem:s6+$0x16460] =	vst v6;
	v5 =	vmul.f32 $8.000000000e+00, v3;
	v3 =	vld [tilespmem:s6+$0xC4D0]  }
0x100: {  	s20 =	sshra.s32 s21, $0x2;
	s21 =	sadd.s32 $0x400, s21;
	[tilespmem:s6+$0x16470] =	vst v7;
	v6 =	vmul.f32 $8.000000000e+00, v4;
	v4 =	vld [tilespmem:s6+$0xC4E0]  }
0x101: {  	v7 =	vld [tilespmem:s20+$0xC4F0];
	[tilespmem:s6+$0x16480] =	vst v5;
	v0 =	vmul.f32 $8.000000000e+00, v0  }
0x102: {  	v5 =	vld [tilespmem:s20+$0xC400];
	[tilespmem:s6+$0x16490] =	vst v6;
	v1 =	vmul.f32 $8.000000000e+00, v1  }
0x103: {  	v6 =	vld [tilespmem:s20+$0xC410];
	[tilespmem:s6+$0x164A0] =	vst v0;
	v2 =	vmul.f32 $8.000000000e+00, v2  }
0x104: {  	v0 =	vld [tilespmem:s20+$0xC420];
	[tilespmem:s6+$0x164B0] =	vst v1;
	v3 =	vmul.f32 $8.000000000e+00, v3  }
0x105: {  	v1 =	vld [tilespmem:s20+$0xC430];
	[tilespmem:s6+$0x164C0] =	vst v2;
	v4 =	vmul.f32 $8.000000000e+00, v4  }
0x106: {  	v2 =	vld [tilespmem:s20+$0xC440];
	[tilespmem:s6+$0x164D0] =	vst v3;
	v7 =	vmul.f32 $8.000000000e+00, v7  }
0x107: {  	v3 =	vld [tilespmem:s20+$0xC450];
	[tilespmem:s6+$0x164E0] =	vst v4;
	v4 =	vmul.f32 $8.000000000e+00, v5  }
0x108: {  	v5 =	vld [tilespmem:s20+$0xC460];
	[tilespmem:s20+$0x164F0] =	vst v7;
	v6 =	vmul.f32 $8.000000000e+00, v6  }
0x109: {  	[tilespmem:s20+$0x16400] =	vst v4;
	v4 =	vld [tilespmem:s20+$0xC470];
	v0 =	vmul.f32 $8.000000000e+00, v0  }
0x10a: {  	[tilespmem:s20+$0x16410] =	vst v6;
	v6 =	vld [tilespmem:s20+$0xC480];
	v1 =	vmul.f32 $8.000000000e+00, v1  }
0x10b: {  	[tilespmem:s20+$0x16420] =	vst v0;
	v0 =	vld [tilespmem:s20+$0xC490];
	v2 =	vmul.f32 $8.000000000e+00, v2  }
0x10c: {  	[tilespmem:s20+$0x16430] =	vst v1;
	v1 =	vld [tilespmem:s20+$0xC4A0];
	v3 =	vmul.f32 $8.000000000e+00, v3  }
0x10d: {  	[tilespmem:s20+$0x16440] =	vst v2;
	v2 =	vld [tilespmem:s20+$0xC4B0];
	v5 =	vmul.f32 $8.000000000e+00, v5  }
0x10e: {  	[tilespmem:s20+$0x16450] =	vst v3;
	v3 =	vld [tilespmem:s20+$0xC4C0];
	v4 =	vmul.f32 $8.000000000e+00, v4  }
0x10f: {  	[tilespmem:s20+$0x16460] =	vst v5;
	v5 =	vld [tilespmem:s20+$0xC4D0];
	v6 =	vmul.f32 $8.000000000e+00, v6  }
0x110: {  	[tilespmem:s20+$0x16470] =	vst v4;
	v0 =	vmul.f32 $8.000000000e+00, v0;
	v4 =	vld [tilespmem:s20+$0xC4E0]  }
0x111: {  	[tilespmem:s20+$0x16480] =	vst v6;
	v1 =	vmul.f32 $8.000000000e+00, v1  }
0x112: {  	[tilespmem:s20+$0x16490] =	vst v0;
	v0 =	vmul.f32 $8.000000000e+00, v2  }
0x113: {  	[tilespmem:s20+$0x164A0] =	vst v1;
	v1 =	vmul.f32 $8.000000000e+00, v3  }
0x114: {  	[tilespmem:s20+$0x164B0] =	vst v0;
	v0 =	vmul.f32 $8.000000000e+00, v5  }
0x115: {  	[tilespmem:s20+$0x164C0] =	vst v1;
	v1 =	vmul.f32 $8.000000000e+00, v4  }
0x116: {  	[tilespmem:s20+$0x164D0] =	vst v0  }
0x117: {  	s23 =	simm.s32 $0x0;
	s24 =	rddreg [dreg:$0x7];
	[tilespmem:s20+$0x164E0] =	vst v1  }
0x118: {  	[hbm4b:s24+s23] =	stream.linear.scatter [tilespmem:s9], [sflag:$0x9], $0x2000, $0x38;
	[tilespmem:$0x1A400] =	vst v63  }
0x119: {  	_ =	swait.ge [sflag:s10], $0x2000  }
0x11a: {  	s26 =	simm.s32 $0xC400;
	[sflag:s10] =	ssyncset.done $0x0  }
0x11b: {  	s29 =	simm.s32 $0x400;
	s6 =	simm.s32 $0x0;
	[sflag:s10] =	ssyncadd.s32 $0xFFFFE000  }
0x11c: {  	[tilespmem:s26], [sflag:$0x4] =	stream.indirect.gather [hbm4b:s5+s22], $0x40, s29, s22, $0xb8;
	[tilespmem:$0x1A400] =	vst v63  }
0x11d: {  	v0 =	vld [tilespmem:s6+$0xE4F0]  }
0x11e: {  	v1 =	vld [tilespmem:s6+$0xE400]  }
0x11f: {  	v2 =	vld [tilespmem:s6+$0xE410]  }
0x120: {  	v3 =	vld [tilespmem:s6+$0xE420]  }
0x121: {  	v6 =	vld [tilespmem:s6+$0xE450]  }
0x122: {  	v4 =	vld [tilespmem:s6+$0xE430];
	v0 =	vmul.f32 $8.000000000e+00, v0  }
0x123: {  	v5 =	vld [tilespmem:s6+$0xE440];
	v1 =	vmul.f32 $8.000000000e+00, v1  }
0x124: {  	v7 =	vld [tilespmem:s6+$0xE460];
	[tilespmem:s6+$0x184F0] =	vst v0;
	v0 =	vmul.f32 $8.000000000e+00, v2  }
0x125: {  	v8 =	vld [tilespmem:s6+$0xE470];
	[tilespmem:s6+$0x18400] =	vst v1;
	v1 =	vmul.f32 $8.000000000e+00, v3  }
0x126: {  	v2 =	vmul.f32 $8.000000000e+00, v6;
	[tilespmem:s6+$0x18410] =	vst v0  }
0x127: {  	v9 =	vld [tilespmem:s6+$0xE480];
	v0 =	vmul.f32 $8.000000000e+00, v4;
	[tilespmem:s6+$0x18420] =	vst v1  }
0x128: {  	v4 =	vld [tilespmem:s6+$0xE490];
	v1 =	vmul.f32 $8.000000000e+00, v5;
	[tilespmem:s6+$0x18450] =	vst v2  }
0x129: {  	v3 =	vmul.f32 $8.000000000e+00, v7;
	[tilespmem:s6+$0x18430] =	vst v0;
	v0 =	vld [tilespmem:s6+$0xE4A0]  }
0x12a: {  	v5 =	vmul.f32 $8.000000000e+00, v8;
	[tilespmem:s6+$0x18440] =	vst v1;
	v1 =	vld [tilespmem:s6+$0xE4B0]  }
0x12b: {  	v2 =	vld [tilespmem:s6+$0xE4C0];
	[tilespmem:s6+$0x18460] =	vst v3  }
0x12c: {  	v3 =	vld [tilespmem:s6+$0xE4D0];
	[tilespmem:s6+$0x18470] =	vst v5;
	v5 =	vmul.f32 $8.000000000e+00, v9  }
0x12d: {  	s21 =	simm.s32 $0x800;
	s20 =	simm.s32 $0x100;
	v6 =	vmul.f32 $8.000000000e+00, v4;
	v4 =	vld [tilespmem:s6+$0xE4E0]  }
.LBB2_10:
0x12e: {  	p0 =	sne.s32 s21, $0x7C00;
	v7 =	vld [tilespmem:s20+$0xE4F0];
	[tilespmem:s6+$0x18480] =	vst v5;
	v0 =	vmul.f32 $8.000000000e+00, v0  }
0x12f: {  	v5 =	vld [tilespmem:s20+$0xE400];
	[tilespmem:s6+$0x18490] =	vst v6;
	v1 =	vmul.f32 $8.000000000e+00, v1  }
0x130: {  	v6 =	vld [tilespmem:s20+$0xE410];
	[tilespmem:s6+$0x184A0] =	vst v0;
	v0 =	vmul.f32 $8.000000000e+00, v2  }
0x131: {  	v2 =	vld [tilespmem:s20+$0xE420];
	[tilespmem:s6+$0x184B0] =	vst v1;
	v1 =	vmul.f32 $8.000000000e+00, v3  }
0x132: {  	v3 =	vld [tilespmem:s20+$0xE430];
	[tilespmem:s6+$0x184C0] =	vst v0;
	v0 =	vmul.f32 $8.000000000e+00, v4  }
0x133: {  	v4 =	vld [tilespmem:s20+$0xE440];
	v7 =	vmul.f32 $8.000000000e+00, v7;
	[tilespmem:s6+$0x184D0] =	vst v1  }
0x134: {  	v1 =	vmul.f32 $8.000000000e+00, v5;
	v5 =	vld [tilespmem:s20+$0xE450];
	[tilespmem:s6+$0x184E0] =	vst v0;
	s6 =	smov.u32 s20  }
0x135: {  	v0 =	vmul.f32 $8.000000000e+00, v6;
	v6 =	vld [tilespmem:s6+$0xE460];
	[tilespmem:s6+$0x184F0] =	vst v7  }
0x136: {  	[tilespmem:s6+$0x18400] =	vst v1;
	v1 =	vmul.f32 $8.000000000e+00, v2;
	v2 =	vld [tilespmem:s6+$0xE470]  }
0x137: {  	[tilespmem:s6+$0x18410] =	vst v0;
	v0 =	vmul.f32 $8.000000000e+00, v3;
	v3 =	vld [tilespmem:s6+$0xE480]  }
0x138: {  	[tilespmem:s6+$0x18420] =	vst v1;
	v1 =	vmul.f32 $8.000000000e+00, v4;
	v4 =	vld [tilespmem:s6+$0xE490]  }
.Ltmp4:
0x139: {  	[tilespmem:s6+$0x18430] =	vst v0;
	v5 =	vmul.f32 $8.000000000e+00, v5;
	v0 =	vld [tilespmem:s6+$0xE4A0];
	(pc) =	sbr.rel @p0 .LBB2_10-.Ltmp4, $4  }
0x13a: {  	[tilespmem:s6+$0x18440] =	vst v1;
	v6 =	vmul.f32 $8.000000000e+00, v6;
	v1 =	vld [tilespmem:s6+$0xE4B0]  }
0x13b: {  	[tilespmem:s6+$0x18450] =	vst v5;
	v7 =	vmul.f32 $8.000000000e+00, v2;
	v2 =	vld [tilespmem:s6+$0xE4C0]  }
0x13c: {  	[tilespmem:s6+$0x18460] =	vst v6;
	v5 =	vmul.f32 $8.000000000e+00, v3;
	v3 =	vld [tilespmem:s6+$0xE4D0]  }
0x13d: {  	s20 =	sshra.s32 s21, $0x2;
	s21 =	sadd.s32 $0x400, s21;
	[tilespmem:s6+$0x18470] =	vst v7;
	v6 =	vmul.f32 $8.000000000e+00, v4;
	v4 =	vld [tilespmem:s6+$0xE4E0]  }
0x13e: {  	v7 =	vld [tilespmem:s20+$0xE4F0];
	[tilespmem:s6+$0x18480] =	vst v5;
	v0 =	vmul.f32 $8.000000000e+00, v0  }
0x13f: {  	v5 =	vld [tilespmem:s20+$0xE400];
	[tilespmem:s6+$0x18490] =	vst v6;
	v1 =	vmul.f32 $8.000000000e+00, v1  }
0x140: {  	v6 =	vld [tilespmem:s20+$0xE410];
	[tilespmem:s6+$0x184A0] =	vst v0;
	v2 =	vmul.f32 $8.000000000e+00, v2  }
0x141: {  	v0 =	vld [tilespmem:s20+$0xE420];
	[tilespmem:s6+$0x184B0] =	vst v1;
	v3 =	vmul.f32 $8.000000000e+00, v3  }
0x142: {  	v1 =	vld [tilespmem:s20+$0xE430];
	[tilespmem:s6+$0x184C0] =	vst v2;
	v4 =	vmul.f32 $8.000000000e+00, v4  }
0x143: {  	v2 =	vld [tilespmem:s20+$0xE440];
	[tilespmem:s6+$0x184D0] =	vst v3;
	v7 =	vmul.f32 $8.000000000e+00, v7  }
0x144: {  	v3 =	vld [tilespmem:s20+$0xE450];
	[tilespmem:s6+$0x184E0] =	vst v4;
	v50 =	vmul.f32 $8.000000000e+00, v5  }
0x145: {  	v51 =	vld [tilespmem:s20+$0xE460];
	[tilespmem:s20+$0x184F0] =	vst v7;
	v6 =	vmul.f32 $8.000000000e+00, v6  }
0x146: {  	v52 =	vld [tilespmem:s20+$0xE470];
	[tilespmem:s20+$0x18400] =	vst v50;
	v0 =	vmul.f32 $8.000000000e+00, v0  }
0x147: {  	v53 =	vld [tilespmem:s20+$0xE480];
	[tilespmem:s20+$0x18410] =	vst v6;
	v1 =	vmul.f32 $8.000000000e+00, v1  }
0x148: {  	v54 =	vld [tilespmem:s20+$0xE490];
	[tilespmem:s20+$0x18420] =	vst v0;
	v2 =	vmul.f32 $8.000000000e+00, v2  }
0x149: {  	v55 =	vld [tilespmem:s20+$0xE4A0];
	[tilespmem:s20+$0x18430] =	vst v1;
	v3 =	vmul.f32 $8.000000000e+00, v3  }
0x14a: {  	v56 =	vld [tilespmem:s20+$0xE4B0];
	[tilespmem:s20+$0x18440] =	vst v2;
	v5 =	vmul.f32 $8.000000000e+00, v51  }
0x14b: {  	v57 =	vld [tilespmem:s20+$0xE4C0];
	v4 =	vmul.f32 $8.000000000e+00, v52;
	[tilespmem:s20+$0x18450] =	vst v3  }
0x14c: {  	v58 =	vld [tilespmem:s20+$0xE4D0];
	v6 =	vmul.f32 $8.000000000e+00, v53;
	[tilespmem:s20+$0x18460] =	vst v5  }
0x14d: {  	v59 =	vld [tilespmem:s20+$0xE4E0];
	v0 =	vmul.f32 $8.000000000e+00, v54;
	[tilespmem:s20+$0x18470] =	vst v4  }
0x14e: {  	v1 =	vmul.f32 $8.000000000e+00, v55;
	[tilespmem:s20+$0x18480] =	vst v6  }
0x14f: {  	v60 =	vmul.f32 $8.000000000e+00, v56;
	[tilespmem:s20+$0x18490] =	vst v0  }
0x150: {  	v61 =	vmul.f32 $8.000000000e+00, v57;
	[tilespmem:s20+$0x184A0] =	vst v1  }
0x151: {  	v62 =	vmul.f32 $8.000000000e+00, v58;
	[tilespmem:s20+$0x184B0] =	vst v60  }
0x152: {  	v63 =	vmul.f32 $8.000000000e+00, v59;
	[tilespmem:s20+$0x184C0] =	vst v61  }
0x153: {  	[tilespmem:s20+$0x184D0] =	vst v62  }
0x154: {  	s29 =	rddreg [dreg:$0x8];
	s6 =	simm.s32 $0x1;
	[tilespmem:s20+$0x184E0] =	vst v63  }
0x155: {  	[hbm4b:s29+s3] =	stream.linear.scatter [tilespmem:s11], [sflag:$0xA], $0x2000, $0x38;
	[tilespmem:$0x1A400] =	vst v63  }
.LBB2_12:
0x156: {  	_ =	swait.ge [sflag:s30], $0x2000;
	s20 =	smul.u32 $0x280, s6  }
0x157: {  	[sflag:s30] =	ssyncset.done $0x0  }
0x158: {  	[sflag:s30] =	ssyncadd.s32 $0xFFFFE000;
	s21 =	sadd.s32 $0x200, s20  }
0x159: {  	[tilespmem:s1], [sflag:$0x5] =	stream.indirect.gather [hbm4b:s5+s22], $0x40, s21, s22, $0xb8;
	[tilespmem:$0x1A400] =	vst v63  }
0x15a: {  	_ =	swait.ge [sflag:s15], $0x2000  }
0x15b: {  	[sflag:s15] =	ssyncset.done $0x0  }
0x15c: {  	s23 =	simm.s32 $0x0;
	[sflag:s15] =	ssyncadd.s32 $0xFFFFE000  }
0x15d: {  	v0 =	vld [tilespmem:s23+$0x64F0]  }
0x15e: {  	v1 =	vld [tilespmem:s23+$0x6400]  }
0x15f: {  	v2 =	vld [tilespmem:s23+$0x6410]  }
0x160: {  	v3 =	vld [tilespmem:s23+$0x6420]  }
0x161: {  	v6 =	vld [tilespmem:s23+$0x6450]  }
0x162: {  	v4 =	vld [tilespmem:s23+$0x6430];
	v0 =	vmul.f32 $8.000000000e+00, v0  }
0x163: {  	v5 =	vld [tilespmem:s23+$0x6440];
	v1 =	vmul.f32 $8.000000000e+00, v1  }
0x164: {  	v7 =	vld [tilespmem:s23+$0x6460];
	[tilespmem:s23+$0x104F0] =	vst v0;
	v0 =	vmul.f32 $8.000000000e+00, v2  }
0x165: {  	v8 =	vld [tilespmem:s23+$0x6470];
	[tilespmem:s23+$0x10400] =	vst v1;
	v1 =	vmul.f32 $8.000000000e+00, v3  }
0x166: {  	v2 =	vmul.f32 $8.000000000e+00, v6;
	[tilespmem:s23+$0x10410] =	vst v0  }
0x167: {  	v9 =	vld [tilespmem:s23+$0x6480];
	v0 =	vmul.f32 $8.000000000e+00, v4;
	[tilespmem:s23+$0x10420] =	vst v1  }
0x168: {  	v4 =	vld [tilespmem:s23+$0x6490];
	v1 =	vmul.f32 $8.000000000e+00, v5;
	[tilespmem:s23+$0x10450] =	vst v2  }
0x169: {  	v3 =	vmul.f32 $8.000000000e+00, v7;
	[tilespmem:s23+$0x10430] =	vst v0;
	v0 =	vld [tilespmem:s23+$0x64A0]  }
0x16a: {  	v5 =	vmul.f32 $8.000000000e+00, v8;
	[tilespmem:s23+$0x10440] =	vst v1;
	v1 =	vld [tilespmem:s23+$0x64B0]  }
0x16b: {  	v2 =	vld [tilespmem:s23+$0x64C0];
	[tilespmem:s23+$0x10460] =	vst v3  }
0x16c: {  	v3 =	vld [tilespmem:s23+$0x64D0];
	[tilespmem:s23+$0x10470] =	vst v5;
	v5 =	vmul.f32 $8.000000000e+00, v9  }
0x16d: {  	s24 =	simm.s32 $0x100;
	s26 =	simm.s32 $0x800;
	v6 =	vmul.f32 $8.000000000e+00, v4;
	v4 =	vld [tilespmem:s23+$0x64E0]  }
.LBB2_13:
0x16e: {  	p0 =	sne.s32 s26, $0x7C00;
	v7 =	vld [tilespmem:s24+$0x64F0];
	[tilespmem:s23+$0x10480] =	vst v5;
	v0 =	vmul.f32 $8.000000000e+00, v0  }
0x16f: {  	v5 =	vld [tilespmem:s24+$0x6400];
	[tilespmem:s23+$0x10490] =	vst v6;
	v1 =	vmul.f32 $8.000000000e+00, v1  }
0x170: {  	v6 =	vld [tilespmem:s24+$0x6410];
	[tilespmem:s23+$0x104A0] =	vst v0;
	v0 =	vmul.f32 $8.000000000e+00, v2  }
0x171: {  	v2 =	vld [tilespmem:s24+$0x6420];
	[tilespmem:s23+$0x104B0] =	vst v1;
	v1 =	vmul.f32 $8.000000000e+00, v3  }
0x172: {  	v3 =	vld [tilespmem:s24+$0x6430];
	[tilespmem:s23+$0x104C0] =	vst v0;
	v0 =	vmul.f32 $8.000000000e+00, v4  }
0x173: {  	v4 =	vld [tilespmem:s24+$0x6440];
	v7 =	vmul.f32 $8.000000000e+00, v7;
	[tilespmem:s23+$0x104D0] =	vst v1  }
0x174: {  	v1 =	vmul.f32 $8.000000000e+00, v5;
	v5 =	vld [tilespmem:s24+$0x6450];
	[tilespmem:s23+$0x104E0] =	vst v0;
	s23 =	smov.u32 s24  }
0x175: {  	v0 =	vmul.f32 $8.000000000e+00, v6;
	v6 =	vld [tilespmem:s23+$0x6460];
	[tilespmem:s23+$0x104F0] =	vst v7  }
0x176: {  	[tilespmem:s23+$0x10400] =	vst v1;
	v1 =	vmul.f32 $8.000000000e+00, v2;
	v2 =	vld [tilespmem:s23+$0x6470]  }
0x177: {  	[tilespmem:s23+$0x10410] =	vst v0;
	v0 =	vmul.f32 $8.000000000e+00, v3;
	v3 =	vld [tilespmem:s23+$0x6480]  }
0x178: {  	[tilespmem:s23+$0x10420] =	vst v1;
	v1 =	vmul.f32 $8.000000000e+00, v4;
	v4 =	vld [tilespmem:s23+$0x6490]  }
.Ltmp5:
0x179: {  	[tilespmem:s23+$0x10430] =	vst v0;
	v5 =	vmul.f32 $8.000000000e+00, v5;
	v0 =	vld [tilespmem:s23+$0x64A0];
	(pc) =	sbr.rel @p0 .LBB2_13-.Ltmp5, $4  }
0x17a: {  	[tilespmem:s23+$0x10440] =	vst v1;
	v6 =	vmul.f32 $8.000000000e+00, v6;
	v1 =	vld [tilespmem:s23+$0x64B0]  }
0x17b: {  	[tilespmem:s23+$0x10450] =	vst v5;
	v7 =	vmul.f32 $8.000000000e+00, v2;
	v2 =	vld [tilespmem:s23+$0x64C0]  }
0x17c: {  	[tilespmem:s23+$0x10460] =	vst v6;
	v5 =	vmul.f32 $8.000000000e+00, v3;
	v3 =	vld [tilespmem:s23+$0x64D0]  }
0x17d: {  	s24 =	sshra.s32 s26, $0x2;
	s26 =	sadd.s32 $0x400, s26;
	[tilespmem:s23+$0x10470] =	vst v7;
	v6 =	vmul.f32 $8.000000000e+00, v4;
	v4 =	vld [tilespmem:s23+$0x64E0]  }
0x17e: {  	v7 =	vld [tilespmem:s24+$0x64F0];
	[tilespmem:s23+$0x10480] =	vst v5;
	v0 =	vmul.f32 $8.000000000e+00, v0  }
0x17f: {  	v5 =	vld [tilespmem:s24+$0x6400];
	[tilespmem:s23+$0x10490] =	vst v6;
	v1 =	vmul.f32 $8.000000000e+00, v1  }
0x180: {  	v6 =	vld [tilespmem:s24+$0x6410];
	[tilespmem:s23+$0x104A0] =	vst v0;
	v2 =	vmul.f32 $8.000000000e+00, v2  }
0x181: {  	v0 =	vld [tilespmem:s24+$0x6420];
	[tilespmem:s23+$0x104B0] =	vst v1;
	v3 =	vmul.f32 $8.000000000e+00, v3  }
0x182: {  	v1 =	vld [tilespmem:s24+$0x6430];
	[tilespmem:s23+$0x104C0] =	vst v2;
	v4 =	vmul.f32 $8.000000000e+00, v4  }
0x183: {  	v2 =	vld [tilespmem:s24+$0x6440];
	[tilespmem:s23+$0x104D0] =	vst v3;
	v7 =	vmul.f32 $8.000000000e+00, v7  }
0x184: {  	v3 =	vld [tilespmem:s24+$0x6450];
	[tilespmem:s23+$0x104E0] =	vst v4;
	v4 =	vmul.f32 $8.000000000e+00, v5  }
0x185: {  	v5 =	vld [tilespmem:s24+$0x6460];
	[tilespmem:s24+$0x104F0] =	vst v7;
	v6 =	vmul.f32 $8.000000000e+00, v6  }
0x186: {  	[tilespmem:s24+$0x10400] =	vst v4;
	v4 =	vld [tilespmem:s24+$0x6470];
	v0 =	vmul.f32 $8.000000000e+00, v0  }
0x187: {  	[tilespmem:s24+$0x10410] =	vst v6;
	v6 =	vld [tilespmem:s24+$0x6480];
	v1 =	vmul.f32 $8.000000000e+00, v1  }
0x188: {  	[tilespmem:s24+$0x10420] =	vst v0;
	v0 =	vld [tilespmem:s24+$0x6490];
	v2 =	vmul.f32 $8.000000000e+00, v2  }
0x189: {  	[tilespmem:s24+$0x10430] =	vst v1;
	v1 =	vld [tilespmem:s24+$0x64A0];
	v3 =	vmul.f32 $8.000000000e+00, v3  }
0x18a: {  	[tilespmem:s24+$0x10440] =	vst v2;
	v2 =	vld [tilespmem:s24+$0x64B0];
	v5 =	vmul.f32 $8.000000000e+00, v5  }
0x18b: {  	[tilespmem:s24+$0x10450] =	vst v3;
	v3 =	vld [tilespmem:s24+$0x64C0];
	v4 =	vmul.f32 $8.000000000e+00, v4  }
0x18c: {  	[tilespmem:s24+$0x10460] =	vst v5;
	v5 =	vld [tilespmem:s24+$0x64D0];
	v6 =	vmul.f32 $8.000000000e+00, v6  }
0x18d: {  	[tilespmem:s24+$0x10470] =	vst v4;
	v0 =	vmul.f32 $8.000000000e+00, v0;
	v4 =	vld [tilespmem:s24+$0x64E0]  }
0x18e: {  	[tilespmem:s24+$0x10480] =	vst v6;
	v1 =	vmul.f32 $8.000000000e+00, v1  }
0x18f: {  	[tilespmem:s24+$0x10490] =	vst v0;
	v0 =	vmul.f32 $8.000000000e+00, v2  }
0x190: {  	[tilespmem:s24+$0x104A0] =	vst v1;
	v1 =	vmul.f32 $8.000000000e+00, v3  }
0x191: {  	s26 =	sadd.s32 s4, s20;
	[tilespmem:s24+$0x104B0] =	vst v0;
	v0 =	vmul.f32 $8.000000000e+00, v5  }
0x192: {  	s23 =	sshll.u32 s26, $0x3;
	[tilespmem:s24+$0x104C0] =	vst v1;
	v1 =	vmul.f32 $8.000000000e+00, v4  }
0x193: {  	s23 =	sand.u32 $0x1FFFFC00, s23;
	[tilespmem:s24+$0x104D0] =	vst v0  }
0x194: {  	s26 =	simm.s32 $0x0;
	s23 =	sadd.s32 s2, s23;
	[tilespmem:s24+$0x104E0] =	vst v1  }
0x195: {  	[hbm4b:s23+s26] =	stream.linear.scatter [tilespmem:s0], [sflag:$0x6], $0x2000, $0x38;
	[tilespmem:$0x1A400] =	vst v63  }
0x196: {  	s26 =	smul.u32 $0xA00, s6  }
0x197: {  	_ =	swait.ge [sflag:s25], $0x2000  }
0x198: {  	[sflag:s25] =	ssyncset.done $0x0;
	s23 =	sshra.s32 s26, $0x2  }
0x199: {  	s26 =	simm.s32 $0x6400;
	[sflag:s25] =	ssyncadd.s32 $0xFFFFE000;
	s24 =	sadd.s32 $0x280, s23  }
0x19a: {  	[tilespmem:s26], [sflag:$0x1] =	stream.indirect.gather [hbm4b:s5+s22], $0x40, s24, s22, $0xb8;
	[tilespmem:$0x1A400] =	vst v63  }
0x19b: {  	_ =	swait.ge [sflag:s16], $0x2000  }
0x19c: {  	[sflag:s16] =	ssyncset.done $0x0  }
0x19d: {  	s24 =	simm.s32 $0x0;
	[sflag:s16] =	ssyncadd.s32 $0xFFFFE000  }
0x19e: {  	v0 =	vld [tilespmem:s24+$0x84F0]  }
0x19f: {  	v1 =	vld [tilespmem:s24+$0x8400]  }
0x1a0: {  	v2 =	vld [tilespmem:s24+$0x8410]  }
0x1a1: {  	v3 =	vld [tilespmem:s24+$0x8420]  }
0x1a2: {  	v6 =	vld [tilespmem:s24+$0x8450]  }
0x1a3: {  	v4 =	vld [tilespmem:s24+$0x8430];
	v0 =	vmul.f32 $8.000000000e+00, v0  }
0x1a4: {  	v5 =	vld [tilespmem:s24+$0x8440];
	v1 =	vmul.f32 $8.000000000e+00, v1  }
0x1a5: {  	v7 =	vld [tilespmem:s24+$0x8460];
	[tilespmem:s24+$0x124F0] =	vst v0;
	v0 =	vmul.f32 $8.000000000e+00, v2  }
0x1a6: {  	v8 =	vld [tilespmem:s24+$0x8470];
	[tilespmem:s24+$0x12400] =	vst v1;
	v1 =	vmul.f32 $8.000000000e+00, v3  }
0x1a7: {  	v2 =	vmul.f32 $8.000000000e+00, v6;
	[tilespmem:s24+$0x12410] =	vst v0  }
0x1a8: {  	v9 =	vld [tilespmem:s24+$0x8480];
	v0 =	vmul.f32 $8.000000000e+00, v4;
	[tilespmem:s24+$0x12420] =	vst v1  }
0x1a9: {  	v4 =	vld [tilespmem:s24+$0x8490];
	v1 =	vmul.f32 $8.000000000e+00, v5;
	[tilespmem:s24+$0x12450] =	vst v2  }
0x1aa: {  	v3 =	vmul.f32 $8.000000000e+00, v7;
	[tilespmem:s24+$0x12430] =	vst v0;
	v0 =	vld [tilespmem:s24+$0x84A0]  }
0x1ab: {  	v5 =	vmul.f32 $8.000000000e+00, v8;
	[tilespmem:s24+$0x12440] =	vst v1;
	v1 =	vld [tilespmem:s24+$0x84B0]  }
0x1ac: {  	v2 =	vld [tilespmem:s24+$0x84C0];
	[tilespmem:s24+$0x12460] =	vst v3  }
0x1ad: {  	v3 =	vld [tilespmem:s24+$0x84D0];
	[tilespmem:s24+$0x12470] =	vst v5;
	v5 =	vmul.f32 $8.000000000e+00, v9  }
0x1ae: {  	s29 =	simm.s32 $0x800;
	s26 =	simm.s32 $0x100;
	v6 =	vmul.f32 $8.000000000e+00, v4;
	v4 =	vld [tilespmem:s24+$0x84E0]  }
.LBB2_15:
0x1af: {  	p0 =	sne.s32 s29, $0x7C00;
	v7 =	vld [tilespmem:s26+$0x84F0];
	[tilespmem:s24+$0x12480] =	vst v5;
	v0 =	vmul.f32 $8.000000000e+00, v0  }
0x1b0: {  	v5 =	vld [tilespmem:s26+$0x8400];
	[tilespmem:s24+$0x12490] =	vst v6;
	v1 =	vmul.f32 $8.000000000e+00, v1  }
0x1b1: {  	v6 =	vld [tilespmem:s26+$0x8410];
	[tilespmem:s24+$0x124A0] =	vst v0;
	v0 =	vmul.f32 $8.000000000e+00, v2  }
0x1b2: {  	v2 =	vld [tilespmem:s26+$0x8420];
	[tilespmem:s24+$0x124B0] =	vst v1;
	v1 =	vmul.f32 $8.000000000e+00, v3  }
0x1b3: {  	v3 =	vld [tilespmem:s26+$0x8430];
	[tilespmem:s24+$0x124C0] =	vst v0;
	v0 =	vmul.f32 $8.000000000e+00, v4  }
0x1b4: {  	v4 =	vld [tilespmem:s26+$0x8440];
	v7 =	vmul.f32 $8.000000000e+00, v7;
	[tilespmem:s24+$0x124D0] =	vst v1  }
0x1b5: {  	v1 =	vmul.f32 $8.000000000e+00, v5;
	v5 =	vld [tilespmem:s26+$0x8450];
	[tilespmem:s24+$0x124E0] =	vst v0;
	s24 =	smov.u32 s26  }
0x1b6: {  	v0 =	vmul.f32 $8.000000000e+00, v6;
	v6 =	vld [tilespmem:s24+$0x8460];
	[tilespmem:s24+$0x124F0] =	vst v7  }
0x1b7: {  	[tilespmem:s24+$0x12400] =	vst v1;
	v1 =	vmul.f32 $8.000000000e+00, v2;
	v2 =	vld [tilespmem:s24+$0x8470]  }
0x1b8: {  	[tilespmem:s24+$0x12410] =	vst v0;
	v0 =	vmul.f32 $8.000000000e+00, v3;
	v3 =	vld [tilespmem:s24+$0x8480]  }
0x1b9: {  	[tilespmem:s24+$0x12420] =	vst v1;
	v1 =	vmul.f32 $8.000000000e+00, v4;
	v4 =	vld [tilespmem:s24+$0x8490]  }
.Ltmp6:
0x1ba: {  	[tilespmem:s24+$0x12430] =	vst v0;
	v5 =	vmul.f32 $8.000000000e+00, v5;
	v0 =	vld [tilespmem:s24+$0x84A0];
	(pc) =	sbr.rel @p0 .LBB2_15-.Ltmp6, $4  }
0x1bb: {  	[tilespmem:s24+$0x12440] =	vst v1;
	v6 =	vmul.f32 $8.000000000e+00, v6;
	v1 =	vld [tilespmem:s24+$0x84B0]  }
0x1bc: {  	[tilespmem:s24+$0x12450] =	vst v5;
	v7 =	vmul.f32 $8.000000000e+00, v2;
	v2 =	vld [tilespmem:s24+$0x84C0]  }
0x1bd: {  	[tilespmem:s24+$0x12460] =	vst v6;
	v5 =	vmul.f32 $8.000000000e+00, v3;
	v3 =	vld [tilespmem:s24+$0x84D0]  }
0x1be: {  	s26 =	sshra.s32 s29, $0x2;
	s29 =	sadd.s32 $0x400, s29;
	[tilespmem:s24+$0x12470] =	vst v7;
	v6 =	vmul.f32 $8.000000000e+00, v4;
	v4 =	vld [tilespmem:s24+$0x84E0]  }
0x1bf: {  	v7 =	vld [tilespmem:s26+$0x84F0];
	[tilespmem:s24+$0x12480] =	vst v5;
	v0 =	vmul.f32 $8.000000000e+00, v0  }
0x1c0: {  	v5 =	vld [tilespmem:s26+$0x8400];
	[tilespmem:s24+$0x12490] =	vst v6;
	v1 =	vmul.f32 $8.000000000e+00, v1  }
0x1c1: {  	v6 =	vld [tilespmem:s26+$0x8410];
	[tilespmem:s24+$0x124A0] =	vst v0;
	v2 =	vmul.f32 $8.000000000e+00, v2  }
0x1c2: {  	v0 =	vld [tilespmem:s26+$0x8420];
	[tilespmem:s24+$0x124B0] =	vst v1;
	v3 =	vmul.f32 $8.000000000e+00, v3  }
0x1c3: {  	v1 =	vld [tilespmem:s26+$0x8430];
	[tilespmem:s24+$0x124C0] =	vst v2;
	v4 =	vmul.f32 $8.000000000e+00, v4  }
0x1c4: {  	v2 =	vld [tilespmem:s26+$0x8440];
	[tilespmem:s24+$0x124D0] =	vst v3;
	v7 =	vmul.f32 $8.000000000e+00, v7  }
0x1c5: {  	v3 =	vld [tilespmem:s26+$0x8450];
	[tilespmem:s24+$0x124E0] =	vst v4;
	v4 =	vmul.f32 $8.000000000e+00, v5  }
0x1c6: {  	v5 =	vld [tilespmem:s26+$0x8460];
	[tilespmem:s26+$0x124F0] =	vst v7;
	v6 =	vmul.f32 $8.000000000e+00, v6  }
0x1c7: {  	[tilespmem:s26+$0x12400] =	vst v4;
	v4 =	vld [tilespmem:s26+$0x8470];
	v0 =	vmul.f32 $8.000000000e+00, v0  }
0x1c8: {  	[tilespmem:s26+$0x12410] =	vst v6;
	v6 =	vld [tilespmem:s26+$0x8480];
	v1 =	vmul.f32 $8.000000000e+00, v1  }
0x1c9: {  	[tilespmem:s26+$0x12420] =	vst v0;
	v0 =	vld [tilespmem:s26+$0x8490];
	v2 =	vmul.f32 $8.000000000e+00, v2  }
0x1ca: {  	[tilespmem:s26+$0x12430] =	vst v1;
	v1 =	vld [tilespmem:s26+$0x84A0];
	v3 =	vmul.f32 $8.000000000e+00, v3  }
0x1cb: {  	[tilespmem:s26+$0x12440] =	vst v2;
	v2 =	vld [tilespmem:s26+$0x84B0];
	v5 =	vmul.f32 $8.000000000e+00, v5  }
0x1cc: {  	[tilespmem:s26+$0x12450] =	vst v3;
	v3 =	vld [tilespmem:s26+$0x84C0];
	v4 =	vmul.f32 $8.000000000e+00, v4  }
0x1cd: {  	[tilespmem:s26+$0x12460] =	vst v5;
	v5 =	vld [tilespmem:s26+$0x84D0];
	v6 =	vmul.f32 $8.000000000e+00, v6  }
0x1ce: {  	[tilespmem:s26+$0x12470] =	vst v4;
	v0 =	vmul.f32 $8.000000000e+00, v0;
	v4 =	vld [tilespmem:s26+$0x84E0]  }
0x1cf: {  	[tilespmem:s26+$0x12480] =	vst v6;
	v1 =	vmul.f32 $8.000000000e+00, v1  }
0x1d0: {  	[tilespmem:s26+$0x12490] =	vst v0;
	v0 =	vmul.f32 $8.000000000e+00, v2  }
0x1d1: {  	[tilespmem:s26+$0x124A0] =	vst v1;
	v1 =	vmul.f32 $8.000000000e+00, v3  }
0x1d2: {  	s24 =	sadd.s32 s20, s12;
	[tilespmem:s26+$0x124B0] =	vst v0;
	v0 =	vmul.f32 $8.000000000e+00, v5  }
0x1d3: {  	s24 =	sshll.u32 s24, $0x3;
	[tilespmem:s26+$0x124C0] =	vst v1;
	v1 =	vmul.f32 $8.000000000e+00, v4  }
0x1d4: {  	s24 =	sand.u32 $0x1FFFFC00, s24;
	[tilespmem:s26+$0x124D0] =	vst v0  }
0x1d5: {  	s24 =	sadd.s32 s2, s24;
	[tilespmem:s26+$0x124E0] =	vst v1;
	s26 =	simm.s32 $0x0  }
0x1d6: {  	[hbm4b:s24+s26] =	stream.linear.scatter [tilespmem:s31], [sflag:$0x7], $0x2000, $0x38;
	[tilespmem:$0x1A400] =	vst v63  }
0x1d7: {  	_ =	swait.ge [sflag:s28], $0x2000  }
0x1d8: {  	[sflag:s28] =	ssyncset.done $0x0  }
0x1d9: {  	s24 =	sadd.s32 $0x300, s23;
	s26 =	simm.s32 $0x8400;
	[sflag:s28] =	ssyncadd.s32 $0xFFFFE000  }
0x1da: {  	[tilespmem:s26], [sflag:$0x2] =	stream.indirect.gather [hbm4b:s5+s22], $0x40, s24, s22, $0xb8;
	[tilespmem:$0x1A400] =	vst v63  }
0x1db: {  	_ =	swait.ge [sflag:s17], $0x2000  }
0x1dc: {  	[sflag:s17] =	ssyncset.done $0x0  }
0x1dd: {  	s24 =	simm.s32 $0x0;
	[sflag:s17] =	ssyncadd.s32 $0xFFFFE000  }
0x1de: {  	v0 =	vld [tilespmem:s24+$0xA4F0]  }
0x1df: {  	v1 =	vld [tilespmem:s24+$0xA400]  }
0x1e0: {  	v2 =	vld [tilespmem:s24+$0xA410]  }
0x1e1: {  	v3 =	vld [tilespmem:s24+$0xA420]  }
0x1e2: {  	v6 =	vld [tilespmem:s24+$0xA450]  }
0x1e3: {  	v4 =	vld [tilespmem:s24+$0xA430];
	v0 =	vmul.f32 $8.000000000e+00, v0  }
0x1e4: {  	v5 =	vld [tilespmem:s24+$0xA440];
	v1 =	vmul.f32 $8.000000000e+00, v1  }
0x1e5: {  	v7 =	vld [tilespmem:s24+$0xA460];
	[tilespmem:s24+$0x144F0] =	vst v0;
	v0 =	vmul.f32 $8.000000000e+00, v2  }
0x1e6: {  	v8 =	vld [tilespmem:s24+$0xA470];
	[tilespmem:s24+$0x14400] =	vst v1;
	v1 =	vmul.f32 $8.000000000e+00, v3  }
0x1e7: {  	v2 =	vmul.f32 $8.000000000e+00, v6;
	[tilespmem:s24+$0x14410] =	vst v0  }
0x1e8: {  	v9 =	vld [tilespmem:s24+$0xA480];
	v0 =	vmul.f32 $8.000000000e+00, v4;
	[tilespmem:s24+$0x14420] =	vst v1  }
0x1e9: {  	v4 =	vld [tilespmem:s24+$0xA490];
	v1 =	vmul.f32 $8.000000000e+00, v5;
	[tilespmem:s24+$0x14450] =	vst v2  }
0x1ea: {  	v3 =	vmul.f32 $8.000000000e+00, v7;
	[tilespmem:s24+$0x14430] =	vst v0;
	v0 =	vld [tilespmem:s24+$0xA4A0]  }
0x1eb: {  	v5 =	vmul.f32 $8.000000000e+00, v8;
	[tilespmem:s24+$0x14440] =	vst v1;
	v1 =	vld [tilespmem:s24+$0xA4B0]  }
0x1ec: {  	v2 =	vld [tilespmem:s24+$0xA4C0];
	[tilespmem:s24+$0x14460] =	vst v3  }
0x1ed: {  	v3 =	vld [tilespmem:s24+$0xA4D0];
	[tilespmem:s24+$0x14470] =	vst v5;
	v5 =	vmul.f32 $8.000000000e+00, v9  }
0x1ee: {  	s29 =	simm.s32 $0x800;
	s26 =	simm.s32 $0x100;
	v6 =	vmul.f32 $8.000000000e+00, v4;
	v4 =	vld [tilespmem:s24+$0xA4E0]  }
.LBB2_17:
0x1ef: {  	p0 =	sne.s32 s29, $0x7C00;
	v7 =	vld [tilespmem:s26+$0xA4F0];
	[tilespmem:s24+$0x14480] =	vst v5;
	v0 =	vmul.f32 $8.000000000e+00, v0  }
0x1f0: {  	v5 =	vld [tilespmem:s26+$0xA400];
	[tilespmem:s24+$0x14490] =	vst v6;
	v1 =	vmul.f32 $8.000000000e+00, v1  }
0x1f1: {  	v6 =	vld [tilespmem:s26+$0xA410];
	[tilespmem:s24+$0x144A0] =	vst v0;
	v0 =	vmul.f32 $8.000000000e+00, v2  }
0x1f2: {  	v2 =	vld [tilespmem:s26+$0xA420];
	[tilespmem:s24+$0x144B0] =	vst v1;
	v1 =	vmul.f32 $8.000000000e+00, v3  }
0x1f3: {  	v3 =	vld [tilespmem:s26+$0xA430];
	[tilespmem:s24+$0x144C0] =	vst v0;
	v0 =	vmul.f32 $8.000000000e+00, v4  }
0x1f4: {  	v4 =	vld [tilespmem:s26+$0xA440];
	v7 =	vmul.f32 $8.000000000e+00, v7;
	[tilespmem:s24+$0x144D0] =	vst v1  }
0x1f5: {  	v1 =	vmul.f32 $8.000000000e+00, v5;
	v5 =	vld [tilespmem:s26+$0xA450];
	[tilespmem:s24+$0x144E0] =	vst v0;
	s24 =	smov.u32 s26  }
0x1f6: {  	v0 =	vmul.f32 $8.000000000e+00, v6;
	v6 =	vld [tilespmem:s24+$0xA460];
	[tilespmem:s24+$0x144F0] =	vst v7  }
0x1f7: {  	[tilespmem:s24+$0x14400] =	vst v1;
	v1 =	vmul.f32 $8.000000000e+00, v2;
	v2 =	vld [tilespmem:s24+$0xA470]  }
0x1f8: {  	[tilespmem:s24+$0x14410] =	vst v0;
	v0 =	vmul.f32 $8.000000000e+00, v3;
	v3 =	vld [tilespmem:s24+$0xA480]  }
0x1f9: {  	[tilespmem:s24+$0x14420] =	vst v1;
	v1 =	vmul.f32 $8.000000000e+00, v4;
	v4 =	vld [tilespmem:s24+$0xA490]  }
.Ltmp7:
0x1fa: {  	[tilespmem:s24+$0x14430] =	vst v0;
	v5 =	vmul.f32 $8.000000000e+00, v5;
	v0 =	vld [tilespmem:s24+$0xA4A0];
	(pc) =	sbr.rel @p0 .LBB2_17-.Ltmp7, $4  }
0x1fb: {  	[tilespmem:s24+$0x14440] =	vst v1;
	v6 =	vmul.f32 $8.000000000e+00, v6;
	v1 =	vld [tilespmem:s24+$0xA4B0]  }
0x1fc: {  	[tilespmem:s24+$0x14450] =	vst v5;
	v7 =	vmul.f32 $8.000000000e+00, v2;
	v2 =	vld [tilespmem:s24+$0xA4C0]  }
0x1fd: {  	[tilespmem:s24+$0x14460] =	vst v6;
	v5 =	vmul.f32 $8.000000000e+00, v3;
	v3 =	vld [tilespmem:s24+$0xA4D0]  }
0x1fe: {  	s26 =	sshra.s32 s29, $0x2;
	s29 =	sadd.s32 $0x400, s29;
	[tilespmem:s24+$0x14470] =	vst v7;
	v6 =	vmul.f32 $8.000000000e+00, v4;
	v4 =	vld [tilespmem:s24+$0xA4E0]  }
0x1ff: {  	v7 =	vld [tilespmem:s26+$0xA4F0];
	[tilespmem:s24+$0x14480] =	vst v5;
	v0 =	vmul.f32 $8.000000000e+00, v0  }
0x200: {  	v5 =	vld [tilespmem:s26+$0xA400];
	[tilespmem:s24+$0x14490] =	vst v6;
	v1 =	vmul.f32 $8.000000000e+00, v1  }
0x201: {  	v6 =	vld [tilespmem:s26+$0xA410];
	[tilespmem:s24+$0x144A0] =	vst v0;
	v2 =	vmul.f32 $8.000000000e+00, v2  }
0x202: {  	v0 =	vld [tilespmem:s26+$0xA420];
	[tilespmem:s24+$0x144B0] =	vst v1;
	v3 =	vmul.f32 $8.000000000e+00, v3  }
0x203: {  	v1 =	vld [tilespmem:s26+$0xA430];
	[tilespmem:s24+$0x144C0] =	vst v2;
	v4 =	vmul.f32 $8.000000000e+00, v4  }
0x204: {  	v2 =	vld [tilespmem:s26+$0xA440];
	[tilespmem:s24+$0x144D0] =	vst v3;
	v7 =	vmul.f32 $8.000000000e+00, v7  }
0x205: {  	v3 =	vld [tilespmem:s26+$0xA450];
	[tilespmem:s24+$0x144E0] =	vst v4;
	v4 =	vmul.f32 $8.000000000e+00, v5  }
0x206: {  	v5 =	vld [tilespmem:s26+$0xA460];
	[tilespmem:s26+$0x144F0] =	vst v7;
	v6 =	vmul.f32 $8.000000000e+00, v6  }
0x207: {  	[tilespmem:s26+$0x14400] =	vst v4;
	v4 =	vld [tilespmem:s26+$0xA470];
	v0 =	vmul.f32 $8.000000000e+00, v0  }
0x208: {  	[tilespmem:s26+$0x14410] =	vst v6;
	v6 =	vld [tilespmem:s26+$0xA480];
	v1 =	vmul.f32 $8.000000000e+00, v1  }
0x209: {  	[tilespmem:s26+$0x14420] =	vst v0;
	v0 =	vld [tilespmem:s26+$0xA490];
	v2 =	vmul.f32 $8.000000000e+00, v2  }
0x20a: {  	[tilespmem:s26+$0x14430] =	vst v1;
	v1 =	vld [tilespmem:s26+$0xA4A0];
	v3 =	vmul.f32 $8.000000000e+00, v3  }
0x20b: {  	[tilespmem:s26+$0x14440] =	vst v2;
	v2 =	vld [tilespmem:s26+$0xA4B0];
	v5 =	vmul.f32 $8.000000000e+00, v5  }
0x20c: {  	[tilespmem:s26+$0x14450] =	vst v3;
	v3 =	vld [tilespmem:s26+$0xA4C0];
	v4 =	vmul.f32 $8.000000000e+00, v4  }
0x20d: {  	[tilespmem:s26+$0x14460] =	vst v5;
	v5 =	vld [tilespmem:s26+$0xA4D0];
	v6 =	vmul.f32 $8.000000000e+00, v6  }
0x20e: {  	[tilespmem:s26+$0x14470] =	vst v4;
	v0 =	vmul.f32 $8.000000000e+00, v0;
	v4 =	vld [tilespmem:s26+$0xA4E0]  }
0x20f: {  	[tilespmem:s26+$0x14480] =	vst v6;
	v1 =	vmul.f32 $8.000000000e+00, v1  }
0x210: {  	[tilespmem:s26+$0x14490] =	vst v0;
	v0 =	vmul.f32 $8.000000000e+00, v2  }
0x211: {  	[tilespmem:s26+$0x144A0] =	vst v1;
	v1 =	vmul.f32 $8.000000000e+00, v3  }
0x212: {  	s24 =	sadd.s32 s20, s13;
	[tilespmem:s26+$0x144B0] =	vst v0;
	v0 =	vmul.f32 $8.000000000e+00, v5  }
0x213: {  	s24 =	sshll.u32 s24, $0x3;
	[tilespmem:s26+$0x144C0] =	vst v1;
	v1 =	vmul.f32 $8.000000000e+00, v4  }
0x214: {  	s24 =	sand.u32 $0x1FFFFC00, s24;
	[tilespmem:s26+$0x144D0] =	vst v0  }
0x215: {  	s24 =	sadd.s32 s2, s24;
	[tilespmem:s26+$0x144E0] =	vst v1;
	s26 =	simm.s32 $0x0  }
0x216: {  	[hbm4b:s24+s26] =	stream.linear.scatter [tilespmem:s7], [sflag:$0x8], $0x2000, $0x38;
	[tilespmem:$0x1A400] =	vst v63  }
0x217: {  	_ =	swait.ge [sflag:s8], $0x2000  }
0x218: {  	[sflag:s8] =	ssyncset.done $0x0  }
0x219: {  	s24 =	sadd.s32 $0x380, s23;
	s26 =	simm.s32 $0xA400;
	[sflag:s8] =	ssyncadd.s32 $0xFFFFE000  }
0x21a: {  	[tilespmem:s26], [sflag:$0x3] =	stream.indirect.gather [hbm4b:s5+s22], $0x40, s24, s22, $0xb8;
	[tilespmem:$0x1A400] =	vst v63  }
0x21b: {  	_ =	swait.ge [sflag:s18], $0x2000  }
0x21c: {  	[sflag:s18] =	ssyncset.done $0x0  }
0x21d: {  	s24 =	simm.s32 $0x0;
	[sflag:s18] =	ssyncadd.s32 $0xFFFFE000  }
0x21e: {  	v0 =	vld [tilespmem:s24+$0xC4F0]  }
0x21f: {  	v1 =	vld [tilespmem:s24+$0xC400]  }
0x220: {  	v2 =	vld [tilespmem:s24+$0xC410]  }
0x221: {  	v3 =	vld [tilespmem:s24+$0xC420]  }
0x222: {  	v6 =	vld [tilespmem:s24+$0xC450]  }
0x223: {  	v4 =	vld [tilespmem:s24+$0xC430];
	v0 =	vmul.f32 $8.000000000e+00, v0  }
0x224: {  	v5 =	vld [tilespmem:s24+$0xC440];
	v1 =	vmul.f32 $8.000000000e+00, v1  }
0x225: {  	v7 =	vld [tilespmem:s24+$0xC460];
	[tilespmem:s24+$0x164F0] =	vst v0;
	v0 =	vmul.f32 $8.000000000e+00, v2  }
0x226: {  	v8 =	vld [tilespmem:s24+$0xC470];
	[tilespmem:s24+$0x16400] =	vst v1;
	v1 =	vmul.f32 $8.000000000e+00, v3  }
0x227: {  	v2 =	vmul.f32 $8.000000000e+00, v6;
	[tilespmem:s24+$0x16410] =	vst v0  }
0x228: {  	v9 =	vld [tilespmem:s24+$0xC480];
	v0 =	vmul.f32 $8.000000000e+00, v4;
	[tilespmem:s24+$0x16420] =	vst v1  }
0x229: {  	v4 =	vld [tilespmem:s24+$0xC490];
	v1 =	vmul.f32 $8.000000000e+00, v5;
	[tilespmem:s24+$0x16450] =	vst v2  }
0x22a: {  	v3 =	vmul.f32 $8.000000000e+00, v7;
	[tilespmem:s24+$0x16430] =	vst v0;
	v0 =	vld [tilespmem:s24+$0xC4A0]  }
0x22b: {  	v5 =	vmul.f32 $8.000000000e+00, v8;
	[tilespmem:s24+$0x16440] =	vst v1;
	v1 =	vld [tilespmem:s24+$0xC4B0]  }
0x22c: {  	v2 =	vld [tilespmem:s24+$0xC4C0];
	[tilespmem:s24+$0x16460] =	vst v3  }
0x22d: {  	v3 =	vld [tilespmem:s24+$0xC4D0];
	[tilespmem:s24+$0x16470] =	vst v5;
	v5 =	vmul.f32 $8.000000000e+00, v9  }
0x22e: {  	s29 =	simm.s32 $0x800;
	s26 =	simm.s32 $0x100;
	v6 =	vmul.f32 $8.000000000e+00, v4;
	v4 =	vld [tilespmem:s24+$0xC4E0]  }
.LBB2_19:
0x22f: {  	p0 =	sne.s32 s29, $0x7C00;
	v7 =	vld [tilespmem:s26+$0xC4F0];
	[tilespmem:s24+$0x16480] =	vst v5;
	v0 =	vmul.f32 $8.000000000e+00, v0  }
0x230: {  	v5 =	vld [tilespmem:s26+$0xC400];
	[tilespmem:s24+$0x16490] =	vst v6;
	v1 =	vmul.f32 $8.000000000e+00, v1  }
0x231: {  	v6 =	vld [tilespmem:s26+$0xC410];
	[tilespmem:s24+$0x164A0] =	vst v0;
	v0 =	vmul.f32 $8.000000000e+00, v2  }
0x232: {  	v2 =	vld [tilespmem:s26+$0xC420];
	[tilespmem:s24+$0x164B0] =	vst v1;
	v1 =	vmul.f32 $8.000000000e+00, v3  }
0x233: {  	v3 =	vld [tilespmem:s26+$0xC430];
	[tilespmem:s24+$0x164C0] =	vst v0;
	v0 =	vmul.f32 $8.000000000e+00, v4  }
0x234: {  	v4 =	vld [tilespmem:s26+$0xC440];
	v7 =	vmul.f32 $8.000000000e+00, v7;
	[tilespmem:s24+$0x164D0] =	vst v1  }
0x235: {  	v1 =	vmul.f32 $8.000000000e+00, v5;
	v5 =	vld [tilespmem:s26+$0xC450];
	[tilespmem:s24+$0x164E0] =	vst v0;
	s24 =	smov.u32 s26  }
0x236: {  	v0 =	vmul.f32 $8.000000000e+00, v6;
	v6 =	vld [tilespmem:s24+$0xC460];
	[tilespmem:s24+$0x164F0] =	vst v7  }
0x237: {  	[tilespmem:s24+$0x16400] =	vst v1;
	v1 =	vmul.f32 $8.000000000e+00, v2;
	v2 =	vld [tilespmem:s24+$0xC470]  }
0x238: {  	[tilespmem:s24+$0x16410] =	vst v0;
	v0 =	vmul.f32 $8.000000000e+00, v3;
	v3 =	vld [tilespmem:s24+$0xC480]  }
0x239: {  	[tilespmem:s24+$0x16420] =	vst v1;
	v1 =	vmul.f32 $8.000000000e+00, v4;
	v4 =	vld [tilespmem:s24+$0xC490]  }
.Ltmp8:
0x23a: {  	[tilespmem:s24+$0x16430] =	vst v0;
	v5 =	vmul.f32 $8.000000000e+00, v5;
	v0 =	vld [tilespmem:s24+$0xC4A0];
	(pc) =	sbr.rel @p0 .LBB2_19-.Ltmp8, $4  }
0x23b: {  	[tilespmem:s24+$0x16440] =	vst v1;
	v6 =	vmul.f32 $8.000000000e+00, v6;
	v1 =	vld [tilespmem:s24+$0xC4B0]  }
0x23c: {  	[tilespmem:s24+$0x16450] =	vst v5;
	v7 =	vmul.f32 $8.000000000e+00, v2;
	v2 =	vld [tilespmem:s24+$0xC4C0]  }
0x23d: {  	[tilespmem:s24+$0x16460] =	vst v6;
	v5 =	vmul.f32 $8.000000000e+00, v3;
	v3 =	vld [tilespmem:s24+$0xC4D0]  }
0x23e: {  	s26 =	sshra.s32 s29, $0x2;
	s29 =	sadd.s32 $0x400, s29;
	[tilespmem:s24+$0x16470] =	vst v7;
	v6 =	vmul.f32 $8.000000000e+00, v4;
	v4 =	vld [tilespmem:s24+$0xC4E0]  }
0x23f: {  	v7 =	vld [tilespmem:s26+$0xC4F0];
	[tilespmem:s24+$0x16480] =	vst v5;
	v0 =	vmul.f32 $8.000000000e+00, v0  }
0x240: {  	v5 =	vld [tilespmem:s26+$0xC400];
	[tilespmem:s24+$0x16490] =	vst v6;
	v1 =	vmul.f32 $8.000000000e+00, v1  }
0x241: {  	v6 =	vld [tilespmem:s26+$0xC410];
	[tilespmem:s24+$0x164A0] =	vst v0;
	v2 =	vmul.f32 $8.000000000e+00, v2  }
0x242: {  	v0 =	vld [tilespmem:s26+$0xC420];
	[tilespmem:s24+$0x164B0] =	vst v1;
	v3 =	vmul.f32 $8.000000000e+00, v3  }
0x243: {  	v1 =	vld [tilespmem:s26+$0xC430];
	[tilespmem:s24+$0x164C0] =	vst v2;
	v4 =	vmul.f32 $8.000000000e+00, v4  }
0x244: {  	v2 =	vld [tilespmem:s26+$0xC440];
	[tilespmem:s24+$0x164D0] =	vst v3;
	v7 =	vmul.f32 $8.000000000e+00, v7  }
0x245: {  	v3 =	vld [tilespmem:s26+$0xC450];
	[tilespmem:s24+$0x164E0] =	vst v4;
	v4 =	vmul.f32 $8.000000000e+00, v5  }
0x246: {  	v5 =	vld [tilespmem:s26+$0xC460];
	[tilespmem:s26+$0x164F0] =	vst v7;
	v6 =	vmul.f32 $8.000000000e+00, v6  }
0x247: {  	[tilespmem:s26+$0x16400] =	vst v4;
	v4 =	vld [tilespmem:s26+$0xC470];
	v0 =	vmul.f32 $8.000000000e+00, v0  }
0x248: {  	[tilespmem:s26+$0x16410] =	vst v6;
	v6 =	vld [tilespmem:s26+$0xC480];
	v1 =	vmul.f32 $8.000000000e+00, v1  }
0x249: {  	[tilespmem:s26+$0x16420] =	vst v0;
	v0 =	vld [tilespmem:s26+$0xC490];
	v2 =	vmul.f32 $8.000000000e+00, v2  }
0x24a: {  	[tilespmem:s26+$0x16430] =	vst v1;
	v1 =	vld [tilespmem:s26+$0xC4A0];
	v3 =	vmul.f32 $8.000000000e+00, v3  }
0x24b: {  	[tilespmem:s26+$0x16440] =	vst v2;
	v2 =	vld [tilespmem:s26+$0xC4B0];
	v5 =	vmul.f32 $8.000000000e+00, v5  }
0x24c: {  	[tilespmem:s26+$0x16450] =	vst v3;
	v3 =	vld [tilespmem:s26+$0xC4C0];
	v4 =	vmul.f32 $8.000000000e+00, v4  }
0x24d: {  	[tilespmem:s26+$0x16460] =	vst v5;
	v5 =	vld [tilespmem:s26+$0xC4D0];
	v6 =	vmul.f32 $8.000000000e+00, v6  }
0x24e: {  	[tilespmem:s26+$0x16470] =	vst v4;
	v0 =	vmul.f32 $8.000000000e+00, v0;
	v4 =	vld [tilespmem:s26+$0xC4E0]  }
0x24f: {  	[tilespmem:s26+$0x16480] =	vst v6;
	v1 =	vmul.f32 $8.000000000e+00, v1  }
0x250: {  	[tilespmem:s26+$0x16490] =	vst v0;
	v0 =	vmul.f32 $8.000000000e+00, v2  }
0x251: {  	[tilespmem:s26+$0x164A0] =	vst v1;
	v1 =	vmul.f32 $8.000000000e+00, v3  }
0x252: {  	[tilespmem:s26+$0x164B0] =	vst v0;
	v0 =	vmul.f32 $8.000000000e+00, v5  }
0x253: {  	s20 =	sadd.s32 s20, s14;
	[tilespmem:s26+$0x164C0] =	vst v1;
	v1 =	vmul.f32 $8.000000000e+00, v4  }
0x254: {  	s20 =	sshll.u32 s20, $0x3;
	[tilespmem:s26+$0x164D0] =	vst v0  }
0x255: {  	s29 =	simm.s32 $0x0;
	s20 =	sadd.s32 s2, s20;
	[tilespmem:s26+$0x164E0] =	vst v1  }
0x256: {  	[hbm4b:s20+s29] =	stream.linear.scatter [tilespmem:s9], [sflag:$0x9], $0x2000, $0x38;
	[tilespmem:$0x1A400] =	vst v63  }
0x257: {  	_ =	swait.ge [sflag:s10], $0x2000  }
0x258: {  	[sflag:s10] =	ssyncset.done $0x0  }
0x259: {  	s26 =	sadd.s32 $0x400, s23;
	s29 =	simm.s32 $0xC400;
	[sflag:s10] =	ssyncadd.s32 $0xFFFFE000  }
0x25a: {  	[tilespmem:s29], [sflag:$0x4] =	stream.indirect.gather [hbm4b:s5+s22], $0x40, s26, s22, $0xb8;
	[tilespmem:$0x1A400] =	vst v63  }
0x25b: {  	_ =	swait.ge [sflag:s19], $0x2000  }
0x25c: {  	[sflag:s19] =	ssyncset.done $0x0  }
0x25d: {  	s20 =	simm.s32 $0x0;
	[sflag:s19] =	ssyncadd.s32 $0xFFFFE000  }
0x25e: {  	v0 =	vld [tilespmem:s20+$0xE4F0]  }
0x25f: {  	v1 =	vld [tilespmem:s20+$0xE400]  }
0x260: {  	v2 =	vld [tilespmem:s20+$0xE410]  }
0x261: {  	v3 =	vld [tilespmem:s20+$0xE420]  }
0x262: {  	v6 =	vld [tilespmem:s20+$0xE450]  }
0x263: {  	v4 =	vld [tilespmem:s20+$0xE430];
	v0 =	vmul.f32 $8.000000000e+00, v0  }
0x264: {  	v5 =	vld [tilespmem:s20+$0xE440];
	v1 =	vmul.f32 $8.000000000e+00, v1  }
0x265: {  	v7 =	vld [tilespmem:s20+$0xE460];
	[tilespmem:s20+$0x184F0] =	vst v0;
	v0 =	vmul.f32 $8.000000000e+00, v2  }
0x266: {  	v8 =	vld [tilespmem:s20+$0xE470];
	[tilespmem:s20+$0x18400] =	vst v1;
	v1 =	vmul.f32 $8.000000000e+00, v3  }
0x267: {  	v2 =	vmul.f32 $8.000000000e+00, v6;
	[tilespmem:s20+$0x18410] =	vst v0  }
0x268: {  	v9 =	vld [tilespmem:s20+$0xE480];
	v0 =	vmul.f32 $8.000000000e+00, v4;
	[tilespmem:s20+$0x18420] =	vst v1  }
0x269: {  	v4 =	vld [tilespmem:s20+$0xE490];
	v1 =	vmul.f32 $8.000000000e+00, v5;
	[tilespmem:s20+$0x18450] =	vst v2  }
0x26a: {  	v3 =	vmul.f32 $8.000000000e+00, v7;
	[tilespmem:s20+$0x18430] =	vst v0;
	v0 =	vld [tilespmem:s20+$0xE4A0]  }
0x26b: {  	v5 =	vmul.f32 $8.000000000e+00, v8;
	[tilespmem:s20+$0x18440] =	vst v1;
	v1 =	vld [tilespmem:s20+$0xE4B0]  }
0x26c: {  	v2 =	vld [tilespmem:s20+$0xE4C0];
	[tilespmem:s20+$0x18460] =	vst v3  }
0x26d: {  	v3 =	vld [tilespmem:s20+$0xE4D0];
	[tilespmem:s20+$0x18470] =	vst v5;
	v5 =	vmul.f32 $8.000000000e+00, v9  }
0x26e: {  	s24 =	simm.s32 $0x800;
	s23 =	simm.s32 $0x100;
	v6 =	vmul.f32 $8.000000000e+00, v4;
	v4 =	vld [tilespmem:s20+$0xE4E0]  }
.LBB2_21:
0x26f: {  	p0 =	sne.s32 s24, $0x7C00;
	v7 =	vld [tilespmem:s23+$0xE4F0];
	[tilespmem:s20+$0x18480] =	vst v5;
	v0 =	vmul.f32 $8.000000000e+00, v0  }
0x270: {  	v5 =	vld [tilespmem:s23+$0xE400];
	[tilespmem:s20+$0x18490] =	vst v6;
	v1 =	vmul.f32 $8.000000000e+00, v1  }
0x271: {  	v6 =	vld [tilespmem:s23+$0xE410];
	[tilespmem:s20+$0x184A0] =	vst v0;
	v0 =	vmul.f32 $8.000000000e+00, v2  }
0x272: {  	v2 =	vld [tilespmem:s23+$0xE420];
	[tilespmem:s20+$0x184B0] =	vst v1;
	v1 =	vmul.f32 $8.000000000e+00, v3  }
0x273: {  	v3 =	vld [tilespmem:s23+$0xE430];
	[tilespmem:s20+$0x184C0] =	vst v0;
	v0 =	vmul.f32 $8.000000000e+00, v4  }
0x274: {  	v4 =	vld [tilespmem:s23+$0xE440];
	v7 =	vmul.f32 $8.000000000e+00, v7;
	[tilespmem:s20+$0x184D0] =	vst v1  }
0x275: {  	v1 =	vmul.f32 $8.000000000e+00, v5;
	v5 =	vld [tilespmem:s23+$0xE450];
	[tilespmem:s20+$0x184E0] =	vst v0;
	s20 =	smov.u32 s23  }
0x276: {  	v0 =	vmul.f32 $8.000000000e+00, v6;
	v6 =	vld [tilespmem:s20+$0xE460];
	[tilespmem:s20+$0x184F0] =	vst v7  }
0x277: {  	[tilespmem:s20+$0x18400] =	vst v1;
	v1 =	vmul.f32 $8.000000000e+00, v2;
	v2 =	vld [tilespmem:s20+$0xE470]  }
0x278: {  	[tilespmem:s20+$0x18410] =	vst v0;
	v0 =	vmul.f32 $8.000000000e+00, v3;
	v3 =	vld [tilespmem:s20+$0xE480]  }
0x279: {  	[tilespmem:s20+$0x18420] =	vst v1;
	v1 =	vmul.f32 $8.000000000e+00, v4;
	v4 =	vld [tilespmem:s20+$0xE490]  }
.Ltmp9:
0x27a: {  	[tilespmem:s20+$0x18430] =	vst v0;
	v5 =	vmul.f32 $8.000000000e+00, v5;
	v0 =	vld [tilespmem:s20+$0xE4A0];
	(pc) =	sbr.rel @p0 .LBB2_21-.Ltmp9, $4  }
0x27b: {  	[tilespmem:s20+$0x18440] =	vst v1;
	v6 =	vmul.f32 $8.000000000e+00, v6;
	v1 =	vld [tilespmem:s20+$0xE4B0]  }
0x27c: {  	[tilespmem:s20+$0x18450] =	vst v5;
	v7 =	vmul.f32 $8.000000000e+00, v2;
	v2 =	vld [tilespmem:s20+$0xE4C0]  }
0x27d: {  	[tilespmem:s20+$0x18460] =	vst v6;
	v5 =	vmul.f32 $8.000000000e+00, v3;
	v3 =	vld [tilespmem:s20+$0xE4D0]  }
0x27e: {  	s23 =	sshra.s32 s24, $0x2;
	s24 =	sadd.s32 $0x400, s24;
	[tilespmem:s20+$0x18470] =	vst v7;
	v6 =	vmul.f32 $8.000000000e+00, v4;
	v4 =	vld [tilespmem:s20+$0xE4E0]  }
0x27f: {  	v7 =	vld [tilespmem:s23+$0xE4F0];
	[tilespmem:s20+$0x18480] =	vst v5;
	v0 =	vmul.f32 $8.000000000e+00, v0  }
0x280: {  	v5 =	vld [tilespmem:s23+$0xE400];
	[tilespmem:s20+$0x18490] =	vst v6;
	v1 =	vmul.f32 $8.000000000e+00, v1  }
0x281: {  	v6 =	vld [tilespmem:s23+$0xE410];
	[tilespmem:s20+$0x184A0] =	vst v0;
	v2 =	vmul.f32 $8.000000000e+00, v2  }
0x282: {  	v0 =	vld [tilespmem:s23+$0xE420];
	[tilespmem:s20+$0x184B0] =	vst v1;
	v3 =	vmul.f32 $8.000000000e+00, v3  }
0x283: {  	v1 =	vld [tilespmem:s23+$0xE430];
	[tilespmem:s20+$0x184C0] =	vst v2;
	v4 =	vmul.f32 $8.000000000e+00, v4  }
0x284: {  	v2 =	vld [tilespmem:s23+$0xE440];
	[tilespmem:s20+$0x184D0] =	vst v3;
	v7 =	vmul.f32 $8.000000000e+00, v7  }
0x285: {  	v3 =	vld [tilespmem:s23+$0xE450];
	[tilespmem:s20+$0x184E0] =	vst v4;
	v50 =	vmul.f32 $8.000000000e+00, v5  }
0x286: {  	v51 =	vld [tilespmem:s23+$0xE460];
	[tilespmem:s23+$0x184F0] =	vst v7;
	v6 =	vmul.f32 $8.000000000e+00, v6  }
0x287: {  	v52 =	vld [tilespmem:s23+$0xE470];
	[tilespmem:s23+$0x18400] =	vst v50;
	v0 =	vmul.f32 $8.000000000e+00, v0  }
0x288: {  	v53 =	vld [tilespmem:s23+$0xE480];
	[tilespmem:s23+$0x18410] =	vst v6;
	v1 =	vmul.f32 $8.000000000e+00, v1  }
0x289: {  	v54 =	vld [tilespmem:s23+$0xE490];
	[tilespmem:s23+$0x18420] =	vst v0;
	v2 =	vmul.f32 $8.000000000e+00, v2  }
0x28a: {  	v55 =	vld [tilespmem:s23+$0xE4A0];
	[tilespmem:s23+$0x18430] =	vst v1;
	v3 =	vmul.f32 $8.000000000e+00, v3  }
0x28b: {  	v56 =	vld [tilespmem:s23+$0xE4B0];
	[tilespmem:s23+$0x18440] =	vst v2;
	v5 =	vmul.f32 $8.000000000e+00, v51  }
0x28c: {  	v57 =	vld [tilespmem:s23+$0xE4C0];
	v4 =	vmul.f32 $8.000000000e+00, v52;
	[tilespmem:s23+$0x18450] =	vst v3  }
0x28d: {  	v58 =	vld [tilespmem:s23+$0xE4D0];
	v6 =	vmul.f32 $8.000000000e+00, v53;
	[tilespmem:s23+$0x18460] =	vst v5  }
0x28e: {  	v59 =	vld [tilespmem:s23+$0xE4E0];
	v0 =	vmul.f32 $8.000000000e+00, v54;
	[tilespmem:s23+$0x18470] =	vst v4  }
0x28f: {  	v1 =	vmul.f32 $8.000000000e+00, v55;
	[tilespmem:s23+$0x18480] =	vst v6  }
0x290: {  	s6 =	sadd.s32 $0x1, s6;
	v60 =	vmul.f32 $8.000000000e+00, v56;
	[tilespmem:s23+$0x18490] =	vst v0  }
0x291: {  	p0 =	sne.s32 s6, $0x27;
	v61 =	vmul.f32 $8.000000000e+00, v57;
	[tilespmem:s23+$0x184A0] =	vst v1  }
.Ltmp10:
0x292: {  	s29 =	sadd.s32 s4, s21;
	v62 =	vmul.f32 $8.000000000e+00, v58;
	[tilespmem:s23+$0x184B0] =	vst v60;
	(pc) =	sbr.rel @p0 .LBB2_12-.Ltmp10, $4  }
0x293: {  	s20 =	sshll.u32 s29, $0x3;
	v63 =	vmul.f32 $8.000000000e+00, v59;
	[tilespmem:s23+$0x184C0] =	vst v61  }
0x294: {  	s20 =	sand.u32 $0x1FFFFC00, s20;
	[tilespmem:s23+$0x184D0] =	vst v62  }
0x295: {  	s20 =	sadd.s32 s2, s20;
	[tilespmem:s23+$0x184E0] =	vst v63  }
0x296: {  	[hbm4b:s20+s3] =	stream.linear.scatter [tilespmem:s11], [sflag:$0xA], $0x2000, $0x38;
	[tilespmem:$0x1A400] =	vst v63  }
0x297: {  	_ =	swait.ge [sflag:s30], $0x2000  }
0x298: {  	[sflag:s30] =	ssyncset.done $0x0  }
0x299: {  	s6 =	simm.s32 $0x6380;
	[sflag:s30] =	ssyncadd.s32 $0xFFFFE000  }
0x29a: {  	[tilespmem:s1], [sflag:$0x5] =	stream.indirect.gather [hbm4b:s5+s22], $0x40, s6, s22, $0xb8;
	[tilespmem:$0x1A400] =	vst v63  }
0x29b: {  	_ =	swait.ge [sflag:s15], $0x2000  }
0x29c: {  	[sflag:s15] =	ssyncset.done $0x0  }
0x29d: {  	s6 =	simm.s32 $0x0;
	[sflag:s15] =	ssyncadd.s32 $0xFFFFE000  }
0x29e: {  	v0 =	vld [tilespmem:s6+$0x64F0]  }
0x29f: {  	v1 =	vld [tilespmem:s6+$0x6400]  }
0x2a0: {  	v2 =	vld [tilespmem:s6+$0x6410]  }
0x2a1: {  	v3 =	vld [tilespmem:s6+$0x6420]  }
0x2a2: {  	v6 =	vld [tilespmem:s6+$0x6450]  }
0x2a3: {  	v4 =	vld [tilespmem:s6+$0x6430];
	v0 =	vmul.f32 $8.000000000e+00, v0  }
0x2a4: {  	v5 =	vld [tilespmem:s6+$0x6440];
	v1 =	vmul.f32 $8.000000000e+00, v1  }
0x2a5: {  	v7 =	vld [tilespmem:s6+$0x6460];
	[tilespmem:s6+$0x104F0] =	vst v0;
	v0 =	vmul.f32 $8.000000000e+00, v2  }
0x2a6: {  	v8 =	vld [tilespmem:s6+$0x6470];
	[tilespmem:s6+$0x10400] =	vst v1;
	v1 =	vmul.f32 $8.000000000e+00, v3  }
0x2a7: {  	v2 =	vmul.f32 $8.000000000e+00, v6;
	[tilespmem:s6+$0x10410] =	vst v0  }
0x2a8: {  	v9 =	vld [tilespmem:s6+$0x6480];
	v0 =	vmul.f32 $8.000000000e+00, v4;
	[tilespmem:s6+$0x10420] =	vst v1  }
0x2a9: {  	v4 =	vld [tilespmem:s6+$0x6490];
	v1 =	vmul.f32 $8.000000000e+00, v5;
	[tilespmem:s6+$0x10450] =	vst v2  }
0x2aa: {  	v3 =	vmul.f32 $8.000000000e+00, v7;
	[tilespmem:s6+$0x10430] =	vst v0;
	v0 =	vld [tilespmem:s6+$0x64A0]  }
0x2ab: {  	v5 =	vmul.f32 $8.000000000e+00, v8;
	[tilespmem:s6+$0x10440] =	vst v1;
	v1 =	vld [tilespmem:s6+$0x64B0]  }
0x2ac: {  	v2 =	vld [tilespmem:s6+$0x64C0];
	[tilespmem:s6+$0x10460] =	vst v3  }
0x2ad: {  	v3 =	vld [tilespmem:s6+$0x64D0];
	[tilespmem:s6+$0x10470] =	vst v5;
	v5 =	vmul.f32 $8.000000000e+00, v9  }
0x2ae: {  	s20 =	simm.s32 $0x100;
	s21 =	simm.s32 $0x800;
	v6 =	vmul.f32 $8.000000000e+00, v4;
	v4 =	vld [tilespmem:s6+$0x64E0]  }
.LBB2_24:
0x2af: {  	p0 =	sne.s32 s21, $0x7C00;
	v7 =	vld [tilespmem:s20+$0x64F0];
	[tilespmem:s6+$0x10480] =	vst v5;
	v0 =	vmul.f32 $8.000000000e+00, v0  }
0x2b0: {  	v5 =	vld [tilespmem:s20+$0x6400];
	[tilespmem:s6+$0x10490] =	vst v6;
	v1 =	vmul.f32 $8.000000000e+00, v1  }
0x2b1: {  	v6 =	vld [tilespmem:s20+$0x6410];
	[tilespmem:s6+$0x104A0] =	vst v0;
	v0 =	vmul.f32 $8.000000000e+00, v2  }
0x2b2: {  	v2 =	vld [tilespmem:s20+$0x6420];
	[tilespmem:s6+$0x104B0] =	vst v1;
	v1 =	vmul.f32 $8.000000000e+00, v3  }
0x2b3: {  	v3 =	vld [tilespmem:s20+$0x6430];
	[tilespmem:s6+$0x104C0] =	vst v0;
	v0 =	vmul.f32 $8.000000000e+00, v4  }
0x2b4: {  	v4 =	vld [tilespmem:s20+$0x6440];
	v7 =	vmul.f32 $8.000000000e+00, v7;
	[tilespmem:s6+$0x104D0] =	vst v1  }
0x2b5: {  	v1 =	vmul.f32 $8.000000000e+00, v5;
	v5 =	vld [tilespmem:s20+$0x6450];
	[tilespmem:s6+$0x104E0] =	vst v0;
	s6 =	smov.u32 s20  }
0x2b6: {  	v0 =	vmul.f32 $8.000000000e+00, v6;
	v6 =	vld [tilespmem:s6+$0x6460];
	[tilespmem:s6+$0x104F0] =	vst v7  }
0x2b7: {  	[tilespmem:s6+$0x10400] =	vst v1;
	v1 =	vmul.f32 $8.000000000e+00, v2;
	v2 =	vld [tilespmem:s6+$0x6470]  }
0x2b8: {  	[tilespmem:s6+$0x10410] =	vst v0;
	v0 =	vmul.f32 $8.000000000e+00, v3;
	v3 =	vld [tilespmem:s6+$0x6480]  }
0x2b9: {  	[tilespmem:s6+$0x10420] =	vst v1;
	v1 =	vmul.f32 $8.000000000e+00, v4;
	v4 =	vld [tilespmem:s6+$0x6490]  }
.Ltmp11:
0x2ba: {  	[tilespmem:s6+$0x10430] =	vst v0;
	v5 =	vmul.f32 $8.000000000e+00, v5;
	v0 =	vld [tilespmem:s6+$0x64A0];
	(pc) =	sbr.rel @p0 .LBB2_24-.Ltmp11, $4  }
0x2bb: {  	[tilespmem:s6+$0x10440] =	vst v1;
	v6 =	vmul.f32 $8.000000000e+00, v6;
	v1 =	vld [tilespmem:s6+$0x64B0]  }
0x2bc: {  	[tilespmem:s6+$0x10450] =	vst v5;
	v7 =	vmul.f32 $8.000000000e+00, v2;
	v2 =	vld [tilespmem:s6+$0x64C0]  }
0x2bd: {  	[tilespmem:s6+$0x10460] =	vst v6;
	v5 =	vmul.f32 $8.000000000e+00, v3;
	v3 =	vld [tilespmem:s6+$0x64D0]  }
0x2be: {  	s20 =	sshra.s32 s21, $0x2;
	s21 =	sadd.s32 $0x400, s21;
	[tilespmem:s6+$0x10470] =	vst v7;
	v6 =	vmul.f32 $8.000000000e+00, v4;
	v4 =	vld [tilespmem:s6+$0x64E0]  }
0x2bf: {  	v7 =	vld [tilespmem:s20+$0x64F0];
	[tilespmem:s6+$0x10480] =	vst v5;
	v0 =	vmul.f32 $8.000000000e+00, v0  }
0x2c0: {  	v5 =	vld [tilespmem:s20+$0x6400];
	[tilespmem:s6+$0x10490] =	vst v6;
	v1 =	vmul.f32 $8.000000000e+00, v1  }
0x2c1: {  	v6 =	vld [tilespmem:s20+$0x6410];
	[tilespmem:s6+$0x104A0] =	vst v0;
	v2 =	vmul.f32 $8.000000000e+00, v2  }
0x2c2: {  	v0 =	vld [tilespmem:s20+$0x6420];
	[tilespmem:s6+$0x104B0] =	vst v1;
	v3 =	vmul.f32 $8.000000000e+00, v3  }
0x2c3: {  	v1 =	vld [tilespmem:s20+$0x6430];
	[tilespmem:s6+$0x104C0] =	vst v2;
	v4 =	vmul.f32 $8.000000000e+00, v4  }
0x2c4: {  	v2 =	vld [tilespmem:s20+$0x6440];
	[tilespmem:s6+$0x104D0] =	vst v3;
	v7 =	vmul.f32 $8.000000000e+00, v7  }
0x2c5: {  	v3 =	vld [tilespmem:s20+$0x6450];
	[tilespmem:s6+$0x104E0] =	vst v4;
	v4 =	vmul.f32 $8.000000000e+00, v5  }
0x2c6: {  	v5 =	vld [tilespmem:s20+$0x6460];
	[tilespmem:s20+$0x104F0] =	vst v7;
	v6 =	vmul.f32 $8.000000000e+00, v6  }
0x2c7: {  	[tilespmem:s20+$0x10400] =	vst v4;
	v4 =	vld [tilespmem:s20+$0x6470];
	v0 =	vmul.f32 $8.000000000e+00, v0  }
0x2c8: {  	[tilespmem:s20+$0x10410] =	vst v6;
	v6 =	vld [tilespmem:s20+$0x6480];
	v1 =	vmul.f32 $8.000000000e+00, v1  }
0x2c9: {  	[tilespmem:s20+$0x10420] =	vst v0;
	v0 =	vld [tilespmem:s20+$0x6490];
	v2 =	vmul.f32 $8.000000000e+00, v2  }
0x2ca: {  	[tilespmem:s20+$0x10430] =	vst v1;
	v1 =	vld [tilespmem:s20+$0x64A0];
	v3 =	vmul.f32 $8.000000000e+00, v3  }
0x2cb: {  	[tilespmem:s20+$0x10440] =	vst v2;
	v2 =	vld [tilespmem:s20+$0x64B0];
	v5 =	vmul.f32 $8.000000000e+00, v5  }
0x2cc: {  	[tilespmem:s20+$0x10450] =	vst v3;
	v3 =	vld [tilespmem:s20+$0x64C0];
	v4 =	vmul.f32 $8.000000000e+00, v4  }
0x2cd: {  	[tilespmem:s20+$0x10460] =	vst v5;
	v5 =	vld [tilespmem:s20+$0x64D0];
	v6 =	vmul.f32 $8.000000000e+00, v6  }
0x2ce: {  	[tilespmem:s20+$0x10470] =	vst v4;
	v0 =	vmul.f32 $8.000000000e+00, v0;
	v4 =	vld [tilespmem:s20+$0x64E0]  }
0x2cf: {  	[tilespmem:s20+$0x10480] =	vst v6;
	v1 =	vmul.f32 $8.000000000e+00, v1  }
0x2d0: {  	[tilespmem:s20+$0x10490] =	vst v0;
	v0 =	vmul.f32 $8.000000000e+00, v2  }
0x2d1: {  	[tilespmem:s20+$0x104A0] =	vst v1;
	v1 =	vmul.f32 $8.000000000e+00, v3  }
0x2d2: {  	[tilespmem:s20+$0x104B0] =	vst v0;
	v0 =	vmul.f32 $8.000000000e+00, v5  }
0x2d3: {  	[tilespmem:s20+$0x104C0] =	vst v1;
	v1 =	vmul.f32 $8.000000000e+00, v4  }
0x2d4: {  	[tilespmem:s20+$0x104D0] =	vst v0  }
0x2d5: {  	s26 =	simm.s32 $0x0;
	s29 =	rddreg [dreg:$0x9];
	[tilespmem:s20+$0x104E0] =	vst v1  }
0x2d6: {  	[hbm4b:s29+s26] =	stream.linear.scatter [tilespmem:s0], [sflag:$0x6], $0x2000, $0x38;
	[tilespmem:$0x1A400] =	vst v63  }
0x2d7: {  	_ =	swait.ge [sflag:s25], $0x2000  }
0x2d8: {  	[sflag:s25] =	ssyncset.done $0x0  }
0x2d9: {  	[sflag:s25] =	ssyncadd.s32 $0xFFFFE000  }
0x2da: {  	_ =	swait.ge [sflag:s16], $0x2000  }
0x2db: {  	[sflag:s16] =	ssyncset.done $0x0  }
0x2dc: {  	s6 =	simm.s32 $0x0;
	[sflag:s16] =	ssyncadd.s32 $0xFFFFE000  }
0x2dd: {  	v0 =	vld [tilespmem:s6+$0x84F0]  }
0x2de: {  	v1 =	vld [tilespmem:s6+$0x8400]  }
0x2df: {  	v2 =	vld [tilespmem:s6+$0x8410]  }
0x2e0: {  	v3 =	vld [tilespmem:s6+$0x8420]  }
0x2e1: {  	v6 =	vld [tilespmem:s6+$0x8450]  }
0x2e2: {  	v4 =	vld [tilespmem:s6+$0x8430];
	v0 =	vmul.f32 $8.000000000e+00, v0  }
0x2e3: {  	v5 =	vld [tilespmem:s6+$0x8440];
	v1 =	vmul.f32 $8.000000000e+00, v1  }
0x2e4: {  	v7 =	vld [tilespmem:s6+$0x8460];
	[tilespmem:s6+$0x124F0] =	vst v0;
	v0 =	vmul.f32 $8.000000000e+00, v2  }
0x2e5: {  	v8 =	vld [tilespmem:s6+$0x8470];
	[tilespmem:s6+$0x12400] =	vst v1;
	v1 =	vmul.f32 $8.000000000e+00, v3  }
0x2e6: {  	v2 =	vmul.f32 $8.000000000e+00, v6;
	[tilespmem:s6+$0x12410] =	vst v0  }
0x2e7: {  	v9 =	vld [tilespmem:s6+$0x8480];
	v0 =	vmul.f32 $8.000000000e+00, v4;
	[tilespmem:s6+$0x12420] =	vst v1  }
0x2e8: {  	v4 =	vld [tilespmem:s6+$0x8490];
	v1 =	vmul.f32 $8.000000000e+00, v5;
	[tilespmem:s6+$0x12450] =	vst v2  }
0x2e9: {  	v3 =	vmul.f32 $8.000000000e+00, v7;
	[tilespmem:s6+$0x12430] =	vst v0;
	v0 =	vld [tilespmem:s6+$0x84A0]  }
0x2ea: {  	v5 =	vmul.f32 $8.000000000e+00, v8;
	[tilespmem:s6+$0x12440] =	vst v1;
	v1 =	vld [tilespmem:s6+$0x84B0]  }
0x2eb: {  	v2 =	vld [tilespmem:s6+$0x84C0];
	[tilespmem:s6+$0x12460] =	vst v3  }
0x2ec: {  	v3 =	vld [tilespmem:s6+$0x84D0];
	[tilespmem:s6+$0x12470] =	vst v5;
	v5 =	vmul.f32 $8.000000000e+00, v9  }
0x2ed: {  	s21 =	simm.s32 $0x800;
	s20 =	simm.s32 $0x100;
	v6 =	vmul.f32 $8.000000000e+00, v4;
	v4 =	vld [tilespmem:s6+$0x84E0]  }
.LBB2_26:
0x2ee: {  	p0 =	sne.s32 s21, $0x7C00;
	v7 =	vld [tilespmem:s20+$0x84F0];
	[tilespmem:s6+$0x12480] =	vst v5;
	v0 =	vmul.f32 $8.000000000e+00, v0  }
0x2ef: {  	v5 =	vld [tilespmem:s20+$0x8400];
	[tilespmem:s6+$0x12490] =	vst v6;
	v1 =	vmul.f32 $8.000000000e+00, v1  }
0x2f0: {  	v6 =	vld [tilespmem:s20+$0x8410];
	[tilespmem:s6+$0x124A0] =	vst v0;
	v0 =	vmul.f32 $8.000000000e+00, v2  }
0x2f1: {  	v2 =	vld [tilespmem:s20+$0x8420];
	[tilespmem:s6+$0x124B0] =	vst v1;
	v1 =	vmul.f32 $8.000000000e+00, v3  }
0x2f2: {  	v3 =	vld [tilespmem:s20+$0x8430];
	[tilespmem:s6+$0x124C0] =	vst v0;
	v0 =	vmul.f32 $8.000000000e+00, v4  }
0x2f3: {  	v4 =	vld [tilespmem:s20+$0x8440];
	v7 =	vmul.f32 $8.000000000e+00, v7;
	[tilespmem:s6+$0x124D0] =	vst v1  }
0x2f4: {  	v1 =	vmul.f32 $8.000000000e+00, v5;
	v5 =	vld [tilespmem:s20+$0x8450];
	[tilespmem:s6+$0x124E0] =	vst v0;
	s6 =	smov.u32 s20  }
0x2f5: {  	v0 =	vmul.f32 $8.000000000e+00, v6;
	v6 =	vld [tilespmem:s6+$0x8460];
	[tilespmem:s6+$0x124F0] =	vst v7  }
0x2f6: {  	[tilespmem:s6+$0x12400] =	vst v1;
	v1 =	vmul.f32 $8.000000000e+00, v2;
	v2 =	vld [tilespmem:s6+$0x8470]  }
0x2f7: {  	[tilespmem:s6+$0x12410] =	vst v0;
	v0 =	vmul.f32 $8.000000000e+00, v3;
	v3 =	vld [tilespmem:s6+$0x8480]  }
0x2f8: {  	[tilespmem:s6+$0x12420] =	vst v1;
	v1 =	vmul.f32 $8.000000000e+00, v4;
	v4 =	vld [tilespmem:s6+$0x8490]  }
.Ltmp12:
0x2f9: {  	[tilespmem:s6+$0x12430] =	vst v0;
	v5 =	vmul.f32 $8.000000000e+00, v5;
	v0 =	vld [tilespmem:s6+$0x84A0];
	(pc) =	sbr.rel @p0 .LBB2_26-.Ltmp12, $4  }
0x2fa: {  	[tilespmem:s6+$0x12440] =	vst v1;
	v6 =	vmul.f32 $8.000000000e+00, v6;
	v1 =	vld [tilespmem:s6+$0x84B0]  }
0x2fb: {  	[tilespmem:s6+$0x12450] =	vst v5;
	v7 =	vmul.f32 $8.000000000e+00, v2;
	v2 =	vld [tilespmem:s6+$0x84C0]  }
0x2fc: {  	[tilespmem:s6+$0x12460] =	vst v6;
	v5 =	vmul.f32 $8.000000000e+00, v3;
	v3 =	vld [tilespmem:s6+$0x84D0]  }
0x2fd: {  	s20 =	sshra.s32 s21, $0x2;
	s21 =	sadd.s32 $0x400, s21;
	[tilespmem:s6+$0x12470] =	vst v7;
	v6 =	vmul.f32 $8.000000000e+00, v4;
	v4 =	vld [tilespmem:s6+$0x84E0]  }
0x2fe: {  	v7 =	vld [tilespmem:s20+$0x84F0];
	[tilespmem:s6+$0x12480] =	vst v5;
	v0 =	vmul.f32 $8.000000000e+00, v0  }
0x2ff: {  	v5 =	vld [tilespmem:s20+$0x8400];
	[tilespmem:s6+$0x12490] =	vst v6;
	v1 =	vmul.f32 $8.000000000e+00, v1  }
0x300: {  	v6 =	vld [tilespmem:s20+$0x8410];
	[tilespmem:s6+$0x124A0] =	vst v0;
	v2 =	vmul.f32 $8.000000000e+00, v2  }
0x301: {  	v0 =	vld [tilespmem:s20+$0x8420];
	[tilespmem:s6+$0x124B0] =	vst v1;
	v3 =	vmul.f32 $8.000000000e+00, v3  }
0x302: {  	v1 =	vld [tilespmem:s20+$0x8430];
	[tilespmem:s6+$0x124C0] =	vst v2;
	v4 =	vmul.f32 $8.000000000e+00, v4  }
0x303: {  	v2 =	vld [tilespmem:s20+$0x8440];
	[tilespmem:s6+$0x124D0] =	vst v3;
	v7 =	vmul.f32 $8.000000000e+00, v7  }
0x304: {  	v3 =	vld [tilespmem:s20+$0x8450];
	[tilespmem:s6+$0x124E0] =	vst v4;
	v4 =	vmul.f32 $8.000000000e+00, v5  }
0x305: {  	v5 =	vld [tilespmem:s20+$0x8460];
	[tilespmem:s20+$0x124F0] =	vst v7;
	v6 =	vmul.f32 $8.000000000e+00, v6  }
0x306: {  	[tilespmem:s20+$0x12400] =	vst v4;
	v4 =	vld [tilespmem:s20+$0x8470];
	v0 =	vmul.f32 $8.000000000e+00, v0  }
0x307: {  	[tilespmem:s20+$0x12410] =	vst v6;
	v6 =	vld [tilespmem:s20+$0x8480];
	v1 =	vmul.f32 $8.000000000e+00, v1  }
0x308: {  	[tilespmem:s20+$0x12420] =	vst v0;
	v0 =	vld [tilespmem:s20+$0x8490];
	v2 =	vmul.f32 $8.000000000e+00, v2  }
0x309: {  	[tilespmem:s20+$0x12430] =	vst v1;
	v1 =	vld [tilespmem:s20+$0x84A0];
	v3 =	vmul.f32 $8.000000000e+00, v3  }
0x30a: {  	[tilespmem:s20+$0x12440] =	vst v2;
	v2 =	vld [tilespmem:s20+$0x84B0];
	v5 =	vmul.f32 $8.000000000e+00, v5  }
0x30b: {  	[tilespmem:s20+$0x12450] =	vst v3;
	v3 =	vld [tilespmem:s20+$0x84C0];
	v4 =	vmul.f32 $8.000000000e+00, v4  }
0x30c: {  	[tilespmem:s20+$0x12460] =	vst v5;
	v5 =	vld [tilespmem:s20+$0x84D0];
	v6 =	vmul.f32 $8.000000000e+00, v6  }
0x30d: {  	[tilespmem:s20+$0x12470] =	vst v4;
	v0 =	vmul.f32 $8.000000000e+00, v0;
	v4 =	vld [tilespmem:s20+$0x84E0]  }
0x30e: {  	[tilespmem:s20+$0x12480] =	vst v6;
	v1 =	vmul.f32 $8.000000000e+00, v1  }
0x30f: {  	[tilespmem:s20+$0x12490] =	vst v0;
	v0 =	vmul.f32 $8.000000000e+00, v2  }
0x310: {  	[tilespmem:s20+$0x124A0] =	vst v1;
	v1 =	vmul.f32 $8.000000000e+00, v3  }
0x311: {  	[tilespmem:s20+$0x124B0] =	vst v0;
	v0 =	vmul.f32 $8.000000000e+00, v5  }
0x312: {  	[tilespmem:s20+$0x124C0] =	vst v1;
	v1 =	vmul.f32 $8.000000000e+00, v4  }
0x313: {  	[tilespmem:s20+$0x124D0] =	vst v0  }
0x314: {  	s26 =	simm.s32 $0x0;
	s29 =	rddreg [dreg:$0xa];
	[tilespmem:s20+$0x124E0] =	vst v1  }
0x315: {  	[hbm4b:s29+s26] =	stream.linear.scatter [tilespmem:s31], [sflag:$0x7], $0x2000, $0x38;
	[tilespmem:$0x1A400] =	vst v63  }
0x316: {  	_ =	swait.ge [sflag:s28], $0x2000  }
0x317: {  	[sflag:s28] =	ssyncset.done $0x0  }
0x318: {  	[sflag:s28] =	ssyncadd.s32 $0xFFFFE000  }
0x319: {  	_ =	swait.ge [sflag:s17], $0x2000  }
0x31a: {  	[sflag:s17] =	ssyncset.done $0x0  }
0x31b: {  	s6 =	simm.s32 $0x0;
	[sflag:s17] =	ssyncadd.s32 $0xFFFFE000  }
0x31c: {  	v0 =	vld [tilespmem:s6+$0xA4F0]  }
0x31d: {  	v1 =	vld [tilespmem:s6+$0xA400]  }
0x31e: {  	v2 =	vld [tilespmem:s6+$0xA410]  }
0x31f: {  	v3 =	vld [tilespmem:s6+$0xA420]  }
0x320: {  	v6 =	vld [tilespmem:s6+$0xA450]  }
0x321: {  	v4 =	vld [tilespmem:s6+$0xA430];
	v0 =	vmul.f32 $8.000000000e+00, v0  }
0x322: {  	v5 =	vld [tilespmem:s6+$0xA440];
	v1 =	vmul.f32 $8.000000000e+00, v1  }
0x323: {  	v7 =	vld [tilespmem:s6+$0xA460];
	[tilespmem:s6+$0x144F0] =	vst v0;
	v0 =	vmul.f32 $8.000000000e+00, v2  }
0x324: {  	v8 =	vld [tilespmem:s6+$0xA470];
	[tilespmem:s6+$0x14400] =	vst v1;
	v1 =	vmul.f32 $8.000000000e+00, v3  }
0x325: {  	v2 =	vmul.f32 $8.000000000e+00, v6;
	[tilespmem:s6+$0x14410] =	vst v0  }
0x326: {  	v9 =	vld [tilespmem:s6+$0xA480];
	v0 =	vmul.f32 $8.000000000e+00, v4;
	[tilespmem:s6+$0x14420] =	vst v1  }
0x327: {  	v4 =	vld [tilespmem:s6+$0xA490];
	v1 =	vmul.f32 $8.000000000e+00, v5;
	[tilespmem:s6+$0x14450] =	vst v2  }
0x328: {  	v3 =	vmul.f32 $8.000000000e+00, v7;
	[tilespmem:s6+$0x14430] =	vst v0;
	v0 =	vld [tilespmem:s6+$0xA4A0]  }
0x329: {  	v5 =	vmul.f32 $8.000000000e+00, v8;
	[tilespmem:s6+$0x14440] =	vst v1;
	v1 =	vld [tilespmem:s6+$0xA4B0]  }
0x32a: {  	v2 =	vld [tilespmem:s6+$0xA4C0];
	[tilespmem:s6+$0x14460] =	vst v3  }
0x32b: {  	v3 =	vld [tilespmem:s6+$0xA4D0];
	[tilespmem:s6+$0x14470] =	vst v5;
	v5 =	vmul.f32 $8.000000000e+00, v9  }
0x32c: {  	s21 =	simm.s32 $0x800;
	s20 =	simm.s32 $0x100;
	v6 =	vmul.f32 $8.000000000e+00, v4;
	v4 =	vld [tilespmem:s6+$0xA4E0]  }
.LBB2_28:
0x32d: {  	p0 =	sne.s32 s21, $0x7C00;
	v7 =	vld [tilespmem:s20+$0xA4F0];
	[tilespmem:s6+$0x14480] =	vst v5;
	v0 =	vmul.f32 $8.000000000e+00, v0  }
0x32e: {  	v5 =	vld [tilespmem:s20+$0xA400];
	[tilespmem:s6+$0x14490] =	vst v6;
	v1 =	vmul.f32 $8.000000000e+00, v1  }
0x32f: {  	v6 =	vld [tilespmem:s20+$0xA410];
	[tilespmem:s6+$0x144A0] =	vst v0;
	v0 =	vmul.f32 $8.000000000e+00, v2  }
0x330: {  	v2 =	vld [tilespmem:s20+$0xA420];
	[tilespmem:s6+$0x144B0] =	vst v1;
	v1 =	vmul.f32 $8.000000000e+00, v3  }
0x331: {  	v3 =	vld [tilespmem:s20+$0xA430];
	[tilespmem:s6+$0x144C0] =	vst v0;
	v0 =	vmul.f32 $8.000000000e+00, v4  }
0x332: {  	v4 =	vld [tilespmem:s20+$0xA440];
	v7 =	vmul.f32 $8.000000000e+00, v7;
	[tilespmem:s6+$0x144D0] =	vst v1  }
0x333: {  	v1 =	vmul.f32 $8.000000000e+00, v5;
	v5 =	vld [tilespmem:s20+$0xA450];
	[tilespmem:s6+$0x144E0] =	vst v0;
	s6 =	smov.u32 s20  }
0x334: {  	v0 =	vmul.f32 $8.000000000e+00, v6;
	v6 =	vld [tilespmem:s6+$0xA460];
	[tilespmem:s6+$0x144F0] =	vst v7  }
0x335: {  	[tilespmem:s6+$0x14400] =	vst v1;
	v1 =	vmul.f32 $8.000000000e+00, v2;
	v2 =	vld [tilespmem:s6+$0xA470]  }
0x336: {  	[tilespmem:s6+$0x14410] =	vst v0;
	v0 =	vmul.f32 $8.000000000e+00, v3;
	v3 =	vld [tilespmem:s6+$0xA480]  }
0x337: {  	[tilespmem:s6+$0x14420] =	vst v1;
	v1 =	vmul.f32 $8.000000000e+00, v4;
	v4 =	vld [tilespmem:s6+$0xA490]  }
.Ltmp13:
0x338: {  	[tilespmem:s6+$0x14430] =	vst v0;
	v5 =	vmul.f32 $8.000000000e+00, v5;
	v0 =	vld [tilespmem:s6+$0xA4A0];
	(pc) =	sbr.rel @p0 .LBB2_28-.Ltmp13, $4  }
0x339: {  	[tilespmem:s6+$0x14440] =	vst v1;
	v6 =	vmul.f32 $8.000000000e+00, v6;
	v1 =	vld [tilespmem:s6+$0xA4B0]  }
0x33a: {  	[tilespmem:s6+$0x14450] =	vst v5;
	v7 =	vmul.f32 $8.000000000e+00, v2;
	v2 =	vld [tilespmem:s6+$0xA4C0]  }
0x33b: {  	[tilespmem:s6+$0x14460] =	vst v6;
	v5 =	vmul.f32 $8.000000000e+00, v3;
	v3 =	vld [tilespmem:s6+$0xA4D0]  }
0x33c: {  	s20 =	sshra.s32 s21, $0x2;
	s21 =	sadd.s32 $0x400, s21;
	[tilespmem:s6+$0x14470] =	vst v7;
	v6 =	vmul.f32 $8.000000000e+00, v4;
	v4 =	vld [tilespmem:s6+$0xA4E0]  }
0x33d: {  	v7 =	vld [tilespmem:s20+$0xA4F0];
	[tilespmem:s6+$0x14480] =	vst v5;
	v0 =	vmul.f32 $8.000000000e+00, v0  }
0x33e: {  	v5 =	vld [tilespmem:s20+$0xA400];
	[tilespmem:s6+$0x14490] =	vst v6;
	v1 =	vmul.f32 $8.000000000e+00, v1  }
0x33f: {  	v6 =	vld [tilespmem:s20+$0xA410];
	[tilespmem:s6+$0x144A0] =	vst v0;
	v2 =	vmul.f32 $8.000000000e+00, v2  }
0x340: {  	v0 =	vld [tilespmem:s20+$0xA420];
	[tilespmem:s6+$0x144B0] =	vst v1;
	v3 =	vmul.f32 $8.000000000e+00, v3  }
0x341: {  	v1 =	vld [tilespmem:s20+$0xA430];
	[tilespmem:s6+$0x144C0] =	vst v2;
	v4 =	vmul.f32 $8.000000000e+00, v4  }
0x342: {  	v2 =	vld [tilespmem:s20+$0xA440];
	[tilespmem:s6+$0x144D0] =	vst v3;
	v7 =	vmul.f32 $8.000000000e+00, v7  }
0x343: {  	v3 =	vld [tilespmem:s20+$0xA450];
	[tilespmem:s6+$0x144E0] =	vst v4;
	v4 =	vmul.f32 $8.000000000e+00, v5  }
0x344: {  	v5 =	vld [tilespmem:s20+$0xA460];
	[tilespmem:s20+$0x144F0] =	vst v7;
	v6 =	vmul.f32 $8.000000000e+00, v6  }
0x345: {  	[tilespmem:s20+$0x14400] =	vst v4;
	v4 =	vld [tilespmem:s20+$0xA470];
	v0 =	vmul.f32 $8.000000000e+00, v0  }
0x346: {  	[tilespmem:s20+$0x14410] =	vst v6;
	v6 =	vld [tilespmem:s20+$0xA480];
	v1 =	vmul.f32 $8.000000000e+00, v1  }
0x347: {  	[tilespmem:s20+$0x14420] =	vst v0;
	v0 =	vld [tilespmem:s20+$0xA490];
	v2 =	vmul.f32 $8.000000000e+00, v2  }
0x348: {  	[tilespmem:s20+$0x14430] =	vst v1;
	v1 =	vld [tilespmem:s20+$0xA4A0];
	v3 =	vmul.f32 $8.000000000e+00, v3  }
0x349: {  	[tilespmem:s20+$0x14440] =	vst v2;
	v2 =	vld [tilespmem:s20+$0xA4B0];
	v5 =	vmul.f32 $8.000000000e+00, v5  }
0x34a: {  	[tilespmem:s20+$0x14450] =	vst v3;
	v3 =	vld [tilespmem:s20+$0xA4C0];
	v4 =	vmul.f32 $8.000000000e+00, v4  }
0x34b: {  	[tilespmem:s20+$0x14460] =	vst v5;
	v5 =	vld [tilespmem:s20+$0xA4D0];
	v6 =	vmul.f32 $8.000000000e+00, v6  }
0x34c: {  	[tilespmem:s20+$0x14470] =	vst v4;
	v0 =	vmul.f32 $8.000000000e+00, v0;
	v4 =	vld [tilespmem:s20+$0xA4E0]  }
0x34d: {  	[tilespmem:s20+$0x14480] =	vst v6;
	v1 =	vmul.f32 $8.000000000e+00, v1  }
0x34e: {  	[tilespmem:s20+$0x14490] =	vst v0;
	v0 =	vmul.f32 $8.000000000e+00, v2  }
0x34f: {  	[tilespmem:s20+$0x144A0] =	vst v1;
	v1 =	vmul.f32 $8.000000000e+00, v3  }
0x350: {  	[tilespmem:s20+$0x144B0] =	vst v0;
	v0 =	vmul.f32 $8.000000000e+00, v5  }
0x351: {  	[tilespmem:s20+$0x144C0] =	vst v1;
	v1 =	vmul.f32 $8.000000000e+00, v4  }
0x352: {  	[tilespmem:s20+$0x144D0] =	vst v0  }
0x353: {  	s26 =	simm.s32 $0x0;
	s29 =	rddreg [dreg:$0xb];
	[tilespmem:s20+$0x144E0] =	vst v1  }
0x354: {  	[hbm4b:s29+s26] =	stream.linear.scatter [tilespmem:s7], [sflag:$0x8], $0x2000, $0x38;
	[tilespmem:$0x1A400] =	vst v63  }
0x355: {  	_ =	swait.ge [sflag:s8], $0x2000  }
0x356: {  	[sflag:s8] =	ssyncset.done $0x0  }
0x357: {  	[sflag:s8] =	ssyncadd.s32 $0xFFFFE000  }
0x358: {  	_ =	swait.ge [sflag:s18], $0x2000  }
0x359: {  	[sflag:s18] =	ssyncset.done $0x0  }
0x35a: {  	s6 =	simm.s32 $0x0;
	[sflag:s18] =	ssyncadd.s32 $0xFFFFE000  }
0x35b: {  	v0 =	vld [tilespmem:s6+$0xC4F0]  }
0x35c: {  	v1 =	vld [tilespmem:s6+$0xC400]  }
0x35d: {  	v2 =	vld [tilespmem:s6+$0xC410]  }
0x35e: {  	v3 =	vld [tilespmem:s6+$0xC420]  }
0x35f: {  	v6 =	vld [tilespmem:s6+$0xC450]  }
0x360: {  	v4 =	vld [tilespmem:s6+$0xC430];
	v0 =	vmul.f32 $8.000000000e+00, v0  }
0x361: {  	v5 =	vld [tilespmem:s6+$0xC440];
	v1 =	vmul.f32 $8.000000000e+00, v1  }
0x362: {  	v7 =	vld [tilespmem:s6+$0xC460];
	[tilespmem:s6+$0x164F0] =	vst v0;
	v0 =	vmul.f32 $8.000000000e+00, v2  }
0x363: {  	v8 =	vld [tilespmem:s6+$0xC470];
	[tilespmem:s6+$0x16400] =	vst v1;
	v1 =	vmul.f32 $8.000000000e+00, v3  }
0x364: {  	v2 =	vmul.f32 $8.000000000e+00, v6;
	[tilespmem:s6+$0x16410] =	vst v0  }
0x365: {  	v9 =	vld [tilespmem:s6+$0xC480];
	v0 =	vmul.f32 $8.000000000e+00, v4;
	[tilespmem:s6+$0x16420] =	vst v1  }
0x366: {  	v4 =	vld [tilespmem:s6+$0xC490];
	v1 =	vmul.f32 $8.000000000e+00, v5;
	[tilespmem:s6+$0x16450] =	vst v2  }
0x367: {  	v3 =	vmul.f32 $8.000000000e+00, v7;
	[tilespmem:s6+$0x16430] =	vst v0;
	v0 =	vld [tilespmem:s6+$0xC4A0]  }
0x368: {  	v5 =	vmul.f32 $8.000000000e+00, v8;
	[tilespmem:s6+$0x16440] =	vst v1;
	v1 =	vld [tilespmem:s6+$0xC4B0]  }
0x369: {  	v2 =	vld [tilespmem:s6+$0xC4C0];
	[tilespmem:s6+$0x16460] =	vst v3  }
0x36a: {  	v3 =	vld [tilespmem:s6+$0xC4D0];
	[tilespmem:s6+$0x16470] =	vst v5;
	v5 =	vmul.f32 $8.000000000e+00, v9  }
0x36b: {  	s21 =	simm.s32 $0x800;
	s20 =	simm.s32 $0x100;
	v6 =	vmul.f32 $8.000000000e+00, v4;
	v4 =	vld [tilespmem:s6+$0xC4E0]  }
.LBB2_30:
0x36c: {  	p0 =	sne.s32 s21, $0x7C00;
	v7 =	vld [tilespmem:s20+$0xC4F0];
	[tilespmem:s6+$0x16480] =	vst v5;
	v0 =	vmul.f32 $8.000000000e+00, v0  }
0x36d: {  	v5 =	vld [tilespmem:s20+$0xC400];
	[tilespmem:s6+$0x16490] =	vst v6;
	v1 =	vmul.f32 $8.000000000e+00, v1  }
0x36e: {  	v6 =	vld [tilespmem:s20+$0xC410];
	[tilespmem:s6+$0x164A0] =	vst v0;
	v0 =	vmul.f32 $8.000000000e+00, v2  }
0x36f: {  	v2 =	vld [tilespmem:s20+$0xC420];
	[tilespmem:s6+$0x164B0] =	vst v1;
	v1 =	vmul.f32 $8.000000000e+00, v3  }
0x370: {  	v3 =	vld [tilespmem:s20+$0xC430];
	[tilespmem:s6+$0x164C0] =	vst v0;
	v0 =	vmul.f32 $8.000000000e+00, v4  }
0x371: {  	v4 =	vld [tilespmem:s20+$0xC440];
	v7 =	vmul.f32 $8.000000000e+00, v7;
	[tilespmem:s6+$0x164D0] =	vst v1  }
0x372: {  	v1 =	vmul.f32 $8.000000000e+00, v5;
	v5 =	vld [tilespmem:s20+$0xC450];
	[tilespmem:s6+$0x164E0] =	vst v0;
	s6 =	smov.u32 s20  }
0x373: {  	v0 =	vmul.f32 $8.000000000e+00, v6;
	v6 =	vld [tilespmem:s6+$0xC460];
	[tilespmem:s6+$0x164F0] =	vst v7  }
0x374: {  	[tilespmem:s6+$0x16400] =	vst v1;
	v1 =	vmul.f32 $8.000000000e+00, v2;
	v2 =	vld [tilespmem:s6+$0xC470]  }
0x375: {  	[tilespmem:s6+$0x16410] =	vst v0;
	v0 =	vmul.f32 $8.000000000e+00, v3;
	v3 =	vld [tilespmem:s6+$0xC480]  }
0x376: {  	[tilespmem:s6+$0x16420] =	vst v1;
	v1 =	vmul.f32 $8.000000000e+00, v4;
	v4 =	vld [tilespmem:s6+$0xC490]  }
.Ltmp14:
0x377: {  	[tilespmem:s6+$0x16430] =	vst v0;
	v5 =	vmul.f32 $8.000000000e+00, v5;
	v0 =	vld [tilespmem:s6+$0xC4A0];
	(pc) =	sbr.rel @p0 .LBB2_30-.Ltmp14, $4  }
0x378: {  	[tilespmem:s6+$0x16440] =	vst v1;
	v6 =	vmul.f32 $8.000000000e+00, v6;
	v1 =	vld [tilespmem:s6+$0xC4B0]  }
0x379: {  	[tilespmem:s6+$0x16450] =	vst v5;
	v7 =	vmul.f32 $8.000000000e+00, v2;
	v2 =	vld [tilespmem:s6+$0xC4C0]  }
0x37a: {  	[tilespmem:s6+$0x16460] =	vst v6;
	v5 =	vmul.f32 $8.000000000e+00, v3;
	v3 =	vld [tilespmem:s6+$0xC4D0]  }
0x37b: {  	s20 =	sshra.s32 s21, $0x2;
	s21 =	sadd.s32 $0x400, s21;
	[tilespmem:s6+$0x16470] =	vst v7;
	v6 =	vmul.f32 $8.000000000e+00, v4;
	v4 =	vld [tilespmem:s6+$0xC4E0]  }
0x37c: {  	v7 =	vld [tilespmem:s20+$0xC4F0];
	[tilespmem:s6+$0x16480] =	vst v5;
	v0 =	vmul.f32 $8.000000000e+00, v0  }
0x37d: {  	v5 =	vld [tilespmem:s20+$0xC400];
	[tilespmem:s6+$0x16490] =	vst v6;
	v1 =	vmul.f32 $8.000000000e+00, v1  }
0x37e: {  	v6 =	vld [tilespmem:s20+$0xC410];
	[tilespmem:s6+$0x164A0] =	vst v0;
	v2 =	vmul.f32 $8.000000000e+00, v2  }
0x37f: {  	v0 =	vld [tilespmem:s20+$0xC420];
	[tilespmem:s6+$0x164B0] =	vst v1;
	v3 =	vmul.f32 $8.000000000e+00, v3  }
0x380: {  	v1 =	vld [tilespmem:s20+$0xC430];
	[tilespmem:s6+$0x164C0] =	vst v2;
	v4 =	vmul.f32 $8.000000000e+00, v4  }
0x381: {  	v2 =	vld [tilespmem:s20+$0xC440];
	[tilespmem:s6+$0x164D0] =	vst v3;
	v7 =	vmul.f32 $8.000000000e+00, v7  }
0x382: {  	v3 =	vld [tilespmem:s20+$0xC450];
	[tilespmem:s6+$0x164E0] =	vst v4;
	v4 =	vmul.f32 $8.000000000e+00, v5  }
0x383: {  	v5 =	vld [tilespmem:s20+$0xC460];
	[tilespmem:s20+$0x164F0] =	vst v7;
	v6 =	vmul.f32 $8.000000000e+00, v6  }
0x384: {  	[tilespmem:s20+$0x16400] =	vst v4;
	v4 =	vld [tilespmem:s20+$0xC470];
	v0 =	vmul.f32 $8.000000000e+00, v0  }
0x385: {  	[tilespmem:s20+$0x16410] =	vst v6;
	v6 =	vld [tilespmem:s20+$0xC480];
	v1 =	vmul.f32 $8.000000000e+00, v1  }
0x386: {  	[tilespmem:s20+$0x16420] =	vst v0;
	v0 =	vld [tilespmem:s20+$0xC490];
	v2 =	vmul.f32 $8.000000000e+00, v2  }
0x387: {  	[tilespmem:s20+$0x16430] =	vst v1;
	v1 =	vld [tilespmem:s20+$0xC4A0];
	v3 =	vmul.f32 $8.000000000e+00, v3  }
0x388: {  	[tilespmem:s20+$0x16440] =	vst v2;
	v2 =	vld [tilespmem:s20+$0xC4B0];
	v5 =	vmul.f32 $8.000000000e+00, v5  }
0x389: {  	[tilespmem:s20+$0x16450] =	vst v3;
	v3 =	vld [tilespmem:s20+$0xC4C0];
	v4 =	vmul.f32 $8.000000000e+00, v4  }
0x38a: {  	[tilespmem:s20+$0x16460] =	vst v5;
	v5 =	vld [tilespmem:s20+$0xC4D0];
	v6 =	vmul.f32 $8.000000000e+00, v6  }
0x38b: {  	[tilespmem:s20+$0x16470] =	vst v4;
	v0 =	vmul.f32 $8.000000000e+00, v0;
	v4 =	vld [tilespmem:s20+$0xC4E0]  }
0x38c: {  	[tilespmem:s20+$0x16480] =	vst v6;
	v1 =	vmul.f32 $8.000000000e+00, v1  }
0x38d: {  	[tilespmem:s20+$0x16490] =	vst v0;
	v0 =	vmul.f32 $8.000000000e+00, v2  }
0x38e: {  	[tilespmem:s20+$0x164A0] =	vst v1;
	v1 =	vmul.f32 $8.000000000e+00, v3  }
0x38f: {  	[tilespmem:s20+$0x164B0] =	vst v0;
	v0 =	vmul.f32 $8.000000000e+00, v5  }
0x390: {  	[tilespmem:s20+$0x164C0] =	vst v1;
	v1 =	vmul.f32 $8.000000000e+00, v4  }
0x391: {  	[tilespmem:s20+$0x164D0] =	vst v0  }
0x392: {  	s26 =	simm.s32 $0x0;
	s29 =	rddreg [dreg:$0xc];
	[tilespmem:s20+$0x164E0] =	vst v1  }
0x393: {  	[hbm4b:s29+s26] =	stream.linear.scatter [tilespmem:s9], [sflag:$0x9], $0x2000, $0x38;
	[tilespmem:$0x1A400] =	vst v63  }
0x394: {  	_ =	swait.ge [sflag:s10], $0x2000  }
0x395: {  	[sflag:s10] =	ssyncset.done $0x0  }
0x396: {  	[sflag:s10] =	ssyncadd.s32 $0xFFFFE000  }
0x397: {  	_ =	swait.ge [sflag:s19], $0x2000  }
0x398: {  	[sflag:s19] =	ssyncset.done $0x0  }
0x399: {  	s6 =	simm.s32 $0x0;
	[sflag:s19] =	ssyncadd.s32 $0xFFFFE000  }
0x39a: {  	v0 =	vld [tilespmem:s6+$0xE4F0]  }
0x39b: {  	v1 =	vld [tilespmem:s6+$0xE400]  }
0x39c: {  	v2 =	vld [tilespmem:s6+$0xE410]  }
0x39d: {  	v3 =	vld [tilespmem:s6+$0xE420]  }
0x39e: {  	v6 =	vld [tilespmem:s6+$0xE450]  }
0x39f: {  	v4 =	vld [tilespmem:s6+$0xE430];
	v0 =	vmul.f32 $8.000000000e+00, v0  }
0x3a0: {  	v5 =	vld [tilespmem:s6+$0xE440];
	v1 =	vmul.f32 $8.000000000e+00, v1  }
0x3a1: {  	v7 =	vld [tilespmem:s6+$0xE460];
	[tilespmem:s6+$0x184F0] =	vst v0;
	v0 =	vmul.f32 $8.000000000e+00, v2  }
0x3a2: {  	v8 =	vld [tilespmem:s6+$0xE470];
	[tilespmem:s6+$0x18400] =	vst v1;
	v1 =	vmul.f32 $8.000000000e+00, v3  }
0x3a3: {  	v2 =	vmul.f32 $8.000000000e+00, v6;
	[tilespmem:s6+$0x18410] =	vst v0  }
0x3a4: {  	v9 =	vld [tilespmem:s6+$0xE480];
	v0 =	vmul.f32 $8.000000000e+00, v4;
	[tilespmem:s6+$0x18420] =	vst v1  }
0x3a5: {  	v4 =	vld [tilespmem:s6+$0xE490];
	v1 =	vmul.f32 $8.000000000e+00, v5;
	[tilespmem:s6+$0x18450] =	vst v2  }
0x3a6: {  	v3 =	vmul.f32 $8.000000000e+00, v7;
	[tilespmem:s6+$0x18430] =	vst v0;
	v0 =	vld [tilespmem:s6+$0xE4A0]  }
0x3a7: {  	v5 =	vmul.f32 $8.000000000e+00, v8;
	[tilespmem:s6+$0x18440] =	vst v1;
	v1 =	vld [tilespmem:s6+$0xE4B0]  }
0x3a8: {  	v2 =	vld [tilespmem:s6+$0xE4C0];
	[tilespmem:s6+$0x18460] =	vst v3  }
0x3a9: {  	v3 =	vld [tilespmem:s6+$0xE4D0];
	[tilespmem:s6+$0x18470] =	vst v5;
	v5 =	vmul.f32 $8.000000000e+00, v9  }
0x3aa: {  	s21 =	simm.s32 $0x800;
	s20 =	simm.s32 $0x100;
	v6 =	vmul.f32 $8.000000000e+00, v4;
	v4 =	vld [tilespmem:s6+$0xE4E0]  }
.LBB2_32:
0x3ab: {  	p0 =	sne.s32 s21, $0x7C00;
	v7 =	vld [tilespmem:s20+$0xE4F0];
	[tilespmem:s6+$0x18480] =	vst v5;
	v0 =	vmul.f32 $8.000000000e+00, v0  }
0x3ac: {  	v5 =	vld [tilespmem:s20+$0xE400];
	[tilespmem:s6+$0x18490] =	vst v6;
	v1 =	vmul.f32 $8.000000000e+00, v1  }
0x3ad: {  	v6 =	vld [tilespmem:s20+$0xE410];
	[tilespmem:s6+$0x184A0] =	vst v0;
	v0 =	vmul.f32 $8.000000000e+00, v2  }
0x3ae: {  	v2 =	vld [tilespmem:s20+$0xE420];
	[tilespmem:s6+$0x184B0] =	vst v1;
	v1 =	vmul.f32 $8.000000000e+00, v3  }
0x3af: {  	v3 =	vld [tilespmem:s20+$0xE430];
	[tilespmem:s6+$0x184C0] =	vst v0;
	v0 =	vmul.f32 $8.000000000e+00, v4  }
0x3b0: {  	v4 =	vld [tilespmem:s20+$0xE440];
	v7 =	vmul.f32 $8.000000000e+00, v7;
	[tilespmem:s6+$0x184D0] =	vst v1  }
0x3b1: {  	v1 =	vmul.f32 $8.000000000e+00, v5;
	v5 =	vld [tilespmem:s20+$0xE450];
	[tilespmem:s6+$0x184E0] =	vst v0;
	s6 =	smov.u32 s20  }
0x3b2: {  	v0 =	vmul.f32 $8.000000000e+00, v6;
	v6 =	vld [tilespmem:s6+$0xE460];
	[tilespmem:s6+$0x184F0] =	vst v7  }
0x3b3: {  	[tilespmem:s6+$0x18400] =	vst v1;
	v1 =	vmul.f32 $8.000000000e+00, v2;
	v2 =	vld [tilespmem:s6+$0xE470]  }
0x3b4: {  	[tilespmem:s6+$0x18410] =	vst v0;
	v0 =	vmul.f32 $8.000000000e+00, v3;
	v3 =	vld [tilespmem:s6+$0xE480]  }
0x3b5: {  	[tilespmem:s6+$0x18420] =	vst v1;
	v1 =	vmul.f32 $8.000000000e+00, v4;
	v4 =	vld [tilespmem:s6+$0xE490]  }
.Ltmp15:
0x3b6: {  	[tilespmem:s6+$0x18430] =	vst v0;
	v5 =	vmul.f32 $8.000000000e+00, v5;
	v0 =	vld [tilespmem:s6+$0xE4A0];
	(pc) =	sbr.rel @p0 .LBB2_32-.Ltmp15, $4  }
0x3b7: {  	[tilespmem:s6+$0x18440] =	vst v1;
	v6 =	vmul.f32 $8.000000000e+00, v6;
	v1 =	vld [tilespmem:s6+$0xE4B0]  }
0x3b8: {  	[tilespmem:s6+$0x18450] =	vst v5;
	v7 =	vmul.f32 $8.000000000e+00, v2;
	v2 =	vld [tilespmem:s6+$0xE4C0]  }
0x3b9: {  	[tilespmem:s6+$0x18460] =	vst v6;
	v5 =	vmul.f32 $8.000000000e+00, v3;
	v3 =	vld [tilespmem:s6+$0xE4D0]  }
0x3ba: {  	s20 =	sshra.s32 s21, $0x2;
	s21 =	sadd.s32 $0x400, s21;
	[tilespmem:s6+$0x18470] =	vst v7;
	v6 =	vmul.f32 $8.000000000e+00, v4;
	v4 =	vld [tilespmem:s6+$0xE4E0]  }
0x3bb: {  	v7 =	vld [tilespmem:s20+$0xE4F0];
	[tilespmem:s6+$0x18480] =	vst v5;
	v0 =	vmul.f32 $8.000000000e+00, v0  }
0x3bc: {  	v5 =	vld [tilespmem:s20+$0xE400];
	[tilespmem:s6+$0x18490] =	vst v6;
	v1 =	vmul.f32 $8.000000000e+00, v1  }
0x3bd: {  	v6 =	vld [tilespmem:s20+$0xE410];
	[tilespmem:s6+$0x184A0] =	vst v0;
	v2 =	vmul.f32 $8.000000000e+00, v2  }
0x3be: {  	v0 =	vld [tilespmem:s20+$0xE420];
	[tilespmem:s6+$0x184B0] =	vst v1;
	v3 =	vmul.f32 $8.000000000e+00, v3  }
0x3bf: {  	v1 =	vld [tilespmem:s20+$0xE430];
	[tilespmem:s6+$0x184C0] =	vst v2;
	v4 =	vmul.f32 $8.000000000e+00, v4  }
0x3c0: {  	v2 =	vld [tilespmem:s20+$0xE440];
	[tilespmem:s6+$0x184D0] =	vst v3;
	v7 =	vmul.f32 $8.000000000e+00, v7  }
0x3c1: {  	v3 =	vld [tilespmem:s20+$0xE450];
	[tilespmem:s6+$0x184E0] =	vst v4;
	v50 =	vmul.f32 $8.000000000e+00, v5  }
0x3c2: {  	v51 =	vld [tilespmem:s20+$0xE460];
	[tilespmem:s20+$0x184F0] =	vst v7;
	v6 =	vmul.f32 $8.000000000e+00, v6  }
0x3c3: {  	v52 =	vld [tilespmem:s20+$0xE470];
	[tilespmem:s20+$0x18400] =	vst v50;
	v0 =	vmul.f32 $8.000000000e+00, v0  }
0x3c4: {  	v53 =	vld [tilespmem:s20+$0xE480];
	[tilespmem:s20+$0x18410] =	vst v6;
	v1 =	vmul.f32 $8.000000000e+00, v1  }
0x3c5: {  	v54 =	vld [tilespmem:s20+$0xE490];
	[tilespmem:s20+$0x18420] =	vst v0;
	v2 =	vmul.f32 $8.000000000e+00, v2  }
0x3c6: {  	v55 =	vld [tilespmem:s20+$0xE4A0];
	[tilespmem:s20+$0x18430] =	vst v1;
	v3 =	vmul.f32 $8.000000000e+00, v3  }
0x3c7: {  	v56 =	vld [tilespmem:s20+$0xE4B0];
	[tilespmem:s20+$0x18440] =	vst v2;
	v5 =	vmul.f32 $8.000000000e+00, v51  }
0x3c8: {  	v57 =	vld [tilespmem:s20+$0xE4C0];
	v4 =	vmul.f32 $8.000000000e+00, v52;
	[tilespmem:s20+$0x18450] =	vst v3  }
0x3c9: {  	v58 =	vld [tilespmem:s20+$0xE4D0];
	v6 =	vmul.f32 $8.000000000e+00, v53;
	[tilespmem:s20+$0x18460] =	vst v5  }
0x3ca: {  	v59 =	vld [tilespmem:s20+$0xE4E0];
	v0 =	vmul.f32 $8.000000000e+00, v54;
	[tilespmem:s20+$0x18470] =	vst v4  }
0x3cb: {  	v1 =	vmul.f32 $8.000000000e+00, v55;
	[tilespmem:s20+$0x18480] =	vst v6  }
0x3cc: {  	v60 =	vmul.f32 $8.000000000e+00, v56;
	[tilespmem:s20+$0x18490] =	vst v0  }
0x3cd: {  	v61 =	vmul.f32 $8.000000000e+00, v57;
	[tilespmem:s20+$0x184A0] =	vst v1  }
0x3ce: {  	v62 =	vmul.f32 $8.000000000e+00, v58;
	[tilespmem:s20+$0x184B0] =	vst v60  }
0x3cf: {  	v63 =	vmul.f32 $8.000000000e+00, v59;
	[tilespmem:s20+$0x184C0] =	vst v61  }
0x3d0: {  	[tilespmem:s20+$0x184D0] =	vst v62  }
0x3d1: {  	s24 =	rddreg [dreg:$0xd];
	[tilespmem:s20+$0x184E0] =	vst v63  }
0x3d2: {  	[hbm4b:s24+s3] =	stream.linear.scatter [tilespmem:s11], [sflag:$0xA], $0x2000, $0x38;
	[tilespmem:$0x1A400] =	vst v63  }
0x3d3: {  	_ =	swait.ge [sflag:s15], $0x2000  }
0x3d4: {  	[sflag:s15] =	ssyncset.done $0x0  }
0x3d5: {  	[sflag:s15] =	ssyncadd.s32 $0xFFFFE000  }
0x3d6: {  	_ =	swait.ge [sflag:s16], $0x2000  }
0x3d7: {  	[sflag:s16] =	ssyncset.done $0x0  }
0x3d8: {  	[sflag:s16] =	ssyncadd.s32 $0xFFFFE000  }
0x3d9: {  	_ =	swait.ge [sflag:s17], $0x2000  }
0x3da: {  	[sflag:s17] =	ssyncset.done $0x0  }
0x3db: {  	[sflag:s17] =	ssyncadd.s32 $0xFFFFE000  }
0x3dc: {  	_ =	swait.ge [sflag:s18], $0x2000  }
0x3dd: {  	[sflag:s18] =	ssyncset.done $0x0  }
0x3de: {  	[sflag:s18] =	ssyncadd.s32 $0xFFFFE000  }
0x3df: {  	_ =	swait.ge [sflag:s19], $0x2000  }
0x3e0: {  	s26 =	rddreg [dreg:$0xf]  }
0x3e1: {  	s29 =	rddreg [dreg:$0xe];
	s20 =	sadd.s32 $0x1, s26  }
0x3e2: {  	p0 =	sne.s32 s20, s29  }
.Ltmp16:
0x3e3: {  	_ = 	snop;
	(pc) =	sbr.rel @p0 .LBB2_1-.Ltmp16, $3  }
0x3e4: {  	_ =	sdelay $0x1  }
0x3e5: {  	[sflag:s19] =	ssyncset.done $0x0  }
0x3e6: {  	[sflag:s19] =	ssyncadd.s32 $0xFFFFE000  }
0x3e7: {  	_ =	sfence.sel $0x180000  }
0x3e8: {  	[bflag:$0x0] =	sbarrier.arrive $0xFFFF  }
0x3e9: {  	_ =	strace $0x90000047  }
0x3ea: {  	s0 =	stileid.u32;
	[bflag:$0x2] =	sbarrier.arrive $0xFFFF  }
0x3eb: {  	p0 =	sne.s32 s0, $0x0;
	s0 =	rddreg [dreg:$0x2]  }
0x3ec: {  	s0 =	sadd.s32 @!p0 $0x100000, s0  }
0x3ed: {  	[sflag:s0] =	ssyncadd.tile.s32 @!p0 $0x1;
	_ =	shalt  }
.Lfunc_end2:
_tile_overlayer_lowered:
.L_overlay_start_2:
0x3ee: {  	(tag) =	ssettag $0x2  }
0x3ef: {  	s0 =	rddreg [dreg:$0x0];
	s2 =	stileid.u32  }
0x3f0: {  	s1 =	rddreg [dreg:$0x1];
	p0 =	sne.s32 s2, $0x0  }
0x3f1: {  	s3 =	rddreg [dreg:$0x2];
	[bflag:$0x3] =	sbarrier.arrive $0xFFFF;
	s2 =	simm.s32 @!p0 $0x1C0B  }
0x3f2: {  	[timem:s3], [sflag:s2] =	dma.local @!p0 [hbm:s0], s1  }
0x3f3: {  	s0 =	simm.s32 @!p0 $0xB  }
0x3f4: {  	_ =	swait.ge @!p0 [sflag:s0], s1  }
0x3f5: {  	s1 =	ssub.s32 @!p0 $0x0, s1;
	[sflag:s0] =	ssyncset.done @!p0 $0x0  }
0x3f6: {  	[sflag:s0] =	ssyncadd.s32 @!p0 s1  }
0x3f7: {  	[bflag:$0x3] =	sbarrier.arrive $0xFFFF  }
0x3f8: {  	_ =	shalt  }

// kernel: sparse-core-data-format-call.cloned.1.call-start
scs
called_computation_lowered:
.L_overlay_start_0:
0x0: {  	s2 =	sld [smem:$0x3FD9]  }
0x1: {  	s3 =	sld [smem:$0x3FFE];
	_ =	sdelay $0x1  }
0x2: {  	s1 =	srdreg.scid  }
0x3: {  	s0 =	sand.u32 $0x1, s1  }
0x4: {  	s18 =	sshll.u32 s0, $0xA;
	s2 =	sadd.s32 s3, s2  }
0x5: {  	s2 =	sadd.s32 s2, s18  }
0x6: {  	[smem:$0x3FC6] =	sst s2  }
0x7: {  	_ = 	snop  }
0x8: {  	s2 =	sld [smem:$0x3FD0];
	(tm) =	ssettm $0x1  }
0x9: {  	s19 =	sld [smem:$0x3FFB];
	_ =	sdelay $0x3  }
0xa: {  	_ =	strace s19  }
0xb: {  	s3 =	sld [smem:$0x3FFC];
	_ =	sdelay $0x3  }
0xc: {  	_ =	strace s3  }
0xd: {  	s3 =	sld [smem:$0x3FFD];
	_ =	sdelay $0x3  }
0xe: {  	_ =	strace s3  }
0xf: {  	_ =	strace $0x8FFFFFFF  }
0x10: {  	s20 =	sld [smem:$0x3FDB];
	_ =	sdelay $0x1  }
0x11: {  	s4 =	simm.s32 $_scs_section_size  }
0x12: {  	s5 =	simm.s32 $_size__tile_overlayer_lowered;
	s6 =	simm.s32 $_tile_overlayer_lowered  }
0x13: {  	s23 =	simm.s32 $0x1BFF;
	s22 =	sshll.u32 s6, $0x1;
	s3 =	sadd.s32 s4, s20  }
0x14: {  	s7 =	simm.s32 $0x0;
	s21 =	sshll.u32 s5, $0x1;
	s5 =	sadd.s32 s22, s3  }
0x15: {  	[timem:s7], [sflag:s23] =	dma.local [hbm:s5], s21  }
0x16: {  	_ =	swait.ge [sflag:s23], s21  }
0x17: {  	s4 =	ssub.s32 $0x0, s21;
	[sflag:s23] =	ssyncset.done $0x0  }
0x18: {  	[sflag:s23] =	ssyncadd.s32 s4;
	_ =	sdelay $0x1  }
0x19: {  	s24 =	simm.s32 $0x1B8B  }
0x1a: {  	_ =	swait.ge [sflag:s24], $0x1  }
0x1b: {  	[sflag:s24] =	ssyncset.done $0x0  }
0x1c: {  	s26 =	simm.s32 $0x1B8E;
	s25 =	sld [smem:$0x3FFE];
	[sflag:s24] =	ssyncadd.s32 $0xFFFFFFFF  }
0x1d: {  	s27 =	simm.s32 $execute0_lowered;
	[smem:$0x3FD2] =	sst s26  }
0x1e: {  	s5 =	sshll.u32 s27, $0x1;
	_ =	strace $0x80000049;
	[dreg:$0x1] =	wrdreg $0xFFFFFFFF  }
0x1f: {  	s28 =	simm.s32 $_size_execute0_lowered;
	s3 =	sadd.s32 s3, s5;
	[dreg:$0x0] =	wrdreg $0x0  }
0x20: {  	s5 =	sshll.u32 s28, $0x1;
	[dreg:$0x2] =	wrdreg s3  }
0x21: {  	[dreg:$0x3] =	wrdreg s5  }
0x22: {  	[dreg:$0x4] =	wrdreg $0xC0  }
0x23: {  	_ =	task [dreg:s7], $0x5FFFF  }
0x24: {  	[dreg:$0x1] =	wrdreg $0xFFFFFFFF  }
0x25: {  	[dreg:$0x0] =	wrdreg $0x60  }
0x26: {  	[dreg:$0x2] =	wrdreg s25  }
0x27: {  	[dreg:$0x3] =	wrdreg s2  }
0x28: {  	[dreg:$0x4] =	wrdreg $0x9  }
0x29: {  	_ =	task.clear_ibuf [dreg:s7], $0x5FFFF;
	_ =	strace $0x90000049  }
0x2a: {  	s29 =	simm.s32 $0x9;
	_ =	strace $0x8000004B  }
0x2b: {  	_ =	swait.ge [sflag:s29], $0x1  }
0x2c: {  	[sflag:s29] =	ssyncadd.s32 $0xFFFFFFFF  }
0x2d: {  	_ =	strace $0x9000004B  }
0x2e: {  	_ =	sfence  }
0x2f: {  	s30 =	sld [smem:$0x0];
	_ =	sdelay $0x2  }
0x30: {  	s31 =	sshll.u32 s1, $0xD;
	s1 =	sshrl.u32 s1, $0x2  }
0x31: {  	s3 =	sand.u32 $0x4000, s31;
	s1 =	sadd.s32 s1, s30  }
0x32: {  	s0 =	sor.u32 s3, s0;
	s1 =	sshll.u32 s1, $0x11  }
0x33: {  	s0 =	sor.u32 s1, s0  }
0x34: {  	s0 =	sadd.s32 $0x8F2B, s0  }
0x35: {  	[sflag:s0] =	ssyncadd.remote.s32 $0x1  }
0x36: {  	_ =	sfence.sel $0xFFFF  }
0x37: {  	[dreg:$0x0] =	wrdreg $0xFFFFFFFF;
	(pc) =	sbr.abs _section_cstart, $3  }
0x38: {  	[dreg:$0x1] =	wrdreg $0xFFFFFFFF  }
0x39: {  	_ =	task.clear_ibuf [dreg:s7], $0x2FFFF;
	_ =	strace $0x9FFFFFFF  }
0x3a: {  	(tm) =	ssettm $0x7FFFFFFF  }
0x3b: {  	_ =	shalt  }
tec
execute0_lowered:
.L_overlay_start_1:
0x0: {  	(tag) =	ssettag $0x1  }
0x1: {  	s0 =	srdreg.scid  }
0x2: {  	s1 =	sshll.u32 s0, $0x4  }
0x3: {  	s0 =	stileid.u32;
	s1 =	sand.u32 $0x10, s1  }
0x4: {  	s1 =	sor.u32 s0, s1  }
0x5: {  	s6 =	rddreg [dreg:$0x0];
	s4 =	simm.s32 $0x1;
	s2 =	sshll.u32 s1, $0x7  }
0x6: {  	s7 =	simm.s32 $0x2;
	s12 =	simm.s32 $0x0;
	s1 =	ssub.s32 $0x1000, s2  }
0x7: {  	s8 =	simm.s32 $0x8000;
	s13 =	simm.s32 $0x0;
	s3 =	sand.u32 $0xF80, s1  }
0x8: {  	s9 =	simm.s32 $0x0;
	s5 =	sshrl.u32 s1, $0xC;
	p0 =	sne.s32 s3, $0x0  }
.Ltmp0:
0x9: {  	s1 =	rddreg [dreg:$0x2];
	s4 =	simm.s32 @!p0 $0x0;
	(pc) =	sbr.rel .LBB1_1-.Ltmp0, $4  }
0xa: {  	s11 =	simm.s32 $0x0;
	s3 =	rddreg [dreg:$0x1];
	s5 =	sadd.s32 s4, s5  }
0xb: {  	_ =	strace $0x8000004A;
	s4 =	simm.s32 $0x1;
	s5 =	smul.u32 $0xC8, s5  }
0xc: {  	s6 =	sadd.s32 $0xA00, s6;
	s10 =	smov.u32 s2;
	[sflag:s4] =	ssyncpa.u1 $0x0  }
0xd: {  	p0 =	por $0x0, $0x0;
	[sflag:s7] =	ssyncpa.u1 $0x0;
	s7 =	sor.u32 $0x1, s5  }
.LBB1_4:
0xe: {  	s16 =	sshll.u32 s13, $0x3;
	s17 =	sand.u32 $0x78, s13  }
0xf: {  	s30 =	sand.u32 $0x7E00, s13;
	s12 =	sshll.u32 s12, $0xF;
	s16 =	sand.u32 $0xC00, s16  }
0x10: {  	[tilespmem:s15+$0x810 ss:$0x81] =	vst.msk $0xffff, v2;
	s31 =	sand.u32 $0x7, s13;
	s16 =	sor.u32 s17, s16;
	s17 =	sadd.s32 s3, s30  }
0x11: {  	[tilespmem:s15+$0x1020 ss:$0x81] =	vst.msk $0xffff, v0;
	s13 =	sshll.u32 s31, $0x12;
	s12 =	sadd.s32 s12, s17;
	s16 =	sshrl.u32 s16, $0x3  }
0x12: {  	[tilespmem:s15+$0x0 ss:$0x81] =	vst.msk $0xffff, v1;
	s13 =	sor.u32 $0x400, s13;
	s12 =	sadd.s32 s16, s12  }
0x13: {  	[hbm4b:s12+s13] =	stream.strided.scatter [tilespmem:s14], [sflag:$0x2], $0x2000, s8, s13, $0x20;
	[tilespmem:$0x8080] =	vst v63  }
.LBB1_5:
0x14: {  	s14 =	sadd.s32 $0x1, s9  }
0x15: {  	s12 =	sadd.s32 $0x1000, s10;
	s16 =	smov.u32 s10;
	p2 =	sgt.s32 s14, $0xC7  }
0x16: {  	s16 =	smov.u32 @p2 s12  }
0x17: {  	s14 =	simm.s32 @p2 $0x0;
	p2 =	sgt.s32 s16, $0xFFF  }
0x18: {  	s16 =	smov.u32 @p2 s2;
	p2 =	sne.s32 s11, s7  }
.Ltmp1:
0x19: {  	p1 =	slt.u32 s11, $0x2;
	(pc) =	sbr.rel @!p2 .LBB1_6-.Ltmp1, $4  }
0x1a: {  	s15 =	simm.s32 @!p1 $0x2  }
0x1b: {  	s13 =	smov.u32 s10;
	p0 =	por !p0, !p0;
	_ =	swait.ge @!p1 [sflag:s15], $0x2000  }
0x1c: {  	s12 =	smov.u32 s9;
	[sflag:s15] =	ssyncset.done @!p1 $0x0;
	s9 =	smov.u32 s14  }
0x1d: {  	s11 =	sadd.s32 $0x1, s11;
	[sflag:s15] =	ssyncadd.s32 @!p1 $0xFFFFE000;
	s10 =	smov.u32 s16  }
.LBB1_1:
0x1e: {  	p1 =	sge.u32 s11, s5  }
0x1f: {  	s14 =	sand.u32 @!p1 $0x1FFFFFF, s9  }
0x20: {  	s15 =	smulhi.u32 @!p1 $0x147AE15, s14;
	_ =	sdelay $0x1  }
0x21: {  	s15 =	smul.u32 @!p1 $0xC8, s15  }
0x22: {  	s16 =	sxor.u32 @!p1 $0xFFFFFFFF, s11;
	s17 =	smul.u32 @!p1 $0xC80, s10  }
0x23: {  	s31 =	sadd.s32 $0xFFFFFFFF, s11;
	s16 =	sshll.u32 @!p1 s16, $0xD;
	s14 =	ssub.s32 @!p1 s14, s15  }
0x24: {  	s15 =	sand.u32 @!p1 $0x2000, s16;
	s16 =	sadd.s32 @!p1 s6, s17;
	s14 =	sshll.u32 @!p1 s14, $0x4  }
0x25: {  	s17 =	simm.s32 @!p1 $0x6400;
	s14 =	sadd.s32 @!p1 s14, s16;
	s16 =	simm.s32 @!p1 $0x40  }
0x26: {  	[tilespmem:s15], [sflag:$0x1] =	stream.strided.gather @!p1 [hbm4b:s14+s16], $0x2000, s17, s16, $0x38;
	[tilespmem:$0x8080] =	vst v63  }
0x27: {  	p1 =	sge.u32 s31, s5  }
.Ltmp2:
0x28: {  	_ = 	snop;
	(pc) =	sbr.rel @p1 .LBB1_5-.Ltmp2, $1  }
0x29: {  	_ =	sdelay $0x3  }
0x2a: {  	s14 =	simm.s32 $0x1  }
0x2b: {  	_ =	swait.ge [sflag:s4], $0x2000;
	s14 =	simm.s32 @!p0 $0x0  }
0x2c: {  	[sflag:s4] =	ssyncset.done $0x0;
	s15 =	sshll.u32 s14, $0xD  }
0x2d: {  	[sflag:s4] =	ssyncadd.s32 $0xFFFFE000;
	s18 =	sor.u32 $0x20, s15  }
0x2e: {  	s14 =	smul.u32 $0x8100, s14;
	v3 =	vld [tilespmem:s18+$0x10]  }
0x2f: {  	s30 =	sand.u32 $0x1, s11;
	v2 =	vld [tilespmem:s18+$0xFFFFFFF0]  }
0x30: {  	s15 =	smul.u32 $0x8100, s30;
	s14 =	sshrl.u32 s14, $0x2;
	v0 =	vld [tilespmem:s18+$0x0]  }
0x31: {  	v1 =	vld [tilespmem:s18+$0xFFFFFFE0];
	s16 =	sor.u32 $0x4000, s14  }
0x32: {  	s31 =	sshrl.u32 s15, $0x2;
	s15 =	sadd.s32 $0x0, s16  }
0x33: {  	s17 =	simm.s32 $0x4;
	s18 =	sadd.s32 $0x40, s18;
	s14 =	sor.u32 $0x4000, s31;
	[tilespmem:s15+$0x1830 ss:$0x81] =	vst.msk $0xffff, v3  }
.LBB1_3:
0x34: {  	v3 =	vld [tilespmem:s18+$0x10];
	p1 =	sne.s32 s17, $0x1FC;
	[tilespmem:s15+$0x810 ss:$0x81] =	vst.msk $0xffff, v2;
	s19 =	smov.u32 s17;
	s17 =	sadd.s32 $0x4, s17  }
.Ltmp3:
0x35: {  	v2 =	vld [tilespmem:s18+$0xFFFFFFF0];
	[tilespmem:s15+$0x1020 ss:$0x81] =	vst.msk $0xffff, v0;
	(pc) =	sbr.rel @p1 .LBB1_3-.Ltmp3, $4  }
0x36: {  	v0 =	vld [tilespmem:s18+$0x0];
	[tilespmem:s15+$0x0 ss:$0x81] =	vst.msk $0xffff, v1  }
0x37: {  	s15 =	sshra.s32 s19, $0x2;
	v1 =	vld [tilespmem:s18+$0xFFFFFFE0]  }
0x38: {  	s15 =	sadd.s32 s15, s16  }
0x39: {  	s18 =	sadd.s32 $0x40, s18;
	[tilespmem:s15+$0x1830 ss:$0x81] =	vst.msk $0xffff, v3  }
.Ltmp4:
0x3a: {  	_ = 	snop;
	(pc) =	sbr.rel .LBB1_4-.Ltmp4, $1  }
0x3b: {  	_ =	sdelay $0x3  }
.LBB1_6:
0x3c: {  	_ =	sfence.sel $0x180000  }
0x3d: {  	s2 =	simm.s32 $0x1;
	[bflag:$0x0] =	sbarrier.arrive $0xFFFF  }
0x3e: {  	s31 =	simm.s32 $0x2;
	[sflag:s2] =	ssyncpa.u1 $0x1  }
0x3f: {  	[sflag:s31] =	ssyncpa.u1 $0x1  }
0x40: {  	p0 =	sne.s32 s0, $0x0;
	_ =	strace $0x9000004A  }
0x41: {  	s0 =	sadd.s32 @!p0 $0x100000, s1;
	[bflag:$0x2] =	sbarrier.arrive $0xFFFF  }
0x42: {  	[sflag:s0] =	ssyncadd.tile.s32 @!p0 $0x1;
	_ =	shalt  }
.Lfunc_end1:
_tile_overlayer_lowered:
.L_overlay_start_2:
0x43: {  	(tag) =	ssettag $0x2  }
0x44: {  	s0 =	rddreg [dreg:$0x0];
	s2 =	stileid.u32  }
0x45: {  	s1 =	rddreg [dreg:$0x1];
	p0 =	sne.s32 s2, $0x0  }
0x46: {  	s3 =	rddreg [dreg:$0x2];
	[bflag:$0x3] =	sbarrier.arrive $0xFFFF;
	s2 =	simm.s32 @!p0 $0x1C01  }
0x47: {  	[timem:s3], [sflag:s2] =	dma.local @!p0 [hbm:s0], s1  }
0x48: {  	s0 =	simm.s32 @!p0 $0x1  }
0x49: {  	_ =	swait.ge @!p0 [sflag:s0], s1  }
0x4a: {  	s1 =	ssub.s32 @!p0 $0x0, s1;
	[sflag:s0] =	ssyncset.done @!p0 $0x0  }
0x4b: {  	[sflag:s0] =	ssyncadd.s32 @!p0 s1  }
0x4c: {  	[bflag:$0x3] =	sbarrier.arrive $0xFFFF  }
0x4d: {  	_ =	shalt  }

</sc_bundles>
